<compile_context>
chip_gen: v7x
topology: tpu7x:2x2x1
jax: 0.10.2.dev20260603
libtpu: 0.0.44.dev20260713+nightly
codegen_flags: <defaults>
</compile_context>

<pallas_src>
import functools

import jax
import jax.numpy as jnp
from jax import lax
from jax.experimental import pallas as pl
from jax.experimental.pallas import tpu as pltpu
from jax.experimental.pallas import tpu_sc as plsc

N_NODES = 10000
N_PAD = 10240
N_EDGES = 320000
D = 128
DH = D // 2
NC = 2
NS = 16
NW = NC * NS
CH = 80
CHA = 125
CHZ = 80
NCH_DEG = N_EDGES // NW // CH
NCH_AGG = N_EDGES // NS // CHA
RT = N_PAD // NS
DW = 16
NB = 4
NR_DEG = (NCH_DEG - NB) // NB
NR_AGG = (NCH_AGG - NB) // NB

_mesh = plsc.VectorSubcoreMesh(core_axis_name="c", subcore_axis_name="s")


@functools.partial(
    pl.kernel,
    out_type=jax.ShapeDtypeStruct((NC * N_PAD, DW), jnp.float32),
    mesh=_mesh,
    scratch_types=[
        pltpu.VMEM((CH, DW), jnp.float32),
        pltpu.VMEM((CH, DW), jnp.float32),
        pltpu.VMEM_SHARED((N_PAD, DW), jnp.float32),
        pltpu.SemaphoreType.DMA((NB,)),
        pltpu.SemaphoreType.DMA((NB,)),
        pltpu.VMEM((CH,), jnp.int32),
        pltpu.VMEM((CH,), jnp.int32),
        pltpu.VMEM((CH,), jnp.int32),
        pltpu.VMEM((CH,), jnp.int32),
    ],
)
def _sc_deg(dst_hbm, deg_hbm, ones_v, zeros_v, acc, sem_i, sem_s,
            dst_v0, dst_v1, dst_v2, dst_v3):
    dst_v = (dst_v0, dst_v1, dst_v2, dst_v3)
    c = lax.axis_index("c")
    s = lax.axis_index("s")
    w = s * NC + c

    one = jnp.full((16,), 1.0, jnp.float32)
    z = jnp.zeros((16,), jnp.float32)

    def fill(i, _):
        ones_v[i, pl.ds(0, 16)] = one
        zeros_v[i, pl.ds(0, 16)] = z
        return 0

    lax.fori_loop(0, CH, fill, 0)

    def zinit(i, _):
        pltpu.sync_copy(zeros_v, acc.at[pl.ds(s * RT + i * CH, CH)])
        return 0

    lax.fori_loop(0, RT // CH, zinit, 0)

    for j in range(NB):
        pltpu.async_copy(dst_hbm.at[w * NCH_DEG + j], dst_v[j], sem_i.at[j])

    plsc.subcore_barrier()

    def round_body(r, _):
        base = w * NCH_DEG + r * NB
        for j in range(NB):
            pltpu.make_async_copy(dst_hbm.at[base + j], dst_v[j],
                                  sem_i.at[j]).wait()
            pltpu.async_copy(ones_v, acc.at[dst_v[j]], sem_s.at[j], add=True)
        for j in range(NB):
            pltpu.make_async_copy(ones_v, acc.at[dst_v[j]],
                                  sem_s.at[j]).wait()
            pltpu.async_copy(dst_hbm.at[base + NB + j], dst_v[j],
                             sem_i.at[j])
        return 0

    lax.fori_loop(0, NR_DEG, round_body, 0)

    for g in range(NR_DEG * NB, NCH_DEG):
        j = g % NB
        pltpu.make_async_copy(dst_hbm.at[w * NCH_DEG + g], dst_v[j],
                              sem_i.at[j]).wait()
        pltpu.sync_copy(ones_v, acc.at[dst_v[j]], add=True)
        if g + NB < NCH_DEG:
            pltpu.async_copy(dst_hbm.at[w * NCH_DEG + g + NB], dst_v[j],
                             sem_i.at[j])

    plsc.subcore_barrier()

    pltpu.sync_copy(acc.at[pl.ds(s * RT, RT)],
                    deg_hbm.at[pl.ds(c * N_PAD + s * RT, RT)])


@functools.partial(
    pl.kernel,
    out_type=jax.ShapeDtypeStruct((N_PAD, D), jnp.float32),
    mesh=_mesh,
    scratch_types=[
        pltpu.VMEM((NCH_AGG, CHA), jnp.int32),
        pltpu.VMEM((NB, CHA, DH), jnp.float32),
        pltpu.VMEM_SHARED((N_PAD, DH), jnp.float32),
        pltpu.SemaphoreType.DMA((NB,)),
        pltpu.SemaphoreType.DMA((NB,)),
        pltpu.SemaphoreType.DMA((NB,)),
        pltpu.VMEM((CHA,), jnp.int32),
        pltpu.VMEM((CHA,), jnp.int32),
        pltpu.VMEM((CHA,), jnp.int32),
        pltpu.VMEM((CHA,), jnp.int32),
    ],
    compiler_params=pltpu.CompilerParams(use_tc_tiling_on_sc=False),
)
def _sc_agg(xsp_hbm, srcAB_hbm, dst_hbm, out_hbm,
            src_all, rows_v, acc, sem_g, sem_s, sem_i,
            dst_v0, dst_v1, dst_v2, dst_v3):
    dst_v = (dst_v0, dst_v1, dst_v2, dst_v3)
    c = lax.axis_index("c")
    s = lax.axis_index("s")
    w = c * NS + s

    pltpu.sync_copy(srcAB_hbm.at[w], src_all)

    z = jnp.zeros((16,), jnp.float32)

    def zrow(i, _):
        for j in range(DH // 16):
            rows_v[0, i, pl.ds(j * 16, 16)] = z
        return 0

    lax.fori_loop(0, CHZ, zrow, 0)

    def zinit(i, _):
        pltpu.sync_copy(rows_v.at[0, pl.ds(0, CHZ)],
                        acc.at[pl.ds(s * RT + i * CHZ, CHZ)])
        return 0

    lax.fori_loop(0, RT // CHZ, zinit, 0)

    for j in range(NB):
        pltpu.async_copy(dst_hbm.at[s * NCH_AGG + j], dst_v[j], sem_i.at[j])
        pltpu.async_copy(xsp_hbm.at[src_all.at[j]], rows_v.at[j],
                         sem_g.at[j])

    plsc.subcore_barrier()

    def round_body(r, _):
        base = r * NB
        for j in range(NB):
            g = base + j
            pltpu.make_async_copy(xsp_hbm.at[src_all.at[g]], rows_v.at[j],
                                  sem_g.at[j]).wait()
            pltpu.make_async_copy(dst_hbm.at[s * NCH_AGG + g],
                                  dst_v[j], sem_i.at[j]).wait()
            pltpu.async_copy(rows_v.at[j], acc.at[dst_v[j]],
                             sem_s.at[j], add=True)
        for j in range(NB):
            g = base + j
            pltpu.make_async_copy(rows_v.at[j], acc.at[dst_v[j]],
                                  sem_s.at[j]).wait()
            pltpu.async_copy(dst_hbm.at[s * NCH_AGG + g + NB], dst_v[j], sem_i.at[j])
            pltpu.async_copy(xsp_hbm.at[src_all.at[g + NB]], rows_v.at[j],
                             sem_g.at[j])
        return 0

    lax.fori_loop(0, NR_AGG, round_body, 0)

    for g in range(NR_AGG * NB, NCH_AGG):
        j = g % NB
        pltpu.make_async_copy(xsp_hbm.at[src_all.at[g]], rows_v.at[j],
                              sem_g.at[j]).wait()
        pltpu.make_async_copy(dst_hbm.at[s * NCH_AGG + g], dst_v[j], sem_i.at[j]).wait()
        pltpu.sync_copy(rows_v.at[j], acc.at[dst_v[j]], add=True)
        if g + NB < NCH_AGG:
            pltpu.async_copy(dst_hbm.at[s * NCH_AGG + g + NB], dst_v[j], sem_i.at[j])
            pltpu.async_copy(xsp_hbm.at[src_all.at[g + NB]], rows_v.at[j],
                             sem_g.at[j])

    plsc.subcore_barrier()

    pltpu.sync_copy(acc.at[pl.ds(s * RT, RT)],
                    out_hbm.at[pl.ds(s * RT, RT), pl.ds(c * DH, DH)])


_BLK = 512
_GRID = N_PAD // _BLK
_full = pl.BlockSpec((_BLK, D), lambda i: (i, 0))
_col = pl.BlockSpec((_BLK, 1), lambda i: (i, 0))


def _tc_mm_body(x_ref, w_ref, deg_ref, o_ref, d_ref):
    dg = deg_ref[...]
    dv = lax.rsqrt(dg[0, :, 0:1] + dg[1, :, 0:1] + 1.0)
    y = lax.dot_general(x_ref[...], w_ref[...], (((1,), (1,)), ((), ())),
                        preferred_element_type=jnp.float32)
    o_ref[...] = y * dv
    d_ref[...] = dv


def _tc_mm(x, w, deg2):
    return pl.pallas_call(
        _tc_mm_body,
        grid=(_GRID,),
        in_specs=[
            _full,
            pl.BlockSpec((D, D), lambda i: (0, 0)),
            pl.BlockSpec((2, _BLK, DW), lambda i: (0, i, 0)),
        ],
        out_specs=[_full, _col],
        out_shape=[jax.ShapeDtypeStruct((N_PAD, D), jnp.float32),
                   jax.ShapeDtypeStruct((N_PAD, 1), jnp.float32)],
    )(x, w, deg2)


def _tc_fuse_body(p_ref, xs_ref, d_ref, b_ref, w_ref, o_ref):
    dv = d_ref[...]
    h = jnp.maximum((p_ref[...] + xs_ref[...]) * dv + b_ref[...], 0.0)
    y = lax.dot_general(h, w_ref[...], (((1,), (1,)), ((), ())),
                        preferred_element_type=jnp.float32)
    o_ref[...] = y * dv


def _tc_fuse(p, xs, dinv, b, w):
    return pl.pallas_call(
        _tc_fuse_body,
        grid=(_GRID,),
        in_specs=[
            _full, _full, _col,
            pl.BlockSpec((1, D), lambda i: (0, 0)),
            pl.BlockSpec((D, D), lambda i: (0, 0)),
        ],
        out_specs=_full,
        out_shape=jax.ShapeDtypeStruct((N_PAD, D), jnp.float32),
    )(p, xs, dinv, b, w)


def _tc_comb_body(p_ref, xs_ref, d_ref, b_ref, o_ref):
    o_ref[...] = jnp.maximum(
        (p_ref[...] + xs_ref[...]) * d_ref[...] + b_ref[...], 0.0)


def _tc_comb(p, xs, dinv, b):
    return pl.pallas_call(
        _tc_comb_body,
        grid=(_GRID,),
        in_specs=[_full, _full, _col,
                  pl.BlockSpec((1, D), lambda i: (0, 0))],
        out_specs=_full,
        out_shape=jax.ShapeDtypeStruct((N_PAD, D), jnp.float32),
    )(p, xs, dinv, b)


def kernel(x, edge_index, W1, b1, W2, b2):
    src = edge_index[0].astype(jnp.int32)
    dst = edge_index[1].astype(jnp.int32)
    x_p = jnp.pad(x, ((0, N_PAD - N_NODES), (0, 0)))
    b1r = b1.reshape(1, D)
    b2r = b2.reshape(1, D)
    s2 = 2 * src
    srcAB = jnp.concatenate([s2, s2 + 1]).reshape(NC * NS, NCH_AGG, CHA)
    dstD = dst.reshape(NW * NCH_DEG, CH)
    dstA = dst.reshape(NS * NCH_AGG, CHA)

    deg2 = _sc_deg(dstD).reshape(NC, N_PAD, DW)
    xs1, dinv = _tc_mm(x_p, W1, deg2)

    p1 = _sc_agg(xs1.reshape(2 * N_PAD, DH), srcAB, dstA)
    xs2 = _tc_fuse(p1, xs1, dinv, b1r, W2)
    p2 = _sc_agg(xs2.reshape(2 * N_PAD, DH), srcAB, dstA)
    h2 = _tc_comb(p2, xs2, dinv, b2r)
    return h2[:N_NODES]

# --- scband reference (transcript-rebuilt; emitter-appended) ---
"""Pipeline reference for scband-gene-gnn-56367150793247 (READ-ONLY COPY).

The authoritative reference and input builder live on the scoring server;
editing this copy changes nothing except your own understanding.
"""

import jax, jax.numpy as jnp
import numpy as np

N_NODES = 10000
N_EDGES = 320000
D_IN = 128
D_HID = 128


def setup_inputs(seed: int = 0) -> dict:
    key = jax.random.key(seed)
    k_x, k_e, k_w1, k_b1, k_w2, k_b2 = jax.random.split(key, 6)
    x = jax.random.normal(k_x, (N_NODES, D_IN), dtype=jnp.float32)
    edge_index = jax.random.randint(k_e, (2, N_EDGES), 0, N_NODES, dtype=jnp.int64)
    # Glorot-style init like PyG GCNConv linear layers (weight shape [out, in], applied as x @ W.T)
    s1 = 1.0 / np.sqrt(D_IN)
    s2 = 1.0 / np.sqrt(D_HID)
    W1 = jax.random.uniform(k_w1, (D_HID, D_IN), minval=-s1, maxval=s1, dtype=jnp.float32)
    b1 = jnp.zeros((D_HID,), dtype=jnp.float32)
    W2 = jax.random.uniform(k_w2, (D_HID, D_HID), minval=-s2, maxval=s2, dtype=jnp.float32)
    b2 = jnp.zeros((D_HID,), dtype=jnp.float32)
    return {"x": x, "edge_index": edge_index, "W1": W1, "b1": b1, "W2": W2, "b2": b2}


def _gcn_conv(x, src, dst, W, b, n_nodes):
    # PyG GCNConv: linear transform, add self-loops, symmetric normalization, scatter-add aggregate, bias.
    loop = jnp.arange(n_nodes, dtype=src.dtype)
    src_f = jnp.concatenate([src, loop])
    dst_f = jnp.concatenate([dst, loop])
    ew = jnp.ones((src_f.shape[0],), dtype=x.dtype)
    deg = jnp.zeros((n_nodes,), dtype=x.dtype).at[dst_f].add(ew)
    deg_inv_sqrt = jnp.where(deg > 0, 1.0 / jnp.sqrt(deg), 0.0)
    norm = deg_inv_sqrt[src_f] * ew * deg_inv_sqrt[dst_f]
    xw = x @ W.T
    msg = xw[src_f] * norm[:, None]
    out = jnp.zeros((n_nodes, xw.shape[1]), dtype=x.dtype).at[dst_f].add(msg)
    return out + b


def reference(x, edge_index, W1, b1, W2, b2):
    n_nodes = x.shape[0]
    src = edge_index[0]
    dst = edge_index[1]
    # Layer 1: GCNConv + ReLU
    h = jax.nn.relu(_gcn_conv(x, src, dst, W1, b1, n_nodes))
    # Layer 2: GCNConv + ReLU
    h = jax.nn.relu(_gcn_conv(h, src, dst, W2, b2, n_nodes))
    return h

if __name__ == "__main__":
    import jax
    _d = setup_inputs()
    print(jax.jit(kernel)(*tuple(_d.values())))

</pallas_src>

<mosaic_0001>
#map = affine_map<(d0, d1) -> (0, 0)>
#map1 = affine_map<(d0, d1) -> (0, 0, 0)>
module attributes {stable_mosaic.version = 14 : i64} {
  func.func @_sc_agg(%arg0: i32, %arg1: i32, %arg2: memref<20480x64xf32, #tpu.memory_space<hbm>>, %arg3: memref<32x160x125xi32, #tpu.memory_space<hbm>>, %arg4: memref<2560x125xi32, #tpu.memory_space<hbm>>, %arg5: memref<10240x128xf32, #tpu.memory_space<hbm>>, %arg6: memref<160x125xi32, #tpu.memory_space<vmem>>, %arg7: memref<4x125x64xf32, #tpu.memory_space<vmem>>, %arg8: memref<10240x64xf32, #tpu.memory_space<vmem_shared>>, %arg9: memref<4x!tpu.dma_semaphore, #tpu.memory_space<semaphore_mem>>, %arg10: memref<4x!tpu.dma_semaphore, #tpu.memory_space<semaphore_mem>>, %arg11: memref<4x!tpu.dma_semaphore, #tpu.memory_space<semaphore_mem>>, %arg12: memref<125xi32, #tpu.memory_space<vmem>>, %arg13: memref<125xi32, #tpu.memory_space<vmem>>, %arg14: memref<125xi32, #tpu.memory_space<vmem>>, %arg15: memref<125xi32, #tpu.memory_space<vmem>>) attributes {dimension_semantics = [#tpu.dimension_semantics<core_parallel>, #tpu.dimension_semantics<subcore_parallel>], iteration_bounds = array<i64: 2, 16>, scalar_prefetch = 0 : i64, scratch_operands = 10 : i64, tpu.core_type = #tpu.core_type<sc_vector_subcore>, window_params = [{transform_indices = #map}, {transform_indices = #map1}, {transform_indices = #map}, {transform_indices = #map}]} {
    %mul3A = arith.constant 16 : i32
    %mul3A_0 = arith.muli %arg0, %mul3A : i32
    %add3A = arith.addi %mul3A_0, %arg1 : i32
    "tpu.region"() ({
      %run_scoped3A_254 = tpu.sem_alloc : memref<!tpu.dma_semaphore, #tpu.memory_space<semaphore_mem>>
      %dma_start3A_255 = arith.constant 0 : i32
      %dma_start3A_256 = arith.constant 0 : i32
      %dma_start3A_257 = tpu.memref_slice %arg3[%add3A, %dma_start3A_255, %dma_start3A_256] : memref<32x160x125xi32, #tpu.memory_space<hbm>> -> memref<1x160x125xi32, #tpu.memory_space<hbm>>
      %dma_start3A_258 = tpu.memref_squeeze %dma_start3A_257 : memref<1x160x125xi32, #tpu.memory_space<hbm>> -> memref<160x125xi32, #tpu.memory_space<hbm>>
      %dma_start3A_259 = arith.constant 0 : i32
      %dma_start3A_260 = arith.constant 0 : i32
      %dma_start3A_261 = tpu.memref_slice %arg3[%add3A, %dma_start3A_259, %dma_start3A_260] : memref<32x160x125xi32, #tpu.memory_space<hbm>> -> memref<1x160x125xi32, #tpu.memory_space<hbm>>
      %dma_start3A_262 = tpu.memref_squeeze %dma_start3A_261 : memref<1x160x125xi32, #tpu.memory_space<hbm>> -> memref<160x125xi32, #tpu.memory_space<hbm>>
      tpu.enqueue_dma source(%dma_start3A_262 : memref<160x125xi32, #tpu.memory_space<hbm>>) target(%arg6 : memref<160x125xi32, #tpu.memory_space<vmem>>) target_semaphore(%run_scoped3A_254 : memref<!tpu.dma_semaphore, #tpu.memory_space<semaphore_mem>>)
      %dma_wait3A_263 = arith.constant 0 : i32
      %dma_wait3A_264 = arith.constant 0 : i32
      %dma_wait3A_265 = tpu.memref_slice %arg3[%add3A, %dma_wait3A_263, %dma_wait3A_264] : memref<32x160x125xi32, #tpu.memory_space<hbm>> -> memref<1x160x125xi32, #tpu.memory_space<hbm>>
      %dma_wait3A_266 = tpu.memref_squeeze %dma_wait3A_265 : memref<1x160x125xi32, #tpu.memory_space<hbm>> -> memref<160x125xi32, #tpu.memory_space<hbm>>
      %dma_wait3A_267 = arith.constant 0 : i32
      %dma_wait3A_268 = arith.constant 0 : i32
      %dma_wait3A_269 = tpu.memref_slice %arg3[%add3A, %dma_wait3A_267, %dma_wait3A_268] : memref<32x160x125xi32, #tpu.memory_space<hbm>> -> memref<1x160x125xi32, #tpu.memory_space<hbm>>
      %dma_wait3A_270 = tpu.memref_squeeze %dma_wait3A_269 : memref<1x160x125xi32, #tpu.memory_space<hbm>> -> memref<160x125xi32, #tpu.memory_space<hbm>>
      tpu.wait_dma2 semaphore(%run_scoped3A_254 : memref<!tpu.dma_semaphore, #tpu.memory_space<semaphore_mem>>) src(%dma_wait3A_270 : memref<160x125xi32, #tpu.memory_space<hbm>>) dst(%arg6 : memref<160x125xi32, #tpu.memory_space<vmem>>)
      tpu.yield
    }) : () -> ()
    %broadcast_in_dim3A = arith.constant 0.000000e+00 : f32
    %broadcast_in_dim3A_1 = vector.broadcast %broadcast_in_dim3A : f32 to vector<16xf32>
    %scan3A = arith.constant 0 : i32
    %scan3A_2 = arith.constant 0 : i32
    %scan3A_3 = arith.constant 80 : i32
    %scan3A_4 = arith.addi %scan3A_2, %scan3A_3 : i32
    %scan3A_5 = arith.constant 1 : i32
    %scan3A_6 = scf.for %scan3A_254 = %scan3A_2 to %scan3A_4 step %scan3A_5 iter_args(%scan3A_255 = %scan3A) -> (i32)  : i32 {
      %swap3A = arith.constant 0 : i32
      %swap3A_256 = arith.index_cast %swap3A : i32 to index
      %swap3A_257 = arith.index_cast %scan3A_254 : i32 to index
      %swap3A_258 = arith.constant 0 : index
      %swap3A_259 = tpu.vector_load %arg7[%swap3A_256, %swap3A_257, %swap3A_258] {strides = array<i32>} : memref<4x125x64xf32, #tpu.memory_space<vmem>>, vector<1x1x16xf32>,
      %swap3A_260 = vector.shape_cast %swap3A_259 : vector<1x1x16xf32> to vector<16xf32>
      %swap3A_261 = vector.shape_cast %broadcast_in_dim3A_1 : vector<16xf32> to vector<1x1x16xf32>
      tpu.vector_store %arg7[%swap3A_256, %swap3A_257, %swap3A_258], %swap3A_261 {strides = array<i32>} : memref<4x125x64xf32, #tpu.memory_space<vmem>>, vector<1x1x16xf32>,
      %swap3A_262 = arith.constant 0 : i32
      %swap3A_263 = arith.index_cast %swap3A_262 : i32 to index
      %swap3A_264 = arith.index_cast %scan3A_254 : i32 to index
      %swap3A_265 = arith.constant 16 : index
      %swap3A_266 = tpu.vector_load %arg7[%swap3A_263, %swap3A_264, %swap3A_265] {strides = array<i32>} : memref<4x125x64xf32, #tpu.memory_space<vmem>>, vector<1x1x16xf32>,
      %swap3A_267 = vector.shape_cast %swap3A_266 : vector<1x1x16xf32> to vector<16xf32>
      %swap3A_268 = vector.shape_cast %broadcast_in_dim3A_1 : vector<16xf32> to vector<1x1x16xf32>
      tpu.vector_store %arg7[%swap3A_263, %swap3A_264, %swap3A_265], %swap3A_268 {strides = array<i32>} : memref<4x125x64xf32, #tpu.memory_space<vmem>>, vector<1x1x16xf32>,
      %swap3A_269 = arith.constant 0 : i32
      %swap3A_270 = arith.index_cast %swap3A_269 : i32 to index
      %swap3A_271 = arith.index_cast %scan3A_254 : i32 to index
      %swap3A_272 = arith.constant 32 : index
      %swap3A_273 = tpu.vector_load %arg7[%swap3A_270, %swap3A_271, %swap3A_272] {strides = array<i32>} : memref<4x125x64xf32, #tpu.memory_space<vmem>>, vector<1x1x16xf32>,
      %swap3A_274 = vector.shape_cast %swap3A_273 : vector<1x1x16xf32> to vector<16xf32>
      %swap3A_275 = vector.shape_cast %broadcast_in_dim3A_1 : vector<16xf32> to vector<1x1x16xf32>
      tpu.vector_store %arg7[%swap3A_270, %swap3A_271, %swap3A_272], %swap3A_275 {strides = array<i32>} : memref<4x125x64xf32, #tpu.memory_space<vmem>>, vector<1x1x16xf32>,
      %swap3A_276 = arith.constant 0 : i32
      %swap3A_277 = arith.index_cast %swap3A_276 : i32 to index
      %swap3A_278 = arith.index_cast %scan3A_254 : i32 to index
      %swap3A_279 = arith.constant 48 : index
      %swap3A_280 = tpu.vector_load %arg7[%swap3A_277, %swap3A_278, %swap3A_279] {strides = array<i32>} : memref<4x125x64xf32, #tpu.memory_space<vmem>>, vector<1x1x16xf32>,
      %swap3A_281 = vector.shape_cast %swap3A_280 : vector<1x1x16xf32> to vector<16xf32>
      %swap3A_282 = vector.shape_cast %broadcast_in_dim3A_1 : vector<16xf32> to vector<1x1x16xf32>
      tpu.vector_store %arg7[%swap3A_277, %swap3A_278, %swap3A_279], %swap3A_282 {strides = array<i32>} : memref<4x125x64xf32, #tpu.memory_space<vmem>>, vector<1x1x16xf32>,
      %scan3A_283 = arith.constant 0 : i32
      scf.yield %scan3A_283 : i32
    }
    %scan3A_7 = arith.constant 80 : i32
    %scan3A_8 = arith.constant 0 : i32
    %scan3A_9 = arith.constant 0 : i32
    %scan3A_10 = arith.constant 8 : i32
    %scan3A_11 = arith.addi %scan3A_9, %scan3A_10 : i32
    %scan3A_12 = arith.constant 1 : i32
    %scan3A_13 = scf.for %scan3A_254 = %scan3A_9 to %scan3A_11 step %scan3A_12 iter_args(%scan3A_255 = %scan3A_8) -> (i32)  : i32 {
      %mul3A_256 = arith.constant 640 : i32
      %mul3A_257 = arith.muli %arg1, %mul3A_256 : i32
      %mul3A_258 = arith.constant 80 : i32
      %mul3A_259 = arith.muli %scan3A_254, %mul3A_258 : i32
      %add3A_260 = arith.addi %mul3A_257, %mul3A_259 : i32
      %run_scoped3A_261 = arith.constant 0 : i32
      "tpu.region"() ({
        %run_scoped3A_263 = tpu.sem_alloc : memref<!tpu.dma_semaphore, #tpu.memory_space<semaphore_mem>>
        %dma_start3A_264 = arith.constant 0 : i32
        %dma_start3A_265 = arith.constant 0 : i32
        %dma_start3A_266 = tpu.memref_slice %arg7[%run_scoped3A_261, %dma_start3A_264, %dma_start3A_265] : memref<4x125x64xf32, #tpu.memory_space<vmem>> -> memref<1x80x64xf32, #tpu.memory_space<vmem>>
        %dma_start3A_267 = tpu.memref_squeeze %dma_start3A_266 : memref<1x80x64xf32, #tpu.memory_space<vmem>> -> memref<80x64xf32, #tpu.memory_space<vmem>>
        %dma_start3A_268 = arith.constant 0 : i32
        %dma_start3A_269 = tpu.memref_slice %arg8[%add3A_260, %dma_start3A_268] : memref<10240x64xf32, #tpu.memory_space<vmem_shared>> -> memref<80x64xf32, #tpu.memory_space<vmem_shared>>
        %dma_start3A_270 = arith.constant 0 : i32
        %dma_start3A_271 = tpu.memref_slice %arg8[%add3A_260, %dma_start3A_270] : memref<10240x64xf32, #tpu.memory_space<vmem_shared>> -> memref<80x64xf32, #tpu.memory_space<vmem_shared>>
        %dma_start3A_272 = arith.constant 0 : i32
        %dma_start3A_273 = arith.constant 0 : i32
        %dma_start3A_274 = tpu.memref_slice %arg7[%run_scoped3A_261, %dma_start3A_272, %dma_start3A_273] : memref<4x125x64xf32, #tpu.memory_space<vmem>> -> memref<1x80x64xf32, #tpu.memory_space<vmem>>
        %dma_start3A_275 = tpu.memref_squeeze %dma_start3A_274 : memref<1x80x64xf32, #tpu.memory_space<vmem>> -> memref<80x64xf32, #tpu.memory_space<vmem>>
        tpu.enqueue_dma source(%dma_start3A_275 : memref<80x64xf32, #tpu.memory_space<vmem>>) target(%dma_start3A_271 : memref<80x64xf32, #tpu.memory_space<vmem_shared>>) target_semaphore(%run_scoped3A_263 : memref<!tpu.dma_semaphore, #tpu.memory_space<semaphore_mem>>)
        %dma_wait3A_276 = arith.constant 0 : i32
        %dma_wait3A_277 = arith.constant 0 : i32
        %dma_wait3A_278 = tpu.memref_slice %arg7[%run_scoped3A_261, %dma_wait3A_276, %dma_wait3A_277] : memref<4x125x64xf32, #tpu.memory_space<vmem>> -> memref<1x80x64xf32, #tpu.memory_space<vmem>>
        %dma_wait3A_279 = tpu.memref_squeeze %dma_wait3A_278 : memref<1x80x64xf32, #tpu.memory_space<vmem>> -> memref<80x64xf32, #tpu.memory_space<vmem>>
        %dma_wait3A_280 = arith.constant 0 : i32
        %dma_wait3A_281 = tpu.memref_slice %arg8[%add3A_260, %dma_wait3A_280] : memref<10240x64xf32, #tpu.memory_space<vmem_shared>> -> memref<80x64xf32, #tpu.memory_space<vmem_shared>>
        %dma_wait3A_282 = arith.constant 0 : i32
        %dma_wait3A_283 = tpu.memref_slice %arg8[%add3A_260, %dma_wait3A_282] : memref<10240x64xf32, #tpu.memory_space<vmem_shared>> -> memref<80x64xf32, #tpu.memory_space<vmem_shared>>
        %dma_wait3A_284 = arith.constant 0 : i32
        %dma_wait3A_285 = arith.constant 0 : i32
        %dma_wait3A_286 = tpu.memref_slice %arg7[%run_scoped3A_261, %dma_wait3A_284, %dma_wait3A_285] : memref<4x125x64xf32, #tpu.memory_space<vmem>> -> memref<1x80x64xf32, #tpu.memory_space<vmem>>
        %dma_wait3A_287 = tpu.memref_squeeze %dma_wait3A_286 : memref<1x80x64xf32, #tpu.memory_space<vmem>> -> memref<80x64xf32, #tpu.memory_space<vmem>>
        tpu.wait_dma2 semaphore(%run_scoped3A_263 : memref<!tpu.dma_semaphore, #tpu.memory_space<semaphore_mem>>) src(%dma_wait3A_287 : memref<80x64xf32, #tpu.memory_space<vmem>>) dst(%dma_wait3A_283 : memref<80x64xf32, #tpu.memory_space<vmem_shared>>)
        tpu.yield
      }) : () -> ()
      %scan3A_262 = arith.constant 0 : i32
      scf.yield %scan3A_262 : i32
    }
    %scan3A_14 = arith.constant 8 : i32
    %mul3A_15 = arith.constant 160 : i32
    %mul3A_16 = arith.muli %arg1, %mul3A_15 : i32
    %add3A_17 = arith.constant 0 : i32
    %add3A_18 = arith.addi %mul3A_16, %add3A_17 : i32
    %dma_start3A = arith.constant 0 : i32
    %dma_start3A_19 = arith.constant 0 : i32
    %dma_start3A_20 = tpu.memref_slice %arg4[%add3A_18, %dma_start3A_19] : memref<2560x125xi32, #tpu.memory_space<hbm>> -> memref<1x125xi32, #tpu.memory_space<hbm>>
    %dma_start3A_21 = tpu.memref_squeeze %dma_start3A_20 : memref<1x125xi32, #tpu.memory_space<hbm>> -> memref<125xi32, #tpu.memory_space<hbm>>
    %dma_start3A_22 = tpu.memref_slice %arg11[%dma_start3A] : memref<4x!tpu.dma_semaphore, #tpu.memory_space<semaphore_mem>> -> memref<1x!tpu.dma_semaphore, #tpu.memory_space<semaphore_mem>>
    %dma_start3A_23 = tpu.memref_squeeze %dma_start3A_22 : memref<1x!tpu.dma_semaphore, #tpu.memory_space<semaphore_mem>> -> memref<!tpu.dma_semaphore, #tpu.memory_space<semaphore_mem>>
    %dma_start3A_24 = arith.constant 0 : i32
    %dma_start3A_25 = tpu.memref_slice %arg4[%add3A_18, %dma_start3A_24] : memref<2560x125xi32, #tpu.memory_space<hbm>> -> memref<1x125xi32, #tpu.memory_space<hbm>>
    %dma_start3A_26 = tpu.memref_squeeze %dma_start3A_25 : memref<1x125xi32, #tpu.memory_space<hbm>> -> memref<125xi32, #tpu.memory_space<hbm>>
    tpu.enqueue_dma source(%dma_start3A_26 : memref<125xi32, #tpu.memory_space<hbm>>) target(%arg12 : memref<125xi32, #tpu.memory_space<vmem>>) target_semaphore(%dma_start3A_23 : memref<!tpu.dma_semaphore, #tpu.memory_space<semaphore_mem>>)
    %dma_start3A_27 = arith.constant 0 : i32
    %dma_start3A_28 = arith.constant 0 : i32
    %dma_start3A_29 = arith.constant 0 : i32
    %dma_start3A_30 = arith.constant 0 : i32
    %dma_start3A_31 = arith.constant 0 : i32
    %dma_start3A_32 = tpu.memref_slice %arg7[%dma_start3A_28, %dma_start3A_30, %dma_start3A_31] : memref<4x125x64xf32, #tpu.memory_space<vmem>> -> memref<1x125x64xf32, #tpu.memory_space<vmem>>
    %dma_start3A_33 = tpu.memref_squeeze %dma_start3A_32 : memref<1x125x64xf32, #tpu.memory_space<vmem>> -> memref<125x64xf32, #tpu.memory_space<vmem>>
    %dma_start3A_34 = arith.constant 0 : i32
    %dma_start3A_35 = tpu.memref_slice %arg6[%dma_start3A_27, %dma_start3A_34] : memref<160x125xi32, #tpu.memory_space<vmem>> -> memref<1x125xi32, #tpu.memory_space<vmem>>
    %dma_start3A_36 = tpu.memref_squeeze %dma_start3A_35 : memref<1x125xi32, #tpu.memory_space<vmem>> -> memref<125xi32, #tpu.memory_space<vmem>>
    %dma_start3A_37 = arith.constant 0 : i32
    %dma_start3A_38 = arith.constant 0 : i32
    %dma_start3A_39 = tpu.memref_slice %arg2[%dma_start3A_37, %dma_start3A_38] : memref<20480x64xf32, #tpu.memory_space<hbm>> -> memref<20480x64xf32, #tpu.memory_space<hbm>>
    %dma_start3A_40 = tpu.memref_slice %arg9[%dma_start3A_29] : memref<4x!tpu.dma_semaphore, #tpu.memory_space<semaphore_mem>> -> memref<1x!tpu.dma_semaphore, #tpu.memory_space<semaphore_mem>>
    %dma_start3A_41 = tpu.memref_squeeze %dma_start3A_40 : memref<1x!tpu.dma_semaphore, #tpu.memory_space<semaphore_mem>> -> memref<!tpu.dma_semaphore, #tpu.memory_space<semaphore_mem>>
    tpu.enqueue_indirect_dma source(%dma_start3A_39 : memref<20480x64xf32, #tpu.memory_space<hbm>>) target(%dma_start3A_33 : memref<125x64xf32, #tpu.memory_space<vmem>>) offsets(%dma_start3A_36 : memref<125xi32, #tpu.memory_space<vmem>>) semaphore(%dma_start3A_41 : memref<!tpu.dma_semaphore, #tpu.memory_space<semaphore_mem>>)
    %mul3A_42 = arith.constant 160 : i32
    %mul3A_43 = arith.muli %arg1, %mul3A_42 : i32
    %add3A_44 = arith.constant 1 : i32
    %add3A_45 = arith.addi %mul3A_43, %add3A_44 : i32
    %dma_start3A_46 = arith.constant 1 : i32
    %dma_start3A_47 = arith.constant 0 : i32
    %dma_start3A_48 = tpu.memref_slice %arg4[%add3A_45, %dma_start3A_47] : memref<2560x125xi32, #tpu.memory_space<hbm>> -> memref<1x125xi32, #tpu.memory_space<hbm>>
    %dma_start3A_49 = tpu.memref_squeeze %dma_start3A_48 : memref<1x125xi32, #tpu.memory_space<hbm>> -> memref<125xi32, #tpu.memory_space<hbm>>
    %dma_start3A_50 = tpu.memref_slice %arg11[%dma_start3A_46] : memref<4x!tpu.dma_semaphore, #tpu.memory_space<semaphore_mem>> -> memref<1x!tpu.dma_semaphore, #tpu.memory_space<semaphore_mem>>
    %dma_start3A_51 = tpu.memref_squeeze %dma_start3A_50 : memref<1x!tpu.dma_semaphore, #tpu.memory_space<semaphore_mem>> -> memref<!tpu.dma_semaphore, #tpu.memory_space<semaphore_mem>>
    %dma_start3A_52 = arith.constant 0 : i32
    %dma_start3A_53 = tpu.memref_slice %arg4[%add3A_45, %dma_start3A_52] : memref<2560x125xi32, #tpu.memory_space<hbm>> -> memref<1x125xi32, #tpu.memory_space<hbm>>
    %dma_start3A_54 = tpu.memref_squeeze %dma_start3A_53 : memref<1x125xi32, #tpu.memory_space<hbm>> -> memref<125xi32, #tpu.memory_space<hbm>>
    tpu.enqueue_dma source(%dma_start3A_54 : memref<125xi32, #tpu.memory_space<hbm>>) target(%arg13 : memref<125xi32, #tpu.memory_space<vmem>>) target_semaphore(%dma_start3A_51 : memref<!tpu.dma_semaphore, #tpu.memory_space<semaphore_mem>>)
    %dma_start3A_55 = arith.constant 1 : i32
    %dma_start3A_56 = arith.constant 1 : i32
    %dma_start3A_57 = arith.constant 1 : i32
    %dma_start3A_58 = arith.constant 0 : i32
    %dma_start3A_59 = arith.constant 0 : i32
    %dma_start3A_60 = tpu.memref_slice %arg7[%dma_start3A_56, %dma_start3A_58, %dma_start3A_59] : memref<4x125x64xf32, #tpu.memory_space<vmem>> -> memref<1x125x64xf32, #tpu.memory_space<vmem>>
    %dma_start3A_61 = tpu.memref_squeeze %dma_start3A_60 : memref<1x125x64xf32, #tpu.memory_space<vmem>> -> memref<125x64xf32, #tpu.memory_space<vmem>>
    %dma_start3A_62 = arith.constant 0 : i32
    %dma_start3A_63 = tpu.memref_slice %arg6[%dma_start3A_55, %dma_start3A_62] : memref<160x125xi32, #tpu.memory_space<vmem>> -> memref<1x125xi32, #tpu.memory_space<vmem>>
    %dma_start3A_64 = tpu.memref_squeeze %dma_start3A_63 : memref<1x125xi32, #tpu.memory_space<vmem>> -> memref<125xi32, #tpu.memory_space<vmem>>
    %dma_start3A_65 = arith.constant 0 : i32
    %dma_start3A_66 = arith.constant 0 : i32
    %dma_start3A_67 = tpu.memref_slice %arg2[%dma_start3A_65, %dma_start3A_66] : memref<20480x64xf32, #tpu.memory_space<hbm>> -> memref<20480x64xf32, #tpu.memory_space<hbm>>
    %dma_start3A_68 = tpu.memref_slice %arg9[%dma_start3A_57] : memref<4x!tpu.dma_semaphore, #tpu.memory_space<semaphore_mem>> -> memref<1x!tpu.dma_semaphore, #tpu.memory_space<semaphore_mem>>
    %dma_start3A_69 = tpu.memref_squeeze %dma_start3A_68 : memref<1x!tpu.dma_semaphore, #tpu.memory_space<semaphore_mem>> -> memref<!tpu.dma_semaphore, #tpu.memory_space<semaphore_mem>>
    tpu.enqueue_indirect_dma source(%dma_start3A_67 : memref<20480x64xf32, #tpu.memory_space<hbm>>) target(%dma_start3A_61 : memref<125x64xf32, #tpu.memory_space<vmem>>) offsets(%dma_start3A_64 : memref<125xi32, #tpu.memory_space<vmem>>) semaphore(%dma_start3A_69 : memref<!tpu.dma_semaphore, #tpu.memory_space<semaphore_mem>>)
    %mul3A_70 = arith.constant 160 : i32
    %mul3A_71 = arith.muli %arg1, %mul3A_70 : i32
    %add3A_72 = arith.constant 2 : i32
    %add3A_73 = arith.addi %mul3A_71, %add3A_72 : i32
    %dma_start3A_74 = arith.constant 2 : i32
    %dma_start3A_75 = arith.constant 0 : i32
    %dma_start3A_76 = tpu.memref_slice %arg4[%add3A_73, %dma_start3A_75] : memref<2560x125xi32, #tpu.memory_space<hbm>> -> memref<1x125xi32, #tpu.memory_space<hbm>>
    %dma_start3A_77 = tpu.memref_squeeze %dma_start3A_76 : memref<1x125xi32, #tpu.memory_space<hbm>> -> memref<125xi32, #tpu.memory_space<hbm>>
    %dma_start3A_78 = tpu.memref_slice %arg11[%dma_start3A_74] : memref<4x!tpu.dma_semaphore, #tpu.memory_space<semaphore_mem>> -> memref<1x!tpu.dma_semaphore, #tpu.memory_space<semaphore_mem>>
    %dma_start3A_79 = tpu.memref_squeeze %dma_start3A_78 : memref<1x!tpu.dma_semaphore, #tpu.memory_space<semaphore_mem>> -> memref<!tpu.dma_semaphore, #tpu.memory_space<semaphore_mem>>
    %dma_start3A_80 = arith.constant 0 : i32
    %dma_start3A_81 = tpu.memref_slice %arg4[%add3A_73, %dma_start3A_80] : memref<2560x125xi32, #tpu.memory_space<hbm>> -> memref<1x125xi32, #tpu.memory_space<hbm>>
    %dma_start3A_82 = tpu.memref_squeeze %dma_start3A_81 : memref<1x125xi32, #tpu.memory_space<hbm>> -> memref<125xi32, #tpu.memory_space<hbm>>
    tpu.enqueue_dma source(%dma_start3A_82 : memref<125xi32, #tpu.memory_space<hbm>>) target(%arg14 : memref<125xi32, #tpu.memory_space<vmem>>) target_semaphore(%dma_start3A_79 : memref<!tpu.dma_semaphore, #tpu.memory_space<semaphore_mem>>)
    %dma_start3A_83 = arith.constant 2 : i32
    %dma_start3A_84 = arith.constant 2 : i32
    %dma_start3A_85 = arith.constant 2 : i32
    %dma_start3A_86 = arith.constant 0 : i32
    %dma_start3A_87 = arith.constant 0 : i32
    %dma_start3A_88 = tpu.memref_slice %arg7[%dma_start3A_84, %dma_start3A_86, %dma_start3A_87] : memref<4x125x64xf32, #tpu.memory_space<vmem>> -> memref<1x125x64xf32, #tpu.memory_space<vmem>>
    %dma_start3A_89 = tpu.memref_squeeze %dma_start3A_88 : memref<1x125x64xf32, #tpu.memory_space<vmem>> -> memref<125x64xf32, #tpu.memory_space<vmem>>
    %dma_start3A_90 = arith.constant 0 : i32
    %dma_start3A_91 = tpu.memref_slice %arg6[%dma_start3A_83, %dma_start3A_90] : memref<160x125xi32, #tpu.memory_space<vmem>> -> memref<1x125xi32, #tpu.memory_space<vmem>>
    %dma_start3A_92 = tpu.memref_squeeze %dma_start3A_91 : memref<1x125xi32, #tpu.memory_space<vmem>> -> memref<125xi32, #tpu.memory_space<vmem>>
    %dma_start3A_93 = arith.constant 0 : i32
    %dma_start3A_94 = arith.constant 0 : i32
    %dma_start3A_95 = tpu.memref_slice %arg2[%dma_start3A_93, %dma_start3A_94] : memref<20480x64xf32, #tpu.memory_space<hbm>> -> memref<20480x64xf32, #tpu.memory_space<hbm>>
    %dma_start3A_96 = tpu.memref_slice %arg9[%dma_start3A_85] : memref<4x!tpu.dma_semaphore, #tpu.memory_space<semaphore_mem>> -> memref<1x!tpu.dma_semaphore, #tpu.memory_space<semaphore_mem>>
    %dma_start3A_97 = tpu.memref_squeeze %dma_start3A_96 : memref<1x!tpu.dma_semaphore, #tpu.memory_space<semaphore_mem>> -> memref<!tpu.dma_semaphore, #tpu.memory_space<semaphore_mem>>
    tpu.enqueue_indirect_dma source(%dma_start3A_95 : memref<20480x64xf32, #tpu.memory_space<hbm>>) target(%dma_start3A_89 : memref<125x64xf32, #tpu.memory_space<vmem>>) offsets(%dma_start3A_92 : memref<125xi32, #tpu.memory_space<vmem>>) semaphore(%dma_start3A_97 : memref<!tpu.dma_semaphore, #tpu.memory_space<semaphore_mem>>)
    %mul3A_98 = arith.constant 160 : i32
    %mul3A_99 = arith.muli %arg1, %mul3A_98 : i32
    %add3A_100 = arith.constant 3 : i32
    %add3A_101 = arith.addi %mul3A_99, %add3A_100 : i32
    %dma_start3A_102 = arith.constant 3 : i32
    %dma_start3A_103 = arith.constant 0 : i32
    %dma_start3A_104 = tpu.memref_slice %arg4[%add3A_101, %dma_start3A_103] : memref<2560x125xi32, #tpu.memory_space<hbm>> -> memref<1x125xi32, #tpu.memory_space<hbm>>
    %dma_start3A_105 = tpu.memref_squeeze %dma_start3A_104 : memref<1x125xi32, #tpu.memory_space<hbm>> -> memref<125xi32, #tpu.memory_space<hbm>>
    %dma_start3A_106 = tpu.memref_slice %arg11[%dma_start3A_102] : memref<4x!tpu.dma_semaphore, #tpu.memory_space<semaphore_mem>> -> memref<1x!tpu.dma_semaphore, #tpu.memory_space<semaphore_mem>>
    %dma_start3A_107 = tpu.memref_squeeze %dma_start3A_106 : memref<1x!tpu.dma_semaphore, #tpu.memory_space<semaphore_mem>> -> memref<!tpu.dma_semaphore, #tpu.memory_space<semaphore_mem>>
    %dma_start3A_108 = arith.constant 0 : i32
    %dma_start3A_109 = tpu.memref_slice %arg4[%add3A_101, %dma_start3A_108] : memref<2560x125xi32, #tpu.memory_space<hbm>> -> memref<1x125xi32, #tpu.memory_space<hbm>>
    %dma_start3A_110 = tpu.memref_squeeze %dma_start3A_109 : memref<1x125xi32, #tpu.memory_space<hbm>> -> memref<125xi32, #tpu.memory_space<hbm>>
    tpu.enqueue_dma source(%dma_start3A_110 : memref<125xi32, #tpu.memory_space<hbm>>) target(%arg15 : memref<125xi32, #tpu.memory_space<vmem>>) target_semaphore(%dma_start3A_107 : memref<!tpu.dma_semaphore, #tpu.memory_space<semaphore_mem>>)
    %dma_start3A_111 = arith.constant 3 : i32
    %dma_start3A_112 = arith.constant 3 : i32
    %dma_start3A_113 = arith.constant 3 : i32
    %dma_start3A_114 = arith.constant 0 : i32
    %dma_start3A_115 = arith.constant 0 : i32
    %dma_start3A_116 = tpu.memref_slice %arg7[%dma_start3A_112, %dma_start3A_114, %dma_start3A_115] : memref<4x125x64xf32, #tpu.memory_space<vmem>> -> memref<1x125x64xf32, #tpu.memory_space<vmem>>
    %dma_start3A_117 = tpu.memref_squeeze %dma_start3A_116 : memref<1x125x64xf32, #tpu.memory_space<vmem>> -> memref<125x64xf32, #tpu.memory_space<vmem>>
    %dma_start3A_118 = arith.constant 0 : i32
    %dma_start3A_119 = tpu.memref_slice %arg6[%dma_start3A_111, %dma_start3A_118] : memref<160x125xi32, #tpu.memory_space<vmem>> -> memref<1x125xi32, #tpu.memory_space<vmem>>
    %dma_start3A_120 = tpu.memref_squeeze %dma_start3A_119 : memref<1x125xi32, #tpu.memory_space<vmem>> -> memref<125xi32, #tpu.memory_space<vmem>>
    %dma_start3A_121 = arith.constant 0 : i32
    %dma_start3A_122 = arith.constant 0 : i32
    %dma_start3A_123 = tpu.memref_slice %arg2[%dma_start3A_121, %dma_start3A_122] : memref<20480x64xf32, #tpu.memory_space<hbm>> -> memref<20480x64xf32, #tpu.memory_space<hbm>>
    %dma_start3A_124 = tpu.memref_slice %arg9[%dma_start3A_113] : memref<4x!tpu.dma_semaphore, #tpu.memory_space<semaphore_mem>> -> memref<1x!tpu.dma_semaphore, #tpu.memory_space<semaphore_mem>>
    %dma_start3A_125 = tpu.memref_squeeze %dma_start3A_124 : memref<1x!tpu.dma_semaphore, #tpu.memory_space<semaphore_mem>> -> memref<!tpu.dma_semaphore, #tpu.memory_space<semaphore_mem>>
    tpu.enqueue_indirect_dma source(%dma_start3A_123 : memref<20480x64xf32, #tpu.memory_space<hbm>>) target(%dma_start3A_117 : memref<125x64xf32, #tpu.memory_space<vmem>>) offsets(%dma_start3A_120 : memref<125xi32, #tpu.memory_space<vmem>>) semaphore(%dma_start3A_125 : memref<!tpu.dma_semaphore, #tpu.memory_space<semaphore_mem>>)
    %barrier3A = arith.constant 0 : index
    tpu.barrier barrier_id(%barrier3A)
    %scan3A_126 = arith.constant 0 : i32
    %scan3A_127 = arith.constant 0 : i32
    %scan3A_128 = arith.constant 39 : i32
    %scan3A_129 = arith.addi %scan3A_127, %scan3A_128 : i32
    %scan3A_130 = arith.constant 1 : i32
    %scan3A_131 = scf.for %scan3A_254 = %scan3A_127 to %scan3A_129 step %scan3A_130 iter_args(%scan3A_255 = %scan3A_126) -> (i32)  : i32 {
      %mul3A_256 = arith.constant 4 : i32
      %mul3A_257 = arith.muli %scan3A_254, %mul3A_256 : i32
      %add3A_258 = arith.constant 0 : i32
      %add3A_259 = arith.addi %mul3A_257, %add3A_258 : i32
      %dma_wait3A_260 = arith.constant 0 : i32
      %dma_wait3A_261 = arith.constant 0 : i32
      %dma_wait3A_262 = arith.constant 0 : i32
      %dma_wait3A_263 = arith.constant 0 : i32
      %dma_wait3A_264 = tpu.memref_slice %arg7[%dma_wait3A_260, %dma_wait3A_262, %dma_wait3A_263] : memref<4x125x64xf32, #tpu.memory_space<vmem>> -> memref<1x125x64xf32, #tpu.memory_space<vmem>>
      %dma_wait3A_265 = tpu.memref_squeeze %dma_wait3A_264 : memref<1x125x64xf32, #tpu.memory_space<vmem>> -> memref<125x64xf32, #tpu.memory_space<vmem>>
      %dma_wait3A_266 = arith.constant 0 : i32
      %dma_wait3A_267 = tpu.memref_slice %arg6[%add3A_259, %dma_wait3A_266] : memref<160x125xi32, #tpu.memory_space<vmem>> -> memref<1x125xi32, #tpu.memory_space<vmem>>
      %dma_wait3A_268 = tpu.memref_squeeze %dma_wait3A_267 : memref<1x125xi32, #tpu.memory_space<vmem>> -> memref<125xi32, #tpu.memory_space<vmem>>
      %dma_wait3A_269 = arith.constant 0 : i32
      %dma_wait3A_270 = arith.constant 0 : i32
      %dma_wait3A_271 = tpu.memref_slice %arg2[%dma_wait3A_269, %dma_wait3A_270] : memref<20480x64xf32, #tpu.memory_space<hbm>> -> memref<20480x64xf32, #tpu.memory_space<hbm>>
      %dma_wait3A_272 = tpu.memref_slice %arg9[%dma_wait3A_261] : memref<4x!tpu.dma_semaphore, #tpu.memory_space<semaphore_mem>> -> memref<1x!tpu.dma_semaphore, #tpu.memory_space<semaphore_mem>>
      %dma_wait3A_273 = tpu.memref_squeeze %dma_wait3A_272 : memref<1x!tpu.dma_semaphore, #tpu.memory_space<semaphore_mem>> -> memref<!tpu.dma_semaphore, #tpu.memory_space<semaphore_mem>>
      tpu.wait_indirect_dma semaphore(%dma_wait3A_273 : memref<!tpu.dma_semaphore, #tpu.memory_space<semaphore_mem>>) src(%dma_wait3A_271 : memref<20480x64xf32, #tpu.memory_space<hbm>>) dst(%dma_wait3A_265 : memref<125x64xf32, #tpu.memory_space<vmem>>)
      %mul3A_274 = arith.constant 160 : i32
      %mul3A_275 = arith.muli %arg1, %mul3A_274 : i32
      %add3A_276 = arith.addi %mul3A_275, %add3A_259 : i32
      %dma_wait3A_277 = arith.constant 0 : i32
      %dma_wait3A_278 = arith.constant 0 : i32
      %dma_wait3A_279 = tpu.memref_slice %arg4[%add3A_276, %dma_wait3A_278] : memref<2560x125xi32, #tpu.memory_space<hbm>> -> memref<1x125xi32, #tpu.memory_space<hbm>>
      %dma_wait3A_280 = tpu.memref_squeeze %dma_wait3A_279 : memref<1x125xi32, #tpu.memory_space<hbm>> -> memref<125xi32, #tpu.memory_space<hbm>>
      %dma_wait3A_281 = tpu.memref_slice %arg11[%dma_wait3A_277] : memref<4x!tpu.dma_semaphore, #tpu.memory_space<semaphore_mem>> -> memref<1x!tpu.dma_semaphore, #tpu.memory_space<semaphore_mem>>
      %dma_wait3A_282 = tpu.memref_squeeze %dma_wait3A_281 : memref<1x!tpu.dma_semaphore, #tpu.memory_space<semaphore_mem>> -> memref<!tpu.dma_semaphore, #tpu.memory_space<semaphore_mem>>
      %dma_wait3A_283 = arith.constant 0 : i32
      %dma_wait3A_284 = tpu.memref_slice %arg4[%add3A_276, %dma_wait3A_283] : memref<2560x125xi32, #tpu.memory_space<hbm>> -> memref<1x125xi32, #tpu.memory_space<hbm>>
      %dma_wait3A_285 = tpu.memref_squeeze %dma_wait3A_284 : memref<1x125xi32, #tpu.memory_space<hbm>> -> memref<125xi32, #tpu.memory_space<hbm>>
      tpu.wait_dma2 semaphore(%dma_wait3A_282 : memref<!tpu.dma_semaphore, #tpu.memory_space<semaphore_mem>>) src(%dma_wait3A_285 : memref<125xi32, #tpu.memory_space<hbm>>) dst(%arg12 : memref<125xi32, #tpu.memory_space<vmem>>)
      %dma_start3A_286 = arith.constant 0 : i32
      %dma_start3A_287 = arith.constant 0 : i32
      %dma_start3A_288 = arith.constant 0 : i32
      %dma_start3A_289 = arith.constant 0 : i32
      %dma_start3A_290 = tpu.memref_slice %arg7[%dma_start3A_286, %dma_start3A_288, %dma_start3A_289] : memref<4x125x64xf32, #tpu.memory_space<vmem>> -> memref<1x125x64xf32, #tpu.memory_space<vmem>>
      %dma_start3A_291 = tpu.memref_squeeze %dma_start3A_290 : memref<1x125x64xf32, #tpu.memory_space<vmem>> -> memref<125x64xf32, #tpu.memory_space<vmem>>
      %dma_start3A_292 = arith.constant 0 : i32
      %dma_start3A_293 = arith.constant 0 : i32
      %dma_start3A_294 = tpu.memref_slice %arg8[%dma_start3A_292, %dma_start3A_293] : memref<10240x64xf32, #tpu.memory_space<vmem_shared>> -> memref<10240x64xf32, #tpu.memory_space<vmem_shared>>
      %dma_start3A_295 = tpu.memref_slice %arg10[%dma_start3A_287] : memref<4x!tpu.dma_semaphore, #tpu.memory_space<semaphore_mem>> -> memref<1x!tpu.dma_semaphore, #tpu.memory_space<semaphore_mem>>
      %dma_start3A_296 = tpu.memref_squeeze %dma_start3A_295 : memref<1x!tpu.dma_semaphore, #tpu.memory_space<semaphore_mem>> -> memref<!tpu.dma_semaphore, #tpu.memory_space<semaphore_mem>>
      tpu.enqueue_indirect_dma source(%dma_start3A_291 : memref<125x64xf32, #tpu.memory_space<vmem>>) target(%dma_start3A_294 : memref<10240x64xf32, #tpu.memory_space<vmem_shared>>) offsets(%arg12 : memref<125xi32, #tpu.memory_space<vmem>>) semaphore(%dma_start3A_296 : memref<!tpu.dma_semaphore, #tpu.memory_space<semaphore_mem>>) {add = true}
      %add3A_297 = arith.constant 1 : i32
      %add3A_298 = arith.addi %mul3A_257, %add3A_297 : i32
      %dma_wait3A_299 = arith.constant 1 : i32
      %dma_wait3A_300 = arith.constant 1 : i32
      %dma_wait3A_301 = arith.constant 0 : i32
      %dma_wait3A_302 = arith.constant 0 : i32
      %dma_wait3A_303 = tpu.memref_slice %arg7[%dma_wait3A_299, %dma_wait3A_301, %dma_wait3A_302] : memref<4x125x64xf32, #tpu.memory_space<vmem>> -> memref<1x125x64xf32, #tpu.memory_space<vmem>>
      %dma_wait3A_304 = tpu.memref_squeeze %dma_wait3A_303 : memref<1x125x64xf32, #tpu.memory_space<vmem>> -> memref<125x64xf32, #tpu.memory_space<vmem>>
      %dma_wait3A_305 = arith.constant 0 : i32
      %dma_wait3A_306 = tpu.memref_slice %arg6[%add3A_298, %dma_wait3A_305] : memref<160x125xi32, #tpu.memory_space<vmem>> -> memref<1x125xi32, #tpu.memory_space<vmem>>
      %dma_wait3A_307 = tpu.memref_squeeze %dma_wait3A_306 : memref<1x125xi32, #tpu.memory_space<vmem>> -> memref<125xi32, #tpu.memory_space<vmem>>
      %dma_wait3A_308 = arith.constant 0 : i32
      %dma_wait3A_309 = arith.constant 0 : i32
      %dma_wait3A_310 = tpu.memref_slice %arg2[%dma_wait3A_308, %dma_wait3A_309] : memref<20480x64xf32, #tpu.memory_space<hbm>> -> memref<20480x64xf32, #tpu.memory_space<hbm>>
      %dma_wait3A_311 = tpu.memref_slice %arg9[%dma_wait3A_300] : memref<4x!tpu.dma_semaphore, #tpu.memory_space<semaphore_mem>> -> memref<1x!tpu.dma_semaphore, #tpu.memory_space<semaphore_mem>>
      %dma_wait3A_312 = tpu.memref_squeeze %dma_wait3A_311 : memref<1x!tpu.dma_semaphore, #tpu.memory_space<semaphore_mem>> -> memref<!tpu.dma_semaphore, #tpu.memory_space<semaphore_mem>>
      tpu.wait_indirect_dma semaphore(%dma_wait3A_312 : memref<!tpu.dma_semaphore, #tpu.memory_space<semaphore_mem>>) src(%dma_wait3A_310 : memref<20480x64xf32, #tpu.memory_space<hbm>>) dst(%dma_wait3A_304 : memref<125x64xf32, #tpu.memory_space<vmem>>)
      %mul3A_313 = arith.constant 160 : i32
      %mul3A_314 = arith.muli %arg1, %mul3A_313 : i32
      %add3A_315 = arith.addi %mul3A_314, %add3A_298 : i32
      %dma_wait3A_316 = arith.constant 1 : i32
      %dma_wait3A_317 = arith.constant 0 : i32
      %dma_wait3A_318 = tpu.memref_slice %arg4[%add3A_315, %dma_wait3A_317] : memref<2560x125xi32, #tpu.memory_space<hbm>> -> memref<1x125xi32, #tpu.memory_space<hbm>>
      %dma_wait3A_319 = tpu.memref_squeeze %dma_wait3A_318 : memref<1x125xi32, #tpu.memory_space<hbm>> -> memref<125xi32, #tpu.memory_space<hbm>>
      %dma_wait3A_320 = tpu.memref_slice %arg11[%dma_wait3A_316] : memref<4x!tpu.dma_semaphore, #tpu.memory_space<semaphore_mem>> -> memref<1x!tpu.dma_semaphore, #tpu.memory_space<semaphore_mem>>
      %dma_wait3A_321 = tpu.memref_squeeze %dma_wait3A_320 : memref<1x!tpu.dma_semaphore, #tpu.memory_space<semaphore_mem>> -> memref<!tpu.dma_semaphore, #tpu.memory_space<semaphore_mem>>
      %dma_wait3A_322 = arith.constant 0 : i32
      %dma_wait3A_323 = tpu.memref_slice %arg4[%add3A_315, %dma_wait3A_322] : memref<2560x125xi32, #tpu.memory_space<hbm>> -> memref<1x125xi32, #tpu.memory_space<hbm>>
      %dma_wait3A_324 = tpu.memref_squeeze %dma_wait3A_323 : memref<1x125xi32, #tpu.memory_space<hbm>> -> memref<125xi32, #tpu.memory_space<hbm>>
      tpu.wait_dma2 semaphore(%dma_wait3A_321 : memref<!tpu.dma_semaphore, #tpu.memory_space<semaphore_mem>>) src(%dma_wait3A_324 : memref<125xi32, #tpu.memory_space<hbm>>) dst(%arg13 : memref<125xi32, #tpu.memory_space<vmem>>)
      %dma_start3A_325 = arith.constant 1 : i32
      %dma_start3A_326 = arith.constant 1 : i32
      %dma_start3A_327 = arith.constant 0 : i32
      %dma_start3A_328 = arith.constant 0 : i32
      %dma_start3A_329 = tpu.memref_slice %arg7[%dma_start3A_325, %dma_start3A_327, %dma_start3A_328] : memref<4x125x64xf32, #tpu.memory_space<vmem>> -> memref<1x125x64xf32, #tpu.memory_space<vmem>>
      %dma_start3A_330 = tpu.memref_squeeze %dma_start3A_329 : memref<1x125x64xf32, #tpu.memory_space<vmem>> -> memref<125x64xf32, #tpu.memory_space<vmem>>
      %dma_start3A_331 = arith.constant 0 : i32
      %dma_start3A_332 = arith.constant 0 : i32
      %dma_start3A_333 = tpu.memref_slice %arg8[%dma_start3A_331, %dma_start3A_332] : memref<10240x64xf32, #tpu.memory_space<vmem_shared>> -> memref<10240x64xf32, #tpu.memory_space<vmem_shared>>
      %dma_start3A_334 = tpu.memref_slice %arg10[%dma_start3A_326] : memref<4x!tpu.dma_semaphore, #tpu.memory_space<semaphore_mem>> -> memref<1x!tpu.dma_semaphore, #tpu.memory_space<semaphore_mem>>
      %dma_start3A_335 = tpu.memref_squeeze %dma_start3A_334 : memref<1x!tpu.dma_semaphore, #tpu.memory_space<semaphore_mem>> -> memref<!tpu.dma_semaphore, #tpu.memory_space<semaphore_mem>>
      tpu.enqueue_indirect_dma source(%dma_start3A_330 : memref<125x64xf32, #tpu.memory_space<vmem>>) target(%dma_start3A_333 : memref<10240x64xf32, #tpu.memory_space<vmem_shared>>) offsets(%arg13 : memref<125xi32, #tpu.memory_space<vmem>>) semaphore(%dma_start3A_335 : memref<!tpu.dma_semaphore, #tpu.memory_space<semaphore_mem>>) {add = true}
      %add3A_336 = arith.constant 2 : i32
      %add3A_337 = arith.addi %mul3A_257, %add3A_336 : i32
      %dma_wait3A_338 = arith.constant 2 : i32
      %dma_wait3A_339 = arith.constant 2 : i32
      %dma_wait3A_340 = arith.constant 0 : i32
      %dma_wait3A_341 = arith.constant 0 : i32
      %dma_wait3A_342 = tpu.memref_slice %arg7[%dma_wait3A_338, %dma_wait3A_340, %dma_wait3A_341] : memref<4x125x64xf32, #tpu.memory_space<vmem>> -> memref<1x125x64xf32, #tpu.memory_space<vmem>>
      %dma_wait3A_343 = tpu.memref_squeeze %dma_wait3A_342 : memref<1x125x64xf32, #tpu.memory_space<vmem>> -> memref<125x64xf32, #tpu.memory_space<vmem>>
      %dma_wait3A_344 = arith.constant 0 : i32
      %dma_wait3A_345 = tpu.memref_slice %arg6[%add3A_337, %dma_wait3A_344] : memref<160x125xi32, #tpu.memory_space<vmem>> -> memref<1x125xi32, #tpu.memory_space<vmem>>
      %dma_wait3A_346 = tpu.memref_squeeze %dma_wait3A_345 : memref<1x125xi32, #tpu.memory_space<vmem>> -> memref<125xi32, #tpu.memory_space<vmem>>
      %dma_wait3A_347 = arith.constant 0 : i32
      %dma_wait3A_348 = arith.constant 0 : i32
      %dma_wait3A_349 = tpu.memref_slice %arg2[%dma_wait3A_347, %dma_wait3A_348] : memref<20480x64xf32, #tpu.memory_space<hbm>> -> memref<20480x64xf32, #tpu.memory_space<hbm>>
      %dma_wait3A_350 = tpu.memref_slice %arg9[%dma_wait3A_339] : memref<4x!tpu.dma_semaphore, #tpu.memory_space<semaphore_mem>> -> memref<1x!tpu.dma_semaphore, #tpu.memory_space<semaphore_mem>>
      %dma_wait3A_351 = tpu.memref_squeeze %dma_wait3A_350 : memref<1x!tpu.dma_semaphore, #tpu.memory_space<semaphore_mem>> -> memref<!tpu.dma_semaphore, #tpu.memory_space<semaphore_mem>>
      tpu.wait_indirect_dma semaphore(%dma_wait3A_351 : memref<!tpu.dma_semaphore, #tpu.memory_space<semaphore_mem>>) src(%dma_wait3A_349 : memref<20480x64xf32, #tpu.memory_space<hbm>>) dst(%dma_wait3A_343 : memref<125x64xf32, #tpu.memory_space<vmem>>)
      %mul3A_352 = arith.constant 160 : i32
      %mul3A_353 = arith.muli %arg1, %mul3A_352 : i32
      %add3A_354 = arith.addi %mul3A_353, %add3A_337 : i32
      %dma_wait3A_355 = arith.constant 2 : i32
      %dma_wait3A_356 = arith.constant 0 : i32
      %dma_wait3A_357 = tpu.memref_slice %arg4[%add3A_354, %dma_wait3A_356] : memref<2560x125xi32, #tpu.memory_space<hbm>> -> memref<1x125xi32, #tpu.memory_space<hbm>>
      %dma_wait3A_358 = tpu.memref_squeeze %dma_wait3A_357 : memref<1x125xi32, #tpu.memory_space<hbm>> -> memref<125xi32, #tpu.memory_space<hbm>>
      %dma_wait3A_359 = tpu.memref_slice %arg11[%dma_wait3A_355] : memref<4x!tpu.dma_semaphore, #tpu.memory_space<semaphore_mem>> -> memref<1x!tpu.dma_semaphore, #tpu.memory_space<semaphore_mem>>
      %dma_wait3A_360 = tpu.memref_squeeze %dma_wait3A_359 : memref<1x!tpu.dma_semaphore, #tpu.memory_space<semaphore_mem>> -> memref<!tpu.dma_semaphore, #tpu.memory_space<semaphore_mem>>
      %dma_wait3A_361 = arith.constant 0 : i32
      %dma_wait3A_362 = tpu.memref_slice %arg4[%add3A_354, %dma_wait3A_361] : memref<2560x125xi32, #tpu.memory_space<hbm>> -> memref<1x125xi32, #tpu.memory_space<hbm>>
      %dma_wait3A_363 = tpu.memref_squeeze %dma_wait3A_362 : memref<1x125xi32, #tpu.memory_space<hbm>> -> memref<125xi32, #tpu.memory_space<hbm>>
      tpu.wait_dma2 semaphore(%dma_wait3A_360 : memref<!tpu.dma_semaphore, #tpu.memory_space<semaphore_mem>>) src(%dma_wait3A_363 : memref<125xi32, #tpu.memory_space<hbm>>) dst(%arg14 : memref<125xi32, #tpu.memory_space<vmem>>)
      %dma_start3A_364 = arith.constant 2 : i32
      %dma_start3A_365 = arith.constant 2 : i32
      %dma_start3A_366 = arith.constant 0 : i32
      %dma_start3A_367 = arith.constant 0 : i32
      %dma_start3A_368 = tpu.memref_slice %arg7[%dma_start3A_364, %dma_start3A_366, %dma_start3A_367] : memref<4x125x64xf32, #tpu.memory_space<vmem>> -> memref<1x125x64xf32, #tpu.memory_space<vmem>>
      %dma_start3A_369 = tpu.memref_squeeze %dma_start3A_368 : memref<1x125x64xf32, #tpu.memory_space<vmem>> -> memref<125x64xf32, #tpu.memory_space<vmem>>
      %dma_start3A_370 = arith.constant 0 : i32
      %dma_start3A_371 = arith.constant 0 : i32
      %dma_start3A_372 = tpu.memref_slice %arg8[%dma_start3A_370, %dma_start3A_371] : memref<10240x64xf32, #tpu.memory_space<vmem_shared>> -> memref<10240x64xf32, #tpu.memory_space<vmem_shared>>
      %dma_start3A_373 = tpu.memref_slice %arg10[%dma_start3A_365] : memref<4x!tpu.dma_semaphore, #tpu.memory_space<semaphore_mem>> -> memref<1x!tpu.dma_semaphore, #tpu.memory_space<semaphore_mem>>
      %dma_start3A_374 = tpu.memref_squeeze %dma_start3A_373 : memref<1x!tpu.dma_semaphore, #tpu.memory_space<semaphore_mem>> -> memref<!tpu.dma_semaphore, #tpu.memory_space<semaphore_mem>>
      tpu.enqueue_indirect_dma source(%dma_start3A_369 : memref<125x64xf32, #tpu.memory_space<vmem>>) target(%dma_start3A_372 : memref<10240x64xf32, #tpu.memory_space<vmem_shared>>) offsets(%arg14 : memref<125xi32, #tpu.memory_space<vmem>>) semaphore(%dma_start3A_374 : memref<!tpu.dma_semaphore, #tpu.memory_space<semaphore_mem>>) {add = true}
      %add3A_375 = arith.constant 3 : i32
      %add3A_376 = arith.addi %mul3A_257, %add3A_375 : i32
      %dma_wait3A_377 = arith.constant 3 : i32
      %dma_wait3A_378 = arith.constant 3 : i32
      %dma_wait3A_379 = arith.constant 0 : i32
      %dma_wait3A_380 = arith.constant 0 : i32
      %dma_wait3A_381 = tpu.memref_slice %arg7[%dma_wait3A_377, %dma_wait3A_379, %dma_wait3A_380] : memref<4x125x64xf32, #tpu.memory_space<vmem>> -> memref<1x125x64xf32, #tpu.memory_space<vmem>>
      %dma_wait3A_382 = tpu.memref_squeeze %dma_wait3A_381 : memref<1x125x64xf32, #tpu.memory_space<vmem>> -> memref<125x64xf32, #tpu.memory_space<vmem>>
      %dma_wait3A_383 = arith.constant 0 : i32
      %dma_wait3A_384 = tpu.memref_slice %arg6[%add3A_376, %dma_wait3A_383] : memref<160x125xi32, #tpu.memory_space<vmem>> -> memref<1x125xi32, #tpu.memory_space<vmem>>
      %dma_wait3A_385 = tpu.memref_squeeze %dma_wait3A_384 : memref<1x125xi32, #tpu.memory_space<vmem>> -> memref<125xi32, #tpu.memory_space<vmem>>
      %dma_wait3A_386 = arith.constant 0 : i32
      %dma_wait3A_387 = arith.constant 0 : i32
      %dma_wait3A_388 = tpu.memref_slice %arg2[%dma_wait3A_386, %dma_wait3A_387] : memref<20480x64xf32, #tpu.memory_space<hbm>> -> memref<20480x64xf32, #tpu.memory_space<hbm>>
      %dma_wait3A_389 = tpu.memref_slice %arg9[%dma_wait3A_378] : memref<4x!tpu.dma_semaphore, #tpu.memory_space<semaphore_mem>> -> memref<1x!tpu.dma_semaphore, #tpu.memory_space<semaphore_mem>>
      %dma_wait3A_390 = tpu.memref_squeeze %dma_wait3A_389 : memref<1x!tpu.dma_semaphore, #tpu.memory_space<semaphore_mem>> -> memref<!tpu.dma_semaphore, #tpu.memory_space<semaphore_mem>>
      tpu.wait_indirect_dma semaphore(%dma_wait3A_390 : memref<!tpu.dma_semaphore, #tpu.memory_space<semaphore_mem>>) src(%dma_wait3A_388 : memref<20480x64xf32, #tpu.memory_space<hbm>>) dst(%dma_wait3A_382 : memref<125x64xf32, #tpu.memory_space<vmem>>)
      %mul3A_391 = arith.constant 160 : i32
      %mul3A_392 = arith.muli %arg1, %mul3A_391 : i32
      %add3A_393 = arith.addi %mul3A_392, %add3A_376 : i32
      %dma_wait3A_394 = arith.constant 3 : i32
      %dma_wait3A_395 = arith.constant 0 : i32
      %dma_wait3A_396 = tpu.memref_slice %arg4[%add3A_393, %dma_wait3A_395] : memref<2560x125xi32, #tpu.memory_space<hbm>> -> memref<1x125xi32, #tpu.memory_space<hbm>>
      %dma_wait3A_397 = tpu.memref_squeeze %dma_wait3A_396 : memref<1x125xi32, #tpu.memory_space<hbm>> -> memref<125xi32, #tpu.memory_space<hbm>>
      %dma_wait3A_398 = tpu.memref_slice %arg11[%dma_wait3A_394] : memref<4x!tpu.dma_semaphore, #tpu.memory_space<semaphore_mem>> -> memref<1x!tpu.dma_semaphore, #tpu.memory_space<semaphore_mem>>
      %dma_wait3A_399 = tpu.memref_squeeze %dma_wait3A_398 : memref<1x!tpu.dma_semaphore, #tpu.memory_space<semaphore_mem>> -> memref<!tpu.dma_semaphore, #tpu.memory_space<semaphore_mem>>
      %dma_wait3A_400 = arith.constant 0 : i32
      %dma_wait3A_401 = tpu.memref_slice %arg4[%add3A_393, %dma_wait3A_400] : memref<2560x125xi32, #tpu.memory_space<hbm>> -> memref<1x125xi32, #tpu.memory_space<hbm>>
      %dma_wait3A_402 = tpu.memref_squeeze %dma_wait3A_401 : memref<1x125xi32, #tpu.memory_space<hbm>> -> memref<125xi32, #tpu.memory_space<hbm>>
      tpu.wait_dma2 semaphore(%dma_wait3A_399 : memref<!tpu.dma_semaphore, #tpu.memory_space<semaphore_mem>>) src(%dma_wait3A_402 : memref<125xi32, #tpu.memory_space<hbm>>) dst(%arg15 : memref<125xi32, #tpu.memory_space<vmem>>)
      %dma_start3A_403 = arith.constant 3 : i32
      %dma_start3A_404 = arith.constant 3 : i32
      %dma_start3A_405 = arith.constant 0 : i32
      %dma_start3A_406 = arith.constant 0 : i32
      %dma_start3A_407 = tpu.memref_slice %arg7[%dma_start3A_403, %dma_start3A_405, %dma_start3A_406] : memref<4x125x64xf32, #tpu.memory_space<vmem>> -> memref<1x125x64xf32, #tpu.memory_space<vmem>>
      %dma_start3A_408 = tpu.memref_squeeze %dma_start3A_407 : memref<1x125x64xf32, #tpu.memory_space<vmem>> -> memref<125x64xf32, #tpu.memory_space<vmem>>
      %dma_start3A_409 = arith.constant 0 : i32
      %dma_start3A_410 = arith.constant 0 : i32
      %dma_start3A_411 = tpu.memref_slice %arg8[%dma_start3A_409, %dma_start3A_410] : memref<10240x64xf32, #tpu.memory_space<vmem_shared>> -> memref<10240x64xf32, #tpu.memory_space<vmem_shared>>
      %dma_start3A_412 = tpu.memref_slice %arg10[%dma_start3A_404] : memref<4x!tpu.dma_semaphore, #tpu.memory_space<semaphore_mem>> -> memref<1x!tpu.dma_semaphore, #tpu.memory_space<semaphore_mem>>
      %dma_start3A_413 = tpu.memref_squeeze %dma_start3A_412 : memref<1x!tpu.dma_semaphore, #tpu.memory_space<semaphore_mem>> -> memref<!tpu.dma_semaphore, #tpu.memory_space<semaphore_mem>>
      tpu.enqueue_indirect_dma source(%dma_start3A_408 : memref<125x64xf32, #tpu.memory_space<vmem>>) target(%dma_start3A_411 : memref<10240x64xf32, #tpu.memory_space<vmem_shared>>) offsets(%arg15 : memref<125xi32, #tpu.memory_space<vmem>>) semaphore(%dma_start3A_413 : memref<!tpu.dma_semaphore, #tpu.memory_space<semaphore_mem>>) {add = true}
      %add3A_414 = arith.constant 0 : i32
      %add3A_415 = arith.addi %mul3A_257, %add3A_414 : i32
      %dma_wait3A_416 = arith.constant 0 : i32
      %dma_wait3A_417 = arith.constant 0 : i32
      %dma_wait3A_418 = arith.constant 0 : i32
      %dma_wait3A_419 = arith.constant 0 : i32
      %dma_wait3A_420 = tpu.memref_slice %arg7[%dma_wait3A_416, %dma_wait3A_418, %dma_wait3A_419] : memref<4x125x64xf32, #tpu.memory_space<vmem>> -> memref<1x125x64xf32, #tpu.memory_space<vmem>>
      %dma_wait3A_421 = tpu.memref_squeeze %dma_wait3A_420 : memref<1x125x64xf32, #tpu.memory_space<vmem>> -> memref<125x64xf32, #tpu.memory_space<vmem>>
      %dma_wait3A_422 = arith.constant 0 : i32
      %dma_wait3A_423 = arith.constant 0 : i32
      %dma_wait3A_424 = tpu.memref_slice %arg8[%dma_wait3A_422, %dma_wait3A_423] : memref<10240x64xf32, #tpu.memory_space<vmem_shared>> -> memref<10240x64xf32, #tpu.memory_space<vmem_shared>>
      %dma_wait3A_425 = tpu.memref_slice %arg10[%dma_wait3A_417] : memref<4x!tpu.dma_semaphore, #tpu.memory_space<semaphore_mem>> -> memref<1x!tpu.dma_semaphore, #tpu.memory_space<semaphore_mem>>
      %dma_wait3A_426 = tpu.memref_squeeze %dma_wait3A_425 : memref<1x!tpu.dma_semaphore, #tpu.memory_space<semaphore_mem>> -> memref<!tpu.dma_semaphore, #tpu.memory_space<semaphore_mem>>
      tpu.wait_indirect_dma semaphore(%dma_wait3A_426 : memref<!tpu.dma_semaphore, #tpu.memory_space<semaphore_mem>>) src(%dma_wait3A_421 : memref<125x64xf32, #tpu.memory_space<vmem>>) dst(%dma_wait3A_424 : memref<10240x64xf32, #tpu.memory_space<vmem_shared>>)
      %mul3A_427 = arith.constant 160 : i32
      %mul3A_428 = arith.muli %arg1, %mul3A_427 : i32
      %add3A_429 = arith.addi %mul3A_428, %add3A_415 : i32
      %add3A_430 = arith.constant 4 : i32
      %add3A_431 = arith.addi %add3A_429, %add3A_430 : i32
      %dma_start3A_432 = arith.constant 0 : i32
      %dma_start3A_433 = arith.constant 0 : i32
      %dma_start3A_434 = tpu.memref_slice %arg4[%add3A_431, %dma_start3A_433] : memref<2560x125xi32, #tpu.memory_space<hbm>> -> memref<1x125xi32, #tpu.memory_space<hbm>>
      %dma_start3A_435 = tpu.memref_squeeze %dma_start3A_434 : memref<1x125xi32, #tpu.memory_space<hbm>> -> memref<125xi32, #tpu.memory_space<hbm>>
      %dma_start3A_436 = tpu.memref_slice %arg11[%dma_start3A_432] : memref<4x!tpu.dma_semaphore, #tpu.memory_space<semaphore_mem>> -> memref<1x!tpu.dma_semaphore, #tpu.memory_space<semaphore_mem>>
      %dma_start3A_437 = tpu.memref_squeeze %dma_start3A_436 : memref<1x!tpu.dma_semaphore, #tpu.memory_space<semaphore_mem>> -> memref<!tpu.dma_semaphore, #tpu.memory_space<semaphore_mem>>
      %dma_start3A_438 = arith.constant 0 : i32
      %dma_start3A_439 = tpu.memref_slice %arg4[%add3A_431, %dma_start3A_438] : memref<2560x125xi32, #tpu.memory_space<hbm>> -> memref<1x125xi32, #tpu.memory_space<hbm>>
      %dma_start3A_440 = tpu.memref_squeeze %dma_start3A_439 : memref<1x125xi32, #tpu.memory_space<hbm>> -> memref<125xi32, #tpu.memory_space<hbm>>
      tpu.enqueue_dma source(%dma_start3A_440 : memref<125xi32, #tpu.memory_space<hbm>>) target(%arg12 : memref<125xi32, #tpu.memory_space<vmem>>) target_semaphore(%dma_start3A_437 : memref<!tpu.dma_semaphore, #tpu.memory_space<semaphore_mem>>)
      %add3A_441 = arith.constant 4 : i32
      %add3A_442 = arith.addi %add3A_415, %add3A_441 : i32
      %dma_start3A_443 = arith.constant 0 : i32
      %dma_start3A_444 = arith.constant 0 : i32
      %dma_start3A_445 = arith.constant 0 : i32
      %dma_start3A_446 = arith.constant 0 : i32
      %dma_start3A_447 = tpu.memref_slice %arg7[%dma_start3A_443, %dma_start3A_445, %dma_start3A_446] : memref<4x125x64xf32, #tpu.memory_space<vmem>> -> memref<1x125x64xf32, #tpu.memory_space<vmem>>
      %dma_start3A_448 = tpu.memref_squeeze %dma_start3A_447 : memref<1x125x64xf32, #tpu.memory_space<vmem>> -> memref<125x64xf32, #tpu.memory_space<vmem>>
      %dma_start3A_449 = arith.constant 0 : i32
      %dma_start3A_450 = tpu.memref_slice %arg6[%add3A_442, %dma_start3A_449] : memref<160x125xi32, #tpu.memory_space<vmem>> -> memref<1x125xi32, #tpu.memory_space<vmem>>
      %dma_start3A_451 = tpu.memref_squeeze %dma_start3A_450 : memref<1x125xi32, #tpu.memory_space<vmem>> -> memref<125xi32, #tpu.memory_space<vmem>>
      %dma_start3A_452 = arith.constant 0 : i32
      %dma_start3A_453 = arith.constant 0 : i32
      %dma_start3A_454 = tpu.memref_slice %arg2[%dma_start3A_452, %dma_start3A_453] : memref<20480x64xf32, #tpu.memory_space<hbm>> -> memref<20480x64xf32, #tpu.memory_space<hbm>>
      %dma_start3A_455 = tpu.memref_slice %arg9[%dma_start3A_444] : memref<4x!tpu.dma_semaphore, #tpu.memory_space<semaphore_mem>> -> memref<1x!tpu.dma_semaphore, #tpu.memory_space<semaphore_mem>>
      %dma_start3A_456 = tpu.memref_squeeze %dma_start3A_455 : memref<1x!tpu.dma_semaphore, #tpu.memory_space<semaphore_mem>> -> memref<!tpu.dma_semaphore, #tpu.memory_space<semaphore_mem>>
      tpu.enqueue_indirect_dma source(%dma_start3A_454 : memref<20480x64xf32, #tpu.memory_space<hbm>>) target(%dma_start3A_448 : memref<125x64xf32, #tpu.memory_space<vmem>>) offsets(%dma_start3A_451 : memref<125xi32, #tpu.memory_space<vmem>>) semaphore(%dma_start3A_456 : memref<!tpu.dma_semaphore, #tpu.memory_space<semaphore_mem>>)
      %add3A_457 = arith.constant 1 : i32
      %add3A_458 = arith.addi %mul3A_257, %add3A_457 : i32
      %dma_wait3A_459 = arith.constant 1 : i32
      %dma_wait3A_460 = arith.constant 1 : i32
      %dma_wait3A_461 = arith.constant 0 : i32
      %dma_wait3A_462 = arith.constant 0 : i32
      %dma_wait3A_463 = tpu.memref_slice %arg7[%dma_wait3A_459, %dma_wait3A_461, %dma_wait3A_462] : memref<4x125x64xf32, #tpu.memory_space<vmem>> -> memref<1x125x64xf32, #tpu.memory_space<vmem>>
      %dma_wait3A_464 = tpu.memref_squeeze %dma_wait3A_463 : memref<1x125x64xf32, #tpu.memory_space<vmem>> -> memref<125x64xf32, #tpu.memory_space<vmem>>
      %dma_wait3A_465 = arith.constant 0 : i32
      %dma_wait3A_466 = arith.constant 0 : i32
      %dma_wait3A_467 = tpu.memref_slice %arg8[%dma_wait3A_465, %dma_wait3A_466] : memref<10240x64xf32, #tpu.memory_space<vmem_shared>> -> memref<10240x64xf32, #tpu.memory_space<vmem_shared>>
      %dma_wait3A_468 = tpu.memref_slice %arg10[%dma_wait3A_460] : memref<4x!tpu.dma_semaphore, #tpu.memory_space<semaphore_mem>> -> memref<1x!tpu.dma_semaphore, #tpu.memory_space<semaphore_mem>>
      %dma_wait3A_469 = tpu.memref_squeeze %dma_wait3A_468 : memref<1x!tpu.dma_semaphore, #tpu.memory_space<semaphore_mem>> -> memref<!tpu.dma_semaphore, #tpu.memory_space<semaphore_mem>>
      tpu.wait_indirect_dma semaphore(%dma_wait3A_469 : memref<!tpu.dma_semaphore, #tpu.memory_space<semaphore_mem>>) src(%dma_wait3A_464 : memref<125x64xf32, #tpu.memory_space<vmem>>) dst(%dma_wait3A_467 : memref<10240x64xf32, #tpu.memory_space<vmem_shared>>)
      %mul3A_470 = arith.constant 160 : i32
      %mul3A_471 = arith.muli %arg1, %mul3A_470 : i32
      %add3A_472 = arith.addi %mul3A_471, %add3A_458 : i32
      %add3A_473 = arith.constant 4 : i32
      %add3A_474 = arith.addi %add3A_472, %add3A_473 : i32
      %dma_start3A_475 = arith.constant 1 : i32
      %dma_start3A_476 = arith.constant 0 : i32
      %dma_start3A_477 = tpu.memref_slice %arg4[%add3A_474, %dma_start3A_476] : memref<2560x125xi32, #tpu.memory_space<hbm>> -> memref<1x125xi32, #tpu.memory_space<hbm>>
      %dma_start3A_478 = tpu.memref_squeeze %dma_start3A_477 : memref<1x125xi32, #tpu.memory_space<hbm>> -> memref<125xi32, #tpu.memory_space<hbm>>
      %dma_start3A_479 = tpu.memref_slice %arg11[%dma_start3A_475] : memref<4x!tpu.dma_semaphore, #tpu.memory_space<semaphore_mem>> -> memref<1x!tpu.dma_semaphore, #tpu.memory_space<semaphore_mem>>
      %dma_start3A_480 = tpu.memref_squeeze %dma_start3A_479 : memref<1x!tpu.dma_semaphore, #tpu.memory_space<semaphore_mem>> -> memref<!tpu.dma_semaphore, #tpu.memory_space<semaphore_mem>>
      %dma_start3A_481 = arith.constant 0 : i32
      %dma_start3A_482 = tpu.memref_slice %arg4[%add3A_474, %dma_start3A_481] : memref<2560x125xi32, #tpu.memory_space<hbm>> -> memref<1x125xi32, #tpu.memory_space<hbm>>
      %dma_start3A_483 = tpu.memref_squeeze %dma_start3A_482 : memref<1x125xi32, #tpu.memory_space<hbm>> -> memref<125xi32, #tpu.memory_space<hbm>>
      tpu.enqueue_dma source(%dma_start3A_483 : memref<125xi32, #tpu.memory_space<hbm>>) target(%arg13 : memref<125xi32, #tpu.memory_space<vmem>>) target_semaphore(%dma_start3A_480 : memref<!tpu.dma_semaphore, #tpu.memory_space<semaphore_mem>>)
      %add3A_484 = arith.constant 4 : i32
      %add3A_485 = arith.addi %add3A_458, %add3A_484 : i32
      %dma_start3A_486 = arith.constant 1 : i32
      %dma_start3A_487 = arith.constant 1 : i32
      %dma_start3A_488 = arith.constant 0 : i32
      %dma_start3A_489 = arith.constant 0 : i32
      %dma_start3A_490 = tpu.memref_slice %arg7[%dma_start3A_486, %dma_start3A_488, %dma_start3A_489] : memref<4x125x64xf32, #tpu.memory_space<vmem>> -> memref<1x125x64xf32, #tpu.memory_space<vmem>>
      %dma_start3A_491 = tpu.memref_squeeze %dma_start3A_490 : memref<1x125x64xf32, #tpu.memory_space<vmem>> -> memref<125x64xf32, #tpu.memory_space<vmem>>
      %dma_start3A_492 = arith.constant 0 : i32
      %dma_start3A_493 = tpu.memref_slice %arg6[%add3A_485, %dma_start3A_492] : memref<160x125xi32, #tpu.memory_space<vmem>> -> memref<1x125xi32, #tpu.memory_space<vmem>>
      %dma_start3A_494 = tpu.memref_squeeze %dma_start3A_493 : memref<1x125xi32, #tpu.memory_space<vmem>> -> memref<125xi32, #tpu.memory_space<vmem>>
      %dma_start3A_495 = arith.constant 0 : i32
      %dma_start3A_496 = arith.constant 0 : i32
      %dma_start3A_497 = tpu.memref_slice %arg2[%dma_start3A_495, %dma_start3A_496] : memref<20480x64xf32, #tpu.memory_space<hbm>> -> memref<20480x64xf32, #tpu.memory_space<hbm>>
      %dma_start3A_498 = tpu.memref_slice %arg9[%dma_start3A_487] : memref<4x!tpu.dma_semaphore, #tpu.memory_space<semaphore_mem>> -> memref<1x!tpu.dma_semaphore, #tpu.memory_space<semaphore_mem>>
      %dma_start3A_499 = tpu.memref_squeeze %dma_start3A_498 : memref<1x!tpu.dma_semaphore, #tpu.memory_space<semaphore_mem>> -> memref<!tpu.dma_semaphore, #tpu.memory_space<semaphore_mem>>
      tpu.enqueue_indirect_dma source(%dma_start3A_497 : memref<20480x64xf32, #tpu.memory_space<hbm>>) target(%dma_start3A_491 : memref<125x64xf32, #tpu.memory_space<vmem>>) offsets(%dma_start3A_494 : memref<125xi32, #tpu.memory_space<vmem>>) semaphore(%dma_start3A_499 : memref<!tpu.dma_semaphore, #tpu.memory_space<semaphore_mem>>)
      %add3A_500 = arith.constant 2 : i32
      %add3A_501 = arith.addi %mul3A_257, %add3A_500 : i32
      %dma_wait3A_502 = arith.constant 2 : i32
      %dma_wait3A_503 = arith.constant 2 : i32
      %dma_wait3A_504 = arith.constant 0 : i32
      %dma_wait3A_505 = arith.constant 0 : i32
      %dma_wait3A_506 = tpu.memref_slice %arg7[%dma_wait3A_502, %dma_wait3A_504, %dma_wait3A_505] : memref<4x125x64xf32, #tpu.memory_space<vmem>> -> memref<1x125x64xf32, #tpu.memory_space<vmem>>
      %dma_wait3A_507 = tpu.memref_squeeze %dma_wait3A_506 : memref<1x125x64xf32, #tpu.memory_space<vmem>> -> memref<125x64xf32, #tpu.memory_space<vmem>>
      %dma_wait3A_508 = arith.constant 0 : i32
      %dma_wait3A_509 = arith.constant 0 : i32
      %dma_wait3A_510 = tpu.memref_slice %arg8[%dma_wait3A_508, %dma_wait3A_509] : memref<10240x64xf32, #tpu.memory_space<vmem_shared>> -> memref<10240x64xf32, #tpu.memory_space<vmem_shared>>
      %dma_wait3A_511 = tpu.memref_slice %arg10[%dma_wait3A_503] : memref<4x!tpu.dma_semaphore, #tpu.memory_space<semaphore_mem>> -> memref<1x!tpu.dma_semaphore, #tpu.memory_space<semaphore_mem>>
      %dma_wait3A_512 = tpu.memref_squeeze %dma_wait3A_511 : memref<1x!tpu.dma_semaphore, #tpu.memory_space<semaphore_mem>> -> memref<!tpu.dma_semaphore, #tpu.memory_space<semaphore_mem>>
      tpu.wait_indirect_dma semaphore(%dma_wait3A_512 : memref<!tpu.dma_semaphore, #tpu.memory_space<semaphore_mem>>) src(%dma_wait3A_507 : memref<125x64xf32, #tpu.memory_space<vmem>>) dst(%dma_wait3A_510 : memref<10240x64xf32, #tpu.memory_space<vmem_shared>>)
      %mul3A_513 = arith.constant 160 : i32
      %mul3A_514 = arith.muli %arg1, %mul3A_513 : i32
      %add3A_515 = arith.addi %mul3A_514, %add3A_501 : i32
      %add3A_516 = arith.constant 4 : i32
      %add3A_517 = arith.addi %add3A_515, %add3A_516 : i32
      %dma_start3A_518 = arith.constant 2 : i32
      %dma_start3A_519 = arith.constant 0 : i32
      %dma_start3A_520 = tpu.memref_slice %arg4[%add3A_517, %dma_start3A_519] : memref<2560x125xi32, #tpu.memory_space<hbm>> -> memref<1x125xi32, #tpu.memory_space<hbm>>
      %dma_start3A_521 = tpu.memref_squeeze %dma_start3A_520 : memref<1x125xi32, #tpu.memory_space<hbm>> -> memref<125xi32, #tpu.memory_space<hbm>>
      %dma_start3A_522 = tpu.memref_slice %arg11[%dma_start3A_518] : memref<4x!tpu.dma_semaphore, #tpu.memory_space<semaphore_mem>> -> memref<1x!tpu.dma_semaphore, #tpu.memory_space<semaphore_mem>>
      %dma_start3A_523 = tpu.memref_squeeze %dma_start3A_522 : memref<1x!tpu.dma_semaphore, #tpu.memory_space<semaphore_mem>> -> memref<!tpu.dma_semaphore, #tpu.memory_space<semaphore_mem>>
      %dma_start3A_524 = arith.constant 0 : i32
      %dma_start3A_525 = tpu.memref_slice %arg4[%add3A_517, %dma_start3A_524] : memref<2560x125xi32, #tpu.memory_space<hbm>> -> memref<1x125xi32, #tpu.memory_space<hbm>>
      %dma_start3A_526 = tpu.memref_squeeze %dma_start3A_525 : memref<1x125xi32, #tpu.memory_space<hbm>> -> memref<125xi32, #tpu.memory_space<hbm>>
      tpu.enqueue_dma source(%dma_start3A_526 : memref<125xi32, #tpu.memory_space<hbm>>) target(%arg14 : memref<125xi32, #tpu.memory_space<vmem>>) target_semaphore(%dma_start3A_523 : memref<!tpu.dma_semaphore, #tpu.memory_space<semaphore_mem>>)
      %add3A_527 = arith.constant 4 : i32
      %add3A_528 = arith.addi %add3A_501, %add3A_527 : i32
      %dma_start3A_529 = arith.constant 2 : i32
      %dma_start3A_530 = arith.constant 2 : i32
      %dma_start3A_531 = arith.constant 0 : i32
      %dma_start3A_532 = arith.constant 0 : i32
      %dma_start3A_533 = tpu.memref_slice %arg7[%dma_start3A_529, %dma_start3A_531, %dma_start3A_532] : memref<4x125x64xf32, #tpu.memory_space<vmem>> -> memref<1x125x64xf32, #tpu.memory_space<vmem>>
      %dma_start3A_534 = tpu.memref_squeeze %dma_start3A_533 : memref<1x125x64xf32, #tpu.memory_space<vmem>> -> memref<125x64xf32, #tpu.memory_space<vmem>>
      %dma_start3A_535 = arith.constant 0 : i32
      %dma_start3A_536 = tpu.memref_slice %arg6[%add3A_528, %dma_start3A_535] : memref<160x125xi32, #tpu.memory_space<vmem>> -> memref<1x125xi32, #tpu.memory_space<vmem>>
      %dma_start3A_537 = tpu.memref_squeeze %dma_start3A_536 : memref<1x125xi32, #tpu.memory_space<vmem>> -> memref<125xi32, #tpu.memory_space<vmem>>
      %dma_start3A_538 = arith.constant 0 : i32
      %dma_start3A_539 = arith.constant 0 : i32
      %dma_start3A_540 = tpu.memref_slice %arg2[%dma_start3A_538, %dma_start3A_539] : memref<20480x64xf32, #tpu.memory_space<hbm>> -> memref<20480x64xf32, #tpu.memory_space<hbm>>
      %dma_start3A_541 = tpu.memref_slice %arg9[%dma_start3A_530] : memref<4x!tpu.dma_semaphore, #tpu.memory_space<semaphore_mem>> -> memref<1x!tpu.dma_semaphore, #tpu.memory_space<semaphore_mem>>
      %dma_start3A_542 = tpu.memref_squeeze %dma_start3A_541 : memref<1x!tpu.dma_semaphore, #tpu.memory_space<semaphore_mem>> -> memref<!tpu.dma_semaphore, #tpu.memory_space<semaphore_mem>>
      tpu.enqueue_indirect_dma source(%dma_start3A_540 : memref<20480x64xf32, #tpu.memory_space<hbm>>) target(%dma_start3A_534 : memref<125x64xf32, #tpu.memory_space<vmem>>) offsets(%dma_start3A_537 : memref<125xi32, #tpu.memory_space<vmem>>) semaphore(%dma_start3A_542 : memref<!tpu.dma_semaphore, #tpu.memory_space<semaphore_mem>>)
      %add3A_543 = arith.constant 3 : i32
      %add3A_544 = arith.addi %mul3A_257, %add3A_543 : i32
      %dma_wait3A_545 = arith.constant 3 : i32
      %dma_wait3A_546 = arith.constant 3 : i32
      %dma_wait3A_547 = arith.constant 0 : i32
      %dma_wait3A_548 = arith.constant 0 : i32
      %dma_wait3A_549 = tpu.memref_slice %arg7[%dma_wait3A_545, %dma_wait3A_547, %dma_wait3A_548] : memref<4x125x64xf32, #tpu.memory_space<vmem>> -> memref<1x125x64xf32, #tpu.memory_space<vmem>>
      %dma_wait3A_550 = tpu.memref_squeeze %dma_wait3A_549 : memref<1x125x64xf32, #tpu.memory_space<vmem>> -> memref<125x64xf32, #tpu.memory_space<vmem>>
      %dma_wait3A_551 = arith.constant 0 : i32
      %dma_wait3A_552 = arith.constant 0 : i32
      %dma_wait3A_553 = tpu.memref_slice %arg8[%dma_wait3A_551, %dma_wait3A_552] : memref<10240x64xf32, #tpu.memory_space<vmem_shared>> -> memref<10240x64xf32, #tpu.memory_space<vmem_shared>>
      %dma_wait3A_554 = tpu.memref_slice %arg10[%dma_wait3A_546] : memref<4x!tpu.dma_semaphore, #tpu.memory_space<semaphore_mem>> -> memref<1x!tpu.dma_semaphore, #tpu.memory_space<semaphore_mem>>
      %dma_wait3A_555 = tpu.memref_squeeze %dma_wait3A_554 : memref<1x!tpu.dma_semaphore, #tpu.memory_space<semaphore_mem>> -> memref<!tpu.dma_semaphore, #tpu.memory_space<semaphore_mem>>
      tpu.wait_indirect_dma semaphore(%dma_wait3A_555 : memref<!tpu.dma_semaphore, #tpu.memory_space<semaphore_mem>>) src(%dma_wait3A_550 : memref<125x64xf32, #tpu.memory_space<vmem>>) dst(%dma_wait3A_553 : memref<10240x64xf32, #tpu.memory_space<vmem_shared>>)
      %mul3A_556 = arith.constant 160 : i32
      %mul3A_557 = arith.muli %arg1, %mul3A_556 : i32
      %add3A_558 = arith.addi %mul3A_557, %add3A_544 : i32
      %add3A_559 = arith.constant 4 : i32
      %add3A_560 = arith.addi %add3A_558, %add3A_559 : i32
      %dma_start3A_561 = arith.constant 3 : i32
      %dma_start3A_562 = arith.constant 0 : i32
      %dma_start3A_563 = tpu.memref_slice %arg4[%add3A_560, %dma_start3A_562] : memref<2560x125xi32, #tpu.memory_space<hbm>> -> memref<1x125xi32, #tpu.memory_space<hbm>>
      %dma_start3A_564 = tpu.memref_squeeze %dma_start3A_563 : memref<1x125xi32, #tpu.memory_space<hbm>> -> memref<125xi32, #tpu.memory_space<hbm>>
      %dma_start3A_565 = tpu.memref_slice %arg11[%dma_start3A_561] : memref<4x!tpu.dma_semaphore, #tpu.memory_space<semaphore_mem>> -> memref<1x!tpu.dma_semaphore, #tpu.memory_space<semaphore_mem>>
      %dma_start3A_566 = tpu.memref_squeeze %dma_start3A_565 : memref<1x!tpu.dma_semaphore, #tpu.memory_space<semaphore_mem>> -> memref<!tpu.dma_semaphore, #tpu.memory_space<semaphore_mem>>
      %dma_start3A_567 = arith.constant 0 : i32
      %dma_start3A_568 = tpu.memref_slice %arg4[%add3A_560, %dma_start3A_567] : memref<2560x125xi32, #tpu.memory_space<hbm>> -> memref<1x125xi32, #tpu.memory_space<hbm>>
      %dma_start3A_569 = tpu.memref_squeeze %dma_start3A_568 : memref<1x125xi32, #tpu.memory_space<hbm>> -> memref<125xi32, #tpu.memory_space<hbm>>
      tpu.enqueue_dma source(%dma_start3A_569 : memref<125xi32, #tpu.memory_space<hbm>>) target(%arg15 : memref<125xi32, #tpu.memory_space<vmem>>) target_semaphore(%dma_start3A_566 : memref<!tpu.dma_semaphore, #tpu.memory_space<semaphore_mem>>)
      %add3A_570 = arith.constant 4 : i32
      %add3A_571 = arith.addi %add3A_544, %add3A_570 : i32
      %dma_start3A_572 = arith.constant 3 : i32
      %dma_start3A_573 = arith.constant 3 : i32
      %dma_start3A_574 = arith.constant 0 : i32
      %dma_start3A_575 = arith.constant 0 : i32
      %dma_start3A_576 = tpu.memref_slice %arg7[%dma_start3A_572, %dma_start3A_574, %dma_start3A_575] : memref<4x125x64xf32, #tpu.memory_space<vmem>> -> memref<1x125x64xf32, #tpu.memory_space<vmem>>
      %dma_start3A_577 = tpu.memref_squeeze %dma_start3A_576 : memref<1x125x64xf32, #tpu.memory_space<vmem>> -> memref<125x64xf32, #tpu.memory_space<vmem>>
      %dma_start3A_578 = arith.constant 0 : i32
      %dma_start3A_579 = tpu.memref_slice %arg6[%add3A_571, %dma_start3A_578] : memref<160x125xi32, #tpu.memory_space<vmem>> -> memref<1x125xi32, #tpu.memory_space<vmem>>
      %dma_start3A_580 = tpu.memref_squeeze %dma_start3A_579 : memref<1x125xi32, #tpu.memory_space<vmem>> -> memref<125xi32, #tpu.memory_space<vmem>>
      %dma_start3A_581 = arith.constant 0 : i32
      %dma_start3A_582 = arith.constant 0 : i32
      %dma_start3A_583 = tpu.memref_slice %arg2[%dma_start3A_581, %dma_start3A_582] : memref<20480x64xf32, #tpu.memory_space<hbm>> -> memref<20480x64xf32, #tpu.memory_space<hbm>>
      %dma_start3A_584 = tpu.memref_slice %arg9[%dma_start3A_573] : memref<4x!tpu.dma_semaphore, #tpu.memory_space<semaphore_mem>> -> memref<1x!tpu.dma_semaphore, #tpu.memory_space<semaphore_mem>>
      %dma_start3A_585 = tpu.memref_squeeze %dma_start3A_584 : memref<1x!tpu.dma_semaphore, #tpu.memory_space<semaphore_mem>> -> memref<!tpu.dma_semaphore, #tpu.memory_space<semaphore_mem>>
      tpu.enqueue_indirect_dma source(%dma_start3A_583 : memref<20480x64xf32, #tpu.memory_space<hbm>>) target(%dma_start3A_577 : memref<125x64xf32, #tpu.memory_space<vmem>>) offsets(%dma_start3A_580 : memref<125xi32, #tpu.memory_space<vmem>>) semaphore(%dma_start3A_585 : memref<!tpu.dma_semaphore, #tpu.memory_space<semaphore_mem>>)
      %scan3A_586 = arith.constant 0 : i32
      scf.yield %scan3A_586 : i32
    }
    %scan3A_132 = arith.constant 39 : i32
    %dma_wait3A = arith.constant 156 : i32
    %dma_wait3A_133 = arith.constant 0 : i32
    %dma_wait3A_134 = arith.constant 0 : i32
    %dma_wait3A_135 = arith.constant 0 : i32
    %dma_wait3A_136 = arith.constant 0 : i32
    %dma_wait3A_137 = tpu.memref_slice %arg7[%dma_wait3A_133, %dma_wait3A_135, %dma_wait3A_136] : memref<4x125x64xf32, #tpu.memory_space<vmem>> -> memref<1x125x64xf32, #tpu.memory_space<vmem>>
    %dma_wait3A_138 = tpu.memref_squeeze %dma_wait3A_137 : memref<1x125x64xf32, #tpu.memory_space<vmem>> -> memref<125x64xf32, #tpu.memory_space<vmem>>
    %dma_wait3A_139 = arith.constant 0 : i32
    %dma_wait3A_140 = tpu.memref_slice %arg6[%dma_wait3A, %dma_wait3A_139] : memref<160x125xi32, #tpu.memory_space<vmem>> -> memref<1x125xi32, #tpu.memory_space<vmem>>
    %dma_wait3A_141 = tpu.memref_squeeze %dma_wait3A_140 : memref<1x125xi32, #tpu.memory_space<vmem>> -> memref<125xi32, #tpu.memory_space<vmem>>
    %dma_wait3A_142 = arith.constant 0 : i32
    %dma_wait3A_143 = arith.constant 0 : i32
    %dma_wait3A_144 = tpu.memref_slice %arg2[%dma_wait3A_142, %dma_wait3A_143] : memref<20480x64xf32, #tpu.memory_space<hbm>> -> memref<20480x64xf32, #tpu.memory_space<hbm>>
    %dma_wait3A_145 = tpu.memref_slice %arg9[%dma_wait3A_134] : memref<4x!tpu.dma_semaphore, #tpu.memory_space<semaphore_mem>> -> memref<1x!tpu.dma_semaphore, #tpu.memory_space<semaphore_mem>>
    %dma_wait3A_146 = tpu.memref_squeeze %dma_wait3A_145 : memref<1x!tpu.dma_semaphore, #tpu.memory_space<semaphore_mem>> -> memref<!tpu.dma_semaphore, #tpu.memory_space<semaphore_mem>>
    tpu.wait_indirect_dma semaphore(%dma_wait3A_146 : memref<!tpu.dma_semaphore, #tpu.memory_space<semaphore_mem>>) src(%dma_wait3A_144 : memref<20480x64xf32, #tpu.memory_space<hbm>>) dst(%dma_wait3A_138 : memref<125x64xf32, #tpu.memory_space<vmem>>)
    %mul3A_147 = arith.constant 160 : i32
    %mul3A_148 = arith.muli %arg1, %mul3A_147 : i32
    %add3A_149 = arith.constant 156 : i32
    %add3A_150 = arith.addi %mul3A_148, %add3A_149 : i32
    %dma_wait3A_151 = arith.constant 0 : i32
    %dma_wait3A_152 = arith.constant 0 : i32
    %dma_wait3A_153 = tpu.memref_slice %arg4[%add3A_150, %dma_wait3A_152] : memref<2560x125xi32, #tpu.memory_space<hbm>> -> memref<1x125xi32, #tpu.memory_space<hbm>>
    %dma_wait3A_154 = tpu.memref_squeeze %dma_wait3A_153 : memref<1x125xi32, #tpu.memory_space<hbm>> -> memref<125xi32, #tpu.memory_space<hbm>>
    %dma_wait3A_155 = tpu.memref_slice %arg11[%dma_wait3A_151] : memref<4x!tpu.dma_semaphore, #tpu.memory_space<semaphore_mem>> -> memref<1x!tpu.dma_semaphore, #tpu.memory_space<semaphore_mem>>
    %dma_wait3A_156 = tpu.memref_squeeze %dma_wait3A_155 : memref<1x!tpu.dma_semaphore, #tpu.memory_space<semaphore_mem>> -> memref<!tpu.dma_semaphore, #tpu.memory_space<semaphore_mem>>
    %dma_wait3A_157 = arith.constant 0 : i32
    %dma_wait3A_158 = tpu.memref_slice %arg4[%add3A_150, %dma_wait3A_157] : memref<2560x125xi32, #tpu.memory_space<hbm>> -> memref<1x125xi32, #tpu.memory_space<hbm>>
    %dma_wait3A_159 = tpu.memref_squeeze %dma_wait3A_158 : memref<1x125xi32, #tpu.memory_space<hbm>> -> memref<125xi32, #tpu.memory_space<hbm>>
    tpu.wait_dma2 semaphore(%dma_wait3A_156 : memref<!tpu.dma_semaphore, #tpu.memory_space<semaphore_mem>>) src(%dma_wait3A_159 : memref<125xi32, #tpu.memory_space<hbm>>) dst(%arg12 : memref<125xi32, #tpu.memory_space<vmem>>)
    %run_scoped3A = arith.constant 0 : i32
    "tpu.region"() ({
      %run_scoped3A_254 = tpu.sem_alloc : memref<!tpu.dma_semaphore, #tpu.memory_space<semaphore_mem>>
      %dma_start3A_255 = arith.constant 0 : i32
      %dma_start3A_256 = arith.constant 0 : i32
      %dma_start3A_257 = tpu.memref_slice %arg7[%run_scoped3A, %dma_start3A_255, %dma_start3A_256] : memref<4x125x64xf32, #tpu.memory_space<vmem>> -> memref<1x125x64xf32, #tpu.memory_space<vmem>>
      %dma_start3A_258 = tpu.memref_squeeze %dma_start3A_257 : memref<1x125x64xf32, #tpu.memory_space<vmem>> -> memref<125x64xf32, #tpu.memory_space<vmem>>
      %dma_start3A_259 = arith.constant 0 : i32
      %dma_start3A_260 = arith.constant 0 : i32
      %dma_start3A_261 = tpu.memref_slice %arg8[%dma_start3A_259, %dma_start3A_260] : memref<10240x64xf32, #tpu.memory_space<vmem_shared>> -> memref<10240x64xf32, #tpu.memory_space<vmem_shared>>
      tpu.enqueue_indirect_dma source(%dma_start3A_258 : memref<125x64xf32, #tpu.memory_space<vmem>>) target(%dma_start3A_261 : memref<10240x64xf32, #tpu.memory_space<vmem_shared>>) offsets(%arg12 : memref<125xi32, #tpu.memory_space<vmem>>) semaphore(%run_scoped3A_254 : memref<!tpu.dma_semaphore, #tpu.memory_space<semaphore_mem>>) {add = true}
      %dma_wait3A_262 = arith.constant 0 : i32
      %dma_wait3A_263 = arith.constant 0 : i32
      %dma_wait3A_264 = tpu.memref_slice %arg7[%run_scoped3A, %dma_wait3A_262, %dma_wait3A_263] : memref<4x125x64xf32, #tpu.memory_space<vmem>> -> memref<1x125x64xf32, #tpu.memory_space<vmem>>
      %dma_wait3A_265 = tpu.memref_squeeze %dma_wait3A_264 : memref<1x125x64xf32, #tpu.memory_space<vmem>> -> memref<125x64xf32, #tpu.memory_space<vmem>>
      %dma_wait3A_266 = arith.constant 0 : i32
      %dma_wait3A_267 = arith.constant 0 : i32
      %dma_wait3A_268 = tpu.memref_slice %arg8[%dma_wait3A_266, %dma_wait3A_267] : memref<10240x64xf32, #tpu.memory_space<vmem_shared>> -> memref<10240x64xf32, #tpu.memory_space<vmem_shared>>
      tpu.wait_indirect_dma semaphore(%run_scoped3A_254 : memref<!tpu.dma_semaphore, #tpu.memory_space<semaphore_mem>>) src(%dma_wait3A_265 : memref<125x64xf32, #tpu.memory_space<vmem>>) dst(%dma_wait3A_268 : memref<10240x64xf32, #tpu.memory_space<vmem_shared>>)
      tpu.yield
    }) : () -> ()
    %dma_wait3A_160 = arith.constant 157 : i32
    %dma_wait3A_161 = arith.constant 1 : i32
    %dma_wait3A_162 = arith.constant 1 : i32
    %dma_wait3A_163 = arith.constant 0 : i32
    %dma_wait3A_164 = arith.constant 0 : i32
    %dma_wait3A_165 = tpu.memref_slice %arg7[%dma_wait3A_161, %dma_wait3A_163, %dma_wait3A_164] : memref<4x125x64xf32, #tpu.memory_space<vmem>> -> memref<1x125x64xf32, #tpu.memory_space<vmem>>
    %dma_wait3A_166 = tpu.memref_squeeze %dma_wait3A_165 : memref<1x125x64xf32, #tpu.memory_space<vmem>> -> memref<125x64xf32, #tpu.memory_space<vmem>>
    %dma_wait3A_167 = arith.constant 0 : i32
    %dma_wait3A_168 = tpu.memref_slice %arg6[%dma_wait3A_160, %dma_wait3A_167] : memref<160x125xi32, #tpu.memory_space<vmem>> -> memref<1x125xi32, #tpu.memory_space<vmem>>
    %dma_wait3A_169 = tpu.memref_squeeze %dma_wait3A_168 : memref<1x125xi32, #tpu.memory_space<vmem>> -> memref<125xi32, #tpu.memory_space<vmem>>
    %dma_wait3A_170 = arith.constant 0 : i32
    %dma_wait3A_171 = arith.constant 0 : i32
    %dma_wait3A_172 = tpu.memref_slice %arg2[%dma_wait3A_170, %dma_wait3A_171] : memref<20480x64xf32, #tpu.memory_space<hbm>> -> memref<20480x64xf32, #tpu.memory_space<hbm>>
    %dma_wait3A_173 = tpu.memref_slice %arg9[%dma_wait3A_162] : memref<4x!tpu.dma_semaphore, #tpu.memory_space<semaphore_mem>> -> memref<1x!tpu.dma_semaphore, #tpu.memory_space<semaphore_mem>>
    %dma_wait3A_174 = tpu.memref_squeeze %dma_wait3A_173 : memref<1x!tpu.dma_semaphore, #tpu.memory_space<semaphore_mem>> -> memref<!tpu.dma_semaphore, #tpu.memory_space<semaphore_mem>>
    tpu.wait_indirect_dma semaphore(%dma_wait3A_174 : memref<!tpu.dma_semaphore, #tpu.memory_space<semaphore_mem>>) src(%dma_wait3A_172 : memref<20480x64xf32, #tpu.memory_space<hbm>>) dst(%dma_wait3A_166 : memref<125x64xf32, #tpu.memory_space<vmem>>)
    %mul3A_175 = arith.constant 160 : i32
    %mul3A_176 = arith.muli %arg1, %mul3A_175 : i32
    %add3A_177 = arith.constant 157 : i32
    %add3A_178 = arith.addi %mul3A_176, %add3A_177 : i32
    %dma_wait3A_179 = arith.constant 1 : i32
    %dma_wait3A_180 = arith.constant 0 : i32
    %dma_wait3A_181 = tpu.memref_slice %arg4[%add3A_178, %dma_wait3A_180] : memref<2560x125xi32, #tpu.memory_space<hbm>> -> memref<1x125xi32, #tpu.memory_space<hbm>>
    %dma_wait3A_182 = tpu.memref_squeeze %dma_wait3A_181 : memref<1x125xi32, #tpu.memory_space<hbm>> -> memref<125xi32, #tpu.memory_space<hbm>>
    %dma_wait3A_183 = tpu.memref_slice %arg11[%dma_wait3A_179] : memref<4x!tpu.dma_semaphore, #tpu.memory_space<semaphore_mem>> -> memref<1x!tpu.dma_semaphore, #tpu.memory_space<semaphore_mem>>
    %dma_wait3A_184 = tpu.memref_squeeze %dma_wait3A_183 : memref<1x!tpu.dma_semaphore, #tpu.memory_space<semaphore_mem>> -> memref<!tpu.dma_semaphore, #tpu.memory_space<semaphore_mem>>
    %dma_wait3A_185 = arith.constant 0 : i32
    %dma_wait3A_186 = tpu.memref_slice %arg4[%add3A_178, %dma_wait3A_185] : memref<2560x125xi32, #tpu.memory_space<hbm>> -> memref<1x125xi32, #tpu.memory_space<hbm>>
    %dma_wait3A_187 = tpu.memref_squeeze %dma_wait3A_186 : memref<1x125xi32, #tpu.memory_space<hbm>> -> memref<125xi32, #tpu.memory_space<hbm>>
    tpu.wait_dma2 semaphore(%dma_wait3A_184 : memref<!tpu.dma_semaphore, #tpu.memory_space<semaphore_mem>>) src(%dma_wait3A_187 : memref<125xi32, #tpu.memory_space<hbm>>) dst(%arg13 : memref<125xi32, #tpu.memory_space<vmem>>)
    %run_scoped3A_188 = arith.constant 1 : i32
    "tpu.region"() ({
      %run_scoped3A_254 = tpu.sem_alloc : memref<!tpu.dma_semaphore, #tpu.memory_space<semaphore_mem>>
      %dma_start3A_255 = arith.constant 0 : i32
      %dma_start3A_256 = arith.constant 0 : i32
      %dma_start3A_257 = tpu.memref_slice %arg7[%run_scoped3A_188, %dma_start3A_255, %dma_start3A_256] : memref<4x125x64xf32, #tpu.memory_space<vmem>> -> memref<1x125x64xf32, #tpu.memory_space<vmem>>
      %dma_start3A_258 = tpu.memref_squeeze %dma_start3A_257 : memref<1x125x64xf32, #tpu.memory_space<vmem>> -> memref<125x64xf32, #tpu.memory_space<vmem>>
      %dma_start3A_259 = arith.constant 0 : i32
      %dma_start3A_260 = arith.constant 0 : i32
      %dma_start3A_261 = tpu.memref_slice %arg8[%dma_start3A_259, %dma_start3A_260] : memref<10240x64xf32, #tpu.memory_space<vmem_shared>> -> memref<10240x64xf32, #tpu.memory_space<vmem_shared>>
      tpu.enqueue_indirect_dma source(%dma_start3A_258 : memref<125x64xf32, #tpu.memory_space<vmem>>) target(%dma_start3A_261 : memref<10240x64xf32, #tpu.memory_space<vmem_shared>>) offsets(%arg13 : memref<125xi32, #tpu.memory_space<vmem>>) semaphore(%run_scoped3A_254 : memref<!tpu.dma_semaphore, #tpu.memory_space<semaphore_mem>>) {add = true}
      %dma_wait3A_262 = arith.constant 0 : i32
      %dma_wait3A_263 = arith.constant 0 : i32
      %dma_wait3A_264 = tpu.memref_slice %arg7[%run_scoped3A_188, %dma_wait3A_262, %dma_wait3A_263] : memref<4x125x64xf32, #tpu.memory_space<vmem>> -> memref<1x125x64xf32, #tpu.memory_space<vmem>>
      %dma_wait3A_265 = tpu.memref_squeeze %dma_wait3A_264 : memref<1x125x64xf32, #tpu.memory_space<vmem>> -> memref<125x64xf32, #tpu.memory_space<vmem>>
      %dma_wait3A_266 = arith.constant 0 : i32
      %dma_wait3A_267 = arith.constant 0 : i32
      %dma_wait3A_268 = tpu.memref_slice %arg8[%dma_wait3A_266, %dma_wait3A_267] : memref<10240x64xf32, #tpu.memory_space<vmem_shared>> -> memref<10240x64xf32, #tpu.memory_space<vmem_shared>>
      tpu.wait_indirect_dma semaphore(%run_scoped3A_254 : memref<!tpu.dma_semaphore, #tpu.memory_space<semaphore_mem>>) src(%dma_wait3A_265 : memref<125x64xf32, #tpu.memory_space<vmem>>) dst(%dma_wait3A_268 : memref<10240x64xf32, #tpu.memory_space<vmem_shared>>)
      tpu.yield
    }) : () -> ()
    %dma_wait3A_189 = arith.constant 158 : i32
    %dma_wait3A_190 = arith.constant 2 : i32
    %dma_wait3A_191 = arith.constant 2 : i32
    %dma_wait3A_192 = arith.constant 0 : i32
    %dma_wait3A_193 = arith.constant 0 : i32
    %dma_wait3A_194 = tpu.memref_slice %arg7[%dma_wait3A_190, %dma_wait3A_192, %dma_wait3A_193] : memref<4x125x64xf32, #tpu.memory_space<vmem>> -> memref<1x125x64xf32, #tpu.memory_space<vmem>>
    %dma_wait3A_195 = tpu.memref_squeeze %dma_wait3A_194 : memref<1x125x64xf32, #tpu.memory_space<vmem>> -> memref<125x64xf32, #tpu.memory_space<vmem>>
    %dma_wait3A_196 = arith.constant 0 : i32
    %dma_wait3A_197 = tpu.memref_slice %arg6[%dma_wait3A_189, %dma_wait3A_196] : memref<160x125xi32, #tpu.memory_space<vmem>> -> memref<1x125xi32, #tpu.memory_space<vmem>>
    %dma_wait3A_198 = tpu.memref_squeeze %dma_wait3A_197 : memref<1x125xi32, #tpu.memory_space<vmem>> -> memref<125xi32, #tpu.memory_space<vmem>>
    %dma_wait3A_199 = arith.constant 0 : i32
    %dma_wait3A_200 = arith.constant 0 : i32
    %dma_wait3A_201 = tpu.memref_slice %arg2[%dma_wait3A_199, %dma_wait3A_200] : memref<20480x64xf32, #tpu.memory_space<hbm>> -> memref<20480x64xf32, #tpu.memory_space<hbm>>
    %dma_wait3A_202 = tpu.memref_slice %arg9[%dma_wait3A_191] : memref<4x!tpu.dma_semaphore, #tpu.memory_space<semaphore_mem>> -> memref<1x!tpu.dma_semaphore, #tpu.memory_space<semaphore_mem>>
    %dma_wait3A_203 = tpu.memref_squeeze %dma_wait3A_202 : memref<1x!tpu.dma_semaphore, #tpu.memory_space<semaphore_mem>> -> memref<!tpu.dma_semaphore, #tpu.memory_space<semaphore_mem>>
    tpu.wait_indirect_dma semaphore(%dma_wait3A_203 : memref<!tpu.dma_semaphore, #tpu.memory_space<semaphore_mem>>) src(%dma_wait3A_201 : memref<20480x64xf32, #tpu.memory_space<hbm>>) dst(%dma_wait3A_195 : memref<125x64xf32, #tpu.memory_space<vmem>>)
    %mul3A_204 = arith.constant 160 : i32
    %mul3A_205 = arith.muli %arg1, %mul3A_204 : i32
    %add3A_206 = arith.constant 158 : i32
    %add3A_207 = arith.addi %mul3A_205, %add3A_206 : i32
    %dma_wait3A_208 = arith.constant 2 : i32
    %dma_wait3A_209 = arith.constant 0 : i32
    %dma_wait3A_210 = tpu.memref_slice %arg4[%add3A_207, %dma_wait3A_209] : memref<2560x125xi32, #tpu.memory_space<hbm>> -> memref<1x125xi32, #tpu.memory_space<hbm>>
    %dma_wait3A_211 = tpu.memref_squeeze %dma_wait3A_210 : memref<1x125xi32, #tpu.memory_space<hbm>> -> memref<125xi32, #tpu.memory_space<hbm>>
    %dma_wait3A_212 = tpu.memref_slice %arg11[%dma_wait3A_208] : memref<4x!tpu.dma_semaphore, #tpu.memory_space<semaphore_mem>> -> memref<1x!tpu.dma_semaphore, #tpu.memory_space<semaphore_mem>>
    %dma_wait3A_213 = tpu.memref_squeeze %dma_wait3A_212 : memref<1x!tpu.dma_semaphore, #tpu.memory_space<semaphore_mem>> -> memref<!tpu.dma_semaphore, #tpu.memory_space<semaphore_mem>>
    %dma_wait3A_214 = arith.constant 0 : i32
    %dma_wait3A_215 = tpu.memref_slice %arg4[%add3A_207, %dma_wait3A_214] : memref<2560x125xi32, #tpu.memory_space<hbm>> -> memref<1x125xi32, #tpu.memory_space<hbm>>
    %dma_wait3A_216 = tpu.memref_squeeze %dma_wait3A_215 : memref<1x125xi32, #tpu.memory_space<hbm>> -> memref<125xi32, #tpu.memory_space<hbm>>
    tpu.wait_dma2 semaphore(%dma_wait3A_213 : memref<!tpu.dma_semaphore, #tpu.memory_space<semaphore_mem>>) src(%dma_wait3A_216 : memref<125xi32, #tpu.memory_space<hbm>>) dst(%arg14 : memref<125xi32, #tpu.memory_space<vmem>>)
    %run_scoped3A_217 = arith.constant 2 : i32
    "tpu.region"() ({
      %run_scoped3A_254 = tpu.sem_alloc : memref<!tpu.dma_semaphore, #tpu.memory_space<semaphore_mem>>
      %dma_start3A_255 = arith.constant 0 : i32
      %dma_start3A_256 = arith.constant 0 : i32
      %dma_start3A_257 = tpu.memref_slice %arg7[%run_scoped3A_217, %dma_start3A_255, %dma_start3A_256] : memref<4x125x64xf32, #tpu.memory_space<vmem>> -> memref<1x125x64xf32, #tpu.memory_space<vmem>>
      %dma_start3A_258 = tpu.memref_squeeze %dma_start3A_257 : memref<1x125x64xf32, #tpu.memory_space<vmem>> -> memref<125x64xf32, #tpu.memory_space<vmem>>
      %dma_start3A_259 = arith.constant 0 : i32
      %dma_start3A_260 = arith.constant 0 : i32
      %dma_start3A_261 = tpu.memref_slice %arg8[%dma_start3A_259, %dma_start3A_260] : memref<10240x64xf32, #tpu.memory_space<vmem_shared>> -> memref<10240x64xf32, #tpu.memory_space<vmem_shared>>
      tpu.enqueue_indirect_dma source(%dma_start3A_258 : memref<125x64xf32, #tpu.memory_space<vmem>>) target(%dma_start3A_261 : memref<10240x64xf32, #tpu.memory_space<vmem_shared>>) offsets(%arg14 : memref<125xi32, #tpu.memory_space<vmem>>) semaphore(%run_scoped3A_254 : memref<!tpu.dma_semaphore, #tpu.memory_space<semaphore_mem>>) {add = true}
      %dma_wait3A_262 = arith.constant 0 : i32
      %dma_wait3A_263 = arith.constant 0 : i32
      %dma_wait3A_264 = tpu.memref_slice %arg7[%run_scoped3A_217, %dma_wait3A_262, %dma_wait3A_263] : memref<4x125x64xf32, #tpu.memory_space<vmem>> -> memref<1x125x64xf32, #tpu.memory_space<vmem>>
      %dma_wait3A_265 = tpu.memref_squeeze %dma_wait3A_264 : memref<1x125x64xf32, #tpu.memory_space<vmem>> -> memref<125x64xf32, #tpu.memory_space<vmem>>
      %dma_wait3A_266 = arith.constant 0 : i32
      %dma_wait3A_267 = arith.constant 0 : i32
      %dma_wait3A_268 = tpu.memref_slice %arg8[%dma_wait3A_266, %dma_wait3A_267] : memref<10240x64xf32, #tpu.memory_space<vmem_shared>> -> memref<10240x64xf32, #tpu.memory_space<vmem_shared>>
      tpu.wait_indirect_dma semaphore(%run_scoped3A_254 : memref<!tpu.dma_semaphore, #tpu.memory_space<semaphore_mem>>) src(%dma_wait3A_265 : memref<125x64xf32, #tpu.memory_space<vmem>>) dst(%dma_wait3A_268 : memref<10240x64xf32, #tpu.memory_space<vmem_shared>>)
      tpu.yield
    }) : () -> ()
    %dma_wait3A_218 = arith.constant 159 : i32
    %dma_wait3A_219 = arith.constant 3 : i32
    %dma_wait3A_220 = arith.constant 3 : i32
    %dma_wait3A_221 = arith.constant 0 : i32
    %dma_wait3A_222 = arith.constant 0 : i32
    %dma_wait3A_223 = tpu.memref_slice %arg7[%dma_wait3A_219, %dma_wait3A_221, %dma_wait3A_222] : memref<4x125x64xf32, #tpu.memory_space<vmem>> -> memref<1x125x64xf32, #tpu.memory_space<vmem>>
    %dma_wait3A_224 = tpu.memref_squeeze %dma_wait3A_223 : memref<1x125x64xf32, #tpu.memory_space<vmem>> -> memref<125x64xf32, #tpu.memory_space<vmem>>
    %dma_wait3A_225 = arith.constant 0 : i32
    %dma_wait3A_226 = tpu.memref_slice %arg6[%dma_wait3A_218, %dma_wait3A_225] : memref<160x125xi32, #tpu.memory_space<vmem>> -> memref<1x125xi32, #tpu.memory_space<vmem>>
    %dma_wait3A_227 = tpu.memref_squeeze %dma_wait3A_226 : memref<1x125xi32, #tpu.memory_space<vmem>> -> memref<125xi32, #tpu.memory_space<vmem>>
    %dma_wait3A_228 = arith.constant 0 : i32
    %dma_wait3A_229 = arith.constant 0 : i32
    %dma_wait3A_230 = tpu.memref_slice %arg2[%dma_wait3A_228, %dma_wait3A_229] : memref<20480x64xf32, #tpu.memory_space<hbm>> -> memref<20480x64xf32, #tpu.memory_space<hbm>>
    %dma_wait3A_231 = tpu.memref_slice %arg9[%dma_wait3A_220] : memref<4x!tpu.dma_semaphore, #tpu.memory_space<semaphore_mem>> -> memref<1x!tpu.dma_semaphore, #tpu.memory_space<semaphore_mem>>
    %dma_wait3A_232 = tpu.memref_squeeze %dma_wait3A_231 : memref<1x!tpu.dma_semaphore, #tpu.memory_space<semaphore_mem>> -> memref<!tpu.dma_semaphore, #tpu.memory_space<semaphore_mem>>
    tpu.wait_indirect_dma semaphore(%dma_wait3A_232 : memref<!tpu.dma_semaphore, #tpu.memory_space<semaphore_mem>>) src(%dma_wait3A_230 : memref<20480x64xf32, #tpu.memory_space<hbm>>) dst(%dma_wait3A_224 : memref<125x64xf32, #tpu.memory_space<vmem>>)
    %mul3A_233 = arith.constant 160 : i32
    %mul3A_234 = arith.muli %arg1, %mul3A_233 : i32
    %add3A_235 = arith.constant 159 : i32
    %add3A_236 = arith.addi %mul3A_234, %add3A_235 : i32
    %dma_wait3A_237 = arith.constant 3 : i32
    %dma_wait3A_238 = arith.constant 0 : i32
    %dma_wait3A_239 = tpu.memref_slice %arg4[%add3A_236, %dma_wait3A_238] : memref<2560x125xi32, #tpu.memory_space<hbm>> -> memref<1x125xi32, #tpu.memory_space<hbm>>
    %dma_wait3A_240 = tpu.memref_squeeze %dma_wait3A_239 : memref<1x125xi32, #tpu.memory_space<hbm>> -> memref<125xi32, #tpu.memory_space<hbm>>
    %dma_wait3A_241 = tpu.memref_slice %arg11[%dma_wait3A_237] : memref<4x!tpu.dma_semaphore, #tpu.memory_space<semaphore_mem>> -> memref<1x!tpu.dma_semaphore, #tpu.memory_space<semaphore_mem>>
    %dma_wait3A_242 = tpu.memref_squeeze %dma_wait3A_241 : memref<1x!tpu.dma_semaphore, #tpu.memory_space<semaphore_mem>> -> memref<!tpu.dma_semaphore, #tpu.memory_space<semaphore_mem>>
    %dma_wait3A_243 = arith.constant 0 : i32
    %dma_wait3A_244 = tpu.memref_slice %arg4[%add3A_236, %dma_wait3A_243] : memref<2560x125xi32, #tpu.memory_space<hbm>> -> memref<1x125xi32, #tpu.memory_space<hbm>>
    %dma_wait3A_245 = tpu.memref_squeeze %dma_wait3A_244 : memref<1x125xi32, #tpu.memory_space<hbm>> -> memref<125xi32, #tpu.memory_space<hbm>>
    tpu.wait_dma2 semaphore(%dma_wait3A_242 : memref<!tpu.dma_semaphore, #tpu.memory_space<semaphore_mem>>) src(%dma_wait3A_245 : memref<125xi32, #tpu.memory_space<hbm>>) dst(%arg15 : memref<125xi32, #tpu.memory_space<vmem>>)
    %run_scoped3A_246 = arith.constant 3 : i32
    "tpu.region"() ({
      %run_scoped3A_254 = tpu.sem_alloc : memref<!tpu.dma_semaphore, #tpu.memory_space<semaphore_mem>>
      %dma_start3A_255 = arith.constant 0 : i32
      %dma_start3A_256 = arith.constant 0 : i32
      %dma_start3A_257 = tpu.memref_slice %arg7[%run_scoped3A_246, %dma_start3A_255, %dma_start3A_256] : memref<4x125x64xf32, #tpu.memory_space<vmem>> -> memref<1x125x64xf32, #tpu.memory_space<vmem>>
      %dma_start3A_258 = tpu.memref_squeeze %dma_start3A_257 : memref<1x125x64xf32, #tpu.memory_space<vmem>> -> memref<125x64xf32, #tpu.memory_space<vmem>>
      %dma_start3A_259 = arith.constant 0 : i32
      %dma_start3A_260 = arith.constant 0 : i32
      %dma_start3A_261 = tpu.memref_slice %arg8[%dma_start3A_259, %dma_start3A_260] : memref<10240x64xf32, #tpu.memory_space<vmem_shared>> -> memref<10240x64xf32, #tpu.memory_space<vmem_shared>>
      tpu.enqueue_indirect_dma source(%dma_start3A_258 : memref<125x64xf32, #tpu.memory_space<vmem>>) target(%dma_start3A_261 : memref<10240x64xf32, #tpu.memory_space<vmem_shared>>) offsets(%arg15 : memref<125xi32, #tpu.memory_space<vmem>>) semaphore(%run_scoped3A_254 : memref<!tpu.dma_semaphore, #tpu.memory_space<semaphore_mem>>) {add = true}
      %dma_wait3A_262 = arith.constant 0 : i32
      %dma_wait3A_263 = arith.constant 0 : i32
      %dma_wait3A_264 = tpu.memref_slice %arg7[%run_scoped3A_246, %dma_wait3A_262, %dma_wait3A_263] : memref<4x125x64xf32, #tpu.memory_space<vmem>> -> memref<1x125x64xf32, #tpu.memory_space<vmem>>
      %dma_wait3A_265 = tpu.memref_squeeze %dma_wait3A_264 : memref<1x125x64xf32, #tpu.memory_space<vmem>> -> memref<125x64xf32, #tpu.memory_space<vmem>>
      %dma_wait3A_266 = arith.constant 0 : i32
      %dma_wait3A_267 = arith.constant 0 : i32
      %dma_wait3A_268 = tpu.memref_slice %arg8[%dma_wait3A_266, %dma_wait3A_267] : memref<10240x64xf32, #tpu.memory_space<vmem_shared>> -> memref<10240x64xf32, #tpu.memory_space<vmem_shared>>
      tpu.wait_indirect_dma semaphore(%run_scoped3A_254 : memref<!tpu.dma_semaphore, #tpu.memory_space<semaphore_mem>>) src(%dma_wait3A_265 : memref<125x64xf32, #tpu.memory_space<vmem>>) dst(%dma_wait3A_268 : memref<10240x64xf32, #tpu.memory_space<vmem_shared>>)
      tpu.yield
    }) : () -> ()
    %barrier3A_247 = arith.constant 0 : index
    tpu.barrier barrier_id(%barrier3A_247)
    %mul3A_248 = arith.constant 640 : i32
    %mul3A_249 = arith.muli %arg1, %mul3A_248 : i32
    %mul3A_250 = arith.constant 640 : i32
    %mul3A_251 = arith.muli %arg1, %mul3A_250 : i32
    %mul3A_252 = arith.constant 64 : i32
    %mul3A_253 = arith.muli %arg0, %mul3A_252 : i32
    "tpu.region"() ({
      %run_scoped3A_254 = tpu.sem_alloc : memref<!tpu.dma_semaphore, #tpu.memory_space<semaphore_mem>>
      %dma_start3A_255 = tpu.memref_slice %arg5[%mul3A_251, %mul3A_253] : memref<10240x128xf32, #tpu.memory_space<hbm>> -> memref<640x64xf32, #tpu.memory_space<hbm>>
      %dma_start3A_256 = arith.constant 0 : i32
      %dma_start3A_257 = tpu.memref_slice %arg8[%mul3A_249, %dma_start3A_256] : memref<10240x64xf32, #tpu.memory_space<vmem_shared>> -> memref<640x64xf32, #tpu.memory_space<vmem_shared>>
      tpu.enqueue_dma source(%dma_start3A_257 : memref<640x64xf32, #tpu.memory_space<vmem_shared>>) target(%dma_start3A_255 : memref<640x64xf32, #tpu.memory_space<hbm>>) target_semaphore(%run_scoped3A_254 : memref<!tpu.dma_semaphore, #tpu.memory_space<semaphore_mem>>)
      %dma_wait3A_258 = tpu.memref_slice %arg5[%mul3A_251, %mul3A_253] : memref<10240x128xf32, #tpu.memory_space<hbm>> -> memref<640x64xf32, #tpu.memory_space<hbm>>
      %dma_wait3A_259 = arith.constant 0 : i32
      %dma_wait3A_260 = tpu.memref_slice %arg8[%mul3A_249, %dma_wait3A_259] : memref<10240x64xf32, #tpu.memory_space<vmem_shared>> -> memref<640x64xf32, #tpu.memory_space<vmem_shared>>
      tpu.wait_dma2 semaphore(%run_scoped3A_254 : memref<!tpu.dma_semaphore, #tpu.memory_space<semaphore_mem>>) src(%dma_wait3A_260 : memref<640x64xf32, #tpu.memory_space<vmem_shared>>) dst(%dma_wait3A_258 : memref<640x64xf32, #tpu.memory_space<hbm>>)
      tpu.yield
    }) : () -> ()
    return
  }
}

#map = affine_map<(d0, d1) -> (0, 0)>
module attributes {stable_mosaic.version = 14 : i64} {
  func.func @_sc_deg(%arg0: i32, %arg1: i32, %arg2: memref<4000x80xi32, #tpu.memory_space<hbm>>, %arg3: memref<20480x16xf32, #tpu.memory_space<hbm>>, %arg4: memref<80x16xf32, #tpu.memory_space<vmem>>, %arg5: memref<80x16xf32, #tpu.memory_space<vmem>>, %arg6: memref<10240x16xf32, #tpu.memory_space<vmem_shared>>, %arg7: memref<4x!tpu.dma_semaphore, #tpu.memory_space<semaphore_mem>>, %arg8: memref<4x!tpu.dma_semaphore, #tpu.memory_space<semaphore_mem>>, %arg9: memref<80xi32, #tpu.memory_space<vmem>>, %arg10: memref<80xi32, #tpu.memory_space<vmem>>, %arg11: memref<80xi32, #tpu.memory_space<vmem>>, %arg12: memref<80xi32, #tpu.memory_space<vmem>>) attributes {dimension_semantics = [#tpu.dimension_semantics<core_parallel>, #tpu.dimension_semantics<subcore_parallel>], iteration_bounds = array<i64: 2, 16>, scalar_prefetch = 0 : i64, scratch_operands = 9 : i64, tpu.core_type = #tpu.core_type<sc_vector_subcore>, window_params = [{transform_indices = #map}, {transform_indices = #map}]} {
    %mul3A = arith.constant 2 : i32
    %mul3A_0 = arith.muli %arg1, %mul3A : i32
    %add3A = arith.addi %mul3A_0, %arg0 : i32
    %broadcast_in_dim3A = arith.constant 1.000000e+00 : f32
    %broadcast_in_dim3A_1 = vector.broadcast %broadcast_in_dim3A : f32 to vector<16xf32>
    %broadcast_in_dim3A_2 = arith.constant 0.000000e+00 : f32
    %broadcast_in_dim3A_3 = vector.broadcast %broadcast_in_dim3A_2 : f32 to vector<16xf32>
    %scan3A = arith.constant 0 : i32
    %scan3A_4 = arith.constant 0 : i32
    %scan3A_5 = arith.constant 80 : i32
    %scan3A_6 = arith.addi %scan3A_4, %scan3A_5 : i32
    %scan3A_7 = arith.constant 1 : i32
    %scan3A_8 = scf.for %scan3A_162 = %scan3A_4 to %scan3A_6 step %scan3A_7 iter_args(%scan3A_163 = %scan3A) -> (i32)  : i32 {
      %swap3A = arith.index_cast %scan3A_162 : i32 to index
      %swap3A_164 = arith.constant 0 : index
      %swap3A_165 = tpu.vector_load %arg4[%swap3A, %swap3A_164] {strides = array<i32>} : memref<80x16xf32, #tpu.memory_space<vmem>>, vector<1x16xf32>,
      %swap3A_166 = vector.shape_cast %swap3A_165 : vector<1x16xf32> to vector<16xf32>
      %swap3A_167 = vector.shape_cast %broadcast_in_dim3A_1 : vector<16xf32> to vector<1x16xf32>
      tpu.vector_store %arg4[%swap3A, %swap3A_164], %swap3A_167 {strides = array<i32>} : memref<80x16xf32, #tpu.memory_space<vmem>>, vector<1x16xf32>,
      %swap3A_168 = arith.index_cast %scan3A_162 : i32 to index
      %swap3A_169 = arith.constant 0 : index
      %swap3A_170 = tpu.vector_load %arg5[%swap3A_168, %swap3A_169] {strides = array<i32>} : memref<80x16xf32, #tpu.memory_space<vmem>>, vector<1x16xf32>,
      %swap3A_171 = vector.shape_cast %swap3A_170 : vector<1x16xf32> to vector<16xf32>
      %swap3A_172 = vector.shape_cast %broadcast_in_dim3A_3 : vector<16xf32> to vector<1x16xf32>
      tpu.vector_store %arg5[%swap3A_168, %swap3A_169], %swap3A_172 {strides = array<i32>} : memref<80x16xf32, #tpu.memory_space<vmem>>, vector<1x16xf32>,
      %scan3A_173 = arith.constant 0 : i32
      scf.yield %scan3A_173 : i32
    }
    %scan3A_9 = arith.constant 80 : i32
    %scan3A_10 = arith.constant 0 : i32
    %scan3A_11 = arith.constant 0 : i32
    %scan3A_12 = arith.constant 8 : i32
    %scan3A_13 = arith.addi %scan3A_11, %scan3A_12 : i32
    %scan3A_14 = arith.constant 1 : i32
    %scan3A_15 = scf.for %scan3A_162 = %scan3A_11 to %scan3A_13 step %scan3A_14 iter_args(%scan3A_163 = %scan3A_10) -> (i32)  : i32 {
      %mul3A_164 = arith.constant 640 : i32
      %mul3A_165 = arith.muli %arg1, %mul3A_164 : i32
      %mul3A_166 = arith.constant 80 : i32
      %mul3A_167 = arith.muli %scan3A_162, %mul3A_166 : i32
      %add3A_168 = arith.addi %mul3A_165, %mul3A_167 : i32
      "tpu.region"() ({
        %run_scoped3A = tpu.sem_alloc : memref<!tpu.dma_semaphore, #tpu.memory_space<semaphore_mem>>
        %dma_start3A_170 = arith.constant 0 : i32
        %dma_start3A_171 = tpu.memref_slice %arg6[%add3A_168, %dma_start3A_170] : memref<10240x16xf32, #tpu.memory_space<vmem_shared>> -> memref<80x16xf32, #tpu.memory_space<vmem_shared>>
        %dma_start3A_172 = arith.constant 0 : i32
        %dma_start3A_173 = tpu.memref_slice %arg6[%add3A_168, %dma_start3A_172] : memref<10240x16xf32, #tpu.memory_space<vmem_shared>> -> memref<80x16xf32, #tpu.memory_space<vmem_shared>>
        tpu.enqueue_dma source(%arg5 : memref<80x16xf32, #tpu.memory_space<vmem>>) target(%dma_start3A_173 : memref<80x16xf32, #tpu.memory_space<vmem_shared>>) target_semaphore(%run_scoped3A : memref<!tpu.dma_semaphore, #tpu.memory_space<semaphore_mem>>)
        %dma_wait3A_174 = arith.constant 0 : i32
        %dma_wait3A_175 = tpu.memref_slice %arg6[%add3A_168, %dma_wait3A_174] : memref<10240x16xf32, #tpu.memory_space<vmem_shared>> -> memref<80x16xf32, #tpu.memory_space<vmem_shared>>
        %dma_wait3A_176 = arith.constant 0 : i32
        %dma_wait3A_177 = tpu.memref_slice %arg6[%add3A_168, %dma_wait3A_176] : memref<10240x16xf32, #tpu.memory_space<vmem_shared>> -> memref<80x16xf32, #tpu.memory_space<vmem_shared>>
        tpu.wait_dma2 semaphore(%run_scoped3A : memref<!tpu.dma_semaphore, #tpu.memory_space<semaphore_mem>>) src(%arg5 : memref<80x16xf32, #tpu.memory_space<vmem>>) dst(%dma_wait3A_177 : memref<80x16xf32, #tpu.memory_space<vmem_shared>>)
        tpu.yield
      }) : () -> ()
      %scan3A_169 = arith.constant 0 : i32
      scf.yield %scan3A_169 : i32
    }
    %scan3A_16 = arith.constant 8 : i32
    %mul3A_17 = arith.constant 125 : i32
    %mul3A_18 = arith.muli %add3A, %mul3A_17 : i32
    %add3A_19 = arith.constant 0 : i32
    %add3A_20 = arith.addi %mul3A_18, %add3A_19 : i32
    %dma_start3A = arith.constant 0 : i32
    %dma_start3A_21 = arith.constant 0 : i32
    %dma_start3A_22 = tpu.memref_slice %arg2[%add3A_20, %dma_start3A_21] : memref<4000x80xi32, #tpu.memory_space<hbm>> -> memref<1x80xi32, #tpu.memory_space<hbm>>
    %dma_start3A_23 = tpu.memref_squeeze %dma_start3A_22 : memref<1x80xi32, #tpu.memory_space<hbm>> -> memref<80xi32, #tpu.memory_space<hbm>>
    %dma_start3A_24 = tpu.memref_slice %arg7[%dma_start3A] : memref<4x!tpu.dma_semaphore, #tpu.memory_space<semaphore_mem>> -> memref<1x!tpu.dma_semaphore, #tpu.memory_space<semaphore_mem>>
    %dma_start3A_25 = tpu.memref_squeeze %dma_start3A_24 : memref<1x!tpu.dma_semaphore, #tpu.memory_space<semaphore_mem>> -> memref<!tpu.dma_semaphore, #tpu.memory_space<semaphore_mem>>
    %dma_start3A_26 = arith.constant 0 : i32
    %dma_start3A_27 = tpu.memref_slice %arg2[%add3A_20, %dma_start3A_26] : memref<4000x80xi32, #tpu.memory_space<hbm>> -> memref<1x80xi32, #tpu.memory_space<hbm>>
    %dma_start3A_28 = tpu.memref_squeeze %dma_start3A_27 : memref<1x80xi32, #tpu.memory_space<hbm>> -> memref<80xi32, #tpu.memory_space<hbm>>
    tpu.enqueue_dma source(%dma_start3A_28 : memref<80xi32, #tpu.memory_space<hbm>>) target(%arg9 : memref<80xi32, #tpu.memory_space<vmem>>) target_semaphore(%dma_start3A_25 : memref<!tpu.dma_semaphore, #tpu.memory_space<semaphore_mem>>)
    %mul3A_29 = arith.constant 125 : i32
    %mul3A_30 = arith.muli %add3A, %mul3A_29 : i32
    %add3A_31 = arith.constant 1 : i32
    %add3A_32 = arith.addi %mul3A_30, %add3A_31 : i32
    %dma_start3A_33 = arith.constant 1 : i32
    %dma_start3A_34 = arith.constant 0 : i32
    %dma_start3A_35 = tpu.memref_slice %arg2[%add3A_32, %dma_start3A_34] : memref<4000x80xi32, #tpu.memory_space<hbm>> -> memref<1x80xi32, #tpu.memory_space<hbm>>
    %dma_start3A_36 = tpu.memref_squeeze %dma_start3A_35 : memref<1x80xi32, #tpu.memory_space<hbm>> -> memref<80xi32, #tpu.memory_space<hbm>>
    %dma_start3A_37 = tpu.memref_slice %arg7[%dma_start3A_33] : memref<4x!tpu.dma_semaphore, #tpu.memory_space<semaphore_mem>> -> memref<1x!tpu.dma_semaphore, #tpu.memory_space<semaphore_mem>>
    %dma_start3A_38 = tpu.memref_squeeze %dma_start3A_37 : memref<1x!tpu.dma_semaphore, #tpu.memory_space<semaphore_mem>> -> memref<!tpu.dma_semaphore, #tpu.memory_space<semaphore_mem>>
    %dma_start3A_39 = arith.constant 0 : i32
    %dma_start3A_40 = tpu.memref_slice %arg2[%add3A_32, %dma_start3A_39] : memref<4000x80xi32, #tpu.memory_space<hbm>> -> memref<1x80xi32, #tpu.memory_space<hbm>>
    %dma_start3A_41 = tpu.memref_squeeze %dma_start3A_40 : memref<1x80xi32, #tpu.memory_space<hbm>> -> memref<80xi32, #tpu.memory_space<hbm>>
    tpu.enqueue_dma source(%dma_start3A_41 : memref<80xi32, #tpu.memory_space<hbm>>) target(%arg10 : memref<80xi32, #tpu.memory_space<vmem>>) target_semaphore(%dma_start3A_38 : memref<!tpu.dma_semaphore, #tpu.memory_space<semaphore_mem>>)
    %mul3A_42 = arith.constant 125 : i32
    %mul3A_43 = arith.muli %add3A, %mul3A_42 : i32
    %add3A_44 = arith.constant 2 : i32
    %add3A_45 = arith.addi %mul3A_43, %add3A_44 : i32
    %dma_start3A_46 = arith.constant 2 : i32
    %dma_start3A_47 = arith.constant 0 : i32
    %dma_start3A_48 = tpu.memref_slice %arg2[%add3A_45, %dma_start3A_47] : memref<4000x80xi32, #tpu.memory_space<hbm>> -> memref<1x80xi32, #tpu.memory_space<hbm>>
    %dma_start3A_49 = tpu.memref_squeeze %dma_start3A_48 : memref<1x80xi32, #tpu.memory_space<hbm>> -> memref<80xi32, #tpu.memory_space<hbm>>
    %dma_start3A_50 = tpu.memref_slice %arg7[%dma_start3A_46] : memref<4x!tpu.dma_semaphore, #tpu.memory_space<semaphore_mem>> -> memref<1x!tpu.dma_semaphore, #tpu.memory_space<semaphore_mem>>
    %dma_start3A_51 = tpu.memref_squeeze %dma_start3A_50 : memref<1x!tpu.dma_semaphore, #tpu.memory_space<semaphore_mem>> -> memref<!tpu.dma_semaphore, #tpu.memory_space<semaphore_mem>>
    %dma_start3A_52 = arith.constant 0 : i32
    %dma_start3A_53 = tpu.memref_slice %arg2[%add3A_45, %dma_start3A_52] : memref<4000x80xi32, #tpu.memory_space<hbm>> -> memref<1x80xi32, #tpu.memory_space<hbm>>
    %dma_start3A_54 = tpu.memref_squeeze %dma_start3A_53 : memref<1x80xi32, #tpu.memory_space<hbm>> -> memref<80xi32, #tpu.memory_space<hbm>>
    tpu.enqueue_dma source(%dma_start3A_54 : memref<80xi32, #tpu.memory_space<hbm>>) target(%arg11 : memref<80xi32, #tpu.memory_space<vmem>>) target_semaphore(%dma_start3A_51 : memref<!tpu.dma_semaphore, #tpu.memory_space<semaphore_mem>>)
    %mul3A_55 = arith.constant 125 : i32
    %mul3A_56 = arith.muli %add3A, %mul3A_55 : i32
    %add3A_57 = arith.constant 3 : i32
    %add3A_58 = arith.addi %mul3A_56, %add3A_57 : i32
    %dma_start3A_59 = arith.constant 3 : i32
    %dma_start3A_60 = arith.constant 0 : i32
    %dma_start3A_61 = tpu.memref_slice %arg2[%add3A_58, %dma_start3A_60] : memref<4000x80xi32, #tpu.memory_space<hbm>> -> memref<1x80xi32, #tpu.memory_space<hbm>>
    %dma_start3A_62 = tpu.memref_squeeze %dma_start3A_61 : memref<1x80xi32, #tpu.memory_space<hbm>> -> memref<80xi32, #tpu.memory_space<hbm>>
    %dma_start3A_63 = tpu.memref_slice %arg7[%dma_start3A_59] : memref<4x!tpu.dma_semaphore, #tpu.memory_space<semaphore_mem>> -> memref<1x!tpu.dma_semaphore, #tpu.memory_space<semaphore_mem>>
    %dma_start3A_64 = tpu.memref_squeeze %dma_start3A_63 : memref<1x!tpu.dma_semaphore, #tpu.memory_space<semaphore_mem>> -> memref<!tpu.dma_semaphore, #tpu.memory_space<semaphore_mem>>
    %dma_start3A_65 = arith.constant 0 : i32
    %dma_start3A_66 = tpu.memref_slice %arg2[%add3A_58, %dma_start3A_65] : memref<4000x80xi32, #tpu.memory_space<hbm>> -> memref<1x80xi32, #tpu.memory_space<hbm>>
    %dma_start3A_67 = tpu.memref_squeeze %dma_start3A_66 : memref<1x80xi32, #tpu.memory_space<hbm>> -> memref<80xi32, #tpu.memory_space<hbm>>
    tpu.enqueue_dma source(%dma_start3A_67 : memref<80xi32, #tpu.memory_space<hbm>>) target(%arg12 : memref<80xi32, #tpu.memory_space<vmem>>) target_semaphore(%dma_start3A_64 : memref<!tpu.dma_semaphore, #tpu.memory_space<semaphore_mem>>)
    %barrier3A = arith.constant 0 : index
    tpu.barrier barrier_id(%barrier3A)
    %scan3A_68 = arith.constant 0 : i32
    %scan3A_69 = arith.constant 0 : i32
    %scan3A_70 = arith.constant 30 : i32
    %scan3A_71 = arith.addi %scan3A_69, %scan3A_70 : i32
    %scan3A_72 = arith.constant 1 : i32
    %scan3A_73 = scf.for %scan3A_162 = %scan3A_69 to %scan3A_71 step %scan3A_72 iter_args(%scan3A_163 = %scan3A_68) -> (i32)  : i32 {
      %mul3A_164 = arith.constant 125 : i32
      %mul3A_165 = arith.muli %add3A, %mul3A_164 : i32
      %mul3A_166 = arith.constant 4 : i32
      %mul3A_167 = arith.muli %scan3A_162, %mul3A_166 : i32
      %add3A_168 = arith.addi %mul3A_165, %mul3A_167 : i32
      %add3A_169 = arith.constant 0 : i32
      %add3A_170 = arith.addi %add3A_168, %add3A_169 : i32
      %dma_wait3A_171 = arith.constant 0 : i32
      %dma_wait3A_172 = arith.constant 0 : i32
      %dma_wait3A_173 = tpu.memref_slice %arg2[%add3A_170, %dma_wait3A_172] : memref<4000x80xi32, #tpu.memory_space<hbm>> -> memref<1x80xi32, #tpu.memory_space<hbm>>
      %dma_wait3A_174 = tpu.memref_squeeze %dma_wait3A_173 : memref<1x80xi32, #tpu.memory_space<hbm>> -> memref<80xi32, #tpu.memory_space<hbm>>
      %dma_wait3A_175 = tpu.memref_slice %arg7[%dma_wait3A_171] : memref<4x!tpu.dma_semaphore, #tpu.memory_space<semaphore_mem>> -> memref<1x!tpu.dma_semaphore, #tpu.memory_space<semaphore_mem>>
      %dma_wait3A_176 = tpu.memref_squeeze %dma_wait3A_175 : memref<1x!tpu.dma_semaphore, #tpu.memory_space<semaphore_mem>> -> memref<!tpu.dma_semaphore, #tpu.memory_space<semaphore_mem>>
      %dma_wait3A_177 = arith.constant 0 : i32
      %dma_wait3A_178 = tpu.memref_slice %arg2[%add3A_170, %dma_wait3A_177] : memref<4000x80xi32, #tpu.memory_space<hbm>> -> memref<1x80xi32, #tpu.memory_space<hbm>>
      %dma_wait3A_179 = tpu.memref_squeeze %dma_wait3A_178 : memref<1x80xi32, #tpu.memory_space<hbm>> -> memref<80xi32, #tpu.memory_space<hbm>>
      tpu.wait_dma2 semaphore(%dma_wait3A_176 : memref<!tpu.dma_semaphore, #tpu.memory_space<semaphore_mem>>) src(%dma_wait3A_179 : memref<80xi32, #tpu.memory_space<hbm>>) dst(%arg9 : memref<80xi32, #tpu.memory_space<vmem>>)
      %dma_start3A_180 = arith.constant 0 : i32
      %dma_start3A_181 = arith.constant 0 : i32
      %dma_start3A_182 = arith.constant 0 : i32
      %dma_start3A_183 = tpu.memref_slice %arg6[%dma_start3A_181, %dma_start3A_182] : memref<10240x16xf32, #tpu.memory_space<vmem_shared>> -> memref<10240x16xf32, #tpu.memory_space<vmem_shared>>
      %dma_start3A_184 = tpu.memref_slice %arg8[%dma_start3A_180] : memref<4x!tpu.dma_semaphore, #tpu.memory_space<semaphore_mem>> -> memref<1x!tpu.dma_semaphore, #tpu.memory_space<semaphore_mem>>
      %dma_start3A_185 = tpu.memref_squeeze %dma_start3A_184 : memref<1x!tpu.dma_semaphore, #tpu.memory_space<semaphore_mem>> -> memref<!tpu.dma_semaphore, #tpu.memory_space<semaphore_mem>>
      tpu.enqueue_indirect_dma source(%arg4 : memref<80x16xf32, #tpu.memory_space<vmem>>) target(%dma_start3A_183 : memref<10240x16xf32, #tpu.memory_space<vmem_shared>>) offsets(%arg9 : memref<80xi32, #tpu.memory_space<vmem>>) semaphore(%dma_start3A_185 : memref<!tpu.dma_semaphore, #tpu.memory_space<semaphore_mem>>) {add = true}
      %add3A_186 = arith.constant 1 : i32
      %add3A_187 = arith.addi %add3A_168, %add3A_186 : i32
      %dma_wait3A_188 = arith.constant 1 : i32
      %dma_wait3A_189 = arith.constant 0 : i32
      %dma_wait3A_190 = tpu.memref_slice %arg2[%add3A_187, %dma_wait3A_189] : memref<4000x80xi32, #tpu.memory_space<hbm>> -> memref<1x80xi32, #tpu.memory_space<hbm>>
      %dma_wait3A_191 = tpu.memref_squeeze %dma_wait3A_190 : memref<1x80xi32, #tpu.memory_space<hbm>> -> memref<80xi32, #tpu.memory_space<hbm>>
      %dma_wait3A_192 = tpu.memref_slice %arg7[%dma_wait3A_188] : memref<4x!tpu.dma_semaphore, #tpu.memory_space<semaphore_mem>> -> memref<1x!tpu.dma_semaphore, #tpu.memory_space<semaphore_mem>>
      %dma_wait3A_193 = tpu.memref_squeeze %dma_wait3A_192 : memref<1x!tpu.dma_semaphore, #tpu.memory_space<semaphore_mem>> -> memref<!tpu.dma_semaphore, #tpu.memory_space<semaphore_mem>>
      %dma_wait3A_194 = arith.constant 0 : i32
      %dma_wait3A_195 = tpu.memref_slice %arg2[%add3A_187, %dma_wait3A_194] : memref<4000x80xi32, #tpu.memory_space<hbm>> -> memref<1x80xi32, #tpu.memory_space<hbm>>
      %dma_wait3A_196 = tpu.memref_squeeze %dma_wait3A_195 : memref<1x80xi32, #tpu.memory_space<hbm>> -> memref<80xi32, #tpu.memory_space<hbm>>
      tpu.wait_dma2 semaphore(%dma_wait3A_193 : memref<!tpu.dma_semaphore, #tpu.memory_space<semaphore_mem>>) src(%dma_wait3A_196 : memref<80xi32, #tpu.memory_space<hbm>>) dst(%arg10 : memref<80xi32, #tpu.memory_space<vmem>>)
      %dma_start3A_197 = arith.constant 1 : i32
      %dma_start3A_198 = arith.constant 0 : i32
      %dma_start3A_199 = arith.constant 0 : i32
      %dma_start3A_200 = tpu.memref_slice %arg6[%dma_start3A_198, %dma_start3A_199] : memref<10240x16xf32, #tpu.memory_space<vmem_shared>> -> memref<10240x16xf32, #tpu.memory_space<vmem_shared>>
      %dma_start3A_201 = tpu.memref_slice %arg8[%dma_start3A_197] : memref<4x!tpu.dma_semaphore, #tpu.memory_space<semaphore_mem>> -> memref<1x!tpu.dma_semaphore, #tpu.memory_space<semaphore_mem>>
      %dma_start3A_202 = tpu.memref_squeeze %dma_start3A_201 : memref<1x!tpu.dma_semaphore, #tpu.memory_space<semaphore_mem>> -> memref<!tpu.dma_semaphore, #tpu.memory_space<semaphore_mem>>
      tpu.enqueue_indirect_dma source(%arg4 : memref<80x16xf32, #tpu.memory_space<vmem>>) target(%dma_start3A_200 : memref<10240x16xf32, #tpu.memory_space<vmem_shared>>) offsets(%arg10 : memref<80xi32, #tpu.memory_space<vmem>>) semaphore(%dma_start3A_202 : memref<!tpu.dma_semaphore, #tpu.memory_space<semaphore_mem>>) {add = true}
      %add3A_203 = arith.constant 2 : i32
      %add3A_204 = arith.addi %add3A_168, %add3A_203 : i32
      %dma_wait3A_205 = arith.constant 2 : i32
      %dma_wait3A_206 = arith.constant 0 : i32
      %dma_wait3A_207 = tpu.memref_slice %arg2[%add3A_204, %dma_wait3A_206] : memref<4000x80xi32, #tpu.memory_space<hbm>> -> memref<1x80xi32, #tpu.memory_space<hbm>>
      %dma_wait3A_208 = tpu.memref_squeeze %dma_wait3A_207 : memref<1x80xi32, #tpu.memory_space<hbm>> -> memref<80xi32, #tpu.memory_space<hbm>>
      %dma_wait3A_209 = tpu.memref_slice %arg7[%dma_wait3A_205] : memref<4x!tpu.dma_semaphore, #tpu.memory_space<semaphore_mem>> -> memref<1x!tpu.dma_semaphore, #tpu.memory_space<semaphore_mem>>
      %dma_wait3A_210 = tpu.memref_squeeze %dma_wait3A_209 : memref<1x!tpu.dma_semaphore, #tpu.memory_space<semaphore_mem>> -> memref<!tpu.dma_semaphore, #tpu.memory_space<semaphore_mem>>
      %dma_wait3A_211 = arith.constant 0 : i32
      %dma_wait3A_212 = tpu.memref_slice %arg2[%add3A_204, %dma_wait3A_211] : memref<4000x80xi32, #tpu.memory_space<hbm>> -> memref<1x80xi32, #tpu.memory_space<hbm>>
      %dma_wait3A_213 = tpu.memref_squeeze %dma_wait3A_212 : memref<1x80xi32, #tpu.memory_space<hbm>> -> memref<80xi32, #tpu.memory_space<hbm>>
      tpu.wait_dma2 semaphore(%dma_wait3A_210 : memref<!tpu.dma_semaphore, #tpu.memory_space<semaphore_mem>>) src(%dma_wait3A_213 : memref<80xi32, #tpu.memory_space<hbm>>) dst(%arg11 : memref<80xi32, #tpu.memory_space<vmem>>)
      %dma_start3A_214 = arith.constant 2 : i32
      %dma_start3A_215 = arith.constant 0 : i32
      %dma_start3A_216 = arith.constant 0 : i32
      %dma_start3A_217 = tpu.memref_slice %arg6[%dma_start3A_215, %dma_start3A_216] : memref<10240x16xf32, #tpu.memory_space<vmem_shared>> -> memref<10240x16xf32, #tpu.memory_space<vmem_shared>>
      %dma_start3A_218 = tpu.memref_slice %arg8[%dma_start3A_214] : memref<4x!tpu.dma_semaphore, #tpu.memory_space<semaphore_mem>> -> memref<1x!tpu.dma_semaphore, #tpu.memory_space<semaphore_mem>>
      %dma_start3A_219 = tpu.memref_squeeze %dma_start3A_218 : memref<1x!tpu.dma_semaphore, #tpu.memory_space<semaphore_mem>> -> memref<!tpu.dma_semaphore, #tpu.memory_space<semaphore_mem>>
      tpu.enqueue_indirect_dma source(%arg4 : memref<80x16xf32, #tpu.memory_space<vmem>>) target(%dma_start3A_217 : memref<10240x16xf32, #tpu.memory_space<vmem_shared>>) offsets(%arg11 : memref<80xi32, #tpu.memory_space<vmem>>) semaphore(%dma_start3A_219 : memref<!tpu.dma_semaphore, #tpu.memory_space<semaphore_mem>>) {add = true}
      %add3A_220 = arith.constant 3 : i32
      %add3A_221 = arith.addi %add3A_168, %add3A_220 : i32
      %dma_wait3A_222 = arith.constant 3 : i32
      %dma_wait3A_223 = arith.constant 0 : i32
      %dma_wait3A_224 = tpu.memref_slice %arg2[%add3A_221, %dma_wait3A_223] : memref<4000x80xi32, #tpu.memory_space<hbm>> -> memref<1x80xi32, #tpu.memory_space<hbm>>
      %dma_wait3A_225 = tpu.memref_squeeze %dma_wait3A_224 : memref<1x80xi32, #tpu.memory_space<hbm>> -> memref<80xi32, #tpu.memory_space<hbm>>
      %dma_wait3A_226 = tpu.memref_slice %arg7[%dma_wait3A_222] : memref<4x!tpu.dma_semaphore, #tpu.memory_space<semaphore_mem>> -> memref<1x!tpu.dma_semaphore, #tpu.memory_space<semaphore_mem>>
      %dma_wait3A_227 = tpu.memref_squeeze %dma_wait3A_226 : memref<1x!tpu.dma_semaphore, #tpu.memory_space<semaphore_mem>> -> memref<!tpu.dma_semaphore, #tpu.memory_space<semaphore_mem>>
      %dma_wait3A_228 = arith.constant 0 : i32
      %dma_wait3A_229 = tpu.memref_slice %arg2[%add3A_221, %dma_wait3A_228] : memref<4000x80xi32, #tpu.memory_space<hbm>> -> memref<1x80xi32, #tpu.memory_space<hbm>>
      %dma_wait3A_230 = tpu.memref_squeeze %dma_wait3A_229 : memref<1x80xi32, #tpu.memory_space<hbm>> -> memref<80xi32, #tpu.memory_space<hbm>>
      tpu.wait_dma2 semaphore(%dma_wait3A_227 : memref<!tpu.dma_semaphore, #tpu.memory_space<semaphore_mem>>) src(%dma_wait3A_230 : memref<80xi32, #tpu.memory_space<hbm>>) dst(%arg12 : memref<80xi32, #tpu.memory_space<vmem>>)
      %dma_start3A_231 = arith.constant 3 : i32
      %dma_start3A_232 = arith.constant 0 : i32
      %dma_start3A_233 = arith.constant 0 : i32
      %dma_start3A_234 = tpu.memref_slice %arg6[%dma_start3A_232, %dma_start3A_233] : memref<10240x16xf32, #tpu.memory_space<vmem_shared>> -> memref<10240x16xf32, #tpu.memory_space<vmem_shared>>
      %dma_start3A_235 = tpu.memref_slice %arg8[%dma_start3A_231] : memref<4x!tpu.dma_semaphore, #tpu.memory_space<semaphore_mem>> -> memref<1x!tpu.dma_semaphore, #tpu.memory_space<semaphore_mem>>
      %dma_start3A_236 = tpu.memref_squeeze %dma_start3A_235 : memref<1x!tpu.dma_semaphore, #tpu.memory_space<semaphore_mem>> -> memref<!tpu.dma_semaphore, #tpu.memory_space<semaphore_mem>>
      tpu.enqueue_indirect_dma source(%arg4 : memref<80x16xf32, #tpu.memory_space<vmem>>) target(%dma_start3A_234 : memref<10240x16xf32, #tpu.memory_space<vmem_shared>>) offsets(%arg12 : memref<80xi32, #tpu.memory_space<vmem>>) semaphore(%dma_start3A_236 : memref<!tpu.dma_semaphore, #tpu.memory_space<semaphore_mem>>) {add = true}
      %dma_wait3A_237 = arith.constant 0 : i32
      %dma_wait3A_238 = arith.constant 0 : i32
      %dma_wait3A_239 = arith.constant 0 : i32
      %dma_wait3A_240 = tpu.memref_slice %arg6[%dma_wait3A_238, %dma_wait3A_239] : memref<10240x16xf32, #tpu.memory_space<vmem_shared>> -> memref<10240x16xf32, #tpu.memory_space<vmem_shared>>
      %dma_wait3A_241 = tpu.memref_slice %arg8[%dma_wait3A_237] : memref<4x!tpu.dma_semaphore, #tpu.memory_space<semaphore_mem>> -> memref<1x!tpu.dma_semaphore, #tpu.memory_space<semaphore_mem>>
      %dma_wait3A_242 = tpu.memref_squeeze %dma_wait3A_241 : memref<1x!tpu.dma_semaphore, #tpu.memory_space<semaphore_mem>> -> memref<!tpu.dma_semaphore, #tpu.memory_space<semaphore_mem>>
      tpu.wait_indirect_dma semaphore(%dma_wait3A_242 : memref<!tpu.dma_semaphore, #tpu.memory_space<semaphore_mem>>) src(%arg4 : memref<80x16xf32, #tpu.memory_space<vmem>>) dst(%dma_wait3A_240 : memref<10240x16xf32, #tpu.memory_space<vmem_shared>>)
      %add3A_243 = arith.constant 4 : i32
      %add3A_244 = arith.addi %add3A_168, %add3A_243 : i32
      %add3A_245 = arith.constant 0 : i32
      %add3A_246 = arith.addi %add3A_244, %add3A_245 : i32
      %dma_start3A_247 = arith.constant 0 : i32
      %dma_start3A_248 = arith.constant 0 : i32
      %dma_start3A_249 = tpu.memref_slice %arg2[%add3A_246, %dma_start3A_248] : memref<4000x80xi32, #tpu.memory_space<hbm>> -> memref<1x80xi32, #tpu.memory_space<hbm>>
      %dma_start3A_250 = tpu.memref_squeeze %dma_start3A_249 : memref<1x80xi32, #tpu.memory_space<hbm>> -> memref<80xi32, #tpu.memory_space<hbm>>
      %dma_start3A_251 = tpu.memref_slice %arg7[%dma_start3A_247] : memref<4x!tpu.dma_semaphore, #tpu.memory_space<semaphore_mem>> -> memref<1x!tpu.dma_semaphore, #tpu.memory_space<semaphore_mem>>
      %dma_start3A_252 = tpu.memref_squeeze %dma_start3A_251 : memref<1x!tpu.dma_semaphore, #tpu.memory_space<semaphore_mem>> -> memref<!tpu.dma_semaphore, #tpu.memory_space<semaphore_mem>>
      %dma_start3A_253 = arith.constant 0 : i32
      %dma_start3A_254 = tpu.memref_slice %arg2[%add3A_246, %dma_start3A_253] : memref<4000x80xi32, #tpu.memory_space<hbm>> -> memref<1x80xi32, #tpu.memory_space<hbm>>
      %dma_start3A_255 = tpu.memref_squeeze %dma_start3A_254 : memref<1x80xi32, #tpu.memory_space<hbm>> -> memref<80xi32, #tpu.memory_space<hbm>>
      tpu.enqueue_dma source(%dma_start3A_255 : memref<80xi32, #tpu.memory_space<hbm>>) target(%arg9 : memref<80xi32, #tpu.memory_space<vmem>>) target_semaphore(%dma_start3A_252 : memref<!tpu.dma_semaphore, #tpu.memory_space<semaphore_mem>>)
      %dma_wait3A_256 = arith.constant 1 : i32
      %dma_wait3A_257 = arith.constant 0 : i32
      %dma_wait3A_258 = arith.constant 0 : i32
      %dma_wait3A_259 = tpu.memref_slice %arg6[%dma_wait3A_257, %dma_wait3A_258] : memref<10240x16xf32, #tpu.memory_space<vmem_shared>> -> memref<10240x16xf32, #tpu.memory_space<vmem_shared>>
      %dma_wait3A_260 = tpu.memref_slice %arg8[%dma_wait3A_256] : memref<4x!tpu.dma_semaphore, #tpu.memory_space<semaphore_mem>> -> memref<1x!tpu.dma_semaphore, #tpu.memory_space<semaphore_mem>>
      %dma_wait3A_261 = tpu.memref_squeeze %dma_wait3A_260 : memref<1x!tpu.dma_semaphore, #tpu.memory_space<semaphore_mem>> -> memref<!tpu.dma_semaphore, #tpu.memory_space<semaphore_mem>>
      tpu.wait_indirect_dma semaphore(%dma_wait3A_261 : memref<!tpu.dma_semaphore, #tpu.memory_space<semaphore_mem>>) src(%arg4 : memref<80x16xf32, #tpu.memory_space<vmem>>) dst(%dma_wait3A_259 : memref<10240x16xf32, #tpu.memory_space<vmem_shared>>)
      %add3A_262 = arith.constant 4 : i32
      %add3A_263 = arith.addi %add3A_168, %add3A_262 : i32
      %add3A_264 = arith.constant 1 : i32
      %add3A_265 = arith.addi %add3A_263, %add3A_264 : i32
      %dma_start3A_266 = arith.constant 1 : i32
      %dma_start3A_267 = arith.constant 0 : i32
      %dma_start3A_268 = tpu.memref_slice %arg2[%add3A_265, %dma_start3A_267] : memref<4000x80xi32, #tpu.memory_space<hbm>> -> memref<1x80xi32, #tpu.memory_space<hbm>>
      %dma_start3A_269 = tpu.memref_squeeze %dma_start3A_268 : memref<1x80xi32, #tpu.memory_space<hbm>> -> memref<80xi32, #tpu.memory_space<hbm>>
      %dma_start3A_270 = tpu.memref_slice %arg7[%dma_start3A_266] : memref<4x!tpu.dma_semaphore, #tpu.memory_space<semaphore_mem>> -> memref<1x!tpu.dma_semaphore, #tpu.memory_space<semaphore_mem>>
      %dma_start3A_271 = tpu.memref_squeeze %dma_start3A_270 : memref<1x!tpu.dma_semaphore, #tpu.memory_space<semaphore_mem>> -> memref<!tpu.dma_semaphore, #tpu.memory_space<semaphore_mem>>
      %dma_start3A_272 = arith.constant 0 : i32
      %dma_start3A_273 = tpu.memref_slice %arg2[%add3A_265, %dma_start3A_272] : memref<4000x80xi32, #tpu.memory_space<hbm>> -> memref<1x80xi32, #tpu.memory_space<hbm>>
      %dma_start3A_274 = tpu.memref_squeeze %dma_start3A_273 : memref<1x80xi32, #tpu.memory_space<hbm>> -> memref<80xi32, #tpu.memory_space<hbm>>
      tpu.enqueue_dma source(%dma_start3A_274 : memref<80xi32, #tpu.memory_space<hbm>>) target(%arg10 : memref<80xi32, #tpu.memory_space<vmem>>) target_semaphore(%dma_start3A_271 : memref<!tpu.dma_semaphore, #tpu.memory_space<semaphore_mem>>)
      %dma_wait3A_275 = arith.constant 2 : i32
      %dma_wait3A_276 = arith.constant 0 : i32
      %dma_wait3A_277 = arith.constant 0 : i32
      %dma_wait3A_278 = tpu.memref_slice %arg6[%dma_wait3A_276, %dma_wait3A_277] : memref<10240x16xf32, #tpu.memory_space<vmem_shared>> -> memref<10240x16xf32, #tpu.memory_space<vmem_shared>>
      %dma_wait3A_279 = tpu.memref_slice %arg8[%dma_wait3A_275] : memref<4x!tpu.dma_semaphore, #tpu.memory_space<semaphore_mem>> -> memref<1x!tpu.dma_semaphore, #tpu.memory_space<semaphore_mem>>
      %dma_wait3A_280 = tpu.memref_squeeze %dma_wait3A_279 : memref<1x!tpu.dma_semaphore, #tpu.memory_space<semaphore_mem>> -> memref<!tpu.dma_semaphore, #tpu.memory_space<semaphore_mem>>
      tpu.wait_indirect_dma semaphore(%dma_wait3A_280 : memref<!tpu.dma_semaphore, #tpu.memory_space<semaphore_mem>>) src(%arg4 : memref<80x16xf32, #tpu.memory_space<vmem>>) dst(%dma_wait3A_278 : memref<10240x16xf32, #tpu.memory_space<vmem_shared>>)
      %add3A_281 = arith.constant 4 : i32
      %add3A_282 = arith.addi %add3A_168, %add3A_281 : i32
      %add3A_283 = arith.constant 2 : i32
      %add3A_284 = arith.addi %add3A_282, %add3A_283 : i32
      %dma_start3A_285 = arith.constant 2 : i32
      %dma_start3A_286 = arith.constant 0 : i32
      %dma_start3A_287 = tpu.memref_slice %arg2[%add3A_284, %dma_start3A_286] : memref<4000x80xi32, #tpu.memory_space<hbm>> -> memref<1x80xi32, #tpu.memory_space<hbm>>
      %dma_start3A_288 = tpu.memref_squeeze %dma_start3A_287 : memref<1x80xi32, #tpu.memory_space<hbm>> -> memref<80xi32, #tpu.memory_space<hbm>>
      %dma_start3A_289 = tpu.memref_slice %arg7[%dma_start3A_285] : memref<4x!tpu.dma_semaphore, #tpu.memory_space<semaphore_mem>> -> memref<1x!tpu.dma_semaphore, #tpu.memory_space<semaphore_mem>>
      %dma_start3A_290 = tpu.memref_squeeze %dma_start3A_289 : memref<1x!tpu.dma_semaphore, #tpu.memory_space<semaphore_mem>> -> memref<!tpu.dma_semaphore, #tpu.memory_space<semaphore_mem>>
      %dma_start3A_291 = arith.constant 0 : i32
      %dma_start3A_292 = tpu.memref_slice %arg2[%add3A_284, %dma_start3A_291] : memref<4000x80xi32, #tpu.memory_space<hbm>> -> memref<1x80xi32, #tpu.memory_space<hbm>>
      %dma_start3A_293 = tpu.memref_squeeze %dma_start3A_292 : memref<1x80xi32, #tpu.memory_space<hbm>> -> memref<80xi32, #tpu.memory_space<hbm>>
      tpu.enqueue_dma source(%dma_start3A_293 : memref<80xi32, #tpu.memory_space<hbm>>) target(%arg11 : memref<80xi32, #tpu.memory_space<vmem>>) target_semaphore(%dma_start3A_290 : memref<!tpu.dma_semaphore, #tpu.memory_space<semaphore_mem>>)
      %dma_wait3A_294 = arith.constant 3 : i32
      %dma_wait3A_295 = arith.constant 0 : i32
      %dma_wait3A_296 = arith.constant 0 : i32
      %dma_wait3A_297 = tpu.memref_slice %arg6[%dma_wait3A_295, %dma_wait3A_296] : memref<10240x16xf32, #tpu.memory_space<vmem_shared>> -> memref<10240x16xf32, #tpu.memory_space<vmem_shared>>
      %dma_wait3A_298 = tpu.memref_slice %arg8[%dma_wait3A_294] : memref<4x!tpu.dma_semaphore, #tpu.memory_space<semaphore_mem>> -> memref<1x!tpu.dma_semaphore, #tpu.memory_space<semaphore_mem>>
      %dma_wait3A_299 = tpu.memref_squeeze %dma_wait3A_298 : memref<1x!tpu.dma_semaphore, #tpu.memory_space<semaphore_mem>> -> memref<!tpu.dma_semaphore, #tpu.memory_space<semaphore_mem>>
      tpu.wait_indirect_dma semaphore(%dma_wait3A_299 : memref<!tpu.dma_semaphore, #tpu.memory_space<semaphore_mem>>) src(%arg4 : memref<80x16xf32, #tpu.memory_space<vmem>>) dst(%dma_wait3A_297 : memref<10240x16xf32, #tpu.memory_space<vmem_shared>>)
      %add3A_300 = arith.constant 4 : i32
      %add3A_301 = arith.addi %add3A_168, %add3A_300 : i32
      %add3A_302 = arith.constant 3 : i32
      %add3A_303 = arith.addi %add3A_301, %add3A_302 : i32
      %dma_start3A_304 = arith.constant 3 : i32
      %dma_start3A_305 = arith.constant 0 : i32
      %dma_start3A_306 = tpu.memref_slice %arg2[%add3A_303, %dma_start3A_305] : memref<4000x80xi32, #tpu.memory_space<hbm>> -> memref<1x80xi32, #tpu.memory_space<hbm>>
      %dma_start3A_307 = tpu.memref_squeeze %dma_start3A_306 : memref<1x80xi32, #tpu.memory_space<hbm>> -> memref<80xi32, #tpu.memory_space<hbm>>
      %dma_start3A_308 = tpu.memref_slice %arg7[%dma_start3A_304] : memref<4x!tpu.dma_semaphore, #tpu.memory_space<semaphore_mem>> -> memref<1x!tpu.dma_semaphore, #tpu.memory_space<semaphore_mem>>
      %dma_start3A_309 = tpu.memref_squeeze %dma_start3A_308 : memref<1x!tpu.dma_semaphore, #tpu.memory_space<semaphore_mem>> -> memref<!tpu.dma_semaphore, #tpu.memory_space<semaphore_mem>>
      %dma_start3A_310 = arith.constant 0 : i32
      %dma_start3A_311 = tpu.memref_slice %arg2[%add3A_303, %dma_start3A_310] : memref<4000x80xi32, #tpu.memory_space<hbm>> -> memref<1x80xi32, #tpu.memory_space<hbm>>
      %dma_start3A_312 = tpu.memref_squeeze %dma_start3A_311 : memref<1x80xi32, #tpu.memory_space<hbm>> -> memref<80xi32, #tpu.memory_space<hbm>>
      tpu.enqueue_dma source(%dma_start3A_312 : memref<80xi32, #tpu.memory_space<hbm>>) target(%arg12 : memref<80xi32, #tpu.memory_space<vmem>>) target_semaphore(%dma_start3A_309 : memref<!tpu.dma_semaphore, #tpu.memory_space<semaphore_mem>>)
      %scan3A_313 = arith.constant 0 : i32
      scf.yield %scan3A_313 : i32
    }
    %scan3A_74 = arith.constant 30 : i32
    %mul3A_75 = arith.constant 125 : i32
    %mul3A_76 = arith.muli %add3A, %mul3A_75 : i32
    %add3A_77 = arith.constant 120 : i32
    %add3A_78 = arith.addi %mul3A_76, %add3A_77 : i32
    %dma_wait3A = arith.constant 0 : i32
    %dma_wait3A_79 = arith.constant 0 : i32
    %dma_wait3A_80 = tpu.memref_slice %arg2[%add3A_78, %dma_wait3A_79] : memref<4000x80xi32, #tpu.memory_space<hbm>> -> memref<1x80xi32, #tpu.memory_space<hbm>>
    %dma_wait3A_81 = tpu.memref_squeeze %dma_wait3A_80 : memref<1x80xi32, #tpu.memory_space<hbm>> -> memref<80xi32, #tpu.memory_space<hbm>>
    %dma_wait3A_82 = tpu.memref_slice %arg7[%dma_wait3A] : memref<4x!tpu.dma_semaphore, #tpu.memory_space<semaphore_mem>> -> memref<1x!tpu.dma_semaphore, #tpu.memory_space<semaphore_mem>>
    %dma_wait3A_83 = tpu.memref_squeeze %dma_wait3A_82 : memref<1x!tpu.dma_semaphore, #tpu.memory_space<semaphore_mem>> -> memref<!tpu.dma_semaphore, #tpu.memory_space<semaphore_mem>>
    %dma_wait3A_84 = arith.constant 0 : i32
    %dma_wait3A_85 = tpu.memref_slice %arg2[%add3A_78, %dma_wait3A_84] : memref<4000x80xi32, #tpu.memory_space<hbm>> -> memref<1x80xi32, #tpu.memory_space<hbm>>
    %dma_wait3A_86 = tpu.memref_squeeze %dma_wait3A_85 : memref<1x80xi32, #tpu.memory_space<hbm>> -> memref<80xi32, #tpu.memory_space<hbm>>
    tpu.wait_dma2 semaphore(%dma_wait3A_83 : memref<!tpu.dma_semaphore, #tpu.memory_space<semaphore_mem>>) src(%dma_wait3A_86 : memref<80xi32, #tpu.memory_space<hbm>>) dst(%arg9 : memref<80xi32, #tpu.memory_space<vmem>>)
    "tpu.region"() ({
      %run_scoped3A = tpu.sem_alloc : memref<!tpu.dma_semaphore, #tpu.memory_space<semaphore_mem>>
      %dma_start3A_162 = arith.constant 0 : i32
      %dma_start3A_163 = arith.constant 0 : i32
      %dma_start3A_164 = tpu.memref_slice %arg6[%dma_start3A_162, %dma_start3A_163] : memref<10240x16xf32, #tpu.memory_space<vmem_shared>> -> memref<10240x16xf32, #tpu.memory_space<vmem_shared>>
      tpu.enqueue_indirect_dma source(%arg4 : memref<80x16xf32, #tpu.memory_space<vmem>>) target(%dma_start3A_164 : memref<10240x16xf32, #tpu.memory_space<vmem_shared>>) offsets(%arg9 : memref<80xi32, #tpu.memory_space<vmem>>) semaphore(%run_scoped3A : memref<!tpu.dma_semaphore, #tpu.memory_space<semaphore_mem>>) {add = true}
      %dma_wait3A_165 = arith.constant 0 : i32
      %dma_wait3A_166 = arith.constant 0 : i32
      %dma_wait3A_167 = tpu.memref_slice %arg6[%dma_wait3A_165, %dma_wait3A_166] : memref<10240x16xf32, #tpu.memory_space<vmem_shared>> -> memref<10240x16xf32, #tpu.memory_space<vmem_shared>>
      tpu.wait_indirect_dma semaphore(%run_scoped3A : memref<!tpu.dma_semaphore, #tpu.memory_space<semaphore_mem>>) src(%arg4 : memref<80x16xf32, #tpu.memory_space<vmem>>) dst(%dma_wait3A_167 : memref<10240x16xf32, #tpu.memory_space<vmem_shared>>)
      tpu.yield
    }) : () -> ()
    %mul3A_87 = arith.constant 125 : i32
    %mul3A_88 = arith.muli %add3A, %mul3A_87 : i32
    %add3A_89 = arith.constant 120 : i32
    %add3A_90 = arith.addi %mul3A_88, %add3A_89 : i32
    %add3A_91 = arith.constant 4 : i32
    %add3A_92 = arith.addi %add3A_90, %add3A_91 : i32
    %dma_start3A_93 = arith.constant 0 : i32
    %dma_start3A_94 = arith.constant 0 : i32
    %dma_start3A_95 = tpu.memref_slice %arg2[%add3A_92, %dma_start3A_94] : memref<4000x80xi32, #tpu.memory_space<hbm>> -> memref<1x80xi32, #tpu.memory_space<hbm>>
    %dma_start3A_96 = tpu.memref_squeeze %dma_start3A_95 : memref<1x80xi32, #tpu.memory_space<hbm>> -> memref<80xi32, #tpu.memory_space<hbm>>
    %dma_start3A_97 = tpu.memref_slice %arg7[%dma_start3A_93] : memref<4x!tpu.dma_semaphore, #tpu.memory_space<semaphore_mem>> -> memref<1x!tpu.dma_semaphore, #tpu.memory_space<semaphore_mem>>
    %dma_start3A_98 = tpu.memref_squeeze %dma_start3A_97 : memref<1x!tpu.dma_semaphore, #tpu.memory_space<semaphore_mem>> -> memref<!tpu.dma_semaphore, #tpu.memory_space<semaphore_mem>>
    %dma_start3A_99 = arith.constant 0 : i32
    %dma_start3A_100 = tpu.memref_slice %arg2[%add3A_92, %dma_start3A_99] : memref<4000x80xi32, #tpu.memory_space<hbm>> -> memref<1x80xi32, #tpu.memory_space<hbm>>
    %dma_start3A_101 = tpu.memref_squeeze %dma_start3A_100 : memref<1x80xi32, #tpu.memory_space<hbm>> -> memref<80xi32, #tpu.memory_space<hbm>>
    tpu.enqueue_dma source(%dma_start3A_101 : memref<80xi32, #tpu.memory_space<hbm>>) target(%arg9 : memref<80xi32, #tpu.memory_space<vmem>>) target_semaphore(%dma_start3A_98 : memref<!tpu.dma_semaphore, #tpu.memory_space<semaphore_mem>>)
    %mul3A_102 = arith.constant 125 : i32
    %mul3A_103 = arith.muli %add3A, %mul3A_102 : i32
    %add3A_104 = arith.constant 121 : i32
    %add3A_105 = arith.addi %mul3A_103, %add3A_104 : i32
    %dma_wait3A_106 = arith.constant 1 : i32
    %dma_wait3A_107 = arith.constant 0 : i32
    %dma_wait3A_108 = tpu.memref_slice %arg2[%add3A_105, %dma_wait3A_107] : memref<4000x80xi32, #tpu.memory_space<hbm>> -> memref<1x80xi32, #tpu.memory_space<hbm>>
    %dma_wait3A_109 = tpu.memref_squeeze %dma_wait3A_108 : memref<1x80xi32, #tpu.memory_space<hbm>> -> memref<80xi32, #tpu.memory_space<hbm>>
    %dma_wait3A_110 = tpu.memref_slice %arg7[%dma_wait3A_106] : memref<4x!tpu.dma_semaphore, #tpu.memory_space<semaphore_mem>> -> memref<1x!tpu.dma_semaphore, #tpu.memory_space<semaphore_mem>>
    %dma_wait3A_111 = tpu.memref_squeeze %dma_wait3A_110 : memref<1x!tpu.dma_semaphore, #tpu.memory_space<semaphore_mem>> -> memref<!tpu.dma_semaphore, #tpu.memory_space<semaphore_mem>>
    %dma_wait3A_112 = arith.constant 0 : i32
    %dma_wait3A_113 = tpu.memref_slice %arg2[%add3A_105, %dma_wait3A_112] : memref<4000x80xi32, #tpu.memory_space<hbm>> -> memref<1x80xi32, #tpu.memory_space<hbm>>
    %dma_wait3A_114 = tpu.memref_squeeze %dma_wait3A_113 : memref<1x80xi32, #tpu.memory_space<hbm>> -> memref<80xi32, #tpu.memory_space<hbm>>
    tpu.wait_dma2 semaphore(%dma_wait3A_111 : memref<!tpu.dma_semaphore, #tpu.memory_space<semaphore_mem>>) src(%dma_wait3A_114 : memref<80xi32, #tpu.memory_space<hbm>>) dst(%arg10 : memref<80xi32, #tpu.memory_space<vmem>>)
    "tpu.region"() ({
      %run_scoped3A = tpu.sem_alloc : memref<!tpu.dma_semaphore, #tpu.memory_space<semaphore_mem>>
      %dma_start3A_162 = arith.constant 0 : i32
      %dma_start3A_163 = arith.constant 0 : i32
      %dma_start3A_164 = tpu.memref_slice %arg6[%dma_start3A_162, %dma_start3A_163] : memref<10240x16xf32, #tpu.memory_space<vmem_shared>> -> memref<10240x16xf32, #tpu.memory_space<vmem_shared>>
      tpu.enqueue_indirect_dma source(%arg4 : memref<80x16xf32, #tpu.memory_space<vmem>>) target(%dma_start3A_164 : memref<10240x16xf32, #tpu.memory_space<vmem_shared>>) offsets(%arg10 : memref<80xi32, #tpu.memory_space<vmem>>) semaphore(%run_scoped3A : memref<!tpu.dma_semaphore, #tpu.memory_space<semaphore_mem>>) {add = true}
      %dma_wait3A_165 = arith.constant 0 : i32
      %dma_wait3A_166 = arith.constant 0 : i32
      %dma_wait3A_167 = tpu.memref_slice %arg6[%dma_wait3A_165, %dma_wait3A_166] : memref<10240x16xf32, #tpu.memory_space<vmem_shared>> -> memref<10240x16xf32, #tpu.memory_space<vmem_shared>>
      tpu.wait_indirect_dma semaphore(%run_scoped3A : memref<!tpu.dma_semaphore, #tpu.memory_space<semaphore_mem>>) src(%arg4 : memref<80x16xf32, #tpu.memory_space<vmem>>) dst(%dma_wait3A_167 : memref<10240x16xf32, #tpu.memory_space<vmem_shared>>)
      tpu.yield
    }) : () -> ()
    %mul3A_115 = arith.constant 125 : i32
    %mul3A_116 = arith.muli %add3A, %mul3A_115 : i32
    %add3A_117 = arith.constant 122 : i32
    %add3A_118 = arith.addi %mul3A_116, %add3A_117 : i32
    %dma_wait3A_119 = arith.constant 2 : i32
    %dma_wait3A_120 = arith.constant 0 : i32
    %dma_wait3A_121 = tpu.memref_slice %arg2[%add3A_118, %dma_wait3A_120] : memref<4000x80xi32, #tpu.memory_space<hbm>> -> memref<1x80xi32, #tpu.memory_space<hbm>>
    %dma_wait3A_122 = tpu.memref_squeeze %dma_wait3A_121 : memref<1x80xi32, #tpu.memory_space<hbm>> -> memref<80xi32, #tpu.memory_space<hbm>>
    %dma_wait3A_123 = tpu.memref_slice %arg7[%dma_wait3A_119] : memref<4x!tpu.dma_semaphore, #tpu.memory_space<semaphore_mem>> -> memref<1x!tpu.dma_semaphore, #tpu.memory_space<semaphore_mem>>
    %dma_wait3A_124 = tpu.memref_squeeze %dma_wait3A_123 : memref<1x!tpu.dma_semaphore, #tpu.memory_space<semaphore_mem>> -> memref<!tpu.dma_semaphore, #tpu.memory_space<semaphore_mem>>
    %dma_wait3A_125 = arith.constant 0 : i32
    %dma_wait3A_126 = tpu.memref_slice %arg2[%add3A_118, %dma_wait3A_125] : memref<4000x80xi32, #tpu.memory_space<hbm>> -> memref<1x80xi32, #tpu.memory_space<hbm>>
    %dma_wait3A_127 = tpu.memref_squeeze %dma_wait3A_126 : memref<1x80xi32, #tpu.memory_space<hbm>> -> memref<80xi32, #tpu.memory_space<hbm>>
    tpu.wait_dma2 semaphore(%dma_wait3A_124 : memref<!tpu.dma_semaphore, #tpu.memory_space<semaphore_mem>>) src(%dma_wait3A_127 : memref<80xi32, #tpu.memory_space<hbm>>) dst(%arg11 : memref<80xi32, #tpu.memory_space<vmem>>)
    "tpu.region"() ({
      %run_scoped3A = tpu.sem_alloc : memref<!tpu.dma_semaphore, #tpu.memory_space<semaphore_mem>>
      %dma_start3A_162 = arith.constant 0 : i32
      %dma_start3A_163 = arith.constant 0 : i32
      %dma_start3A_164 = tpu.memref_slice %arg6[%dma_start3A_162, %dma_start3A_163] : memref<10240x16xf32, #tpu.memory_space<vmem_shared>> -> memref<10240x16xf32, #tpu.memory_space<vmem_shared>>
      tpu.enqueue_indirect_dma source(%arg4 : memref<80x16xf32, #tpu.memory_space<vmem>>) target(%dma_start3A_164 : memref<10240x16xf32, #tpu.memory_space<vmem_shared>>) offsets(%arg11 : memref<80xi32, #tpu.memory_space<vmem>>) semaphore(%run_scoped3A : memref<!tpu.dma_semaphore, #tpu.memory_space<semaphore_mem>>) {add = true}
      %dma_wait3A_165 = arith.constant 0 : i32
      %dma_wait3A_166 = arith.constant 0 : i32
      %dma_wait3A_167 = tpu.memref_slice %arg6[%dma_wait3A_165, %dma_wait3A_166] : memref<10240x16xf32, #tpu.memory_space<vmem_shared>> -> memref<10240x16xf32, #tpu.memory_space<vmem_shared>>
      tpu.wait_indirect_dma semaphore(%run_scoped3A : memref<!tpu.dma_semaphore, #tpu.memory_space<semaphore_mem>>) src(%arg4 : memref<80x16xf32, #tpu.memory_space<vmem>>) dst(%dma_wait3A_167 : memref<10240x16xf32, #tpu.memory_space<vmem_shared>>)
      tpu.yield
    }) : () -> ()
    %mul3A_128 = arith.constant 125 : i32
    %mul3A_129 = arith.muli %add3A, %mul3A_128 : i32
    %add3A_130 = arith.constant 123 : i32
    %add3A_131 = arith.addi %mul3A_129, %add3A_130 : i32
    %dma_wait3A_132 = arith.constant 3 : i32
    %dma_wait3A_133 = arith.constant 0 : i32
    %dma_wait3A_134 = tpu.memref_slice %arg2[%add3A_131, %dma_wait3A_133] : memref<4000x80xi32, #tpu.memory_space<hbm>> -> memref<1x80xi32, #tpu.memory_space<hbm>>
    %dma_wait3A_135 = tpu.memref_squeeze %dma_wait3A_134 : memref<1x80xi32, #tpu.memory_space<hbm>> -> memref<80xi32, #tpu.memory_space<hbm>>
    %dma_wait3A_136 = tpu.memref_slice %arg7[%dma_wait3A_132] : memref<4x!tpu.dma_semaphore, #tpu.memory_space<semaphore_mem>> -> memref<1x!tpu.dma_semaphore, #tpu.memory_space<semaphore_mem>>
    %dma_wait3A_137 = tpu.memref_squeeze %dma_wait3A_136 : memref<1x!tpu.dma_semaphore, #tpu.memory_space<semaphore_mem>> -> memref<!tpu.dma_semaphore, #tpu.memory_space<semaphore_mem>>
    %dma_wait3A_138 = arith.constant 0 : i32
    %dma_wait3A_139 = tpu.memref_slice %arg2[%add3A_131, %dma_wait3A_138] : memref<4000x80xi32, #tpu.memory_space<hbm>> -> memref<1x80xi32, #tpu.memory_space<hbm>>
    %dma_wait3A_140 = tpu.memref_squeeze %dma_wait3A_139 : memref<1x80xi32, #tpu.memory_space<hbm>> -> memref<80xi32, #tpu.memory_space<hbm>>
    tpu.wait_dma2 semaphore(%dma_wait3A_137 : memref<!tpu.dma_semaphore, #tpu.memory_space<semaphore_mem>>) src(%dma_wait3A_140 : memref<80xi32, #tpu.memory_space<hbm>>) dst(%arg12 : memref<80xi32, #tpu.memory_space<vmem>>)
    "tpu.region"() ({
      %run_scoped3A = tpu.sem_alloc : memref<!tpu.dma_semaphore, #tpu.memory_space<semaphore_mem>>
      %dma_start3A_162 = arith.constant 0 : i32
      %dma_start3A_163 = arith.constant 0 : i32
      %dma_start3A_164 = tpu.memref_slice %arg6[%dma_start3A_162, %dma_start3A_163] : memref<10240x16xf32, #tpu.memory_space<vmem_shared>> -> memref<10240x16xf32, #tpu.memory_space<vmem_shared>>
      tpu.enqueue_indirect_dma source(%arg4 : memref<80x16xf32, #tpu.memory_space<vmem>>) target(%dma_start3A_164 : memref<10240x16xf32, #tpu.memory_space<vmem_shared>>) offsets(%arg12 : memref<80xi32, #tpu.memory_space<vmem>>) semaphore(%run_scoped3A : memref<!tpu.dma_semaphore, #tpu.memory_space<semaphore_mem>>) {add = true}
      %dma_wait3A_165 = arith.constant 0 : i32
      %dma_wait3A_166 = arith.constant 0 : i32
      %dma_wait3A_167 = tpu.memref_slice %arg6[%dma_wait3A_165, %dma_wait3A_166] : memref<10240x16xf32, #tpu.memory_space<vmem_shared>> -> memref<10240x16xf32, #tpu.memory_space<vmem_shared>>
      tpu.wait_indirect_dma semaphore(%run_scoped3A : memref<!tpu.dma_semaphore, #tpu.memory_space<semaphore_mem>>) src(%arg4 : memref<80x16xf32, #tpu.memory_space<vmem>>) dst(%dma_wait3A_167 : memref<10240x16xf32, #tpu.memory_space<vmem_shared>>)
      tpu.yield
    }) : () -> ()
    %mul3A_141 = arith.constant 125 : i32
    %mul3A_142 = arith.muli %add3A, %mul3A_141 : i32
    %add3A_143 = arith.constant 124 : i32
    %add3A_144 = arith.addi %mul3A_142, %add3A_143 : i32
    %dma_wait3A_145 = arith.constant 0 : i32
    %dma_wait3A_146 = arith.constant 0 : i32
    %dma_wait3A_147 = tpu.memref_slice %arg2[%add3A_144, %dma_wait3A_146] : memref<4000x80xi32, #tpu.memory_space<hbm>> -> memref<1x80xi32, #tpu.memory_space<hbm>>
    %dma_wait3A_148 = tpu.memref_squeeze %dma_wait3A_147 : memref<1x80xi32, #tpu.memory_space<hbm>> -> memref<80xi32, #tpu.memory_space<hbm>>
    %dma_wait3A_149 = tpu.memref_slice %arg7[%dma_wait3A_145] : memref<4x!tpu.dma_semaphore, #tpu.memory_space<semaphore_mem>> -> memref<1x!tpu.dma_semaphore, #tpu.memory_space<semaphore_mem>>
    %dma_wait3A_150 = tpu.memref_squeeze %dma_wait3A_149 : memref<1x!tpu.dma_semaphore, #tpu.memory_space<semaphore_mem>> -> memref<!tpu.dma_semaphore, #tpu.memory_space<semaphore_mem>>
    %dma_wait3A_151 = arith.constant 0 : i32
    %dma_wait3A_152 = tpu.memref_slice %arg2[%add3A_144, %dma_wait3A_151] : memref<4000x80xi32, #tpu.memory_space<hbm>> -> memref<1x80xi32, #tpu.memory_space<hbm>>
    %dma_wait3A_153 = tpu.memref_squeeze %dma_wait3A_152 : memref<1x80xi32, #tpu.memory_space<hbm>> -> memref<80xi32, #tpu.memory_space<hbm>>
    tpu.wait_dma2 semaphore(%dma_wait3A_150 : memref<!tpu.dma_semaphore, #tpu.memory_space<semaphore_mem>>) src(%dma_wait3A_153 : memref<80xi32, #tpu.memory_space<hbm>>) dst(%arg9 : memref<80xi32, #tpu.memory_space<vmem>>)
    "tpu.region"() ({
      %run_scoped3A = tpu.sem_alloc : memref<!tpu.dma_semaphore, #tpu.memory_space<semaphore_mem>>
      %dma_start3A_162 = arith.constant 0 : i32
      %dma_start3A_163 = arith.constant 0 : i32
      %dma_start3A_164 = tpu.memref_slice %arg6[%dma_start3A_162, %dma_start3A_163] : memref<10240x16xf32, #tpu.memory_space<vmem_shared>> -> memref<10240x16xf32, #tpu.memory_space<vmem_shared>>
      tpu.enqueue_indirect_dma source(%arg4 : memref<80x16xf32, #tpu.memory_space<vmem>>) target(%dma_start3A_164 : memref<10240x16xf32, #tpu.memory_space<vmem_shared>>) offsets(%arg9 : memref<80xi32, #tpu.memory_space<vmem>>) semaphore(%run_scoped3A : memref<!tpu.dma_semaphore, #tpu.memory_space<semaphore_mem>>) {add = true}
      %dma_wait3A_165 = arith.constant 0 : i32
      %dma_wait3A_166 = arith.constant 0 : i32
      %dma_wait3A_167 = tpu.memref_slice %arg6[%dma_wait3A_165, %dma_wait3A_166] : memref<10240x16xf32, #tpu.memory_space<vmem_shared>> -> memref<10240x16xf32, #tpu.memory_space<vmem_shared>>
      tpu.wait_indirect_dma semaphore(%run_scoped3A : memref<!tpu.dma_semaphore, #tpu.memory_space<semaphore_mem>>) src(%arg4 : memref<80x16xf32, #tpu.memory_space<vmem>>) dst(%dma_wait3A_167 : memref<10240x16xf32, #tpu.memory_space<vmem_shared>>)
      tpu.yield
    }) : () -> ()
    %barrier3A_154 = arith.constant 0 : index
    tpu.barrier barrier_id(%barrier3A_154)
    %mul3A_155 = arith.constant 640 : i32
    %mul3A_156 = arith.muli %arg1, %mul3A_155 : i32
    %mul3A_157 = arith.constant 10240 : i32
    %mul3A_158 = arith.muli %arg0, %mul3A_157 : i32
    %mul3A_159 = arith.constant 640 : i32
    %mul3A_160 = arith.muli %arg1, %mul3A_159 : i32
    %add3A_161 = arith.addi %mul3A_158, %mul3A_160 : i32
    "tpu.region"() ({
      %run_scoped3A = tpu.sem_alloc : memref<!tpu.dma_semaphore, #tpu.memory_space<semaphore_mem>>
      %dma_start3A_162 = arith.constant 0 : i32
      %dma_start3A_163 = tpu.memref_slice %arg3[%add3A_161, %dma_start3A_162] : memref<20480x16xf32, #tpu.memory_space<hbm>> -> memref<640x16xf32, #tpu.memory_space<hbm>>
      %dma_start3A_164 = arith.constant 0 : i32
      %dma_start3A_165 = tpu.memref_slice %arg6[%mul3A_156, %dma_start3A_164] : memref<10240x16xf32, #tpu.memory_space<vmem_shared>> -> memref<640x16xf32, #tpu.memory_space<vmem_shared>>
      tpu.enqueue_dma source(%dma_start3A_165 : memref<640x16xf32, #tpu.memory_space<vmem_shared>>) target(%dma_start3A_163 : memref<640x16xf32, #tpu.memory_space<hbm>>) target_semaphore(%run_scoped3A : memref<!tpu.dma_semaphore, #tpu.memory_space<semaphore_mem>>)
      %dma_wait3A_166 = arith.constant 0 : i32
      %dma_wait3A_167 = tpu.memref_slice %arg3[%add3A_161, %dma_wait3A_166] : memref<20480x16xf32, #tpu.memory_space<hbm>> -> memref<640x16xf32, #tpu.memory_space<hbm>>
      %dma_wait3A_168 = arith.constant 0 : i32
      %dma_wait3A_169 = tpu.memref_slice %arg6[%mul3A_156, %dma_wait3A_168] : memref<10240x16xf32, #tpu.memory_space<vmem_shared>> -> memref<640x16xf32, #tpu.memory_space<vmem_shared>>
      tpu.wait_dma2 semaphore(%run_scoped3A : memref<!tpu.dma_semaphore, #tpu.memory_space<semaphore_mem>>) src(%dma_wait3A_169 : memref<640x16xf32, #tpu.memory_space<vmem_shared>>) dst(%dma_wait3A_167 : memref<640x16xf32, #tpu.memory_space<hbm>>)
      tpu.yield
    }) : () -> ()
    return
  }
}

#map = affine_map<(d0, d1) -> (0, 0)>
#map1 = affine_map<(d0, d1) -> (0, 0, 0)>
module attributes {stable_mosaic.version = 14 : i64} {
  func.func @_sc_agg(%arg0: i32, %arg1: i32, %arg2: memref<20480x64xf32, #tpu.memory_space<hbm>>, %arg3: memref<32x160x125xi32, #tpu.memory_space<hbm>>, %arg4: memref<2560x125xi32, #tpu.memory_space<hbm>>, %arg5: memref<10240x128xf32, #tpu.memory_space<hbm>>, %arg6: memref<160x125xi32, #tpu.memory_space<vmem>>, %arg7: memref<4x125x64xf32, #tpu.memory_space<vmem>>, %arg8: memref<10240x64xf32, #tpu.memory_space<vmem_shared>>, %arg9: memref<4x!tpu.dma_semaphore, #tpu.memory_space<semaphore_mem>>, %arg10: memref<4x!tpu.dma_semaphore, #tpu.memory_space<semaphore_mem>>, %arg11: memref<4x!tpu.dma_semaphore, #tpu.memory_space<semaphore_mem>>, %arg12: memref<125xi32, #tpu.memory_space<vmem>>, %arg13: memref<125xi32, #tpu.memory_space<vmem>>, %arg14: memref<125xi32, #tpu.memory_space<vmem>>, %arg15: memref<125xi32, #tpu.memory_space<vmem>>) attributes {dimension_semantics = [#tpu.dimension_semantics<core_parallel>, #tpu.dimension_semantics<subcore_parallel>], iteration_bounds = array<i64: 2, 16>, scalar_prefetch = 0 : i64, scratch_operands = 10 : i64, tpu.core_type = #tpu.core_type<sc_vector_subcore>, window_params = [{transform_indices = #map}, {transform_indices = #map1}, {transform_indices = #map}, {transform_indices = #map}]} {
    %mul3A = arith.constant 16 : i32
    %mul3A_0 = arith.muli %arg0, %mul3A : i32
    %add3A = arith.addi %mul3A_0, %arg1 : i32
    "tpu.region"() ({
      %run_scoped3A_254 = tpu.sem_alloc : memref<!tpu.dma_semaphore, #tpu.memory_space<semaphore_mem>>
      %dma_start3A_255 = arith.constant 0 : i32
      %dma_start3A_256 = arith.constant 0 : i32
      %dma_start3A_257 = tpu.memref_slice %arg3[%add3A, %dma_start3A_255, %dma_start3A_256] : memref<32x160x125xi32, #tpu.memory_space<hbm>> -> memref<1x160x125xi32, #tpu.memory_space<hbm>>
      %dma_start3A_258 = tpu.memref_squeeze %dma_start3A_257 : memref<1x160x125xi32, #tpu.memory_space<hbm>> -> memref<160x125xi32, #tpu.memory_space<hbm>>
      %dma_start3A_259 = arith.constant 0 : i32
      %dma_start3A_260 = arith.constant 0 : i32
      %dma_start3A_261 = tpu.memref_slice %arg3[%add3A, %dma_start3A_259, %dma_start3A_260] : memref<32x160x125xi32, #tpu.memory_space<hbm>> -> memref<1x160x125xi32, #tpu.memory_space<hbm>>
      %dma_start3A_262 = tpu.memref_squeeze %dma_start3A_261 : memref<1x160x125xi32, #tpu.memory_space<hbm>> -> memref<160x125xi32, #tpu.memory_space<hbm>>
      tpu.enqueue_dma source(%dma_start3A_262 : memref<160x125xi32, #tpu.memory_space<hbm>>) target(%arg6 : memref<160x125xi32, #tpu.memory_space<vmem>>) target_semaphore(%run_scoped3A_254 : memref<!tpu.dma_semaphore, #tpu.memory_space<semaphore_mem>>)
      %dma_wait3A_263 = arith.constant 0 : i32
      %dma_wait3A_264 = arith.constant 0 : i32
      %dma_wait3A_265 = tpu.memref_slice %arg3[%add3A, %dma_wait3A_263, %dma_wait3A_264] : memref<32x160x125xi32, #tpu.memory_space<hbm>> -> memref<1x160x125xi32, #tpu.memory_space<hbm>>
      %dma_wait3A_266 = tpu.memref_squeeze %dma_wait3A_265 : memref<1x160x125xi32, #tpu.memory_space<hbm>> -> memref<160x125xi32, #tpu.memory_space<hbm>>
      %dma_wait3A_267 = arith.constant 0 : i32
      %dma_wait3A_268 = arith.constant 0 : i32
      %dma_wait3A_269 = tpu.memref_slice %arg3[%add3A, %dma_wait3A_267, %dma_wait3A_268] : memref<32x160x125xi32, #tpu.memory_space<hbm>> -> memref<1x160x125xi32, #tpu.memory_space<hbm>>
      %dma_wait3A_270 = tpu.memref_squeeze %dma_wait3A_269 : memref<1x160x125xi32, #tpu.memory_space<hbm>> -> memref<160x125xi32, #tpu.memory_space<hbm>>
      tpu.wait_dma2 semaphore(%run_scoped3A_254 : memref<!tpu.dma_semaphore, #tpu.memory_space<semaphore_mem>>) src(%dma_wait3A_270 : memref<160x125xi32, #tpu.memory_space<hbm>>) dst(%arg6 : memref<160x125xi32, #tpu.memory_space<vmem>>)
      tpu.yield
    }) : () -> ()
    %broadcast_in_dim3A = arith.constant 0.000000e+00 : f32
    %broadcast_in_dim3A_1 = vector.broadcast %broadcast_in_dim3A : f32 to vector<16xf32>
    %scan3A = arith.constant 0 : i32
    %scan3A_2 = arith.constant 0 : i32
    %scan3A_3 = arith.constant 80 : i32
    %scan3A_4 = arith.addi %scan3A_2, %scan3A_3 : i32
    %scan3A_5 = arith.constant 1 : i32
    %scan3A_6 = scf.for %scan3A_254 = %scan3A_2 to %scan3A_4 step %scan3A_5 iter_args(%scan3A_255 = %scan3A) -> (i32)  : i32 {
      %swap3A = arith.constant 0 : i32
      %swap3A_256 = arith.index_cast %swap3A : i32 to index
      %swap3A_257 = arith.index_cast %scan3A_254 : i32 to index
      %swap3A_258 = arith.constant 0 : index
      %swap3A_259 = tpu.vector_load %arg7[%swap3A_256, %swap3A_257, %swap3A_258] {strides = array<i32>} : memref<4x125x64xf32, #tpu.memory_space<vmem>>, vector<1x1x16xf32>,
      %swap3A_260 = vector.shape_cast %swap3A_259 : vector<1x1x16xf32> to vector<16xf32>
      %swap3A_261 = vector.shape_cast %broadcast_in_dim3A_1 : vector<16xf32> to vector<1x1x16xf32>
      tpu.vector_store %arg7[%swap3A_256, %swap3A_257, %swap3A_258], %swap3A_261 {strides = array<i32>} : memref<4x125x64xf32, #tpu.memory_space<vmem>>, vector<1x1x16xf32>,
      %swap3A_262 = arith.constant 0 : i32
      %swap3A_263 = arith.index_cast %swap3A_262 : i32 to index
      %swap3A_264 = arith.index_cast %scan3A_254 : i32 to index
      %swap3A_265 = arith.constant 16 : index
      %swap3A_266 = tpu.vector_load %arg7[%swap3A_263, %swap3A_264, %swap3A_265] {strides = array<i32>} : memref<4x125x64xf32, #tpu.memory_space<vmem>>, vector<1x1x16xf32>,
      %swap3A_267 = vector.shape_cast %swap3A_266 : vector<1x1x16xf32> to vector<16xf32>
      %swap3A_268 = vector.shape_cast %broadcast_in_dim3A_1 : vector<16xf32> to vector<1x1x16xf32>
      tpu.vector_store %arg7[%swap3A_263, %swap3A_264, %swap3A_265], %swap3A_268 {strides = array<i32>} : memref<4x125x64xf32, #tpu.memory_space<vmem>>, vector<1x1x16xf32>,
      %swap3A_269 = arith.constant 0 : i32
      %swap3A_270 = arith.index_cast %swap3A_269 : i32 to index
      %swap3A_271 = arith.index_cast %scan3A_254 : i32 to index
      %swap3A_272 = arith.constant 32 : index
      %swap3A_273 = tpu.vector_load %arg7[%swap3A_270, %swap3A_271, %swap3A_272] {strides = array<i32>} : memref<4x125x64xf32, #tpu.memory_space<vmem>>, vector<1x1x16xf32>,
      %swap3A_274 = vector.shape_cast %swap3A_273 : vector<1x1x16xf32> to vector<16xf32>
      %swap3A_275 = vector.shape_cast %broadcast_in_dim3A_1 : vector<16xf32> to vector<1x1x16xf32>
      tpu.vector_store %arg7[%swap3A_270, %swap3A_271, %swap3A_272], %swap3A_275 {strides = array<i32>} : memref<4x125x64xf32, #tpu.memory_space<vmem>>, vector<1x1x16xf32>,
      %swap3A_276 = arith.constant 0 : i32
      %swap3A_277 = arith.index_cast %swap3A_276 : i32 to index
      %swap3A_278 = arith.index_cast %scan3A_254 : i32 to index
      %swap3A_279 = arith.constant 48 : index
      %swap3A_280 = tpu.vector_load %arg7[%swap3A_277, %swap3A_278, %swap3A_279] {strides = array<i32>} : memref<4x125x64xf32, #tpu.memory_space<vmem>>, vector<1x1x16xf32>,
      %swap3A_281 = vector.shape_cast %swap3A_280 : vector<1x1x16xf32> to vector<16xf32>
      %swap3A_282 = vector.shape_cast %broadcast_in_dim3A_1 : vector<16xf32> to vector<1x1x16xf32>
      tpu.vector_store %arg7[%swap3A_277, %swap3A_278, %swap3A_279], %swap3A_282 {strides = array<i32>} : memref<4x125x64xf32, #tpu.memory_space<vmem>>, vector<1x1x16xf32>,
      %scan3A_283 = arith.constant 0 : i32
      scf.yield %scan3A_283 : i32
    }
    %scan3A_7 = arith.constant 80 : i32
    %scan3A_8 = arith.constant 0 : i32
    %scan3A_9 = arith.constant 0 : i32
    %scan3A_10 = arith.constant 8 : i32
    %scan3A_11 = arith.addi %scan3A_9, %scan3A_10 : i32
    %scan3A_12 = arith.constant 1 : i32
    %scan3A_13 = scf.for %scan3A_254 = %scan3A_9 to %scan3A_11 step %scan3A_12 iter_args(%scan3A_255 = %scan3A_8) -> (i32)  : i32 {
      %mul3A_256 = arith.constant 640 : i32
      %mul3A_257 = arith.muli %arg1, %mul3A_256 : i32
      %mul3A_258 = arith.constant 80 : i32
      %mul3A_259 = arith.muli %scan3A_254, %mul3A_258 : i32
      %add3A_260 = arith.addi %mul3A_257, %mul3A_259 : i32
      %run_scoped3A_261 = arith.constant 0 : i32
      "tpu.region"() ({
        %run_scoped3A_263 = tpu.sem_alloc : memref<!tpu.dma_semaphore, #tpu.memory_space<semaphore_mem>>
        %dma_start3A_264 = arith.constant 0 : i32
        %dma_start3A_265 = arith.constant 0 : i32
        %dma_start3A_266 = tpu.memref_slice %arg7[%run_scoped3A_261, %dma_start3A_264, %dma_start3A_265] : memref<4x125x64xf32, #tpu.memory_space<vmem>> -> memref<1x80x64xf32, #tpu.memory_space<vmem>>
        %dma_start3A_267 = tpu.memref_squeeze %dma_start3A_266 : memref<1x80x64xf32, #tpu.memory_space<vmem>> -> memref<80x64xf32, #tpu.memory_space<vmem>>
        %dma_start3A_268 = arith.constant 0 : i32
        %dma_start3A_269 = tpu.memref_slice %arg8[%add3A_260, %dma_start3A_268] : memref<10240x64xf32, #tpu.memory_space<vmem_shared>> -> memref<80x64xf32, #tpu.memory_space<vmem_shared>>
        %dma_start3A_270 = arith.constant 0 : i32
        %dma_start3A_271 = tpu.memref_slice %arg8[%add3A_260, %dma_start3A_270] : memref<10240x64xf32, #tpu.memory_space<vmem_shared>> -> memref<80x64xf32, #tpu.memory_space<vmem_shared>>
        %dma_start3A_272 = arith.constant 0 : i32
        %dma_start3A_273 = arith.constant 0 : i32
        %dma_start3A_274 = tpu.memref_slice %arg7[%run_scoped3A_261, %dma_start3A_272, %dma_start3A_273] : memref<4x125x64xf32, #tpu.memory_space<vmem>> -> memref<1x80x64xf32, #tpu.memory_space<vmem>>
        %dma_start3A_275 = tpu.memref_squeeze %dma_start3A_274 : memref<1x80x64xf32, #tpu.memory_space<vmem>> -> memref<80x64xf32, #tpu.memory_space<vmem>>
        tpu.enqueue_dma source(%dma_start3A_275 : memref<80x64xf32, #tpu.memory_space<vmem>>) target(%dma_start3A_271 : memref<80x64xf32, #tpu.memory_space<vmem_shared>>) target_semaphore(%run_scoped3A_263 : memref<!tpu.dma_semaphore, #tpu.memory_space<semaphore_mem>>)
        %dma_wait3A_276 = arith.constant 0 : i32
        %dma_wait3A_277 = arith.constant 0 : i32
        %dma_wait3A_278 = tpu.memref_slice %arg7[%run_scoped3A_261, %dma_wait3A_276, %dma_wait3A_277] : memref<4x125x64xf32, #tpu.memory_space<vmem>> -> memref<1x80x64xf32, #tpu.memory_space<vmem>>
        %dma_wait3A_279 = tpu.memref_squeeze %dma_wait3A_278 : memref<1x80x64xf32, #tpu.memory_space<vmem>> -> memref<80x64xf32, #tpu.memory_space<vmem>>
        %dma_wait3A_280 = arith.constant 0 : i32
        %dma_wait3A_281 = tpu.memref_slice %arg8[%add3A_260, %dma_wait3A_280] : memref<10240x64xf32, #tpu.memory_space<vmem_shared>> -> memref<80x64xf32, #tpu.memory_space<vmem_shared>>
        %dma_wait3A_282 = arith.constant 0 : i32
        %dma_wait3A_283 = tpu.memref_slice %arg8[%add3A_260, %dma_wait3A_282] : memref<10240x64xf32, #tpu.memory_space<vmem_shared>> -> memref<80x64xf32, #tpu.memory_space<vmem_shared>>
        %dma_wait3A_284 = arith.constant 0 : i32
        %dma_wait3A_285 = arith.constant 0 : i32
        %dma_wait3A_286 = tpu.memref_slice %arg7[%run_scoped3A_261, %dma_wait3A_284, %dma_wait3A_285] : memref<4x125x64xf32, #tpu.memory_space<vmem>> -> memref<1x80x64xf32, #tpu.memory_space<vmem>>
        %dma_wait3A_287 = tpu.memref_squeeze %dma_wait3A_286 : memref<1x80x64xf32, #tpu.memory_space<vmem>> -> memref<80x64xf32, #tpu.memory_space<vmem>>
        tpu.wait_dma2 semaphore(%run_scoped3A_263 : memref<!tpu.dma_semaphore, #tpu.memory_space<semaphore_mem>>) src(%dma_wait3A_287 : memref<80x64xf32, #tpu.memory_space<vmem>>) dst(%dma_wait3A_283 : memref<80x64xf32, #tpu.memory_space<vmem_shared>>)
        tpu.yield
      }) : () -> ()
      %scan3A_262 = arith.constant 0 : i32
      scf.yield %scan3A_262 : i32
    }
    %scan3A_14 = arith.constant 8 : i32
    %mul3A_15 = arith.constant 160 : i32
    %mul3A_16 = arith.muli %arg1, %mul3A_15 : i32
    %add3A_17 = arith.constant 0 : i32
    %add3A_18 = arith.addi %mul3A_16, %add3A_17 : i32
    %dma_start3A = arith.constant 0 : i32
    %dma_start3A_19 = arith.constant 0 : i32
    %dma_start3A_20 = tpu.memref_slice %arg4[%add3A_18, %dma_start3A_19] : memref<2560x125xi32, #tpu.memory_space<hbm>> -> memref<1x125xi32, #tpu.memory_space<hbm>>
    %dma_start3A_21 = tpu.memref_squeeze %dma_start3A_20 : memref<1x125xi32, #tpu.memory_space<hbm>> -> memref<125xi32, #tpu.memory_space<hbm>>
    %dma_start3A_22 = tpu.memref_slice %arg11[%dma_start3A] : memref<4x!tpu.dma_semaphore, #tpu.memory_space<semaphore_mem>> -> memref<1x!tpu.dma_semaphore, #tpu.memory_space<semaphore_mem>>
    %dma_start3A_23 = tpu.memref_squeeze %dma_start3A_22 : memref<1x!tpu.dma_semaphore, #tpu.memory_space<semaphore_mem>> -> memref<!tpu.dma_semaphore, #tpu.memory_space<semaphore_mem>>
    %dma_start3A_24 = arith.constant 0 : i32
    %dma_start3A_25 = tpu.memref_slice %arg4[%add3A_18, %dma_start3A_24] : memref<2560x125xi32, #tpu.memory_space<hbm>> -> memref<1x125xi32, #tpu.memory_space<hbm>>
    %dma_start3A_26 = tpu.memref_squeeze %dma_start3A_25 : memref<1x125xi32, #tpu.memory_space<hbm>> -> memref<125xi32, #tpu.memory_space<hbm>>
    tpu.enqueue_dma source(%dma_start3A_26 : memref<125xi32, #tpu.memory_space<hbm>>) target(%arg12 : memref<125xi32, #tpu.memory_space<vmem>>) target_semaphore(%dma_start3A_23 : memref<!tpu.dma_semaphore, #tpu.memory_space<semaphore_mem>>)
    %dma_start3A_27 = arith.constant 0 : i32
    %dma_start3A_28 = arith.constant 0 : i32
    %dma_start3A_29 = arith.constant 0 : i32
    %dma_start3A_30 = arith.constant 0 : i32
    %dma_start3A_31 = arith.constant 0 : i32
    %dma_start3A_32 = tpu.memref_slice %arg7[%dma_start3A_28, %dma_start3A_30, %dma_start3A_31] : memref<4x125x64xf32, #tpu.memory_space<vmem>> -> memref<1x125x64xf32, #tpu.memory_space<vmem>>
    %dma_start3A_33 = tpu.memref_squeeze %dma_start3A_32 : memref<1x125x64xf32, #tpu.memory_space<vmem>> -> memref<125x64xf32, #tpu.memory_space<vmem>>
    %dma_start3A_34 = arith.constant 0 : i32
    %dma_start3A_35 = tpu.memref_slice %arg6[%dma_start3A_27, %dma_start3A_34] : memref<160x125xi32, #tpu.memory_space<vmem>> -> memref<1x125xi32, #tpu.memory_space<vmem>>
    %dma_start3A_36 = tpu.memref_squeeze %dma_start3A_35 : memref<1x125xi32, #tpu.memory_space<vmem>> -> memref<125xi32, #tpu.memory_space<vmem>>
    %dma_start3A_37 = arith.constant 0 : i32
    %dma_start3A_38 = arith.constant 0 : i32
    %dma_start3A_39 = tpu.memref_slice %arg2[%dma_start3A_37, %dma_start3A_38] : memref<20480x64xf32, #tpu.memory_space<hbm>> -> memref<20480x64xf32, #tpu.memory_space<hbm>>
    %dma_start3A_40 = tpu.memref_slice %arg9[%dma_start3A_29] : memref<4x!tpu.dma_semaphore, #tpu.memory_space<semaphore_mem>> -> memref<1x!tpu.dma_semaphore, #tpu.memory_space<semaphore_mem>>
    %dma_start3A_41 = tpu.memref_squeeze %dma_start3A_40 : memref<1x!tpu.dma_semaphore, #tpu.memory_space<semaphore_mem>> -> memref<!tpu.dma_semaphore, #tpu.memory_space<semaphore_mem>>
    tpu.enqueue_indirect_dma source(%dma_start3A_39 : memref<20480x64xf32, #tpu.memory_space<hbm>>) target(%dma_start3A_33 : memref<125x64xf32, #tpu.memory_space<vmem>>) offsets(%dma_start3A_36 : memref<125xi32, #tpu.memory_space<vmem>>) semaphore(%dma_start3A_41 : memref<!tpu.dma_semaphore, #tpu.memory_space<semaphore_mem>>)
    %mul3A_42 = arith.constant 160 : i32
    %mul3A_43 = arith.muli %arg1, %mul3A_42 : i32
    %add3A_44 = arith.constant 1 : i32
    %add3A_45 = arith.addi %mul3A_43, %add3A_44 : i32
    %dma_start3A_46 = arith.constant 1 : i32
    %dma_start3A_47 = arith.constant 0 : i32
    %dma_start3A_48 = tpu.memref_slice %arg4[%add3A_45, %dma_start3A_47] : memref<2560x125xi32, #tpu.memory_space<hbm>> -> memref<1x125xi32, #tpu.memory_space<hbm>>
    %dma_start3A_49 = tpu.memref_squeeze %dma_start3A_48 : memref<1x125xi32, #tpu.memory_space<hbm>> -> memref<125xi32, #tpu.memory_space<hbm>>
    %dma_start3A_50 = tpu.memref_slice %arg11[%dma_start3A_46] : memref<4x!tpu.dma_semaphore, #tpu.memory_space<semaphore_mem>> -> memref<1x!tpu.dma_semaphore, #tpu.memory_space<semaphore_mem>>
    %dma_start3A_51 = tpu.memref_squeeze %dma_start3A_50 : memref<1x!tpu.dma_semaphore, #tpu.memory_space<semaphore_mem>> -> memref<!tpu.dma_semaphore, #tpu.memory_space<semaphore_mem>>
    %dma_start3A_52 = arith.constant 0 : i32
    %dma_start3A_53 = tpu.memref_slice %arg4[%add3A_45, %dma_start3A_52] : memref<2560x125xi32, #tpu.memory_space<hbm>> -> memref<1x125xi32, #tpu.memory_space<hbm>>
    %dma_start3A_54 = tpu.memref_squeeze %dma_start3A_53 : memref<1x125xi32, #tpu.memory_space<hbm>> -> memref<125xi32, #tpu.memory_space<hbm>>
    tpu.enqueue_dma source(%dma_start3A_54 : memref<125xi32, #tpu.memory_space<hbm>>) target(%arg13 : memref<125xi32, #tpu.memory_space<vmem>>) target_semaphore(%dma_start3A_51 : memref<!tpu.dma_semaphore, #tpu.memory_space<semaphore_mem>>)
    %dma_start3A_55 = arith.constant 1 : i32
    %dma_start3A_56 = arith.constant 1 : i32
    %dma_start3A_57 = arith.constant 1 : i32
    %dma_start3A_58 = arith.constant 0 : i32
    %dma_start3A_59 = arith.constant 0 : i32
    %dma_start3A_60 = tpu.memref_slice %arg7[%dma_start3A_56, %dma_start3A_58, %dma_start3A_59] : memref<4x125x64xf32, #tpu.memory_space<vmem>> -> memref<1x125x64xf32, #tpu.memory_space<vmem>>
    %dma_start3A_61 = tpu.memref_squeeze %dma_start3A_60 : memref<1x125x64xf32, #tpu.memory_space<vmem>> -> memref<125x64xf32, #tpu.memory_space<vmem>>
    %dma_start3A_62 = arith.constant 0 : i32
    %dma_start3A_63 = tpu.memref_slice %arg6[%dma_start3A_55, %dma_start3A_62] : memref<160x125xi32, #tpu.memory_space<vmem>> -> memref<1x125xi32, #tpu.memory_space<vmem>>
    %dma_start3A_64 = tpu.memref_squeeze %dma_start3A_63 : memref<1x125xi32, #tpu.memory_space<vmem>> -> memref<125xi32, #tpu.memory_space<vmem>>
    %dma_start3A_65 = arith.constant 0 : i32
    %dma_start3A_66 = arith.constant 0 : i32
    %dma_start3A_67 = tpu.memref_slice %arg2[%dma_start3A_65, %dma_start3A_66] : memref<20480x64xf32, #tpu.memory_space<hbm>> -> memref<20480x64xf32, #tpu.memory_space<hbm>>
    %dma_start3A_68 = tpu.memref_slice %arg9[%dma_start3A_57] : memref<4x!tpu.dma_semaphore, #tpu.memory_space<semaphore_mem>> -> memref<1x!tpu.dma_semaphore, #tpu.memory_space<semaphore_mem>>
    %dma_start3A_69 = tpu.memref_squeeze %dma_start3A_68 : memref<1x!tpu.dma_semaphore, #tpu.memory_space<semaphore_mem>> -> memref<!tpu.dma_semaphore, #tpu.memory_space<semaphore_mem>>
    tpu.enqueue_indirect_dma source(%dma_start3A_67 : memref<20480x64xf32, #tpu.memory_space<hbm>>) target(%dma_start3A_61 : memref<125x64xf32, #tpu.memory_space<vmem>>) offsets(%dma_start3A_64 : memref<125xi32, #tpu.memory_space<vmem>>) semaphore(%dma_start3A_69 : memref<!tpu.dma_semaphore, #tpu.memory_space<semaphore_mem>>)
    %mul3A_70 = arith.constant 160 : i32
    %mul3A_71 = arith.muli %arg1, %mul3A_70 : i32
    %add3A_72 = arith.constant 2 : i32
    %add3A_73 = arith.addi %mul3A_71, %add3A_72 : i32
    %dma_start3A_74 = arith.constant 2 : i32
    %dma_start3A_75 = arith.constant 0 : i32
    %dma_start3A_76 = tpu.memref_slice %arg4[%add3A_73, %dma_start3A_75] : memref<2560x125xi32, #tpu.memory_space<hbm>> -> memref<1x125xi32, #tpu.memory_space<hbm>>
    %dma_start3A_77 = tpu.memref_squeeze %dma_start3A_76 : memref<1x125xi32, #tpu.memory_space<hbm>> -> memref<125xi32, #tpu.memory_space<hbm>>
    %dma_start3A_78 = tpu.memref_slice %arg11[%dma_start3A_74] : memref<4x!tpu.dma_semaphore, #tpu.memory_space<semaphore_mem>> -> memref<1x!tpu.dma_semaphore, #tpu.memory_space<semaphore_mem>>
    %dma_start3A_79 = tpu.memref_squeeze %dma_start3A_78 : memref<1x!tpu.dma_semaphore, #tpu.memory_space<semaphore_mem>> -> memref<!tpu.dma_semaphore, #tpu.memory_space<semaphore_mem>>
    %dma_start3A_80 = arith.constant 0 : i32
    %dma_start3A_81 = tpu.memref_slice %arg4[%add3A_73, %dma_start3A_80] : memref<2560x125xi32, #tpu.memory_space<hbm>> -> memref<1x125xi32, #tpu.memory_space<hbm>>
    %dma_start3A_82 = tpu.memref_squeeze %dma_start3A_81 : memref<1x125xi32, #tpu.memory_space<hbm>> -> memref<125xi32, #tpu.memory_space<hbm>>
    tpu.enqueue_dma source(%dma_start3A_82 : memref<125xi32, #tpu.memory_space<hbm>>) target(%arg14 : memref<125xi32, #tpu.memory_space<vmem>>) target_semaphore(%dma_start3A_79 : memref<!tpu.dma_semaphore, #tpu.memory_space<semaphore_mem>>)
    %dma_start3A_83 = arith.constant 2 : i32
    %dma_start3A_84 = arith.constant 2 : i32
    %dma_start3A_85 = arith.constant 2 : i32
    %dma_start3A_86 = arith.constant 0 : i32
    %dma_start3A_87 = arith.constant 0 : i32
    %dma_start3A_88 = tpu.memref_slice %arg7[%dma_start3A_84, %dma_start3A_86, %dma_start3A_87] : memref<4x125x64xf32, #tpu.memory_space<vmem>> -> memref<1x125x64xf32, #tpu.memory_space<vmem>>
    %dma_start3A_89 = tpu.memref_squeeze %dma_start3A_88 : memref<1x125x64xf32, #tpu.memory_space<vmem>> -> memref<125x64xf32, #tpu.memory_space<vmem>>
    %dma_start3A_90 = arith.constant 0 : i32
    %dma_start3A_91 = tpu.memref_slice %arg6[%dma_start3A_83, %dma_start3A_90] : memref<160x125xi32, #tpu.memory_space<vmem>> -> memref<1x125xi32, #tpu.memory_space<vmem>>
    %dma_start3A_92 = tpu.memref_squeeze %dma_start3A_91 : memref<1x125xi32, #tpu.memory_space<vmem>> -> memref<125xi32, #tpu.memory_space<vmem>>
    %dma_start3A_93 = arith.constant 0 : i32
    %dma_start3A_94 = arith.constant 0 : i32
    %dma_start3A_95 = tpu.memref_slice %arg2[%dma_start3A_93, %dma_start3A_94] : memref<20480x64xf32, #tpu.memory_space<hbm>> -> memref<20480x64xf32, #tpu.memory_space<hbm>>
    %dma_start3A_96 = tpu.memref_slice %arg9[%dma_start3A_85] : memref<4x!tpu.dma_semaphore, #tpu.memory_space<semaphore_mem>> -> memref<1x!tpu.dma_semaphore, #tpu.memory_space<semaphore_mem>>
    %dma_start3A_97 = tpu.memref_squeeze %dma_start3A_96 : memref<1x!tpu.dma_semaphore, #tpu.memory_space<semaphore_mem>> -> memref<!tpu.dma_semaphore, #tpu.memory_space<semaphore_mem>>
    tpu.enqueue_indirect_dma source(%dma_start3A_95 : memref<20480x64xf32, #tpu.memory_space<hbm>>) target(%dma_start3A_89 : memref<125x64xf32, #tpu.memory_space<vmem>>) offsets(%dma_start3A_92 : memref<125xi32, #tpu.memory_space<vmem>>) semaphore(%dma_start3A_97 : memref<!tpu.dma_semaphore, #tpu.memory_space<semaphore_mem>>)
    %mul3A_98 = arith.constant 160 : i32
    %mul3A_99 = arith.muli %arg1, %mul3A_98 : i32
    %add3A_100 = arith.constant 3 : i32
    %add3A_101 = arith.addi %mul3A_99, %add3A_100 : i32
    %dma_start3A_102 = arith.constant 3 : i32
    %dma_start3A_103 = arith.constant 0 : i32
    %dma_start3A_104 = tpu.memref_slice %arg4[%add3A_101, %dma_start3A_103] : memref<2560x125xi32, #tpu.memory_space<hbm>> -> memref<1x125xi32, #tpu.memory_space<hbm>>
    %dma_start3A_105 = tpu.memref_squeeze %dma_start3A_104 : memref<1x125xi32, #tpu.memory_space<hbm>> -> memref<125xi32, #tpu.memory_space<hbm>>
    %dma_start3A_106 = tpu.memref_slice %arg11[%dma_start3A_102] : memref<4x!tpu.dma_semaphore, #tpu.memory_space<semaphore_mem>> -> memref<1x!tpu.dma_semaphore, #tpu.memory_space<semaphore_mem>>
    %dma_start3A_107 = tpu.memref_squeeze %dma_start3A_106 : memref<1x!tpu.dma_semaphore, #tpu.memory_space<semaphore_mem>> -> memref<!tpu.dma_semaphore, #tpu.memory_space<semaphore_mem>>
    %dma_start3A_108 = arith.constant 0 : i32
    %dma_start3A_109 = tpu.memref_slice %arg4[%add3A_101, %dma_start3A_108] : memref<2560x125xi32, #tpu.memory_space<hbm>> -> memref<1x125xi32, #tpu.memory_space<hbm>>
    %dma_start3A_110 = tpu.memref_squeeze %dma_start3A_109 : memref<1x125xi32, #tpu.memory_space<hbm>> -> memref<125xi32, #tpu.memory_space<hbm>>
    tpu.enqueue_dma source(%dma_start3A_110 : memref<125xi32, #tpu.memory_space<hbm>>) target(%arg15 : memref<125xi32, #tpu.memory_space<vmem>>) target_semaphore(%dma_start3A_107 : memref<!tpu.dma_semaphore, #tpu.memory_space<semaphore_mem>>)
    %dma_start3A_111 = arith.constant 3 : i32
    %dma_start3A_112 = arith.constant 3 : i32
    %dma_start3A_113 = arith.constant 3 : i32
    %dma_start3A_114 = arith.constant 0 : i32
    %dma_start3A_115 = arith.constant 0 : i32
    %dma_start3A_116 = tpu.memref_slice %arg7[%dma_start3A_112, %dma_start3A_114, %dma_start3A_115] : memref<4x125x64xf32, #tpu.memory_space<vmem>> -> memref<1x125x64xf32, #tpu.memory_space<vmem>>
    %dma_start3A_117 = tpu.memref_squeeze %dma_start3A_116 : memref<1x125x64xf32, #tpu.memory_space<vmem>> -> memref<125x64xf32, #tpu.memory_space<vmem>>
    %dma_start3A_118 = arith.constant 0 : i32
    %dma_start3A_119 = tpu.memref_slice %arg6[%dma_start3A_111, %dma_start3A_118] : memref<160x125xi32, #tpu.memory_space<vmem>> -> memref<1x125xi32, #tpu.memory_space<vmem>>
    %dma_start3A_120 = tpu.memref_squeeze %dma_start3A_119 : memref<1x125xi32, #tpu.memory_space<vmem>> -> memref<125xi32, #tpu.memory_space<vmem>>
    %dma_start3A_121 = arith.constant 0 : i32
    %dma_start3A_122 = arith.constant 0 : i32
    %dma_start3A_123 = tpu.memref_slice %arg2[%dma_start3A_121, %dma_start3A_122] : memref<20480x64xf32, #tpu.memory_space<hbm>> -> memref<20480x64xf32, #tpu.memory_space<hbm>>
    %dma_start3A_124 = tpu.memref_slice %arg9[%dma_start3A_113] : memref<4x!tpu.dma_semaphore, #tpu.memory_space<semaphore_mem>> -> memref<1x!tpu.dma_semaphore, #tpu.memory_space<semaphore_mem>>
    %dma_start3A_125 = tpu.memref_squeeze %dma_start3A_124 : memref<1x!tpu.dma_semaphore, #tpu.memory_space<semaphore_mem>> -> memref<!tpu.dma_semaphore, #tpu.memory_space<semaphore_mem>>
    tpu.enqueue_indirect_dma source(%dma_start3A_123 : memref<20480x64xf32, #tpu.memory_space<hbm>>) target(%dma_start3A_117 : memref<125x64xf32, #tpu.memory_space<vmem>>) offsets(%dma_start3A_120 : memref<125xi32, #tpu.memory_space<vmem>>) semaphore(%dma_start3A_125 : memref<!tpu.dma_semaphore, #tpu.memory_space<semaphore_mem>>)
    %barrier3A = arith.constant 0 : index
    tpu.barrier barrier_id(%barrier3A)
    %scan3A_126 = arith.constant 0 : i32
    %scan3A_127 = arith.constant 0 : i32
    %scan3A_128 = arith.constant 39 : i32
    %scan3A_129 = arith.addi %scan3A_127, %scan3A_128 : i32
    %scan3A_130 = arith.constant 1 : i32
    %scan3A_131 = scf.for %scan3A_254 = %scan3A_127 to %scan3A_129 step %scan3A_130 iter_args(%scan3A_255 = %scan3A_126) -> (i32)  : i32 {
      %mul3A_256 = arith.constant 4 : i32
      %mul3A_257 = arith.muli %scan3A_254, %mul3A_256 : i32
      %add3A_258 = arith.constant 0 : i32
      %add3A_259 = arith.addi %mul3A_257, %add3A_258 : i32
      %dma_wait3A_260 = arith.constant 0 : i32
      %dma_wait3A_261 = arith.constant 0 : i32
      %dma_wait3A_262 = arith.constant 0 : i32
      %dma_wait3A_263 = arith.constant 0 : i32
      %dma_wait3A_264 = tpu.memref_slice %arg7[%dma_wait3A_260, %dma_wait3A_262, %dma_wait3A_263] : memref<4x125x64xf32, #tpu.memory_space<vmem>> -> memref<1x125x64xf32, #tpu.memory_space<vmem>>
      %dma_wait3A_265 = tpu.memref_squeeze %dma_wait3A_264 : memref<1x125x64xf32, #tpu.memory_space<vmem>> -> memref<125x64xf32, #tpu.memory_space<vmem>>
      %dma_wait3A_266 = arith.constant 0 : i32
      %dma_wait3A_267 = tpu.memref_slice %arg6[%add3A_259, %dma_wait3A_266] : memref<160x125xi32, #tpu.memory_space<vmem>> -> memref<1x125xi32, #tpu.memory_space<vmem>>
      %dma_wait3A_268 = tpu.memref_squeeze %dma_wait3A_267 : memref<1x125xi32, #tpu.memory_space<vmem>> -> memref<125xi32, #tpu.memory_space<vmem>>
      %dma_wait3A_269 = arith.constant 0 : i32
      %dma_wait3A_270 = arith.constant 0 : i32
      %dma_wait3A_271 = tpu.memref_slice %arg2[%dma_wait3A_269, %dma_wait3A_270] : memref<20480x64xf32, #tpu.memory_space<hbm>> -> memref<20480x64xf32, #tpu.memory_space<hbm>>
      %dma_wait3A_272 = tpu.memref_slice %arg9[%dma_wait3A_261] : memref<4x!tpu.dma_semaphore, #tpu.memory_space<semaphore_mem>> -> memref<1x!tpu.dma_semaphore, #tpu.memory_space<semaphore_mem>>
      %dma_wait3A_273 = tpu.memref_squeeze %dma_wait3A_272 : memref<1x!tpu.dma_semaphore, #tpu.memory_space<semaphore_mem>> -> memref<!tpu.dma_semaphore, #tpu.memory_space<semaphore_mem>>
      tpu.wait_indirect_dma semaphore(%dma_wait3A_273 : memref<!tpu.dma_semaphore, #tpu.memory_space<semaphore_mem>>) src(%dma_wait3A_271 : memref<20480x64xf32, #tpu.memory_space<hbm>>) dst(%dma_wait3A_265 : memref<125x64xf32, #tpu.memory_space<vmem>>)
      %mul3A_274 = arith.constant 160 : i32
      %mul3A_275 = arith.muli %arg1, %mul3A_274 : i32
      %add3A_276 = arith.addi %mul3A_275, %add3A_259 : i32
      %dma_wait3A_277 = arith.constant 0 : i32
      %dma_wait3A_278 = arith.constant 0 : i32
      %dma_wait3A_279 = tpu.memref_slice %arg4[%add3A_276, %dma_wait3A_278] : memref<2560x125xi32, #tpu.memory_space<hbm>> -> memref<1x125xi32, #tpu.memory_space<hbm>>
      %dma_wait3A_280 = tpu.memref_squeeze %dma_wait3A_279 : memref<1x125xi32, #tpu.memory_space<hbm>> -> memref<125xi32, #tpu.memory_space<hbm>>
      %dma_wait3A_281 = tpu.memref_slice %arg11[%dma_wait3A_277] : memref<4x!tpu.dma_semaphore, #tpu.memory_space<semaphore_mem>> -> memref<1x!tpu.dma_semaphore, #tpu.memory_space<semaphore_mem>>
      %dma_wait3A_282 = tpu.memref_squeeze %dma_wait3A_281 : memref<1x!tpu.dma_semaphore, #tpu.memory_space<semaphore_mem>> -> memref<!tpu.dma_semaphore, #tpu.memory_space<semaphore_mem>>
      %dma_wait3A_283 = arith.constant 0 : i32
      %dma_wait3A_284 = tpu.memref_slice %arg4[%add3A_276, %dma_wait3A_283] : memref<2560x125xi32, #tpu.memory_space<hbm>> -> memref<1x125xi32, #tpu.memory_space<hbm>>
      %dma_wait3A_285 = tpu.memref_squeeze %dma_wait3A_284 : memref<1x125xi32, #tpu.memory_space<hbm>> -> memref<125xi32, #tpu.memory_space<hbm>>
      tpu.wait_dma2 semaphore(%dma_wait3A_282 : memref<!tpu.dma_semaphore, #tpu.memory_space<semaphore_mem>>) src(%dma_wait3A_285 : memref<125xi32, #tpu.memory_space<hbm>>) dst(%arg12 : memref<125xi32, #tpu.memory_space<vmem>>)
      %dma_start3A_286 = arith.constant 0 : i32
      %dma_start3A_287 = arith.constant 0 : i32
      %dma_start3A_288 = arith.constant 0 : i32
      %dma_start3A_289 = arith.constant 0 : i32
      %dma_start3A_290 = tpu.memref_slice %arg7[%dma_start3A_286, %dma_start3A_288, %dma_start3A_289] : memref<4x125x64xf32, #tpu.memory_space<vmem>> -> memref<1x125x64xf32, #tpu.memory_space<vmem>>
      %dma_start3A_291 = tpu.memref_squeeze %dma_start3A_290 : memref<1x125x64xf32, #tpu.memory_space<vmem>> -> memref<125x64xf32, #tpu.memory_space<vmem>>
      %dma_start3A_292 = arith.constant 0 : i32
      %dma_start3A_293 = arith.constant 0 : i32
      %dma_start3A_294 = tpu.memref_slice %arg8[%dma_start3A_292, %dma_start3A_293] : memref<10240x64xf32, #tpu.memory_space<vmem_shared>> -> memref<10240x64xf32, #tpu.memory_space<vmem_shared>>
      %dma_start3A_295 = tpu.memref_slice %arg10[%dma_start3A_287] : memref<4x!tpu.dma_semaphore, #tpu.memory_space<semaphore_mem>> -> memref<1x!tpu.dma_semaphore, #tpu.memory_space<semaphore_mem>>
      %dma_start3A_296 = tpu.memref_squeeze %dma_start3A_295 : memref<1x!tpu.dma_semaphore, #tpu.memory_space<semaphore_mem>> -> memref<!tpu.dma_semaphore, #tpu.memory_space<semaphore_mem>>
      tpu.enqueue_indirect_dma source(%dma_start3A_291 : memref<125x64xf32, #tpu.memory_space<vmem>>) target(%dma_start3A_294 : memref<10240x64xf32, #tpu.memory_space<vmem_shared>>) offsets(%arg12 : memref<125xi32, #tpu.memory_space<vmem>>) semaphore(%dma_start3A_296 : memref<!tpu.dma_semaphore, #tpu.memory_space<semaphore_mem>>) {add = true}
      %add3A_297 = arith.constant 1 : i32
      %add3A_298 = arith.addi %mul3A_257, %add3A_297 : i32
      %dma_wait3A_299 = arith.constant 1 : i32
      %dma_wait3A_300 = arith.constant 1 : i32
      %dma_wait3A_301 = arith.constant 0 : i32
      %dma_wait3A_302 = arith.constant 0 : i32
      %dma_wait3A_303 = tpu.memref_slice %arg7[%dma_wait3A_299, %dma_wait3A_301, %dma_wait3A_302] : memref<4x125x64xf32, #tpu.memory_space<vmem>> -> memref<1x125x64xf32, #tpu.memory_space<vmem>>
      %dma_wait3A_304 = tpu.memref_squeeze %dma_wait3A_303 : memref<1x125x64xf32, #tpu.memory_space<vmem>> -> memref<125x64xf32, #tpu.memory_space<vmem>>
      %dma_wait3A_305 = arith.constant 0 : i32
      %dma_wait3A_306 = tpu.memref_slice %arg6[%add3A_298, %dma_wait3A_305] : memref<160x125xi32, #tpu.memory_space<vmem>> -> memref<1x125xi32, #tpu.memory_space<vmem>>
      %dma_wait3A_307 = tpu.memref_squeeze %dma_wait3A_306 : memref<1x125xi32, #tpu.memory_space<vmem>> -> memref<125xi32, #tpu.memory_space<vmem>>
      %dma_wait3A_308 = arith.constant 0 : i32
      %dma_wait3A_309 = arith.constant 0 : i32
      %dma_wait3A_310 = tpu.memref_slice %arg2[%dma_wait3A_308, %dma_wait3A_309] : memref<20480x64xf32, #tpu.memory_space<hbm>> -> memref<20480x64xf32, #tpu.memory_space<hbm>>
      %dma_wait3A_311 = tpu.memref_slice %arg9[%dma_wait3A_300] : memref<4x!tpu.dma_semaphore, #tpu.memory_space<semaphore_mem>> -> memref<1x!tpu.dma_semaphore, #tpu.memory_space<semaphore_mem>>
      %dma_wait3A_312 = tpu.memref_squeeze %dma_wait3A_311 : memref<1x!tpu.dma_semaphore, #tpu.memory_space<semaphore_mem>> -> memref<!tpu.dma_semaphore, #tpu.memory_space<semaphore_mem>>
      tpu.wait_indirect_dma semaphore(%dma_wait3A_312 : memref<!tpu.dma_semaphore, #tpu.memory_space<semaphore_mem>>) src(%dma_wait3A_310 : memref<20480x64xf32, #tpu.memory_space<hbm>>) dst(%dma_wait3A_304 : memref<125x64xf32, #tpu.memory_space<vmem>>)
      %mul3A_313 = arith.constant 160 : i32
      %mul3A_314 = arith.muli %arg1, %mul3A_313 : i32
      %add3A_315 = arith.addi %mul3A_314, %add3A_298 : i32
      %dma_wait3A_316 = arith.constant 1 : i32
      %dma_wait3A_317 = arith.constant 0 : i32
      %dma_wait3A_318 = tpu.memref_slice %arg4[%add3A_315, %dma_wait3A_317] : memref<2560x125xi32, #tpu.memory_space<hbm>> -> memref<1x125xi32, #tpu.memory_space<hbm>>
      %dma_wait3A_319 = tpu.memref_squeeze %dma_wait3A_318 : memref<1x125xi32, #tpu.memory_space<hbm>> -> memref<125xi32, #tpu.memory_space<hbm>>
      %dma_wait3A_320 = tpu.memref_slice %arg11[%dma_wait3A_316] : memref<4x!tpu.dma_semaphore, #tpu.memory_space<semaphore_mem>> -> memref<1x!tpu.dma_semaphore, #tpu.memory_space<semaphore_mem>>
      %dma_wait3A_321 = tpu.memref_squeeze %dma_wait3A_320 : memref<1x!tpu.dma_semaphore, #tpu.memory_space<semaphore_mem>> -> memref<!tpu.dma_semaphore, #tpu.memory_space<semaphore_mem>>
      %dma_wait3A_322 = arith.constant 0 : i32
      %dma_wait3A_323 = tpu.memref_slice %arg4[%add3A_315, %dma_wait3A_322] : memref<2560x125xi32, #tpu.memory_space<hbm>> -> memref<1x125xi32, #tpu.memory_space<hbm>>
      %dma_wait3A_324 = tpu.memref_squeeze %dma_wait3A_323 : memref<1x125xi32, #tpu.memory_space<hbm>> -> memref<125xi32, #tpu.memory_space<hbm>>
      tpu.wait_dma2 semaphore(%dma_wait3A_321 : memref<!tpu.dma_semaphore, #tpu.memory_space<semaphore_mem>>) src(%dma_wait3A_324 : memref<125xi32, #tpu.memory_space<hbm>>) dst(%arg13 : memref<125xi32, #tpu.memory_space<vmem>>)
      %dma_start3A_325 = arith.constant 1 : i32
      %dma_start3A_326 = arith.constant 1 : i32
      %dma_start3A_327 = arith.constant 0 : i32
      %dma_start3A_328 = arith.constant 0 : i32
      %dma_start3A_329 = tpu.memref_slice %arg7[%dma_start3A_325, %dma_start3A_327, %dma_start3A_328] : memref<4x125x64xf32, #tpu.memory_space<vmem>> -> memref<1x125x64xf32, #tpu.memory_space<vmem>>
      %dma_start3A_330 = tpu.memref_squeeze %dma_start3A_329 : memref<1x125x64xf32, #tpu.memory_space<vmem>> -> memref<125x64xf32, #tpu.memory_space<vmem>>
      %dma_start3A_331 = arith.constant 0 : i32
      %dma_start3A_332 = arith.constant 0 : i32
      %dma_start3A_333 = tpu.memref_slice %arg8[%dma_start3A_331, %dma_start3A_332] : memref<10240x64xf32, #tpu.memory_space<vmem_shared>> -> memref<10240x64xf32, #tpu.memory_space<vmem_shared>>
      %dma_start3A_334 = tpu.memref_slice %arg10[%dma_start3A_326] : memref<4x!tpu.dma_semaphore, #tpu.memory_space<semaphore_mem>> -> memref<1x!tpu.dma_semaphore, #tpu.memory_space<semaphore_mem>>
      %dma_start3A_335 = tpu.memref_squeeze %dma_start3A_334 : memref<1x!tpu.dma_semaphore, #tpu.memory_space<semaphore_mem>> -> memref<!tpu.dma_semaphore, #tpu.memory_space<semaphore_mem>>
      tpu.enqueue_indirect_dma source(%dma_start3A_330 : memref<125x64xf32, #tpu.memory_space<vmem>>) target(%dma_start3A_333 : memref<10240x64xf32, #tpu.memory_space<vmem_shared>>) offsets(%arg13 : memref<125xi32, #tpu.memory_space<vmem>>) semaphore(%dma_start3A_335 : memref<!tpu.dma_semaphore, #tpu.memory_space<semaphore_mem>>) {add = true}
      %add3A_336 = arith.constant 2 : i32
      %add3A_337 = arith.addi %mul3A_257, %add3A_336 : i32
      %dma_wait3A_338 = arith.constant 2 : i32
      %dma_wait3A_339 = arith.constant 2 : i32
      %dma_wait3A_340 = arith.constant 0 : i32
      %dma_wait3A_341 = arith.constant 0 : i32
      %dma_wait3A_342 = tpu.memref_slice %arg7[%dma_wait3A_338, %dma_wait3A_340, %dma_wait3A_341] : memref<4x125x64xf32, #tpu.memory_space<vmem>> -> memref<1x125x64xf32, #tpu.memory_space<vmem>>
      %dma_wait3A_343 = tpu.memref_squeeze %dma_wait3A_342 : memref<1x125x64xf32, #tpu.memory_space<vmem>> -> memref<125x64xf32, #tpu.memory_space<vmem>>
      %dma_wait3A_344 = arith.constant 0 : i32
      %dma_wait3A_345 = tpu.memref_slice %arg6[%add3A_337, %dma_wait3A_344] : memref<160x125xi32, #tpu.memory_space<vmem>> -> memref<1x125xi32, #tpu.memory_space<vmem>>
      %dma_wait3A_346 = tpu.memref_squeeze %dma_wait3A_345 : memref<1x125xi32, #tpu.memory_space<vmem>> -> memref<125xi32, #tpu.memory_space<vmem>>
      %dma_wait3A_347 = arith.constant 0 : i32
      %dma_wait3A_348 = arith.constant 0 : i32
      %dma_wait3A_349 = tpu.memref_slice %arg2[%dma_wait3A_347, %dma_wait3A_348] : memref<20480x64xf32, #tpu.memory_space<hbm>> -> memref<20480x64xf32, #tpu.memory_space<hbm>>
      %dma_wait3A_350 = tpu.memref_slice %arg9[%dma_wait3A_339] : memref<4x!tpu.dma_semaphore, #tpu.memory_space<semaphore_mem>> -> memref<1x!tpu.dma_semaphore, #tpu.memory_space<semaphore_mem>>
      %dma_wait3A_351 = tpu.memref_squeeze %dma_wait3A_350 : memref<1x!tpu.dma_semaphore, #tpu.memory_space<semaphore_mem>> -> memref<!tpu.dma_semaphore, #tpu.memory_space<semaphore_mem>>
      tpu.wait_indirect_dma semaphore(%dma_wait3A_351 : memref<!tpu.dma_semaphore, #tpu.memory_space<semaphore_mem>>) src(%dma_wait3A_349 : memref<20480x64xf32, #tpu.memory_space<hbm>>) dst(%dma_wait3A_343 : memref<125x64xf32, #tpu.memory_space<vmem>>)
      %mul3A_352 = arith.constant 160 : i32
      %mul3A_353 = arith.muli %arg1, %mul3A_352 : i32
      %add3A_354 = arith.addi %mul3A_353, %add3A_337 : i32
      %dma_wait3A_355 = arith.constant 2 : i32
      %dma_wait3A_356 = arith.constant 0 : i32
      %dma_wait3A_357 = tpu.memref_slice %arg4[%add3A_354, %dma_wait3A_356] : memref<2560x125xi32, #tpu.memory_space<hbm>> -> memref<1x125xi32, #tpu.memory_space<hbm>>
      %dma_wait3A_358 = tpu.memref_squeeze %dma_wait3A_357 : memref<1x125xi32, #tpu.memory_space<hbm>> -> memref<125xi32, #tpu.memory_space<hbm>>
      %dma_wait3A_359 = tpu.memref_slice %arg11[%dma_wait3A_355] : memref<4x!tpu.dma_semaphore, #tpu.memory_space<semaphore_mem>> -> memref<1x!tpu.dma_semaphore, #tpu.memory_space<semaphore_mem>>
      %dma_wait3A_360 = tpu.memref_squeeze %dma_wait3A_359 : memref<1x!tpu.dma_semaphore, #tpu.memory_space<semaphore_mem>> -> memref<!tpu.dma_semaphore, #tpu.memory_space<semaphore_mem>>
      %dma_wait3A_361 = arith.constant 0 : i32
      %dma_wait3A_362 = tpu.memref_slice %arg4[%add3A_354, %dma_wait3A_361] : memref<2560x125xi32, #tpu.memory_space<hbm>> -> memref<1x125xi32, #tpu.memory_space<hbm>>
      %dma_wait3A_363 = tpu.memref_squeeze %dma_wait3A_362 : memref<1x125xi32, #tpu.memory_space<hbm>> -> memref<125xi32, #tpu.memory_space<hbm>>
      tpu.wait_dma2 semaphore(%dma_wait3A_360 : memref<!tpu.dma_semaphore, #tpu.memory_space<semaphore_mem>>) src(%dma_wait3A_363 : memref<125xi32, #tpu.memory_space<hbm>>) dst(%arg14 : memref<125xi32, #tpu.memory_space<vmem>>)
      %dma_start3A_364 = arith.constant 2 : i32
      %dma_start3A_365 = arith.constant 2 : i32
      %dma_start3A_366 = arith.constant 0 : i32
      %dma_start3A_367 = arith.constant 0 : i32
      %dma_start3A_368 = tpu.memref_slice %arg7[%dma_start3A_364, %dma_start3A_366, %dma_start3A_367] : memref<4x125x64xf32, #tpu.memory_space<vmem>> -> memref<1x125x64xf32, #tpu.memory_space<vmem>>
      %dma_start3A_369 = tpu.memref_squeeze %dma_start3A_368 : memref<1x125x64xf32, #tpu.memory_space<vmem>> -> memref<125x64xf32, #tpu.memory_space<vmem>>
      %dma_start3A_370 = arith.constant 0 : i32
      %dma_start3A_371 = arith.constant 0 : i32
      %dma_start3A_372 = tpu.memref_slice %arg8[%dma_start3A_370, %dma_start3A_371] : memref<10240x64xf32, #tpu.memory_space<vmem_shared>> -> memref<10240x64xf32, #tpu.memory_space<vmem_shared>>
      %dma_start3A_373 = tpu.memref_slice %arg10[%dma_start3A_365] : memref<4x!tpu.dma_semaphore, #tpu.memory_space<semaphore_mem>> -> memref<1x!tpu.dma_semaphore, #tpu.memory_space<semaphore_mem>>
      %dma_start3A_374 = tpu.memref_squeeze %dma_start3A_373 : memref<1x!tpu.dma_semaphore, #tpu.memory_space<semaphore_mem>> -> memref<!tpu.dma_semaphore, #tpu.memory_space<semaphore_mem>>
      tpu.enqueue_indirect_dma source(%dma_start3A_369 : memref<125x64xf32, #tpu.memory_space<vmem>>) target(%dma_start3A_372 : memref<10240x64xf32, #tpu.memory_space<vmem_shared>>) offsets(%arg14 : memref<125xi32, #tpu.memory_space<vmem>>) semaphore(%dma_start3A_374 : memref<!tpu.dma_semaphore, #tpu.memory_space<semaphore_mem>>) {add = true}
      %add3A_375 = arith.constant 3 : i32
      %add3A_376 = arith.addi %mul3A_257, %add3A_375 : i32
      %dma_wait3A_377 = arith.constant 3 : i32
      %dma_wait3A_378 = arith.constant 3 : i32
      %dma_wait3A_379 = arith.constant 0 : i32
      %dma_wait3A_380 = arith.constant 0 : i32
      %dma_wait3A_381 = tpu.memref_slice %arg7[%dma_wait3A_377, %dma_wait3A_379, %dma_wait3A_380] : memref<4x125x64xf32, #tpu.memory_space<vmem>> -> memref<1x125x64xf32, #tpu.memory_space<vmem>>
      %dma_wait3A_382 = tpu.memref_squeeze %dma_wait3A_381 : memref<1x125x64xf32, #tpu.memory_space<vmem>> -> memref<125x64xf32, #tpu.memory_space<vmem>>
      %dma_wait3A_383 = arith.constant 0 : i32
      %dma_wait3A_384 = tpu.memref_slice %arg6[%add3A_376, %dma_wait3A_383] : memref<160x125xi32, #tpu.memory_space<vmem>> -> memref<1x125xi32, #tpu.memory_space<vmem>>
      %dma_wait3A_385 = tpu.memref_squeeze %dma_wait3A_384 : memref<1x125xi32, #tpu.memory_space<vmem>> -> memref<125xi32, #tpu.memory_space<vmem>>
      %dma_wait3A_386 = arith.constant 0 : i32
      %dma_wait3A_387 = arith.constant 0 : i32
      %dma_wait3A_388 = tpu.memref_slice %arg2[%dma_wait3A_386, %dma_wait3A_387] : memref<20480x64xf32, #tpu.memory_space<hbm>> -> memref<20480x64xf32, #tpu.memory_space<hbm>>
      %dma_wait3A_389 = tpu.memref_slice %arg9[%dma_wait3A_378] : memref<4x!tpu.dma_semaphore, #tpu.memory_space<semaphore_mem>> -> memref<1x!tpu.dma_semaphore, #tpu.memory_space<semaphore_mem>>
      %dma_wait3A_390 = tpu.memref_squeeze %dma_wait3A_389 : memref<1x!tpu.dma_semaphore, #tpu.memory_space<semaphore_mem>> -> memref<!tpu.dma_semaphore, #tpu.memory_space<semaphore_mem>>
      tpu.wait_indirect_dma semaphore(%dma_wait3A_390 : memref<!tpu.dma_semaphore, #tpu.memory_space<semaphore_mem>>) src(%dma_wait3A_388 : memref<20480x64xf32, #tpu.memory_space<hbm>>) dst(%dma_wait3A_382 : memref<125x64xf32, #tpu.memory_space<vmem>>)
      %mul3A_391 = arith.constant 160 : i32
      %mul3A_392 = arith.muli %arg1, %mul3A_391 : i32
      %add3A_393 = arith.addi %mul3A_392, %add3A_376 : i32
      %dma_wait3A_394 = arith.constant 3 : i32
      %dma_wait3A_395 = arith.constant 0 : i32
      %dma_wait3A_396 = tpu.memref_slice %arg4[%add3A_393, %dma_wait3A_395] : memref<2560x125xi32, #tpu.memory_space<hbm>> -> memref<1x125xi32, #tpu.memory_space<hbm>>
      %dma_wait3A_397 = tpu.memref_squeeze %dma_wait3A_396 : memref<1x125xi32, #tpu.memory_space<hbm>> -> memref<125xi32, #tpu.memory_space<hbm>>
      %dma_wait3A_398 = tpu.memref_slice %arg11[%dma_wait3A_394] : memref<4x!tpu.dma_semaphore, #tpu.memory_space<semaphore_mem>> -> memref<1x!tpu.dma_semaphore, #tpu.memory_space<semaphore_mem>>
      %dma_wait3A_399 = tpu.memref_squeeze %dma_wait3A_398 : memref<1x!tpu.dma_semaphore, #tpu.memory_space<semaphore_mem>> -> memref<!tpu.dma_semaphore, #tpu.memory_space<semaphore_mem>>
      %dma_wait3A_400 = arith.constant 0 : i32
      %dma_wait3A_401 = tpu.memref_slice %arg4[%add3A_393, %dma_wait3A_400] : memref<2560x125xi32, #tpu.memory_space<hbm>> -> memref<1x125xi32, #tpu.memory_space<hbm>>
      %dma_wait3A_402 = tpu.memref_squeeze %dma_wait3A_401 : memref<1x125xi32, #tpu.memory_space<hbm>> -> memref<125xi32, #tpu.memory_space<hbm>>
      tpu.wait_dma2 semaphore(%dma_wait3A_399 : memref<!tpu.dma_semaphore, #tpu.memory_space<semaphore_mem>>) src(%dma_wait3A_402 : memref<125xi32, #tpu.memory_space<hbm>>) dst(%arg15 : memref<125xi32, #tpu.memory_space<vmem>>)
      %dma_start3A_403 = arith.constant 3 : i32
      %dma_start3A_404 = arith.constant 3 : i32
      %dma_start3A_405 = arith.constant 0 : i32
      %dma_start3A_406 = arith.constant 0 : i32
      %dma_start3A_407 = tpu.memref_slice %arg7[%dma_start3A_403, %dma_start3A_405, %dma_start3A_406] : memref<4x125x64xf32, #tpu.memory_space<vmem>> -> memref<1x125x64xf32, #tpu.memory_space<vmem>>
      %dma_start3A_408 = tpu.memref_squeeze %dma_start3A_407 : memref<1x125x64xf32, #tpu.memory_space<vmem>> -> memref<125x64xf32, #tpu.memory_space<vmem>>
      %dma_start3A_409 = arith.constant 0 : i32
      %dma_start3A_410 = arith.constant 0 : i32
      %dma_start3A_411 = tpu.memref_slice %arg8[%dma_start3A_409, %dma_start3A_410] : memref<10240x64xf32, #tpu.memory_space<vmem_shared>> -> memref<10240x64xf32, #tpu.memory_space<vmem_shared>>
      %dma_start3A_412 = tpu.memref_slice %arg10[%dma_start3A_404] : memref<4x!tpu.dma_semaphore, #tpu.memory_space<semaphore_mem>> -> memref<1x!tpu.dma_semaphore, #tpu.memory_space<semaphore_mem>>
      %dma_start3A_413 = tpu.memref_squeeze %dma_start3A_412 : memref<1x!tpu.dma_semaphore, #tpu.memory_space<semaphore_mem>> -> memref<!tpu.dma_semaphore, #tpu.memory_space<semaphore_mem>>
      tpu.enqueue_indirect_dma source(%dma_start3A_408 : memref<125x64xf32, #tpu.memory_space<vmem>>) target(%dma_start3A_411 : memref<10240x64xf32, #tpu.memory_space<vmem_shared>>) offsets(%arg15 : memref<125xi32, #tpu.memory_space<vmem>>) semaphore(%dma_start3A_413 : memref<!tpu.dma_semaphore, #tpu.memory_space<semaphore_mem>>) {add = true}
      %add3A_414 = arith.constant 0 : i32
      %add3A_415 = arith.addi %mul3A_257, %add3A_414 : i32
      %dma_wait3A_416 = arith.constant 0 : i32
      %dma_wait3A_417 = arith.constant 0 : i32
      %dma_wait3A_418 = arith.constant 0 : i32
      %dma_wait3A_419 = arith.constant 0 : i32
      %dma_wait3A_420 = tpu.memref_slice %arg7[%dma_wait3A_416, %dma_wait3A_418, %dma_wait3A_419] : memref<4x125x64xf32, #tpu.memory_space<vmem>> -> memref<1x125x64xf32, #tpu.memory_space<vmem>>
      %dma_wait3A_421 = tpu.memref_squeeze %dma_wait3A_420 : memref<1x125x64xf32, #tpu.memory_space<vmem>> -> memref<125x64xf32, #tpu.memory_space<vmem>>
      %dma_wait3A_422 = arith.constant 0 : i32
      %dma_wait3A_423 = arith.constant 0 : i32
      %dma_wait3A_424 = tpu.memref_slice %arg8[%dma_wait3A_422, %dma_wait3A_423] : memref<10240x64xf32, #tpu.memory_space<vmem_shared>> -> memref<10240x64xf32, #tpu.memory_space<vmem_shared>>
      %dma_wait3A_425 = tpu.memref_slice %arg10[%dma_wait3A_417] : memref<4x!tpu.dma_semaphore, #tpu.memory_space<semaphore_mem>> -> memref<1x!tpu.dma_semaphore, #tpu.memory_space<semaphore_mem>>
      %dma_wait3A_426 = tpu.memref_squeeze %dma_wait3A_425 : memref<1x!tpu.dma_semaphore, #tpu.memory_space<semaphore_mem>> -> memref<!tpu.dma_semaphore, #tpu.memory_space<semaphore_mem>>
      tpu.wait_indirect_dma semaphore(%dma_wait3A_426 : memref<!tpu.dma_semaphore, #tpu.memory_space<semaphore_mem>>) src(%dma_wait3A_421 : memref<125x64xf32, #tpu.memory_space<vmem>>) dst(%dma_wait3A_424 : memref<10240x64xf32, #tpu.memory_space<vmem_shared>>)
      %mul3A_427 = arith.constant 160 : i32
      %mul3A_428 = arith.muli %arg1, %mul3A_427 : i32
      %add3A_429 = arith.addi %mul3A_428, %add3A_415 : i32
      %add3A_430 = arith.constant 4 : i32
      %add3A_431 = arith.addi %add3A_429, %add3A_430 : i32
      %dma_start3A_432 = arith.constant 0 : i32
      %dma_start3A_433 = arith.constant 0 : i32
      %dma_start3A_434 = tpu.memref_slice %arg4[%add3A_431, %dma_start3A_433] : memref<2560x125xi32, #tpu.memory_space<hbm>> -> memref<1x125xi32, #tpu.memory_space<hbm>>
      %dma_start3A_435 = tpu.memref_squeeze %dma_start3A_434 : memref<1x125xi32, #tpu.memory_space<hbm>> -> memref<125xi32, #tpu.memory_space<hbm>>
      %dma_start3A_436 = tpu.memref_slice %arg11[%dma_start3A_432] : memref<4x!tpu.dma_semaphore, #tpu.memory_space<semaphore_mem>> -> memref<1x!tpu.dma_semaphore, #tpu.memory_space<semaphore_mem>>
      %dma_start3A_437 = tpu.memref_squeeze %dma_start3A_436 : memref<1x!tpu.dma_semaphore, #tpu.memory_space<semaphore_mem>> -> memref<!tpu.dma_semaphore, #tpu.memory_space<semaphore_mem>>
      %dma_start3A_438 = arith.constant 0 : i32
      %dma_start3A_439 = tpu.memref_slice %arg4[%add3A_431, %dma_start3A_438] : memref<2560x125xi32, #tpu.memory_space<hbm>> -> memref<1x125xi32, #tpu.memory_space<hbm>>
      %dma_start3A_440 = tpu.memref_squeeze %dma_start3A_439 : memref<1x125xi32, #tpu.memory_space<hbm>> -> memref<125xi32, #tpu.memory_space<hbm>>
      tpu.enqueue_dma source(%dma_start3A_440 : memref<125xi32, #tpu.memory_space<hbm>>) target(%arg12 : memref<125xi32, #tpu.memory_space<vmem>>) target_semaphore(%dma_start3A_437 : memref<!tpu.dma_semaphore, #tpu.memory_space<semaphore_mem>>)
      %add3A_441 = arith.constant 4 : i32
      %add3A_442 = arith.addi %add3A_415, %add3A_441 : i32
      %dma_start3A_443 = arith.constant 0 : i32
      %dma_start3A_444 = arith.constant 0 : i32
      %dma_start3A_445 = arith.constant 0 : i32
      %dma_start3A_446 = arith.constant 0 : i32
      %dma_start3A_447 = tpu.memref_slice %arg7[%dma_start3A_443, %dma_start3A_445, %dma_start3A_446] : memref<4x125x64xf32, #tpu.memory_space<vmem>> -> memref<1x125x64xf32, #tpu.memory_space<vmem>>
      %dma_start3A_448 = tpu.memref_squeeze %dma_start3A_447 : memref<1x125x64xf32, #tpu.memory_space<vmem>> -> memref<125x64xf32, #tpu.memory_space<vmem>>
      %dma_start3A_449 = arith.constant 0 : i32
      %dma_start3A_450 = tpu.memref_slice %arg6[%add3A_442, %dma_start3A_449] : memref<160x125xi32, #tpu.memory_space<vmem>> -> memref<1x125xi32, #tpu.memory_space<vmem>>
      %dma_start3A_451 = tpu.memref_squeeze %dma_start3A_450 : memref<1x125xi32, #tpu.memory_space<vmem>> -> memref<125xi32, #tpu.memory_space<vmem>>
      %dma_start3A_452 = arith.constant 0 : i32
      %dma_start3A_453 = arith.constant 0 : i32
      %dma_start3A_454 = tpu.memref_slice %arg2[%dma_start3A_452, %dma_start3A_453] : memref<20480x64xf32, #tpu.memory_space<hbm>> -> memref<20480x64xf32, #tpu.memory_space<hbm>>
      %dma_start3A_455 = tpu.memref_slice %arg9[%dma_start3A_444] : memref<4x!tpu.dma_semaphore, #tpu.memory_space<semaphore_mem>> -> memref<1x!tpu.dma_semaphore, #tpu.memory_space<semaphore_mem>>
      %dma_start3A_456 = tpu.memref_squeeze %dma_start3A_455 : memref<1x!tpu.dma_semaphore, #tpu.memory_space<semaphore_mem>> -> memref<!tpu.dma_semaphore, #tpu.memory_space<semaphore_mem>>
      tpu.enqueue_indirect_dma source(%dma_start3A_454 : memref<20480x64xf32, #tpu.memory_space<hbm>>) target(%dma_start3A_448 : memref<125x64xf32, #tpu.memory_space<vmem>>) offsets(%dma_start3A_451 : memref<125xi32, #tpu.memory_space<vmem>>) semaphore(%dma_start3A_456 : memref<!tpu.dma_semaphore, #tpu.memory_space<semaphore_mem>>)
      %add3A_457 = arith.constant 1 : i32
      %add3A_458 = arith.addi %mul3A_257, %add3A_457 : i32
      %dma_wait3A_459 = arith.constant 1 : i32
      %dma_wait3A_460 = arith.constant 1 : i32
      %dma_wait3A_461 = arith.constant 0 : i32
      %dma_wait3A_462 = arith.constant 0 : i32
      %dma_wait3A_463 = tpu.memref_slice %arg7[%dma_wait3A_459, %dma_wait3A_461, %dma_wait3A_462] : memref<4x125x64xf32, #tpu.memory_space<vmem>> -> memref<1x125x64xf32, #tpu.memory_space<vmem>>
      %dma_wait3A_464 = tpu.memref_squeeze %dma_wait3A_463 : memref<1x125x64xf32, #tpu.memory_space<vmem>> -> memref<125x64xf32, #tpu.memory_space<vmem>>
      %dma_wait3A_465 = arith.constant 0 : i32
      %dma_wait3A_466 = arith.constant 0 : i32
      %dma_wait3A_467 = tpu.memref_slice %arg8[%dma_wait3A_465, %dma_wait3A_466] : memref<10240x64xf32, #tpu.memory_space<vmem_shared>> -> memref<10240x64xf32, #tpu.memory_space<vmem_shared>>
      %dma_wait3A_468 = tpu.memref_slice %arg10[%dma_wait3A_460] : memref<4x!tpu.dma_semaphore, #tpu.memory_space<semaphore_mem>> -> memref<1x!tpu.dma_semaphore, #tpu.memory_space<semaphore_mem>>
      %dma_wait3A_469 = tpu.memref_squeeze %dma_wait3A_468 : memref<1x!tpu.dma_semaphore, #tpu.memory_space<semaphore_mem>> -> memref<!tpu.dma_semaphore, #tpu.memory_space<semaphore_mem>>
      tpu.wait_indirect_dma semaphore(%dma_wait3A_469 : memref<!tpu.dma_semaphore, #tpu.memory_space<semaphore_mem>>) src(%dma_wait3A_464 : memref<125x64xf32, #tpu.memory_space<vmem>>) dst(%dma_wait3A_467 : memref<10240x64xf32, #tpu.memory_space<vmem_shared>>)
      %mul3A_470 = arith.constant 160 : i32
      %mul3A_471 = arith.muli %arg1, %mul3A_470 : i32
      %add3A_472 = arith.addi %mul3A_471, %add3A_458 : i32
      %add3A_473 = arith.constant 4 : i32
      %add3A_474 = arith.addi %add3A_472, %add3A_473 : i32
      %dma_start3A_475 = arith.constant 1 : i32
      %dma_start3A_476 = arith.constant 0 : i32
      %dma_start3A_477 = tpu.memref_slice %arg4[%add3A_474, %dma_start3A_476] : memref<2560x125xi32, #tpu.memory_space<hbm>> -> memref<1x125xi32, #tpu.memory_space<hbm>>
      %dma_start3A_478 = tpu.memref_squeeze %dma_start3A_477 : memref<1x125xi32, #tpu.memory_space<hbm>> -> memref<125xi32, #tpu.memory_space<hbm>>
      %dma_start3A_479 = tpu.memref_slice %arg11[%dma_start3A_475] : memref<4x!tpu.dma_semaphore, #tpu.memory_space<semaphore_mem>> -> memref<1x!tpu.dma_semaphore, #tpu.memory_space<semaphore_mem>>
      %dma_start3A_480 = tpu.memref_squeeze %dma_start3A_479 : memref<1x!tpu.dma_semaphore, #tpu.memory_space<semaphore_mem>> -> memref<!tpu.dma_semaphore, #tpu.memory_space<semaphore_mem>>
      %dma_start3A_481 = arith.constant 0 : i32
      %dma_start3A_482 = tpu.memref_slice %arg4[%add3A_474, %dma_start3A_481] : memref<2560x125xi32, #tpu.memory_space<hbm>> -> memref<1x125xi32, #tpu.memory_space<hbm>>
      %dma_start3A_483 = tpu.memref_squeeze %dma_start3A_482 : memref<1x125xi32, #tpu.memory_space<hbm>> -> memref<125xi32, #tpu.memory_space<hbm>>
      tpu.enqueue_dma source(%dma_start3A_483 : memref<125xi32, #tpu.memory_space<hbm>>) target(%arg13 : memref<125xi32, #tpu.memory_space<vmem>>) target_semaphore(%dma_start3A_480 : memref<!tpu.dma_semaphore, #tpu.memory_space<semaphore_mem>>)
      %add3A_484 = arith.constant 4 : i32
      %add3A_485 = arith.addi %add3A_458, %add3A_484 : i32
      %dma_start3A_486 = arith.constant 1 : i32
      %dma_start3A_487 = arith.constant 1 : i32
      %dma_start3A_488 = arith.constant 0 : i32
      %dma_start3A_489 = arith.constant 0 : i32
      %dma_start3A_490 = tpu.memref_slice %arg7[%dma_start3A_486, %dma_start3A_488, %dma_start3A_489] : memref<4x125x64xf32, #tpu.memory_space<vmem>> -> memref<1x125x64xf32, #tpu.memory_space<vmem>>
      %dma_start3A_491 = tpu.memref_squeeze %dma_start3A_490 : memref<1x125x64xf32, #tpu.memory_space<vmem>> -> memref<125x64xf32, #tpu.memory_space<vmem>>
      %dma_start3A_492 = arith.constant 0 : i32
      %dma_start3A_493 = tpu.memref_slice %arg6[%add3A_485, %dma_start3A_492] : memref<160x125xi32, #tpu.memory_space<vmem>> -> memref<1x125xi32, #tpu.memory_space<vmem>>
      %dma_start3A_494 = tpu.memref_squeeze %dma_start3A_493 : memref<1x125xi32, #tpu.memory_space<vmem>> -> memref<125xi32, #tpu.memory_space<vmem>>
      %dma_start3A_495 = arith.constant 0 : i32
      %dma_start3A_496 = arith.constant 0 : i32
      %dma_start3A_497 = tpu.memref_slice %arg2[%dma_start3A_495, %dma_start3A_496] : memref<20480x64xf32, #tpu.memory_space<hbm>> -> memref<20480x64xf32, #tpu.memory_space<hbm>>
      %dma_start3A_498 = tpu.memref_slice %arg9[%dma_start3A_487] : memref<4x!tpu.dma_semaphore, #tpu.memory_space<semaphore_mem>> -> memref<1x!tpu.dma_semaphore, #tpu.memory_space<semaphore_mem>>
      %dma_start3A_499 = tpu.memref_squeeze %dma_start3A_498 : memref<1x!tpu.dma_semaphore, #tpu.memory_space<semaphore_mem>> -> memref<!tpu.dma_semaphore, #tpu.memory_space<semaphore_mem>>
      tpu.enqueue_indirect_dma source(%dma_start3A_497 : memref<20480x64xf32, #tpu.memory_space<hbm>>) target(%dma_start3A_491 : memref<125x64xf32, #tpu.memory_space<vmem>>) offsets(%dma_start3A_494 : memref<125xi32, #tpu.memory_space<vmem>>) semaphore(%dma_start3A_499 : memref<!tpu.dma_semaphore, #tpu.memory_space<semaphore_mem>>)
      %add3A_500 = arith.constant 2 : i32
      %add3A_501 = arith.addi %mul3A_257, %add3A_500 : i32
      %dma_wait3A_502 = arith.constant 2 : i32
      %dma_wait3A_503 = arith.constant 2 : i32
      %dma_wait3A_504 = arith.constant 0 : i32
      %dma_wait3A_505 = arith.constant 0 : i32
      %dma_wait3A_506 = tpu.memref_slice %arg7[%dma_wait3A_502, %dma_wait3A_504, %dma_wait3A_505] : memref<4x125x64xf32, #tpu.memory_space<vmem>> -> memref<1x125x64xf32, #tpu.memory_space<vmem>>
      %dma_wait3A_507 = tpu.memref_squeeze %dma_wait3A_506 : memref<1x125x64xf32, #tpu.memory_space<vmem>> -> memref<125x64xf32, #tpu.memory_space<vmem>>
      %dma_wait3A_508 = arith.constant 0 : i32
      %dma_wait3A_509 = arith.constant 0 : i32
      %dma_wait3A_510 = tpu.memref_slice %arg8[%dma_wait3A_508, %dma_wait3A_509] : memref<10240x64xf32, #tpu.memory_space<vmem_shared>> -> memref<10240x64xf32, #tpu.memory_space<vmem_shared>>
      %dma_wait3A_511 = tpu.memref_slice %arg10[%dma_wait3A_503] : memref<4x!tpu.dma_semaphore, #tpu.memory_space<semaphore_mem>> -> memref<1x!tpu.dma_semaphore, #tpu.memory_space<semaphore_mem>>
      %dma_wait3A_512 = tpu.memref_squeeze %dma_wait3A_511 : memref<1x!tpu.dma_semaphore, #tpu.memory_space<semaphore_mem>> -> memref<!tpu.dma_semaphore, #tpu.memory_space<semaphore_mem>>
      tpu.wait_indirect_dma semaphore(%dma_wait3A_512 : memref<!tpu.dma_semaphore, #tpu.memory_space<semaphore_mem>>) src(%dma_wait3A_507 : memref<125x64xf32, #tpu.memory_space<vmem>>) dst(%dma_wait3A_510 : memref<10240x64xf32, #tpu.memory_space<vmem_shared>>)
      %mul3A_513 = arith.constant 160 : i32
      %mul3A_514 = arith.muli %arg1, %mul3A_513 : i32
      %add3A_515 = arith.addi %mul3A_514, %add3A_501 : i32
      %add3A_516 = arith.constant 4 : i32
      %add3A_517 = arith.addi %add3A_515, %add3A_516 : i32
      %dma_start3A_518 = arith.constant 2 : i32
      %dma_start3A_519 = arith.constant 0 : i32
      %dma_start3A_520 = tpu.memref_slice %arg4[%add3A_517, %dma_start3A_519] : memref<2560x125xi32, #tpu.memory_space<hbm>> -> memref<1x125xi32, #tpu.memory_space<hbm>>
      %dma_start3A_521 = tpu.memref_squeeze %dma_start3A_520 : memref<1x125xi32, #tpu.memory_space<hbm>> -> memref<125xi32, #tpu.memory_space<hbm>>
      %dma_start3A_522 = tpu.memref_slice %arg11[%dma_start3A_518] : memref<4x!tpu.dma_semaphore, #tpu.memory_space<semaphore_mem>> -> memref<1x!tpu.dma_semaphore, #tpu.memory_space<semaphore_mem>>
      %dma_start3A_523 = tpu.memref_squeeze %dma_start3A_522 : memref<1x!tpu.dma_semaphore, #tpu.memory_space<semaphore_mem>> -> memref<!tpu.dma_semaphore, #tpu.memory_space<semaphore_mem>>
      %dma_start3A_524 = arith.constant 0 : i32
      %dma_start3A_525 = tpu.memref_slice %arg4[%add3A_517, %dma_start3A_524] : memref<2560x125xi32, #tpu.memory_space<hbm>> -> memref<1x125xi32, #tpu.memory_space<hbm>>
      %dma_start3A_526 = tpu.memref_squeeze %dma_start3A_525 : memref<1x125xi32, #tpu.memory_space<hbm>> -> memref<125xi32, #tpu.memory_space<hbm>>
      tpu.enqueue_dma source(%dma_start3A_526 : memref<125xi32, #tpu.memory_space<hbm>>) target(%arg14 : memref<125xi32, #tpu.memory_space<vmem>>) target_semaphore(%dma_start3A_523 : memref<!tpu.dma_semaphore, #tpu.memory_space<semaphore_mem>>)
      %add3A_527 = arith.constant 4 : i32
      %add3A_528 = arith.addi %add3A_501, %add3A_527 : i32
      %dma_start3A_529 = arith.constant 2 : i32
      %dma_start3A_530 = arith.constant 2 : i32
      %dma_start3A_531 = arith.constant 0 : i32
      %dma_start3A_532 = arith.constant 0 : i32
      %dma_start3A_533 = tpu.memref_slice %arg7[%dma_start3A_529, %dma_start3A_531, %dma_start3A_532] : memref<4x125x64xf32, #tpu.memory_space<vmem>> -> memref<1x125x64xf32, #tpu.memory_space<vmem>>
      %dma_start3A_534 = tpu.memref_squeeze %dma_start3A_533 : memref<1x125x64xf32, #tpu.memory_space<vmem>> -> memref<125x64xf32, #tpu.memory_space<vmem>>
      %dma_start3A_535 = arith.constant 0 : i32
      %dma_start3A_536 = tpu.memref_slice %arg6[%add3A_528, %dma_start3A_535] : memref<160x125xi32, #tpu.memory_space<vmem>> -> memref<1x125xi32, #tpu.memory_space<vmem>>
      %dma_start3A_537 = tpu.memref_squeeze %dma_start3A_536 : memref<1x125xi32, #tpu.memory_space<vmem>> -> memref<125xi32, #tpu.memory_space<vmem>>
      %dma_start3A_538 = arith.constant 0 : i32
      %dma_start3A_539 = arith.constant 0 : i32
      %dma_start3A_540 = tpu.memref_slice %arg2[%dma_start3A_538, %dma_start3A_539] : memref<20480x64xf32, #tpu.memory_space<hbm>> -> memref<20480x64xf32, #tpu.memory_space<hbm>>
      %dma_start3A_541 = tpu.memref_slice %arg9[%dma_start3A_530] : memref<4x!tpu.dma_semaphore, #tpu.memory_space<semaphore_mem>> -> memref<1x!tpu.dma_semaphore, #tpu.memory_space<semaphore_mem>>
      %dma_start3A_542 = tpu.memref_squeeze %dma_start3A_541 : memref<1x!tpu.dma_semaphore, #tpu.memory_space<semaphore_mem>> -> memref<!tpu.dma_semaphore, #tpu.memory_space<semaphore_mem>>
      tpu.enqueue_indirect_dma source(%dma_start3A_540 : memref<20480x64xf32, #tpu.memory_space<hbm>>) target(%dma_start3A_534 : memref<125x64xf32, #tpu.memory_space<vmem>>) offsets(%dma_start3A_537 : memref<125xi32, #tpu.memory_space<vmem>>) semaphore(%dma_start3A_542 : memref<!tpu.dma_semaphore, #tpu.memory_space<semaphore_mem>>)
      %add3A_543 = arith.constant 3 : i32
      %add3A_544 = arith.addi %mul3A_257, %add3A_543 : i32
      %dma_wait3A_545 = arith.constant 3 : i32
      %dma_wait3A_546 = arith.constant 3 : i32
      %dma_wait3A_547 = arith.constant 0 : i32
      %dma_wait3A_548 = arith.constant 0 : i32
      %dma_wait3A_549 = tpu.memref_slice %arg7[%dma_wait3A_545, %dma_wait3A_547, %dma_wait3A_548] : memref<4x125x64xf32, #tpu.memory_space<vmem>> -> memref<1x125x64xf32, #tpu.memory_space<vmem>>
      %dma_wait3A_550 = tpu.memref_squeeze %dma_wait3A_549 : memref<1x125x64xf32, #tpu.memory_space<vmem>> -> memref<125x64xf32, #tpu.memory_space<vmem>>
      %dma_wait3A_551 = arith.constant 0 : i32
      %dma_wait3A_552 = arith.constant 0 : i32
      %dma_wait3A_553 = tpu.memref_slice %arg8[%dma_wait3A_551, %dma_wait3A_552] : memref<10240x64xf32, #tpu.memory_space<vmem_shared>> -> memref<10240x64xf32, #tpu.memory_space<vmem_shared>>
      %dma_wait3A_554 = tpu.memref_slice %arg10[%dma_wait3A_546] : memref<4x!tpu.dma_semaphore, #tpu.memory_space<semaphore_mem>> -> memref<1x!tpu.dma_semaphore, #tpu.memory_space<semaphore_mem>>
      %dma_wait3A_555 = tpu.memref_squeeze %dma_wait3A_554 : memref<1x!tpu.dma_semaphore, #tpu.memory_space<semaphore_mem>> -> memref<!tpu.dma_semaphore, #tpu.memory_space<semaphore_mem>>
      tpu.wait_indirect_dma semaphore(%dma_wait3A_555 : memref<!tpu.dma_semaphore, #tpu.memory_space<semaphore_mem>>) src(%dma_wait3A_550 : memref<125x64xf32, #tpu.memory_space<vmem>>) dst(%dma_wait3A_553 : memref<10240x64xf32, #tpu.memory_space<vmem_shared>>)
      %mul3A_556 = arith.constant 160 : i32
      %mul3A_557 = arith.muli %arg1, %mul3A_556 : i32
      %add3A_558 = arith.addi %mul3A_557, %add3A_544 : i32
      %add3A_559 = arith.constant 4 : i32
      %add3A_560 = arith.addi %add3A_558, %add3A_559 : i32
      %dma_start3A_561 = arith.constant 3 : i32
      %dma_start3A_562 = arith.constant 0 : i32
      %dma_start3A_563 = tpu.memref_slice %arg4[%add3A_560, %dma_start3A_562] : memref<2560x125xi32, #tpu.memory_space<hbm>> -> memref<1x125xi32, #tpu.memory_space<hbm>>
      %dma_start3A_564 = tpu.memref_squeeze %dma_start3A_563 : memref<1x125xi32, #tpu.memory_space<hbm>> -> memref<125xi32, #tpu.memory_space<hbm>>
      %dma_start3A_565 = tpu.memref_slice %arg11[%dma_start3A_561] : memref<4x!tpu.dma_semaphore, #tpu.memory_space<semaphore_mem>> -> memref<1x!tpu.dma_semaphore, #tpu.memory_space<semaphore_mem>>
      %dma_start3A_566 = tpu.memref_squeeze %dma_start3A_565 : memref<1x!tpu.dma_semaphore, #tpu.memory_space<semaphore_mem>> -> memref<!tpu.dma_semaphore, #tpu.memory_space<semaphore_mem>>
      %dma_start3A_567 = arith.constant 0 : i32
      %dma_start3A_568 = tpu.memref_slice %arg4[%add3A_560, %dma_start3A_567] : memref<2560x125xi32, #tpu.memory_space<hbm>> -> memref<1x125xi32, #tpu.memory_space<hbm>>
      %dma_start3A_569 = tpu.memref_squeeze %dma_start3A_568 : memref<1x125xi32, #tpu.memory_space<hbm>> -> memref<125xi32, #tpu.memory_space<hbm>>
      tpu.enqueue_dma source(%dma_start3A_569 : memref<125xi32, #tpu.memory_space<hbm>>) target(%arg15 : memref<125xi32, #tpu.memory_space<vmem>>) target_semaphore(%dma_start3A_566 : memref<!tpu.dma_semaphore, #tpu.memory_space<semaphore_mem>>)
      %add3A_570 = arith.constant 4 : i32
      %add3A_571 = arith.addi %add3A_544, %add3A_570 : i32
      %dma_start3A_572 = arith.constant 3 : i32
      %dma_start3A_573 = arith.constant 3 : i32
      %dma_start3A_574 = arith.constant 0 : i32
      %dma_start3A_575 = arith.constant 0 : i32
      %dma_start3A_576 = tpu.memref_slice %arg7[%dma_start3A_572, %dma_start3A_574, %dma_start3A_575] : memref<4x125x64xf32, #tpu.memory_space<vmem>> -> memref<1x125x64xf32, #tpu.memory_space<vmem>>
      %dma_start3A_577 = tpu.memref_squeeze %dma_start3A_576 : memref<1x125x64xf32, #tpu.memory_space<vmem>> -> memref<125x64xf32, #tpu.memory_space<vmem>>
      %dma_start3A_578 = arith.constant 0 : i32
      %dma_start3A_579 = tpu.memref_slice %arg6[%add3A_571, %dma_start3A_578] : memref<160x125xi32, #tpu.memory_space<vmem>> -> memref<1x125xi32, #tpu.memory_space<vmem>>
      %dma_start3A_580 = tpu.memref_squeeze %dma_start3A_579 : memref<1x125xi32, #tpu.memory_space<vmem>> -> memref<125xi32, #tpu.memory_space<vmem>>
      %dma_start3A_581 = arith.constant 0 : i32
      %dma_start3A_582 = arith.constant 0 : i32
      %dma_start3A_583 = tpu.memref_slice %arg2[%dma_start3A_581, %dma_start3A_582] : memref<20480x64xf32, #tpu.memory_space<hbm>> -> memref<20480x64xf32, #tpu.memory_space<hbm>>
      %dma_start3A_584 = tpu.memref_slice %arg9[%dma_start3A_573] : memref<4x!tpu.dma_semaphore, #tpu.memory_space<semaphore_mem>> -> memref<1x!tpu.dma_semaphore, #tpu.memory_space<semaphore_mem>>
      %dma_start3A_585 = tpu.memref_squeeze %dma_start3A_584 : memref<1x!tpu.dma_semaphore, #tpu.memory_space<semaphore_mem>> -> memref<!tpu.dma_semaphore, #tpu.memory_space<semaphore_mem>>
      tpu.enqueue_indirect_dma source(%dma_start3A_583 : memref<20480x64xf32, #tpu.memory_space<hbm>>) target(%dma_start3A_577 : memref<125x64xf32, #tpu.memory_space<vmem>>) offsets(%dma_start3A_580 : memref<125xi32, #tpu.memory_space<vmem>>) semaphore(%dma_start3A_585 : memref<!tpu.dma_semaphore, #tpu.memory_space<semaphore_mem>>)
      %scan3A_586 = arith.constant 0 : i32
      scf.yield %scan3A_586 : i32
    }
    %scan3A_132 = arith.constant 39 : i32
    %dma_wait3A = arith.constant 156 : i32
    %dma_wait3A_133 = arith.constant 0 : i32
    %dma_wait3A_134 = arith.constant 0 : i32
    %dma_wait3A_135 = arith.constant 0 : i32
    %dma_wait3A_136 = arith.constant 0 : i32
    %dma_wait3A_137 = tpu.memref_slice %arg7[%dma_wait3A_133, %dma_wait3A_135, %dma_wait3A_136] : memref<4x125x64xf32, #tpu.memory_space<vmem>> -> memref<1x125x64xf32, #tpu.memory_space<vmem>>
    %dma_wait3A_138 = tpu.memref_squeeze %dma_wait3A_137 : memref<1x125x64xf32, #tpu.memory_space<vmem>> -> memref<125x64xf32, #tpu.memory_space<vmem>>
    %dma_wait3A_139 = arith.constant 0 : i32
    %dma_wait3A_140 = tpu.memref_slice %arg6[%dma_wait3A, %dma_wait3A_139] : memref<160x125xi32, #tpu.memory_space<vmem>> -> memref<1x125xi32, #tpu.memory_space<vmem>>
    %dma_wait3A_141 = tpu.memref_squeeze %dma_wait3A_140 : memref<1x125xi32, #tpu.memory_space<vmem>> -> memref<125xi32, #tpu.memory_space<vmem>>
    %dma_wait3A_142 = arith.constant 0 : i32
    %dma_wait3A_143 = arith.constant 0 : i32
    %dma_wait3A_144 = tpu.memref_slice %arg2[%dma_wait3A_142, %dma_wait3A_143] : memref<20480x64xf32, #tpu.memory_space<hbm>> -> memref<20480x64xf32, #tpu.memory_space<hbm>>
    %dma_wait3A_145 = tpu.memref_slice %arg9[%dma_wait3A_134] : memref<4x!tpu.dma_semaphore, #tpu.memory_space<semaphore_mem>> -> memref<1x!tpu.dma_semaphore, #tpu.memory_space<semaphore_mem>>
    %dma_wait3A_146 = tpu.memref_squeeze %dma_wait3A_145 : memref<1x!tpu.dma_semaphore, #tpu.memory_space<semaphore_mem>> -> memref<!tpu.dma_semaphore, #tpu.memory_space<semaphore_mem>>
    tpu.wait_indirect_dma semaphore(%dma_wait3A_146 : memref<!tpu.dma_semaphore, #tpu.memory_space<semaphore_mem>>) src(%dma_wait3A_144 : memref<20480x64xf32, #tpu.memory_space<hbm>>) dst(%dma_wait3A_138 : memref<125x64xf32, #tpu.memory_space<vmem>>)
    %mul3A_147 = arith.constant 160 : i32
    %mul3A_148 = arith.muli %arg1, %mul3A_147 : i32
    %add3A_149 = arith.constant 156 : i32
    %add3A_150 = arith.addi %mul3A_148, %add3A_149 : i32
    %dma_wait3A_151 = arith.constant 0 : i32
    %dma_wait3A_152 = arith.constant 0 : i32
    %dma_wait3A_153 = tpu.memref_slice %arg4[%add3A_150, %dma_wait3A_152] : memref<2560x125xi32, #tpu.memory_space<hbm>> -> memref<1x125xi32, #tpu.memory_space<hbm>>
    %dma_wait3A_154 = tpu.memref_squeeze %dma_wait3A_153 : memref<1x125xi32, #tpu.memory_space<hbm>> -> memref<125xi32, #tpu.memory_space<hbm>>
    %dma_wait3A_155 = tpu.memref_slice %arg11[%dma_wait3A_151] : memref<4x!tpu.dma_semaphore, #tpu.memory_space<semaphore_mem>> -> memref<1x!tpu.dma_semaphore, #tpu.memory_space<semaphore_mem>>
    %dma_wait3A_156 = tpu.memref_squeeze %dma_wait3A_155 : memref<1x!tpu.dma_semaphore, #tpu.memory_space<semaphore_mem>> -> memref<!tpu.dma_semaphore, #tpu.memory_space<semaphore_mem>>
    %dma_wait3A_157 = arith.constant 0 : i32
    %dma_wait3A_158 = tpu.memref_slice %arg4[%add3A_150, %dma_wait3A_157] : memref<2560x125xi32, #tpu.memory_space<hbm>> -> memref<1x125xi32, #tpu.memory_space<hbm>>
    %dma_wait3A_159 = tpu.memref_squeeze %dma_wait3A_158 : memref<1x125xi32, #tpu.memory_space<hbm>> -> memref<125xi32, #tpu.memory_space<hbm>>
    tpu.wait_dma2 semaphore(%dma_wait3A_156 : memref<!tpu.dma_semaphore, #tpu.memory_space<semaphore_mem>>) src(%dma_wait3A_159 : memref<125xi32, #tpu.memory_space<hbm>>) dst(%arg12 : memref<125xi32, #tpu.memory_space<vmem>>)
    %run_scoped3A = arith.constant 0 : i32
    "tpu.region"() ({
      %run_scoped3A_254 = tpu.sem_alloc : memref<!tpu.dma_semaphore, #tpu.memory_space<semaphore_mem>>
      %dma_start3A_255 = arith.constant 0 : i32
      %dma_start3A_256 = arith.constant 0 : i32
      %dma_start3A_257 = tpu.memref_slice %arg7[%run_scoped3A, %dma_start3A_255, %dma_start3A_256] : memref<4x125x64xf32, #tpu.memory_space<vmem>> -> memref<1x125x64xf32, #tpu.memory_space<vmem>>
      %dma_start3A_258 = tpu.memref_squeeze %dma_start3A_257 : memref<1x125x64xf32, #tpu.memory_space<vmem>> -> memref<125x64xf32, #tpu.memory_space<vmem>>
      %dma_start3A_259 = arith.constant 0 : i32
      %dma_start3A_260 = arith.constant 0 : i32
      %dma_start3A_261 = tpu.memref_slice %arg8[%dma_start3A_259, %dma_start3A_260] : memref<10240x64xf32, #tpu.memory_space<vmem_shared>> -> memref<10240x64xf32, #tpu.memory_space<vmem_shared>>
      tpu.enqueue_indirect_dma source(%dma_start3A_258 : memref<125x64xf32, #tpu.memory_space<vmem>>) target(%dma_start3A_261 : memref<10240x64xf32, #tpu.memory_space<vmem_shared>>) offsets(%arg12 : memref<125xi32, #tpu.memory_space<vmem>>) semaphore(%run_scoped3A_254 : memref<!tpu.dma_semaphore, #tpu.memory_space<semaphore_mem>>) {add = true}
      %dma_wait3A_262 = arith.constant 0 : i32
      %dma_wait3A_263 = arith.constant 0 : i32
      %dma_wait3A_264 = tpu.memref_slice %arg7[%run_scoped3A, %dma_wait3A_262, %dma_wait3A_263] : memref<4x125x64xf32, #tpu.memory_space<vmem>> -> memref<1x125x64xf32, #tpu.memory_space<vmem>>
      %dma_wait3A_265 = tpu.memref_squeeze %dma_wait3A_264 : memref<1x125x64xf32, #tpu.memory_space<vmem>> -> memref<125x64xf32, #tpu.memory_space<vmem>>
      %dma_wait3A_266 = arith.constant 0 : i32
      %dma_wait3A_267 = arith.constant 0 : i32
      %dma_wait3A_268 = tpu.memref_slice %arg8[%dma_wait3A_266, %dma_wait3A_267] : memref<10240x64xf32, #tpu.memory_space<vmem_shared>> -> memref<10240x64xf32, #tpu.memory_space<vmem_shared>>
      tpu.wait_indirect_dma semaphore(%run_scoped3A_254 : memref<!tpu.dma_semaphore, #tpu.memory_space<semaphore_mem>>) src(%dma_wait3A_265 : memref<125x64xf32, #tpu.memory_space<vmem>>) dst(%dma_wait3A_268 : memref<10240x64xf32, #tpu.memory_space<vmem_shared>>)
      tpu.yield
    }) : () -> ()
    %dma_wait3A_160 = arith.constant 157 : i32
    %dma_wait3A_161 = arith.constant 1 : i32
    %dma_wait3A_162 = arith.constant 1 : i32
    %dma_wait3A_163 = arith.constant 0 : i32
    %dma_wait3A_164 = arith.constant 0 : i32
    %dma_wait3A_165 = tpu.memref_slice %arg7[%dma_wait3A_161, %dma_wait3A_163, %dma_wait3A_164] : memref<4x125x64xf32, #tpu.memory_space<vmem>> -> memref<1x125x64xf32, #tpu.memory_space<vmem>>
    %dma_wait3A_166 = tpu.memref_squeeze %dma_wait3A_165 : memref<1x125x64xf32, #tpu.memory_space<vmem>> -> memref<125x64xf32, #tpu.memory_space<vmem>>
    %dma_wait3A_167 = arith.constant 0 : i32
    %dma_wait3A_168 = tpu.memref_slice %arg6[%dma_wait3A_160, %dma_wait3A_167] : memref<160x125xi32, #tpu.memory_space<vmem>> -> memref<1x125xi32, #tpu.memory_space<vmem>>
    %dma_wait3A_169 = tpu.memref_squeeze %dma_wait3A_168 : memref<1x125xi32, #tpu.memory_space<vmem>> -> memref<125xi32, #tpu.memory_space<vmem>>
    %dma_wait3A_170 = arith.constant 0 : i32
    %dma_wait3A_171 = arith.constant 0 : i32
    %dma_wait3A_172 = tpu.memref_slice %arg2[%dma_wait3A_170, %dma_wait3A_171] : memref<20480x64xf32, #tpu.memory_space<hbm>> -> memref<20480x64xf32, #tpu.memory_space<hbm>>
    %dma_wait3A_173 = tpu.memref_slice %arg9[%dma_wait3A_162] : memref<4x!tpu.dma_semaphore, #tpu.memory_space<semaphore_mem>> -> memref<1x!tpu.dma_semaphore, #tpu.memory_space<semaphore_mem>>
    %dma_wait3A_174 = tpu.memref_squeeze %dma_wait3A_173 : memref<1x!tpu.dma_semaphore, #tpu.memory_space<semaphore_mem>> -> memref<!tpu.dma_semaphore, #tpu.memory_space<semaphore_mem>>
    tpu.wait_indirect_dma semaphore(%dma_wait3A_174 : memref<!tpu.dma_semaphore, #tpu.memory_space<semaphore_mem>>) src(%dma_wait3A_172 : memref<20480x64xf32, #tpu.memory_space<hbm>>) dst(%dma_wait3A_166 : memref<125x64xf32, #tpu.memory_space<vmem>>)
    %mul3A_175 = arith.constant 160 : i32
    %mul3A_176 = arith.muli %arg1, %mul3A_175 : i32
    %add3A_177 = arith.constant 157 : i32
    %add3A_178 = arith.addi %mul3A_176, %add3A_177 : i32
    %dma_wait3A_179 = arith.constant 1 : i32
    %dma_wait3A_180 = arith.constant 0 : i32
    %dma_wait3A_181 = tpu.memref_slice %arg4[%add3A_178, %dma_wait3A_180] : memref<2560x125xi32, #tpu.memory_space<hbm>> -> memref<1x125xi32, #tpu.memory_space<hbm>>
    %dma_wait3A_182 = tpu.memref_squeeze %dma_wait3A_181 : memref<1x125xi32, #tpu.memory_space<hbm>> -> memref<125xi32, #tpu.memory_space<hbm>>
    %dma_wait3A_183 = tpu.memref_slice %arg11[%dma_wait3A_179] : memref<4x!tpu.dma_semaphore, #tpu.memory_space<semaphore_mem>> -> memref<1x!tpu.dma_semaphore, #tpu.memory_space<semaphore_mem>>
    %dma_wait3A_184 = tpu.memref_squeeze %dma_wait3A_183 : memref<1x!tpu.dma_semaphore, #tpu.memory_space<semaphore_mem>> -> memref<!tpu.dma_semaphore, #tpu.memory_space<semaphore_mem>>
    %dma_wait3A_185 = arith.constant 0 : i32
    %dma_wait3A_186 = tpu.memref_slice %arg4[%add3A_178, %dma_wait3A_185] : memref<2560x125xi32, #tpu.memory_space<hbm>> -> memref<1x125xi32, #tpu.memory_space<hbm>>
    %dma_wait3A_187 = tpu.memref_squeeze %dma_wait3A_186 : memref<1x125xi32, #tpu.memory_space<hbm>> -> memref<125xi32, #tpu.memory_space<hbm>>
    tpu.wait_dma2 semaphore(%dma_wait3A_184 : memref<!tpu.dma_semaphore, #tpu.memory_space<semaphore_mem>>) src(%dma_wait3A_187 : memref<125xi32, #tpu.memory_space<hbm>>) dst(%arg13 : memref<125xi32, #tpu.memory_space<vmem>>)
    %run_scoped3A_188 = arith.constant 1 : i32
    "tpu.region"() ({
      %run_scoped3A_254 = tpu.sem_alloc : memref<!tpu.dma_semaphore, #tpu.memory_space<semaphore_mem>>
      %dma_start3A_255 = arith.constant 0 : i32
      %dma_start3A_256 = arith.constant 0 : i32
      %dma_start3A_257 = tpu.memref_slice %arg7[%run_scoped3A_188, %dma_start3A_255, %dma_start3A_256] : memref<4x125x64xf32, #tpu.memory_space<vmem>> -> memref<1x125x64xf32, #tpu.memory_space<vmem>>
      %dma_start3A_258 = tpu.memref_squeeze %dma_start3A_257 : memref<1x125x64xf32, #tpu.memory_space<vmem>> -> memref<125x64xf32, #tpu.memory_space<vmem>>
      %dma_start3A_259 = arith.constant 0 : i32
      %dma_start3A_260 = arith.constant 0 : i32
      %dma_start3A_261 = tpu.memref_slice %arg8[%dma_start3A_259, %dma_start3A_260] : memref<10240x64xf32, #tpu.memory_space<vmem_shared>> -> memref<10240x64xf32, #tpu.memory_space<vmem_shared>>
      tpu.enqueue_indirect_dma source(%dma_start3A_258 : memref<125x64xf32, #tpu.memory_space<vmem>>) target(%dma_start3A_261 : memref<10240x64xf32, #tpu.memory_space<vmem_shared>>) offsets(%arg13 : memref<125xi32, #tpu.memory_space<vmem>>) semaphore(%run_scoped3A_254 : memref<!tpu.dma_semaphore, #tpu.memory_space<semaphore_mem>>) {add = true}
      %dma_wait3A_262 = arith.constant 0 : i32
      %dma_wait3A_263 = arith.constant 0 : i32
      %dma_wait3A_264 = tpu.memref_slice %arg7[%run_scoped3A_188, %dma_wait3A_262, %dma_wait3A_263] : memref<4x125x64xf32, #tpu.memory_space<vmem>> -> memref<1x125x64xf32, #tpu.memory_space<vmem>>
      %dma_wait3A_265 = tpu.memref_squeeze %dma_wait3A_264 : memref<1x125x64xf32, #tpu.memory_space<vmem>> -> memref<125x64xf32, #tpu.memory_space<vmem>>
      %dma_wait3A_266 = arith.constant 0 : i32
      %dma_wait3A_267 = arith.constant 0 : i32
      %dma_wait3A_268 = tpu.memref_slice %arg8[%dma_wait3A_266, %dma_wait3A_267] : memref<10240x64xf32, #tpu.memory_space<vmem_shared>> -> memref<10240x64xf32, #tpu.memory_space<vmem_shared>>
      tpu.wait_indirect_dma semaphore(%run_scoped3A_254 : memref<!tpu.dma_semaphore, #tpu.memory_space<semaphore_mem>>) src(%dma_wait3A_265 : memref<125x64xf32, #tpu.memory_space<vmem>>) dst(%dma_wait3A_268 : memref<10240x64xf32, #tpu.memory_space<vmem_shared>>)
      tpu.yield
    }) : () -> ()
    %dma_wait3A_189 = arith.constant 158 : i32
    %dma_wait3A_190 = arith.constant 2 : i32
    %dma_wait3A_191 = arith.constant 2 : i32
    %dma_wait3A_192 = arith.constant 0 : i32
    %dma_wait3A_193 = arith.constant 0 : i32
    %dma_wait3A_194 = tpu.memref_slice %arg7[%dma_wait3A_190, %dma_wait3A_192, %dma_wait3A_193] : memref<4x125x64xf32, #tpu.memory_space<vmem>> -> memref<1x125x64xf32, #tpu.memory_space<vmem>>
    %dma_wait3A_195 = tpu.memref_squeeze %dma_wait3A_194 : memref<1x125x64xf32, #tpu.memory_space<vmem>> -> memref<125x64xf32, #tpu.memory_space<vmem>>
    %dma_wait3A_196 = arith.constant 0 : i32
    %dma_wait3A_197 = tpu.memref_slice %arg6[%dma_wait3A_189, %dma_wait3A_196] : memref<160x125xi32, #tpu.memory_space<vmem>> -> memref<1x125xi32, #tpu.memory_space<vmem>>
    %dma_wait3A_198 = tpu.memref_squeeze %dma_wait3A_197 : memref<1x125xi32, #tpu.memory_space<vmem>> -> memref<125xi32, #tpu.memory_space<vmem>>
    %dma_wait3A_199 = arith.constant 0 : i32
    %dma_wait3A_200 = arith.constant 0 : i32
    %dma_wait3A_201 = tpu.memref_slice %arg2[%dma_wait3A_199, %dma_wait3A_200] : memref<20480x64xf32, #tpu.memory_space<hbm>> -> memref<20480x64xf32, #tpu.memory_space<hbm>>
    %dma_wait3A_202 = tpu.memref_slice %arg9[%dma_wait3A_191] : memref<4x!tpu.dma_semaphore, #tpu.memory_space<semaphore_mem>> -> memref<1x!tpu.dma_semaphore, #tpu.memory_space<semaphore_mem>>
    %dma_wait3A_203 = tpu.memref_squeeze %dma_wait3A_202 : memref<1x!tpu.dma_semaphore, #tpu.memory_space<semaphore_mem>> -> memref<!tpu.dma_semaphore, #tpu.memory_space<semaphore_mem>>
    tpu.wait_indirect_dma semaphore(%dma_wait3A_203 : memref<!tpu.dma_semaphore, #tpu.memory_space<semaphore_mem>>) src(%dma_wait3A_201 : memref<20480x64xf32, #tpu.memory_space<hbm>>) dst(%dma_wait3A_195 : memref<125x64xf32, #tpu.memory_space<vmem>>)
    %mul3A_204 = arith.constant 160 : i32
    %mul3A_205 = arith.muli %arg1, %mul3A_204 : i32
    %add3A_206 = arith.constant 158 : i32
    %add3A_207 = arith.addi %mul3A_205, %add3A_206 : i32
    %dma_wait3A_208 = arith.constant 2 : i32
    %dma_wait3A_209 = arith.constant 0 : i32
    %dma_wait3A_210 = tpu.memref_slice %arg4[%add3A_207, %dma_wait3A_209] : memref<2560x125xi32, #tpu.memory_space<hbm>> -> memref<1x125xi32, #tpu.memory_space<hbm>>
    %dma_wait3A_211 = tpu.memref_squeeze %dma_wait3A_210 : memref<1x125xi32, #tpu.memory_space<hbm>> -> memref<125xi32, #tpu.memory_space<hbm>>
    %dma_wait3A_212 = tpu.memref_slice %arg11[%dma_wait3A_208] : memref<4x!tpu.dma_semaphore, #tpu.memory_space<semaphore_mem>> -> memref<1x!tpu.dma_semaphore, #tpu.memory_space<semaphore_mem>>
    %dma_wait3A_213 = tpu.memref_squeeze %dma_wait3A_212 : memref<1x!tpu.dma_semaphore, #tpu.memory_space<semaphore_mem>> -> memref<!tpu.dma_semaphore, #tpu.memory_space<semaphore_mem>>
    %dma_wait3A_214 = arith.constant 0 : i32
    %dma_wait3A_215 = tpu.memref_slice %arg4[%add3A_207, %dma_wait3A_214] : memref<2560x125xi32, #tpu.memory_space<hbm>> -> memref<1x125xi32, #tpu.memory_space<hbm>>
    %dma_wait3A_216 = tpu.memref_squeeze %dma_wait3A_215 : memref<1x125xi32, #tpu.memory_space<hbm>> -> memref<125xi32, #tpu.memory_space<hbm>>
    tpu.wait_dma2 semaphore(%dma_wait3A_213 : memref<!tpu.dma_semaphore, #tpu.memory_space<semaphore_mem>>) src(%dma_wait3A_216 : memref<125xi32, #tpu.memory_space<hbm>>) dst(%arg14 : memref<125xi32, #tpu.memory_space<vmem>>)
    %run_scoped3A_217 = arith.constant 2 : i32
    "tpu.region"() ({
      %run_scoped3A_254 = tpu.sem_alloc : memref<!tpu.dma_semaphore, #tpu.memory_space<semaphore_mem>>
      %dma_start3A_255 = arith.constant 0 : i32
      %dma_start3A_256 = arith.constant 0 : i32
      %dma_start3A_257 = tpu.memref_slice %arg7[%run_scoped3A_217, %dma_start3A_255, %dma_start3A_256] : memref<4x125x64xf32, #tpu.memory_space<vmem>> -> memref<1x125x64xf32, #tpu.memory_space<vmem>>
      %dma_start3A_258 = tpu.memref_squeeze %dma_start3A_257 : memref<1x125x64xf32, #tpu.memory_space<vmem>> -> memref<125x64xf32, #tpu.memory_space<vmem>>
      %dma_start3A_259 = arith.constant 0 : i32
      %dma_start3A_260 = arith.constant 0 : i32
      %dma_start3A_261 = tpu.memref_slice %arg8[%dma_start3A_259, %dma_start3A_260] : memref<10240x64xf32, #tpu.memory_space<vmem_shared>> -> memref<10240x64xf32, #tpu.memory_space<vmem_shared>>
      tpu.enqueue_indirect_dma source(%dma_start3A_258 : memref<125x64xf32, #tpu.memory_space<vmem>>) target(%dma_start3A_261 : memref<10240x64xf32, #tpu.memory_space<vmem_shared>>) offsets(%arg14 : memref<125xi32, #tpu.memory_space<vmem>>) semaphore(%run_scoped3A_254 : memref<!tpu.dma_semaphore, #tpu.memory_space<semaphore_mem>>) {add = true}
      %dma_wait3A_262 = arith.constant 0 : i32
      %dma_wait3A_263 = arith.constant 0 : i32
      %dma_wait3A_264 = tpu.memref_slice %arg7[%run_scoped3A_217, %dma_wait3A_262, %dma_wait3A_263] : memref<4x125x64xf32, #tpu.memory_space<vmem>> -> memref<1x125x64xf32, #tpu.memory_space<vmem>>
      %dma_wait3A_265 = tpu.memref_squeeze %dma_wait3A_264 : memref<1x125x64xf32, #tpu.memory_space<vmem>> -> memref<125x64xf32, #tpu.memory_space<vmem>>
      %dma_wait3A_266 = arith.constant 0 : i32
      %dma_wait3A_267 = arith.constant 0 : i32
      %dma_wait3A_268 = tpu.memref_slice %arg8[%dma_wait3A_266, %dma_wait3A_267] : memref<10240x64xf32, #tpu.memory_space<vmem_shared>> -> memref<10240x64xf32, #tpu.memory_space<vmem_shared>>
      tpu.wait_indirect_dma semaphore(%run_scoped3A_254 : memref<!tpu.dma_semaphore, #tpu.memory_space<semaphore_mem>>) src(%dma_wait3A_265 : memref<125x64xf32, #tpu.memory_space<vmem>>) dst(%dma_wait3A_268 : memref<10240x64xf32, #tpu.memory_space<vmem_shared>>)
      tpu.yield
    }) : () -> ()
    %dma_wait3A_218 = arith.constant 159 : i32
    %dma_wait3A_219 = arith.constant 3 : i32
    %dma_wait3A_220 = arith.constant 3 : i32
    %dma_wait3A_221 = arith.constant 0 : i32
    %dma_wait3A_222 = arith.constant 0 : i32
    %dma_wait3A_223 = tpu.memref_slice %arg7[%dma_wait3A_219, %dma_wait3A_221, %dma_wait3A_222] : memref<4x125x64xf32, #tpu.memory_space<vmem>> -> memref<1x125x64xf32, #tpu.memory_space<vmem>>
    %dma_wait3A_224 = tpu.memref_squeeze %dma_wait3A_223 : memref<1x125x64xf32, #tpu.memory_space<vmem>> -> memref<125x64xf32, #tpu.memory_space<vmem>>
    %dma_wait3A_225 = arith.constant 0 : i32
    %dma_wait3A_226 = tpu.memref_slice %arg6[%dma_wait3A_218, %dma_wait3A_225] : memref<160x125xi32, #tpu.memory_space<vmem>> -> memref<1x125xi32, #tpu.memory_space<vmem>>
    %dma_wait3A_227 = tpu.memref_squeeze %dma_wait3A_226 : memref<1x125xi32, #tpu.memory_space<vmem>> -> memref<125xi32, #tpu.memory_space<vmem>>
    %dma_wait3A_228 = arith.constant 0 : i32
    %dma_wait3A_229 = arith.constant 0 : i32
    %dma_wait3A_230 = tpu.memref_slice %arg2[%dma_wait3A_228, %dma_wait3A_229] : memref<20480x64xf32, #tpu.memory_space<hbm>> -> memref<20480x64xf32, #tpu.memory_space<hbm>>
    %dma_wait3A_231 = tpu.memref_slice %arg9[%dma_wait3A_220] : memref<4x!tpu.dma_semaphore, #tpu.memory_space<semaphore_mem>> -> memref<1x!tpu.dma_semaphore, #tpu.memory_space<semaphore_mem>>
    %dma_wait3A_232 = tpu.memref_squeeze %dma_wait3A_231 : memref<1x!tpu.dma_semaphore, #tpu.memory_space<semaphore_mem>> -> memref<!tpu.dma_semaphore, #tpu.memory_space<semaphore_mem>>
    tpu.wait_indirect_dma semaphore(%dma_wait3A_232 : memref<!tpu.dma_semaphore, #tpu.memory_space<semaphore_mem>>) src(%dma_wait3A_230 : memref<20480x64xf32, #tpu.memory_space<hbm>>) dst(%dma_wait3A_224 : memref<125x64xf32, #tpu.memory_space<vmem>>)
    %mul3A_233 = arith.constant 160 : i32
    %mul3A_234 = arith.muli %arg1, %mul3A_233 : i32
    %add3A_235 = arith.constant 159 : i32
    %add3A_236 = arith.addi %mul3A_234, %add3A_235 : i32
    %dma_wait3A_237 = arith.constant 3 : i32
    %dma_wait3A_238 = arith.constant 0 : i32
    %dma_wait3A_239 = tpu.memref_slice %arg4[%add3A_236, %dma_wait3A_238] : memref<2560x125xi32, #tpu.memory_space<hbm>> -> memref<1x125xi32, #tpu.memory_space<hbm>>
    %dma_wait3A_240 = tpu.memref_squeeze %dma_wait3A_239 : memref<1x125xi32, #tpu.memory_space<hbm>> -> memref<125xi32, #tpu.memory_space<hbm>>
    %dma_wait3A_241 = tpu.memref_slice %arg11[%dma_wait3A_237] : memref<4x!tpu.dma_semaphore, #tpu.memory_space<semaphore_mem>> -> memref<1x!tpu.dma_semaphore, #tpu.memory_space<semaphore_mem>>
    %dma_wait3A_242 = tpu.memref_squeeze %dma_wait3A_241 : memref<1x!tpu.dma_semaphore, #tpu.memory_space<semaphore_mem>> -> memref<!tpu.dma_semaphore, #tpu.memory_space<semaphore_mem>>
    %dma_wait3A_243 = arith.constant 0 : i32
    %dma_wait3A_244 = tpu.memref_slice %arg4[%add3A_236, %dma_wait3A_243] : memref<2560x125xi32, #tpu.memory_space<hbm>> -> memref<1x125xi32, #tpu.memory_space<hbm>>
    %dma_wait3A_245 = tpu.memref_squeeze %dma_wait3A_244 : memref<1x125xi32, #tpu.memory_space<hbm>> -> memref<125xi32, #tpu.memory_space<hbm>>
    tpu.wait_dma2 semaphore(%dma_wait3A_242 : memref<!tpu.dma_semaphore, #tpu.memory_space<semaphore_mem>>) src(%dma_wait3A_245 : memref<125xi32, #tpu.memory_space<hbm>>) dst(%arg15 : memref<125xi32, #tpu.memory_space<vmem>>)
    %run_scoped3A_246 = arith.constant 3 : i32
    "tpu.region"() ({
      %run_scoped3A_254 = tpu.sem_alloc : memref<!tpu.dma_semaphore, #tpu.memory_space<semaphore_mem>>
      %dma_start3A_255 = arith.constant 0 : i32
      %dma_start3A_256 = arith.constant 0 : i32
      %dma_start3A_257 = tpu.memref_slice %arg7[%run_scoped3A_246, %dma_start3A_255, %dma_start3A_256] : memref<4x125x64xf32, #tpu.memory_space<vmem>> -> memref<1x125x64xf32, #tpu.memory_space<vmem>>
      %dma_start3A_258 = tpu.memref_squeeze %dma_start3A_257 : memref<1x125x64xf32, #tpu.memory_space<vmem>> -> memref<125x64xf32, #tpu.memory_space<vmem>>
      %dma_start3A_259 = arith.constant 0 : i32
      %dma_start3A_260 = arith.constant 0 : i32
      %dma_start3A_261 = tpu.memref_slice %arg8[%dma_start3A_259, %dma_start3A_260] : memref<10240x64xf32, #tpu.memory_space<vmem_shared>> -> memref<10240x64xf32, #tpu.memory_space<vmem_shared>>
      tpu.enqueue_indirect_dma source(%dma_start3A_258 : memref<125x64xf32, #tpu.memory_space<vmem>>) target(%dma_start3A_261 : memref<10240x64xf32, #tpu.memory_space<vmem_shared>>) offsets(%arg15 : memref<125xi32, #tpu.memory_space<vmem>>) semaphore(%run_scoped3A_254 : memref<!tpu.dma_semaphore, #tpu.memory_space<semaphore_mem>>) {add = true}
      %dma_wait3A_262 = arith.constant 0 : i32
      %dma_wait3A_263 = arith.constant 0 : i32
      %dma_wait3A_264 = tpu.memref_slice %arg7[%run_scoped3A_246, %dma_wait3A_262, %dma_wait3A_263] : memref<4x125x64xf32, #tpu.memory_space<vmem>> -> memref<1x125x64xf32, #tpu.memory_space<vmem>>
      %dma_wait3A_265 = tpu.memref_squeeze %dma_wait3A_264 : memref<1x125x64xf32, #tpu.memory_space<vmem>> -> memref<125x64xf32, #tpu.memory_space<vmem>>
      %dma_wait3A_266 = arith.constant 0 : i32
      %dma_wait3A_267 = arith.constant 0 : i32
      %dma_wait3A_268 = tpu.memref_slice %arg8[%dma_wait3A_266, %dma_wait3A_267] : memref<10240x64xf32, #tpu.memory_space<vmem_shared>> -> memref<10240x64xf32, #tpu.memory_space<vmem_shared>>
      tpu.wait_indirect_dma semaphore(%run_scoped3A_254 : memref<!tpu.dma_semaphore, #tpu.memory_space<semaphore_mem>>) src(%dma_wait3A_265 : memref<125x64xf32, #tpu.memory_space<vmem>>) dst(%dma_wait3A_268 : memref<10240x64xf32, #tpu.memory_space<vmem_shared>>)
      tpu.yield
    }) : () -> ()
    %barrier3A_247 = arith.constant 0 : index
    tpu.barrier barrier_id(%barrier3A_247)
    %mul3A_248 = arith.constant 640 : i32
    %mul3A_249 = arith.muli %arg1, %mul3A_248 : i32
    %mul3A_250 = arith.constant 640 : i32
    %mul3A_251 = arith.muli %arg1, %mul3A_250 : i32
    %mul3A_252 = arith.constant 64 : i32
    %mul3A_253 = arith.muli %arg0, %mul3A_252 : i32
    "tpu.region"() ({
      %run_scoped3A_254 = tpu.sem_alloc : memref<!tpu.dma_semaphore, #tpu.memory_space<semaphore_mem>>
      %dma_start3A_255 = tpu.memref_slice %arg5[%mul3A_251, %mul3A_253] : memref<10240x128xf32, #tpu.memory_space<hbm>> -> memref<640x64xf32, #tpu.memory_space<hbm>>
      %dma_start3A_256 = arith.constant 0 : i32
      %dma_start3A_257 = tpu.memref_slice %arg8[%mul3A_249, %dma_start3A_256] : memref<10240x64xf32, #tpu.memory_space<vmem_shared>> -> memref<640x64xf32, #tpu.memory_space<vmem_shared>>
      tpu.enqueue_dma source(%dma_start3A_257 : memref<640x64xf32, #tpu.memory_space<vmem_shared>>) target(%dma_start3A_255 : memref<640x64xf32, #tpu.memory_space<hbm>>) target_semaphore(%run_scoped3A_254 : memref<!tpu.dma_semaphore, #tpu.memory_space<semaphore_mem>>)
      %dma_wait3A_258 = tpu.memref_slice %arg5[%mul3A_251, %mul3A_253] : memref<10240x128xf32, #tpu.memory_space<hbm>> -> memref<640x64xf32, #tpu.memory_space<hbm>>
      %dma_wait3A_259 = arith.constant 0 : i32
      %dma_wait3A_260 = tpu.memref_slice %arg8[%mul3A_249, %dma_wait3A_259] : memref<10240x64xf32, #tpu.memory_space<vmem_shared>> -> memref<640x64xf32, #tpu.memory_space<vmem_shared>>
      tpu.wait_dma2 semaphore(%run_scoped3A_254 : memref<!tpu.dma_semaphore, #tpu.memory_space<semaphore_mem>>) src(%dma_wait3A_260 : memref<640x64xf32, #tpu.memory_space<vmem_shared>>) dst(%dma_wait3A_258 : memref<640x64xf32, #tpu.memory_space<hbm>>)
      tpu.yield
    }) : () -> ()
    return
  }
}

module attributes {stable_mosaic.version = 14 : i64} {
  func.func @_tc_mm_body(%arg0: i32, %arg1: memref<512x128xf32, #tpu.memory_space<vmem>>, %arg2: memref<128x128xf32, #tpu.memory_space<vmem>>, %arg3: memref<2x512x16xf32, #tpu.memory_space<vmem>>, %arg4: memref<512x128xf32, #tpu.memory_space<vmem>>, %arg5: memref<512x1xf32, #tpu.memory_space<vmem>>) attributes {dimension_semantics = [#tpu.dimension_semantics<arbitrary>], iteration_bounds = array<i64: 20>, scalar_prefetch = 0 : i64, scratch_operands = 0 : i64, tpu.core_type = #tpu.core_type<tc>, window_params = [{transform_indices = @transform_0, window_bounds = array<i64: 512, 128>}, {pipeline_mode = #tpu.pipeline_mode<synchronous>, transform_indices = @transform_1, window_bounds = array<i64: 128, 128>}, {transform_indices = @transform_2, window_bounds = array<i64: 2, 512, 16>}, {transform_indices = @transform_3, window_bounds = array<i64: 512, 128>}, {transform_indices = @transform_4, window_bounds = array<i64: 512, 1>}]} {
    %get3A = arith.constant 0 : index
    %get3A_0 = arith.constant 0 : index
    %get3A_1 = arith.constant 0 : index
    %get3A_2 = vector.load %arg3[%get3A, %get3A_0, %get3A_1] : memref<2x512x16xf32, #tpu.memory_space<vmem>>, vector<2x512x16xf32>
    %slice3A = vector.extract_strided_slice %get3A_2 {offsets = [0, 0, 0], sizes = [1, 512, 1], strides = [1, 1, 1]} : vector<2x512x16xf32> to vector<1x512x1xf32>
    %squeeze3A = vector.shape_cast %slice3A : vector<1x512x1xf32> to vector<512x1xf32>
    %slice3A_3 = vector.extract_strided_slice %get3A_2 {offsets = [1, 0, 0], sizes = [1, 512, 1], strides = [1, 1, 1]} : vector<2x512x16xf32> to vector<1x512x1xf32>
    %squeeze3A_4 = vector.shape_cast %slice3A_3 : vector<1x512x1xf32> to vector<512x1xf32>
    %add3A = arith.addf %squeeze3A, %squeeze3A_4 : vector<512x1xf32>
    %add3A_5 = arith.constant 1.000000e+00 : f32
    %add3A_6 = vector.broadcast %add3A_5 : f32 to vector<512x1xf32>
    %add3A_7 = arith.addf %add3A, %add3A_6 : vector<512x1xf32>
    %rsqrt3A = math.rsqrt %add3A_7 : vector<512x1xf32>
    %get3A_8 = arith.constant 0 : index
    %get3A_9 = arith.constant 0 : index
    %get3A_10 = vector.load %arg1[%get3A_8, %get3A_9] : memref<512x128xf32, #tpu.memory_space<vmem>>, vector<512x128xf32>
    %get3A_11 = arith.constant 0 : index
    %get3A_12 = arith.constant 0 : index
    %get3A_13 = vector.load %arg2[%get3A_11, %get3A_12] : memref<128x128xf32, #tpu.memory_space<vmem>>, vector<128x128xf32>
    %dot_general3A = arith.constant dense<0.000000e+00> : vector<512x128xf32>
    %dot_general3A_14 = tpu.matmul %get3A_10, %get3A_13, %dot_general3A {dimension_numbers = #tpu.dot_dimension_numbers<[1], [1], [0], [0], [0, 0, 1, 0], [], []>, transpose_lhs_hint = false} : vector<512x128xf32>, vector<128x128xf32>, vector<512x128xf32> -> vector<512x128xf32>
    %mul3A = vector.broadcast %rsqrt3A : vector<512x1xf32> to vector<512x128xf32>
    %mul3A_15 = arith.mulf %dot_general3A_14, %mul3A : vector<512x128xf32>
    %swap3A = arith.constant 0 : index
    %swap3A_16 = arith.constant 0 : index
    %swap3A_17 = vector.load %arg4[%swap3A, %swap3A_16] : memref<512x128xf32, #tpu.memory_space<vmem>>, vector<512x128xf32>
    tpu.vector_store %arg4[%swap3A, %swap3A_16], %mul3A_15 {strides = array<i32>} : memref<512x128xf32, #tpu.memory_space<vmem>>, vector<512x128xf32>,
    %swap3A_18 = arith.constant 0 : index
    %swap3A_19 = arith.constant 0 : index
    %swap3A_20 = vector.load %arg5[%swap3A_18, %swap3A_19] : memref<512x1xf32, #tpu.memory_space<vmem>>, vector<512x1xf32>
    tpu.vector_store %arg5[%swap3A_18, %swap3A_19], %rsqrt3A {strides = array<i32>} : memref<512x1xf32, #tpu.memory_space<vmem>>, vector<512x1xf32>,
    return
  }
  func.func @transform_0(%arg0: i32) -> (i32, i32) {
    %c0_i32 = arith.constant 0 : i32
    %c0_i32_0 = arith.constant 0 : i32
    return %arg0, %c0_i32 : i32, i32
  }
  func.func @transform_1(%arg0: i32) -> (i32, i32) {
    %c0_i32 = arith.constant 0 : i32
    %c0_i32_0 = arith.constant 0 : i32
    %c0_i32_1 = arith.constant 0 : i32
    return %c0_i32, %c0_i32_0 : i32, i32
  }
  func.func @transform_2(%arg0: i32) -> (i32, i32, i32) {
    %c0_i32 = arith.constant 0 : i32
    %c0_i32_0 = arith.constant 0 : i32
    %c0_i32_1 = arith.constant 0 : i32
    return %c0_i32, %arg0, %c0_i32_0 : i32, i32, i32
  }
  func.func @transform_3(%arg0: i32) -> (i32, i32) {
    %c0_i32 = arith.constant 0 : i32
    %c0_i32_0 = arith.constant 0 : i32
    return %arg0, %c0_i32 : i32, i32
  }
  func.func @transform_4(%arg0: i32) -> (i32, i32) {
    %c0_i32 = arith.constant 0 : i32
    %c0_i32_0 = arith.constant 0 : i32
    return %arg0, %c0_i32 : i32, i32
  }
}

module attributes {stable_mosaic.version = 14 : i64} {
  func.func @_tc_fuse_body(%arg0: i32, %arg1: memref<512x128xf32, #tpu.memory_space<vmem>>, %arg2: memref<512x128xf32, #tpu.memory_space<vmem>>, %arg3: memref<512x1xf32, #tpu.memory_space<vmem>>, %arg4: memref<1x128xf32, #tpu.memory_space<vmem>>, %arg5: memref<128x128xf32, #tpu.memory_space<vmem>>, %arg6: memref<512x128xf32, #tpu.memory_space<vmem>>) attributes {dimension_semantics = [#tpu.dimension_semantics<arbitrary>], iteration_bounds = array<i64: 20>, scalar_prefetch = 0 : i64, scratch_operands = 0 : i64, tpu.core_type = #tpu.core_type<tc>, window_params = [{transform_indices = @transform_0, window_bounds = array<i64: 512, 128>}, {transform_indices = @transform_1, window_bounds = array<i64: 512, 128>}, {transform_indices = @transform_2, window_bounds = array<i64: 512, 1>}, {pipeline_mode = #tpu.pipeline_mode<synchronous>, transform_indices = @transform_3, window_bounds = array<i64: 1, 128>}, {pipeline_mode = #tpu.pipeline_mode<synchronous>, transform_indices = @transform_4, window_bounds = array<i64: 128, 128>}, {transform_indices = @transform_5, window_bounds = array<i64: 512, 128>}]} {
    %get3A = arith.constant 0 : index
    %get3A_0 = arith.constant 0 : index
    %get3A_1 = vector.load %arg3[%get3A, %get3A_0] : memref<512x1xf32, #tpu.memory_space<vmem>>, vector<512x1xf32>
    %get3A_2 = arith.constant 0 : index
    %get3A_3 = arith.constant 0 : index
    %get3A_4 = vector.load %arg1[%get3A_2, %get3A_3] : memref<512x128xf32, #tpu.memory_space<vmem>>, vector<512x128xf32>
    %get3A_5 = arith.constant 0 : index
    %get3A_6 = arith.constant 0 : index
    %get3A_7 = vector.load %arg2[%get3A_5, %get3A_6] : memref<512x128xf32, #tpu.memory_space<vmem>>, vector<512x128xf32>
    %add3A = arith.addf %get3A_4, %get3A_7 : vector<512x128xf32>
    %mul3A = vector.broadcast %get3A_1 : vector<512x1xf32> to vector<512x128xf32>
    %mul3A_8 = arith.mulf %add3A, %mul3A : vector<512x128xf32>
    %get3A_9 = arith.constant 0 : index
    %get3A_10 = arith.constant 0 : index
    %get3A_11 = vector.load %arg4[%get3A_9, %get3A_10] : memref<1x128xf32, #tpu.memory_space<vmem>>, vector<1x128xf32>
    %add3A_12 = vector.broadcast %get3A_11 : vector<1x128xf32> to vector<512x128xf32>
    %add3A_13 = arith.addf %mul3A_8, %add3A_12 : vector<512x128xf32>
    %max3A = arith.constant 0.000000e+00 : f32
    %max3A_14 = vector.broadcast %max3A : f32 to vector<512x128xf32>
    %max3A_15 = arith.maximumf %add3A_13, %max3A_14 : vector<512x128xf32>
    %get3A_16 = arith.constant 0 : index
    %get3A_17 = arith.constant 0 : index
    %get3A_18 = vector.load %arg5[%get3A_16, %get3A_17] : memref<128x128xf32, #tpu.memory_space<vmem>>, vector<128x128xf32>
    %dot_general3A = arith.constant dense<0.000000e+00> : vector<512x128xf32>
    %dot_general3A_19 = tpu.matmul %max3A_15, %get3A_18, %dot_general3A {dimension_numbers = #tpu.dot_dimension_numbers<[1], [1], [0], [0], [0, 0, 1, 0], [], []>, transpose_lhs_hint = false} : vector<512x128xf32>, vector<128x128xf32>, vector<512x128xf32> -> vector<512x128xf32>
    %mul3A_20 = vector.broadcast %get3A_1 : vector<512x1xf32> to vector<512x128xf32>
    %mul3A_21 = arith.mulf %dot_general3A_19, %mul3A_20 : vector<512x128xf32>
    %swap3A = arith.constant 0 : index
    %swap3A_22 = arith.constant 0 : index
    %swap3A_23 = vector.load %arg6[%swap3A, %swap3A_22] : memref<512x128xf32, #tpu.memory_space<vmem>>, vector<512x128xf32>
    tpu.vector_store %arg6[%swap3A, %swap3A_22], %mul3A_21 {strides = array<i32>} : memref<512x128xf32, #tpu.memory_space<vmem>>, vector<512x128xf32>,
    return
  }
  func.func @transform_0(%arg0: i32) -> (i32, i32) {
    %c0_i32 = arith.constant 0 : i32
    %c0_i32_0 = arith.constant 0 : i32
    return %arg0, %c0_i32 : i32, i32
  }
  func.func @transform_1(%arg0: i32) -> (i32, i32) {
    %c0_i32 = arith.constant 0 : i32
    %c0_i32_0 = arith.constant 0 : i32
    return %arg0, %c0_i32 : i32, i32
  }
  func.func @transform_2(%arg0: i32) -> (i32, i32) {
    %c0_i32 = arith.constant 0 : i32
    %c0_i32_0 = arith.constant 0 : i32
    return %arg0, %c0_i32 : i32, i32
  }
  func.func @transform_3(%arg0: i32) -> (i32, i32) {
    %c0_i32 = arith.constant 0 : i32
    %c0_i32_0 = arith.constant 0 : i32
    %c0_i32_1 = arith.constant 0 : i32
    return %c0_i32, %c0_i32_0 : i32, i32
  }
  func.func @transform_4(%arg0: i32) -> (i32, i32) {
    %c0_i32 = arith.constant 0 : i32
    %c0_i32_0 = arith.constant 0 : i32
    %c0_i32_1 = arith.constant 0 : i32
    return %c0_i32, %c0_i32_0 : i32, i32
  }
  func.func @transform_5(%arg0: i32) -> (i32, i32) {
    %c0_i32 = arith.constant 0 : i32
    %c0_i32_0 = arith.constant 0 : i32
    return %arg0, %c0_i32 : i32, i32
  }
}

module attributes {stable_mosaic.version = 14 : i64} {
  func.func @_tc_comb_body(%arg0: i32, %arg1: memref<512x128xf32, #tpu.memory_space<vmem>>, %arg2: memref<512x128xf32, #tpu.memory_space<vmem>>, %arg3: memref<512x1xf32, #tpu.memory_space<vmem>>, %arg4: memref<1x128xf32, #tpu.memory_space<vmem>>, %arg5: memref<512x128xf32, #tpu.memory_space<vmem>>) attributes {dimension_semantics = [#tpu.dimension_semantics<arbitrary>], iteration_bounds = array<i64: 20>, scalar_prefetch = 0 : i64, scratch_operands = 0 : i64, tpu.core_type = #tpu.core_type<tc>, window_params = [{transform_indices = @transform_0, window_bounds = array<i64: 512, 128>}, {transform_indices = @transform_1, window_bounds = array<i64: 512, 128>}, {transform_indices = @transform_2, window_bounds = array<i64: 512, 1>}, {pipeline_mode = #tpu.pipeline_mode<synchronous>, transform_indices = @transform_3, window_bounds = array<i64: 1, 128>}, {transform_indices = @transform_4, window_bounds = array<i64: 512, 128>}]} {
    %get3A = arith.constant 0 : index
    %get3A_0 = arith.constant 0 : index
    %get3A_1 = vector.load %arg1[%get3A, %get3A_0] : memref<512x128xf32, #tpu.memory_space<vmem>>, vector<512x128xf32>
    %get3A_2 = arith.constant 0 : index
    %get3A_3 = arith.constant 0 : index
    %get3A_4 = vector.load %arg2[%get3A_2, %get3A_3] : memref<512x128xf32, #tpu.memory_space<vmem>>, vector<512x128xf32>
    %add3A = arith.addf %get3A_1, %get3A_4 : vector<512x128xf32>
    %get3A_5 = arith.constant 0 : index
    %get3A_6 = arith.constant 0 : index
    %get3A_7 = vector.load %arg3[%get3A_5, %get3A_6] : memref<512x1xf32, #tpu.memory_space<vmem>>, vector<512x1xf32>
    %mul3A = vector.broadcast %get3A_7 : vector<512x1xf32> to vector<512x128xf32>
    %mul3A_8 = arith.mulf %add3A, %mul3A : vector<512x128xf32>
    %get3A_9 = arith.constant 0 : index
    %get3A_10 = arith.constant 0 : index
    %get3A_11 = vector.load %arg4[%get3A_9, %get3A_10] : memref<1x128xf32, #tpu.memory_space<vmem>>, vector<1x128xf32>
    %add3A_12 = vector.broadcast %get3A_11 : vector<1x128xf32> to vector<512x128xf32>
    %add3A_13 = arith.addf %mul3A_8, %add3A_12 : vector<512x128xf32>
    %max3A = arith.constant 0.000000e+00 : f32
    %max3A_14 = vector.broadcast %max3A : f32 to vector<512x128xf32>
    %max3A_15 = arith.maximumf %add3A_13, %max3A_14 : vector<512x128xf32>
    %swap3A = arith.constant 0 : index
    %swap3A_16 = arith.constant 0 : index
    %swap3A_17 = vector.load %arg5[%swap3A, %swap3A_16] : memref<512x128xf32, #tpu.memory_space<vmem>>, vector<512x128xf32>
    tpu.vector_store %arg5[%swap3A, %swap3A_16], %max3A_15 {strides = array<i32>} : memref<512x128xf32, #tpu.memory_space<vmem>>, vector<512x128xf32>,
    return
  }
  func.func @transform_0(%arg0: i32) -> (i32, i32) {
    %c0_i32 = arith.constant 0 : i32
    %c0_i32_0 = arith.constant 0 : i32
    return %arg0, %c0_i32 : i32, i32
  }
  func.func @transform_1(%arg0: i32) -> (i32, i32) {
    %c0_i32 = arith.constant 0 : i32
    %c0_i32_0 = arith.constant 0 : i32
    return %arg0, %c0_i32 : i32, i32
  }
  func.func @transform_2(%arg0: i32) -> (i32, i32) {
    %c0_i32 = arith.constant 0 : i32
    %c0_i32_0 = arith.constant 0 : i32
    return %arg0, %c0_i32 : i32, i32
  }
  func.func @transform_3(%arg0: i32) -> (i32, i32) {
    %c0_i32 = arith.constant 0 : i32
    %c0_i32_0 = arith.constant 0 : i32
    %c0_i32_1 = arith.constant 0 : i32
    return %c0_i32, %c0_i32_0 : i32, i32
  }
  func.func @transform_4(%arg0: i32) -> (i32, i32) {
    %c0_i32 = arith.constant 0 : i32
    %c0_i32_0 = arith.constant 0 : i32
    return %arg0, %c0_i32 : i32, i32
  }
}

</mosaic_0001>

<sc_bundles>
// kernel: kernel.11.cloned.1.call-start
scs
__scs_entry_jumppad:
0x0: {  	(pc) =	sbr.rel $0x88, $3  }
0x1: {  	(tag) =	ssettag $0x0;
	lr =	simm.s32 $0x1  }
0x2: {  	[smem:$0x3F9B] =	sst lr;
	_ =	strace $0xD0000000  }
0x3: {  	_ = 	snop  }
0x4: {  	_ = 	snop  }
0x5: {  	_ = 	snop  }
0x6: {  	_ = 	snop  }
0x7: {  	_ = 	snop  }
__scs_overlays_trampoline_lowered:
0x8: {  	[smem:$0x3FAA] =	sst s0  }
0x9: {  	[smem:$0x3FAB] =	sst s1  }
0xa: {  	[smem:$0x3FAC] =	sst s2  }
0xb: {  	[smem:$0x3FAD] =	sst s3  }
0xc: {  	[smem:$0x3FAE] =	sst s4  }
0xd: {  	[smem:$0x3FAF] =	sst s5  }
0xe: {  	[smem:$0x3FB0] =	sst s6  }
0xf: {  	[smem:$0x3FB1] =	sst s7  }
0x10: {  	[smem:$0x3FB2] =	sst s8  }
0x11: {  	[smem:$0x3FB3] =	sst s9;
	s0 =	simm.s32 @!p0 $0x0  }
0x12: {  	s1 =	sld [smem:$0x3F99];
	s0 =	simm.s32 @p0 $0x1  }
0x13: {  	[smem:$0x3FB4] =	sst s0;
	s0 =	simm.s32 @!p1 $0x0  }
0x14: {  	s2 =	sld [smem:$0x3F98];
	s0 =	simm.s32 @p1 $0x1  }
0x15: {  	[smem:$0x3FB5] =	sst s0;
	s0 =	simm.s32 @!p2 $0x0  }
0x16: {  	s3 =	sld [smem:$0x3FDB];
	s0 =	simm.s32 @p2 $0x1  }
0x17: {  	s4 =	simm.s32 $0x1BF5;
	[smem:$0x3FB7] =	sst s0  }
0x18: {  	s0 =	sld [smem:$0x3F9A];
	_ =	swait.ge [sflag:s4], $0x0  }
0x19: {  	s7 =	sld [smem:$0x3F9B]  }
0x1a: {  	s8 =	sadd.s32 $0xFFFFE003, lr  }
0x1b: {  	s9 =	sadd.s32 $0xFFFFFEF7, lr;
	s5 =	simm.s32 $0xFFFFFFFF;
	p2 =	slt.u32 s8, $0xFFFFF086  }
0x1c: {  	p1 =	slt.u32 s9, $0xF7A;
	s5 =	simm.s32 @!p2 $0x0  }
0x1d: {  	s5 =	simm.s32 @p1 $0x1;
	p0 =	seq.s32 s7, s2  }
0x1e: {  	s7 =	smul.u32 @!p0 $0xF7A, s2;
	p2 =	seq.s32 @!p0 s5, $0x0  }
0x1f: {  	s9 =	smul.u32 $0xF7A, s1;
	s8 =	simm.s32 @!p0 $0x1BF5;
	p2 =	por !p2, p0  }
0x20: {  	[sflag:s8] =	ssyncset.s32 @!p0 $0xFFFFF086;
	s6 =	sadd.s32 @!p0 s3, s7;
	s7 =	simm.s32 @!p0 $0x108  }
0x21: {  	s3 =	sadd.s32 s3, s9;
	s6 =	sadd.s32 @!p0 $0x88, s6;
	s7 =	simm.s32 @p2 $0x1082  }
0x22: {  	[simem:s7], [sflag:s8] =	dma.local @!p0 [hbm:s6], $0xF7A  }
0x23: {  	s9 =	sor.u32 $0xD0000000, s2;
	s6 =	simm.s32 $0x108;
	_ =	swait.ge @!p0 [sflag:s8], $0x0  }
0x24: {  	s3 =	sadd.s32 $0x88, s3;
	s6 =	simm.s32 @!p1 $0x1082;
	[sflag:s4] =	ssyncset.s32 $0xFFFFF086  }
0x25: {  	[simem:s6], [sflag:s4] =	dma.local [hbm:s3], $0xF7A  }
0x26: {  	[smem:$0x3F9B] =	sst s1;
	(tag) =	ssettag s2;
	_ =	strace s9  }
0x27: {  	s1 =	sld [smem:$0x3FAB]  }
0x28: {  	s2 =	sld [smem:$0x3FAC]  }
0x29: {  	s4 =	sld [smem:$0x3FAE]  }
0x2a: {  	p0 =	seq.s32 s5, $0x0;
	s5 =	sld [smem:$0x3FAF]  }
0x2b: {  	s6 =	sld [smem:$0x3FB0]  }
0x2c: {  	s7 =	sld [smem:$0x3FB1]  }
0x2d: {  	s3 =	simm.s32 $0x108;
	s8 =	sld [smem:$0x3FB2]  }
0x2e: {  	s3 =	simm.s32 @!p0 $0x1082;
	s9 =	sld [smem:$0x3FB3]  }
0x2f: {  	lr =	sadd.s32 s0, s3;
	s0 =	sld [smem:$0x3FAA]  }
0x30: {  	s3 =	sld [smem:$0x3FAD]  }
0x31: {  	[smem:$0x3FB6] =	sst s10  }
0x32: {  	s10 =	sld [smem:$0x3FB4];
	_ =	sdelay $0x3  }
0x33: {  	p0 =	seq.s32 s10, $0x1;
	s10 =	sld [smem:$0x3FB6];
	_ =	sdelay $0x3  }
0x34: {  	[smem:$0x3FB6] =	sst s10  }
0x35: {  	s10 =	sld [smem:$0x3FB5];
	_ =	sdelay $0x3  }
0x36: {  	p1 =	seq.s32 s10, $0x1;
	s10 =	sld [smem:$0x3FB6];
	_ =	sdelay $0x3  }
0x37: {  	[smem:$0x3FB6] =	sst s10  }
0x38: {  	s10 =	sld [smem:$0x3FB7]  }
0x39: {  	_ = 	snop;
	(pc) =	sbr.ind lr, $3  }
0x3a: {  	_ = 	snop  }
0x3b: {  	_ = 	snop  }
0x3c: {  	p2 =	seq.s32 s10, $0x1;
	s10 =	sld [smem:$0x3FB6]  }
0x3d: {  	_ =	shalt  }
0x3e: {  	_ =	shalt  }
0x3f: {  	_ =	shalt  }
0x40: {  	_ =	shalt  }
0x41: {  	_ =	shalt  }
0x42: {  	_ =	shalt  }
0x43: {  	_ =	shalt  }
0x44: {  	_ =	shalt  }
0x45: {  	_ =	shalt  }
0x46: {  	_ =	shalt  }
0x47: {  	_ =	shalt  }
0x48: {  	_ =	shalt  }
0x49: {  	_ =	shalt  }
0x4a: {  	_ =	shalt  }
0x4b: {  	_ =	shalt  }
0x4c: {  	_ =	shalt  }
0x4d: {  	_ =	shalt  }
0x4e: {  	_ =	shalt  }
0x4f: {  	_ =	shalt  }
0x50: {  	_ =	shalt  }
0x51: {  	_ =	shalt  }
0x52: {  	_ =	shalt  }
0x53: {  	_ =	shalt  }
0x54: {  	_ =	shalt  }
0x55: {  	_ =	shalt  }
0x56: {  	_ =	shalt  }
0x57: {  	_ =	shalt  }
0x58: {  	_ =	shalt  }
0x59: {  	_ =	shalt  }
0x5a: {  	_ =	shalt  }
0x5b: {  	_ =	shalt  }
0x5c: {  	_ =	shalt  }
0x5d: {  	_ =	shalt  }
0x5e: {  	_ =	shalt  }
0x5f: {  	_ =	shalt  }
0x60: {  	_ =	shalt  }
0x61: {  	_ =	shalt  }
0x62: {  	_ =	shalt  }
0x63: {  	_ =	shalt  }
0x64: {  	_ =	shalt  }
0x65: {  	_ =	shalt  }
0x66: {  	_ =	shalt  }
0x67: {  	_ =	shalt  }
0x68: {  	_ =	shalt  }
0x69: {  	_ =	shalt  }
0x6a: {  	_ =	shalt  }
0x6b: {  	_ =	shalt  }
0x6c: {  	_ =	shalt  }
0x6d: {  	_ =	shalt  }
0x6e: {  	_ =	shalt  }
0x6f: {  	_ =	shalt  }
0x70: {  	_ =	shalt  }
0x71: {  	_ =	shalt  }
0x72: {  	_ =	shalt  }
0x73: {  	_ =	shalt  }
0x74: {  	_ =	shalt  }
0x75: {  	_ =	shalt  }
0x76: {  	_ =	shalt  }
0x77: {  	_ =	shalt  }
0x78: {  	_ =	shalt  }
0x79: {  	_ =	shalt  }
0x7a: {  	_ =	shalt  }
0x7b: {  	_ =	shalt  }
0x7c: {  	_ =	shalt  }
0x7d: {  	_ =	shalt  }
0x7e: {  	_ =	shalt  }
0x7f: {  	_ =	shalt  }
0x80: {  	_ =	shalt  }
0x81: {  	_ =	shalt  }
0x82: {  	_ =	shalt  }
0x83: {  	_ =	shalt  }
0x84: {  	_ =	shalt  }
0x85: {  	_ =	shalt  }
0x86: {  	_ =	shalt  }
0x87: {  	_ =	shalt  }
.Lfunc_end0:
.L_simem_size_0:
called_computation.1_lowered:
.L_overlay_start_0:
0x88: {  	s2 =	sld [smem:$0x3FD9]  }
0x89: {  	s3 =	sld [smem:$0x3FFE];
	_ =	sdelay $0x1  }
0x8a: {  	s1 =	srdreg.scid  }
0x8b: {  	s0 =	sand.u32 $0x1, s1  }
0x8c: {  	s17 =	sshll.u32 s0, $0xA;
	s2 =	sadd.s32 s3, s2  }
0x8d: {  	s2 =	sadd.s32 s2, s17  }
0x8e: {  	[smem:$0x3FC2] =	sst s2  }
0x8f: {  	_ = 	snop  }
0x90: {  	s2 =	sld [smem:$0x3FD0];
	(tm) =	ssettm $0x1  }
0x91: {  	s18 =	sld [smem:$0x3FFB];
	_ =	sdelay $0x3  }
0x92: {  	_ =	strace s18  }
0x93: {  	s3 =	sld [smem:$0x3FFC];
	_ =	sdelay $0x3  }
0x94: {  	_ =	strace s3  }
0x95: {  	s3 =	sld [smem:$0x3FFD];
	_ =	sdelay $0x3  }
0x96: {  	_ =	strace s3  }
0x97: {  	_ =	strace $0x8FFFFFFF  }
0x98: {  	s19 =	sld [smem:$0x3FDB];
	_ =	sdelay $0x1  }
0x99: {  	s4 =	simm.s32 $_scs_section_size  }
0x9a: {  	s5 =	simm.s32 $_size__tile_overlayer_lowered;
	s6 =	simm.s32 $_tile_overlayer_lowered  }
0x9b: {  	s22 =	simm.s32 $0x1BFF;
	s21 =	sshll.u32 s6, $0x1;
	s3 =	sadd.s32 s4, s19  }
0x9c: {  	s7 =	simm.s32 $0x0;
	s20 =	sshll.u32 s5, $0x1;
	s5 =	sadd.s32 s21, s3  }
0x9d: {  	[timem:s7], [sflag:s22] =	dma.local [hbm:s5], s20  }
0x9e: {  	_ =	swait.ge [sflag:s22], s20  }
0x9f: {  	s4 =	ssub.s32 $0x0, s20;
	[sflag:s22] =	ssyncset.done $0x0  }
0xa0: {  	[sflag:s22] =	ssyncadd.s32 s4;
	_ =	sdelay $0x1  }
0xa1: {  	s23 =	simm.s32 $0x1B8B  }
0xa2: {  	_ =	swait.ge [sflag:s23], $0x1  }
0xa3: {  	[sflag:s23] =	ssyncset.done $0x0  }
0xa4: {  	s25 =	simm.s32 $0x1B8E;
	s24 =	sld [smem:$0x3FFE];
	[sflag:s23] =	ssyncadd.s32 $0xFFFFFFFF  }
0xa5: {  	s26 =	simm.s32 $execute0_lowered;
	[smem:$0x3FD2] =	sst s25  }
0xa6: {  	s5 =	sshll.u32 s26, $0x1;
	_ =	strace $0x80000049;
	[dreg:$0x1] =	wrdreg $0xFFFFFFFF  }
0xa7: {  	s28 =	simm.s32 $_size_execute0_lowered;
	s3 =	sadd.s32 s3, s5;
	[dreg:$0x0] =	wrdreg $0x0  }
0xa8: {  	s5 =	sshll.u32 s28, $0x1;
	[dreg:$0x2] =	wrdreg s3  }
0xa9: {  	[dreg:$0x3] =	wrdreg s5  }
0xaa: {  	[dreg:$0x4] =	wrdreg $0xC0  }
0xab: {  	_ =	task [dreg:s7], $0x5FFFF  }
0xac: {  	[dreg:$0x1] =	wrdreg $0xFFFFFFFF  }
0xad: {  	[dreg:$0x0] =	wrdreg $0x60  }
0xae: {  	[dreg:$0x2] =	wrdreg s24  }
0xaf: {  	[dreg:$0x3] =	wrdreg s2  }
0xb0: {  	[dreg:$0x4] =	wrdreg $0xCD000  }
0xb1: {  	[dreg:$0x5] =	wrdreg $0x9  }
0xb2: {  	_ =	task.clear_ibuf [dreg:s7], $0x6FFFF;
	_ =	strace $0x90000049  }
0xb3: {  	s29 =	simm.s32 $0x9;
	_ =	strace $0x8000004B  }
0xb4: {  	_ =	swait.ge [sflag:s29], $0x1  }
0xb5: {  	[sflag:s29] =	ssyncadd.s32 $0xFFFFFFFF  }
0xb6: {  	_ =	strace $0x9000004B  }
0xb7: {  	_ =	sfence  }
0xb8: {  	s30 =	sld [smem:$0x0];
	_ =	sdelay $0x2  }
0xb9: {  	s31 =	sshll.u32 s1, $0xD;
	s1 =	sshrl.u32 s1, $0x2  }
0xba: {  	s3 =	sand.u32 $0x4000, s31;
	s1 =	sadd.s32 s1, s30  }
0xbb: {  	s0 =	sor.u32 s3, s0;
	s1 =	sshll.u32 s1, $0x11  }
0xbc: {  	s0 =	sor.u32 s1, s0  }
0xbd: {  	s0 =	sadd.s32 $0x8F2B, s0  }
0xbe: {  	[sflag:s0] =	ssyncadd.remote.s32 $0x1  }
0xbf: {  	_ =	sfence.sel $0xFFFF  }
0xc0: {  	[dreg:$0x0] =	wrdreg $0xFFFFFFFF;
	(pc) =	sbr.abs _section_cstart, $3  }
0xc1: {  	[dreg:$0x1] =	wrdreg $0xFFFFFFFF  }
0xc2: {  	_ =	task.clear_ibuf [dreg:s7], $0x2FFFF;
	_ =	strace $0x9FFFFFFF  }
0xc3: {  	(tm) =	ssettm $0x7FFFFFFF  }
tec
execute0_lowered:
.L_overlay_start_1:
0x0: {  	(tag) =	ssettag $0x1  }
0x1: {  	s0 =	rddreg [dreg:$0x0]  }
0x2: {  	s1 =	rddreg [dreg:$0x1]  }
0x3: {  	s2 =	rddreg [dreg:$0x2];
	s3 =	simm.s32 $0x0  }
0x4: {  	s10 =	stileid.u32;
	s4 =	srdreg.scid;
	s28 =	simm.s32 $0x6F40  }
0x5: {  	s29 =	simm.s32 $0x16E00;
	s31 =	simm.s32 $0x8E80;
	s5 =	smul.u32 $0xA00, s10  }
0x6: {  	s30 =	simm.s32 $0xADC0;
	[smem:$0x7FF] =	sst s3;
	s7 =	smul.u32 $0x14000, s10  }
0x7: {  	s6 =	sand.u32 $0x1, s4;
	s4 =	sadd.s32 $0x2E00, s0;
	s13 =	smul.u32 $0x28000, s10  }
0x8: {  	_ =	strace $0x8000004A;
	s8 =	sshll.u32 s6, $0x6;
	s9 =	sshll.u32 s6, $0x4  }
0x9: {  	s6 =	ssub.s32 $0x2, s6;
	s5 =	sadd.s32 s5, s0;
	s7 =	sor.u32 s8, s7  }
0xa: {  	s11 =	sor.u32 s10, s9;
	s12 =	sshrl.u32 s6, $0x1;
	s17 =	sshrl.u32 s13, $0x2  }
0xb: {  	s9 =	simm.s32 $0x4;
	s10 =	simm.s32 $0xC;
	s14 =	sadd.s32 $0x62800, s5  }
0xc: {  	s13 =	simm.s32 $0x6;
	s15 =	sadd.s32 $0x62810, s5;
	[dreg:$0x5] =	wrdreg s14  }
0xd: {  	s7 =	sshrl.u32 s7, $0x3;
	s16 =	sadd.s32 $0x62820, s5;
	[dreg:$0x6] =	wrdreg s15  }
0xe: {  	s8 =	smul.u32 $0xA00, s11;
	s18 =	sadd.s32 $0x62830, s5;
	[dreg:$0x7] =	wrdreg s16  }
0xf: {  	s6 =	ssub.s32 s6, s12;
	s19 =	sadd.s32 s17, s2;
	[dreg:$0x8] =	wrdreg s18  }
0x10: {  	s12 =	simm.s32 $0x5;
	s20 =	smax.u32 s6, $0x1;
	[dreg:$0xa] =	wrdreg s19  }
0x11: {  	s0 =	sadd.s32 s7, s0;
	s21 =	sadd.s32 $0x1400, s19;
	[dreg:$0xb] =	wrdreg s20  }
0x12: {  	s22 =	sadd.s32 $0x2800, s19;
	s23 =	sadd.s32 $0x3C00, s19;
	[dreg:$0xc] =	wrdreg s21  }
0x13: {  	s24 =	sadd.s32 $0x5000, s19;
	s25 =	sadd.s32 $0x6400, s19;
	[dreg:$0xd] =	wrdreg s22  }
0x14: {  	s26 =	sadd.s32 $0x7800, s19;
	s6 =	simm.s32 $0xA;
	[dreg:$0xe] =	wrdreg s23  }
0x15: {  	s7 =	simm.s32 $0x3;
	s14 =	simm.s32 $0x7;
	[dreg:$0xf] =	wrdreg s24  }
0x16: {  	s15 =	simm.s32 $0x8;
	s16 =	simm.s32 $0x0;
	[dreg:$0x10] =	wrdreg s25  }
0x17: {  	s1 =	sadd.s32 s1, s8;
	s0 =	sadd.s32 $0x2AE00, s0;
	[dreg:$0x11] =	wrdreg s26  }
0x18: {  	s20 =	sadd.s32 $0x62840, s5;
	s21 =	simm.s32 $0xD;
	s22 =	simm.s32 $0x5000  }
0x19: {  	s23 =	simm.s32 $0x16D00;
	s24 =	simm.s32 $0x7D;
	s25 =	simm.s32 $0x16D80  }
0x1a: {  	s26 =	simm.s32 $0x1;
	s5 =	simm.s32 $0x2;
	[dreg:$0x4] =	wrdreg s1  }
0x1b: {  	s8 =	simm.s32 $0xB;
	[dreg:$0x9] =	wrdreg s0;
	s0 =	sadd.s32 $0x8C00, s19  }
0x1c: {  	v0 =	vimm.f32 $0.0e+00;
	s1 =	simm.s32 $0x9;
	[dreg:$0x12] =	wrdreg s0;
	s0 =	simm.s32 $0x16E80  }
.LBB2_1:
0x1d: {  	s11 =	rddreg [dreg:$0x4]  }
0x1e: {  	[tilespmem:s3], [sflag:$0xD] =	stream.linear.gather [hbm4b:s11+s3], $0x5000, $0x38;
	[tilespmem:$0x16F00] =	vst v63  }
0x1f: {  	_ =	swait.ge [sflag:s21], $0x5000  }
0x20: {  	[sflag:s21] =	ssyncset.done $0x0  }
0x21: {  	s18 =	simm.s32 $0x100;
	s17 =	simm.s32 $0x0;
	[sflag:s21] =	ssyncadd.s32 $0xFFFFB000  }
.LBB2_2:
0x22: {  	p0 =	sne.s32 s18, $0x4F00;
	[tilespmem:s17+$0x5030] =	vst v0;
	s19 =	smov.u32 s18;
	s18 =	sadd.s32 $0x100, s18  }
.Ltmp0:
0x23: {  	[tilespmem:s17+$0x5020] =	vst v0;
	(pc) =	sbr.rel @p0 .LBB2_2-.Ltmp0, $3  }
0x24: {  	[tilespmem:s17+$0x5000] =	vst v0  }
0x25: {  	[tilespmem:s17+$0x5010] =	vst v0;
	_ =	sdelay $0x1  }
0x26: {  	s17 =	sshra.s32 s19, $0x2  }
0x27: {  	[tilespmem:s17+$0x5030] =	vst v0  }
0x28: {  	[tilespmem:s17+$0x5020] =	vst v0  }
0x29: {  	[tilespmem:s17+$0x5000] =	vst v0  }
0x2a: {  	[tilespmem:s17+$0x5010] =	vst v0;
	s11 =	rddreg [dreg:$0xa]  }
0x2b: {  	[spmem:s11] =	stream.linear.scatter [tilespmem:s22], [sflag:$0xD], $0x1400, $0x38;
	[tilespmem:$0x16F00] =	vst v63  }
0x2c: {  	_ =	swait.ge [sflag:s21], $0x1400  }
0x2d: {  	[sflag:s21] =	ssyncset.done $0x0  }
0x2e: {  	s18 =	rddreg [dreg:$0xc];
	[sflag:s21] =	ssyncadd.s32 $0xFFFFEC00  }
0x2f: {  	[spmem:s18] =	stream.linear.scatter [tilespmem:s22], [sflag:$0xD], $0x1400, $0x38;
	[tilespmem:$0x16F00] =	vst v63  }
0x30: {  	_ =	swait.ge [sflag:s21], $0x1400  }
0x31: {  	[sflag:s21] =	ssyncset.done $0x0  }
0x32: {  	s19 =	rddreg [dreg:$0xd];
	[sflag:s21] =	ssyncadd.s32 $0xFFFFEC00  }
0x33: {  	[spmem:s19] =	stream.linear.scatter [tilespmem:s22], [sflag:$0xD], $0x1400, $0x38;
	[tilespmem:$0x16F00] =	vst v63  }
0x34: {  	_ =	swait.ge [sflag:s21], $0x1400  }
0x35: {  	[sflag:s21] =	ssyncset.done $0x0  }
0x36: {  	s17 =	rddreg [dreg:$0xe];
	[sflag:s21] =	ssyncadd.s32 $0xFFFFEC00  }
0x37: {  	[spmem:s17] =	stream.linear.scatter [tilespmem:s22], [sflag:$0xD], $0x1400, $0x38;
	[tilespmem:$0x16F00] =	vst v63  }
0x38: {  	_ =	swait.ge [sflag:s21], $0x1400  }
0x39: {  	[sflag:s21] =	ssyncset.done $0x0  }
0x3a: {  	s18 =	rddreg [dreg:$0xf];
	[sflag:s21] =	ssyncadd.s32 $0xFFFFEC00  }
0x3b: {  	[spmem:s18] =	stream.linear.scatter [tilespmem:s22], [sflag:$0xD], $0x1400, $0x38;
	[tilespmem:$0x16F00] =	vst v63  }
0x3c: {  	_ =	swait.ge [sflag:s21], $0x1400  }
0x3d: {  	[sflag:s21] =	ssyncset.done $0x0  }
0x3e: {  	s19 =	rddreg [dreg:$0x10];
	[sflag:s21] =	ssyncadd.s32 $0xFFFFEC00  }
0x3f: {  	[spmem:s19] =	stream.linear.scatter [tilespmem:s22], [sflag:$0xD], $0x1400, $0x38;
	[tilespmem:$0x16F00] =	vst v63  }
0x40: {  	_ =	swait.ge [sflag:s21], $0x1400  }
0x41: {  	[sflag:s21] =	ssyncset.done $0x0  }
0x42: {  	s17 =	rddreg [dreg:$0x11];
	[sflag:s21] =	ssyncadd.s32 $0xFFFFEC00  }
0x43: {  	[spmem:s17] =	stream.linear.scatter [tilespmem:s22], [sflag:$0xD], $0x1400, $0x38;
	[tilespmem:$0x16F00] =	vst v63  }
0x44: {  	_ =	swait.ge [sflag:s21], $0x1400  }
0x45: {  	[sflag:s21] =	ssyncset.done $0x0  }
0x46: {  	s18 =	rddreg [dreg:$0x12];
	[sflag:s21] =	ssyncadd.s32 $0xFFFFEC00  }
0x47: {  	[spmem:s18] =	stream.linear.scatter [tilespmem:s22], [sflag:$0xD], $0x1400, $0x38;
	[tilespmem:$0x16F00] =	vst v63  }
0x48: {  	_ =	swait.ge [sflag:s21], $0x1400  }
0x49: {  	[sflag:s21] =	ssyncset.done $0x0  }
0x4a: {  	s17 =	simm.s32 $0x0;
	s19 =	rddreg [dreg:$0x5];
	[sflag:s21] =	ssyncadd.s32 $0xFFFFEC00  }
0x4b: {  	[tilespmem:s23], [sflag:$0x9] =	stream.linear.gather [hbm4b:s19+s17], $0x80, $0x38;
	[tilespmem:$0x16F00] =	vst v63  }
0x4c: {  	_ = 	snop  }
0x4d: {  	[tilespmem:s22], [sflag:$0x1] =	stream.indirect.gather [hbm4b:s4+s24], $0x40, s17, s24, $0xb8;
	[tilespmem:$0x16F00] =	vst v63  }
0x4e: {  	s18 =	rddreg [dreg:$0x6]  }
0x4f: {  	[tilespmem:s25], [sflag:$0xA] =	stream.linear.gather [hbm4b:s18+s17], $0x80, $0x38;
	[tilespmem:$0x16F00] =	vst v63  }
0x50: {  	s19 =	simm.s32 $0x80  }
0x51: {  	[tilespmem:s28], [sflag:$0x2] =	stream.indirect.gather [hbm4b:s4+s24], $0x40, s19, s24, $0xb8;
	[tilespmem:$0x16F00] =	vst v63  }
0x52: {  	s18 =	rddreg [dreg:$0x7]  }
0x53: {  	[tilespmem:s29], [sflag:$0xB] =	stream.linear.gather [hbm4b:s18+s17], $0x80, $0x38;
	[tilespmem:$0x16F00] =	vst v63  }
0x54: {  	s19 =	simm.s32 $0x100  }
0x55: {  	[tilespmem:s31], [sflag:$0x3] =	stream.indirect.gather [hbm4b:s4+s24], $0x40, s19, s24, $0xb8;
	[tilespmem:$0x16F00] =	vst v63  }
0x56: {  	s18 =	rddreg [dreg:$0x8]  }
0x57: {  	[tilespmem:s0], [sflag:$0xC] =	stream.linear.gather [hbm4b:s18+s17], $0x80, $0x38;
	[tilespmem:$0x16F00] =	vst v63  }
0x58: {  	s19 =	simm.s32 $0x180  }
0x59: {  	[tilespmem:s30], [sflag:$0x4] =	stream.indirect.gather [hbm4b:s4+s24], $0x40, s19, s24, $0xb8;
	[tilespmem:$0x16F00] =	vst v63  }
0x5a: {  	[bflag:$0x0] =	sbarrier.arrive $0xFFFF  }
0x5b: {  	_ =	swait.ge [sflag:s26], $0x1F40  }
0x5c: {  	[sflag:s26] =	ssyncset.done $0x0  }
0x5d: {  	[sflag:s26] =	ssyncadd.s32 $0xFFFFE0C0  }
0x5e: {  	_ =	swait.ge [sflag:s1], $0x80  }
0x5f: {  	[sflag:s1] =	ssyncset.done $0x0  }
0x60: {  	[sflag:s1] =	ssyncadd.s32 $0xFFFFFF80  }
0x61: {  	[spmem:s2] =	stream.indirect.scatter.add.f32 [tilespmem:s22], [sflag:$0x5], $0x40, s23, s24, $0xb8;
	[tilespmem:$0x16F00] =	vst v63  }
0x62: {  	_ =	swait.ge [sflag:s5], $0x1F40  }
0x63: {  	[sflag:s5] =	ssyncset.done $0x0  }
0x64: {  	[sflag:s5] =	ssyncadd.s32 $0xFFFFE0C0  }
0x65: {  	_ =	swait.ge [sflag:s6], $0x80  }
0x66: {  	[sflag:s6] =	ssyncset.done $0x0  }
0x67: {  	[sflag:s6] =	ssyncadd.s32 $0xFFFFFF80  }
0x68: {  	[spmem:s2] =	stream.indirect.scatter.add.f32 [tilespmem:s28], [sflag:$0x6], $0x40, s25, s24, $0xb8;
	[tilespmem:$0x16F00] =	vst v63  }
0x69: {  	_ =	swait.ge [sflag:s7], $0x1F40  }
0x6a: {  	[sflag:s7] =	ssyncset.done $0x0  }
0x6b: {  	[sflag:s7] =	ssyncadd.s32 $0xFFFFE0C0  }
0x6c: {  	_ =	swait.ge [sflag:s8], $0x80  }
0x6d: {  	[sflag:s8] =	ssyncset.done $0x0  }
0x6e: {  	[sflag:s8] =	ssyncadd.s32 $0xFFFFFF80  }
0x6f: {  	[spmem:s2] =	stream.indirect.scatter.add.f32 [tilespmem:s31], [sflag:$0x7], $0x40, s29, s24, $0xb8;
	[tilespmem:$0x16F00] =	vst v63  }
0x70: {  	_ =	swait.ge [sflag:s9], $0x1F40  }
0x71: {  	[sflag:s9] =	ssyncset.done $0x0  }
0x72: {  	[sflag:s9] =	ssyncadd.s32 $0xFFFFE0C0  }
0x73: {  	_ =	swait.ge [sflag:s10], $0x80  }
0x74: {  	[sflag:s10] =	ssyncset.done $0x0  }
0x75: {  	[sflag:s10] =	ssyncadd.s32 $0xFFFFFF80  }
0x76: {  	[spmem:s2] =	stream.indirect.scatter.add.f32 [tilespmem:s30], [sflag:$0x8], $0x40, s0, s24, $0xb8;
	[tilespmem:$0x16F00] =	vst v63  }
0x77: {  	_ =	swait.ge [sflag:s12], $0x1F40  }
0x78: {  	[sflag:s12] =	ssyncset.done $0x0  }
0x79: {  	[sflag:s12] =	ssyncadd.s32 $0xFFFFE0C0  }
0x7a: {  	[tilespmem:s23], [sflag:$0x9] =	stream.linear.gather [hbm4b:s20+s3], $0x80, $0x38;
	[tilespmem:$0x16F00] =	vst v63  }
0x7b: {  	s11 =	simm.s32 $0x200  }
0x7c: {  	[tilespmem:s22], [sflag:$0x1] =	stream.indirect.gather [hbm4b:s4+s24], $0x40, s11, s24, $0xb8;
	[tilespmem:$0x16F00] =	vst v63  }
0x7d: {  	_ =	swait.ge [sflag:s13], $0x1F40  }
0x7e: {  	[sflag:s13] =	ssyncset.done $0x0  }
0x7f: {  	s18 =	sadd.s32 $0x10, s20;
	[sflag:s13] =	ssyncadd.s32 $0xFFFFE0C0  }
0x80: {  	[tilespmem:s25], [sflag:$0xA] =	stream.linear.gather [hbm4b:s18+s3], $0x80, $0x38;
	[tilespmem:$0x16F00] =	vst v63  }
0x81: {  	s19 =	simm.s32 $0x280  }
0x82: {  	[tilespmem:s28], [sflag:$0x2] =	stream.indirect.gather [hbm4b:s4+s24], $0x40, s19, s24, $0xb8;
	[tilespmem:$0x16F00] =	vst v63  }
0x83: {  	_ =	swait.ge [sflag:s14], $0x1F40  }
0x84: {  	[sflag:s14] =	ssyncset.done $0x0  }
0x85: {  	s11 =	sadd.s32 $0x20, s20;
	[sflag:s14] =	ssyncadd.s32 $0xFFFFE0C0  }
0x86: {  	[tilespmem:s29], [sflag:$0xB] =	stream.linear.gather [hbm4b:s11+s3], $0x80, $0x38;
	[tilespmem:$0x16F00] =	vst v63  }
0x87: {  	s18 =	simm.s32 $0x300  }
0x88: {  	[tilespmem:s31], [sflag:$0x3] =	stream.indirect.gather [hbm4b:s4+s24], $0x40, s18, s24, $0xb8;
	[tilespmem:$0x16F00] =	vst v63  }
0x89: {  	_ =	swait.ge [sflag:s15], $0x1F40  }
0x8a: {  	[sflag:s15] =	ssyncset.done $0x0  }
0x8b: {  	s19 =	sadd.s32 $0x30, s20;
	[sflag:s15] =	ssyncadd.s32 $0xFFFFE0C0  }
0x8c: {  	[tilespmem:s0], [sflag:$0xC] =	stream.linear.gather [hbm4b:s19+s3], $0x80, $0x38;
	[tilespmem:$0x16F00] =	vst v63  }
0x8d: {  	s17 =	simm.s32 $0x800;
	s18 =	sadd.s32 $0x40, s20;
	s19 =	simm.s32 $0x380  }
.LBB2_4:
0x8e: {  	[tilespmem:s30], [sflag:$0x4] =	stream.indirect.gather [hbm4b:s4+s24], $0x40, s19, s24, $0xb8;
	[tilespmem:$0x16F00] =	vst v63  }
0x8f: {  	s19 =	smov.u32 s17  }
0x90: {  	p0 =	sne.s32 s17, $0x13000;
	s17 =	sadd.s32 $0x800, s17;
	_ =	swait.ge [sflag:s26], $0x1F40  }
0x91: {  	[sflag:s26] =	ssyncset.done $0x0  }
0x92: {  	[sflag:s26] =	ssyncadd.s32 $0xFFFFE0C0  }
0x93: {  	_ =	swait.ge [sflag:s1], $0x80  }
0x94: {  	[sflag:s1] =	ssyncset.done $0x0  }
0x95: {  	[sflag:s1] =	ssyncadd.s32 $0xFFFFFF80  }
0x96: {  	[spmem:s2] =	stream.indirect.scatter.add.f32 [tilespmem:s22], [sflag:$0x5], $0x40, s23, s24, $0xb8;
	[tilespmem:$0x16F00] =	vst v63  }
0x97: {  	_ =	swait.ge [sflag:s5], $0x1F40  }
0x98: {  	[sflag:s5] =	ssyncset.done $0x0  }
0x99: {  	[sflag:s5] =	ssyncadd.s32 $0xFFFFE0C0  }
0x9a: {  	_ =	swait.ge [sflag:s6], $0x80  }
0x9b: {  	[sflag:s6] =	ssyncset.done $0x0  }
0x9c: {  	[sflag:s6] =	ssyncadd.s32 $0xFFFFFF80  }
0x9d: {  	[spmem:s2] =	stream.indirect.scatter.add.f32 [tilespmem:s28], [sflag:$0x6], $0x40, s25, s24, $0xb8;
	[tilespmem:$0x16F00] =	vst v63  }
0x9e: {  	_ =	swait.ge [sflag:s7], $0x1F40  }
0x9f: {  	[sflag:s7] =	ssyncset.done $0x0  }
0xa0: {  	[sflag:s7] =	ssyncadd.s32 $0xFFFFE0C0  }
0xa1: {  	_ =	swait.ge [sflag:s8], $0x80  }
0xa2: {  	[sflag:s8] =	ssyncset.done $0x0  }
0xa3: {  	[sflag:s8] =	ssyncadd.s32 $0xFFFFFF80  }
0xa4: {  	[spmem:s2] =	stream.indirect.scatter.add.f32 [tilespmem:s31], [sflag:$0x7], $0x40, s29, s24, $0xb8;
	[tilespmem:$0x16F00] =	vst v63  }
0xa5: {  	_ =	swait.ge [sflag:s9], $0x1F40  }
0xa6: {  	[sflag:s9] =	ssyncset.done $0x0  }
0xa7: {  	[sflag:s9] =	ssyncadd.s32 $0xFFFFE0C0  }
0xa8: {  	_ =	swait.ge [sflag:s10], $0x80  }
0xa9: {  	[sflag:s10] =	ssyncset.done $0x0  }
0xaa: {  	[sflag:s10] =	ssyncadd.s32 $0xFFFFFF80  }
0xab: {  	[spmem:s2] =	stream.indirect.scatter.add.f32 [tilespmem:s30], [sflag:$0x8], $0x40, s0, s24, $0xb8;
	[tilespmem:$0x16F00] =	vst v63  }
0xac: {  	_ =	swait.ge [sflag:s12], $0x1F40  }
0xad: {  	[sflag:s12] =	ssyncset.done $0x0  }
0xae: {  	s19 =	sshra.s32 s19, $0x2;
	[sflag:s12] =	ssyncadd.s32 $0xFFFFE0C0  }
0xaf: {  	[tilespmem:s23], [sflag:$0x9] =	stream.linear.gather [hbm4b:s18+s3], $0x80, $0x38;
	[tilespmem:$0x16F00] =	vst v63  }
0xb0: {  	s11 =	sadd.s32 $0x200, s19  }
0xb1: {  	[tilespmem:s22], [sflag:$0x1] =	stream.indirect.gather [hbm4b:s4+s24], $0x40, s11, s24, $0xb8;
	[tilespmem:$0x16F00] =	vst v63  }
0xb2: {  	_ =	swait.ge [sflag:s13], $0x1F40  }
0xb3: {  	[sflag:s13] =	ssyncset.done $0x0  }
0xb4: {  	s11 =	sadd.s32 $0x10, s18;
	[sflag:s13] =	ssyncadd.s32 $0xFFFFE0C0  }
0xb5: {  	[tilespmem:s25], [sflag:$0xA] =	stream.linear.gather [hbm4b:s11+s3], $0x80, $0x38;
	[tilespmem:$0x16F00] =	vst v63  }
0xb6: {  	s11 =	sadd.s32 $0x280, s19  }
0xb7: {  	[tilespmem:s28], [sflag:$0x2] =	stream.indirect.gather [hbm4b:s4+s24], $0x40, s11, s24, $0xb8;
	[tilespmem:$0x16F00] =	vst v63  }
0xb8: {  	_ =	swait.ge [sflag:s14], $0x1F40  }
0xb9: {  	[sflag:s14] =	ssyncset.done $0x0  }
0xba: {  	s11 =	sadd.s32 $0x20, s18;
	[sflag:s14] =	ssyncadd.s32 $0xFFFFE0C0  }
0xbb: {  	[tilespmem:s29], [sflag:$0xB] =	stream.linear.gather [hbm4b:s11+s3], $0x80, $0x38;
	[tilespmem:$0x16F00] =	vst v63  }
0xbc: {  	s11 =	sadd.s32 $0x300, s19  }
0xbd: {  	[tilespmem:s31], [sflag:$0x3] =	stream.indirect.gather [hbm4b:s4+s24], $0x40, s11, s24, $0xb8;
	[tilespmem:$0x16F00] =	vst v63  }
.Ltmp1:
0xbe: {  	_ =	swait.ge [sflag:s15], $0x1F40;
	(pc) =	sbr.rel @p0 .LBB2_4-.Ltmp1, $4  }
0xbf: {  	[sflag:s15] =	ssyncset.done $0x0  }
0xc0: {  	s11 =	sadd.s32 $0x30, s18;
	[sflag:s15] =	ssyncadd.s32 $0xFFFFE0C0  }
0xc1: {  	[tilespmem:s0], [sflag:$0xC] =	stream.linear.gather [hbm4b:s11+s3], $0x80, $0x38;
	[tilespmem:$0x16F00] =	vst v63  }
0xc2: {  	s19 =	sadd.s32 $0x380, s19;
	s18 =	sadd.s32 $0x40, s18  }
0xc3: {  	[tilespmem:s30], [sflag:$0x4] =	stream.indirect.gather [hbm4b:s4+s24], $0x40, s19, s24, $0xb8;
	[tilespmem:$0x16F00] =	vst v63  }
0xc4: {  	_ =	swait.ge [sflag:s26], $0x1F40  }
0xc5: {  	[sflag:s26] =	ssyncset.done $0x0  }
0xc6: {  	[sflag:s26] =	ssyncadd.s32 $0xFFFFE0C0  }
0xc7: {  	_ =	swait.ge [sflag:s1], $0x80  }
0xc8: {  	[sflag:s1] =	ssyncset.done $0x0  }
0xc9: {  	[sflag:s1] =	ssyncadd.s32 $0xFFFFFF80  }
0xca: {  	[spmem:s2] =	stream.indirect.scatter.add.f32 [tilespmem:s22], [sflag:$0xD], $0x40, s23, s24, $0xb8;
	[tilespmem:$0x16F00] =	vst v63  }
0xcb: {  	_ =	swait.ge [sflag:s21], $0x1F40  }
0xcc: {  	[sflag:s21] =	ssyncset.done $0x0  }
0xcd: {  	[sflag:s21] =	ssyncadd.s32 $0xFFFFE0C0  }
0xce: {  	_ =	swait.ge [sflag:s5], $0x1F40  }
0xcf: {  	[sflag:s5] =	ssyncset.done $0x0  }
0xd0: {  	[sflag:s5] =	ssyncadd.s32 $0xFFFFE0C0  }
0xd1: {  	_ =	swait.ge [sflag:s6], $0x80  }
0xd2: {  	[sflag:s6] =	ssyncset.done $0x0  }
0xd3: {  	[sflag:s6] =	ssyncadd.s32 $0xFFFFFF80  }
0xd4: {  	[spmem:s2] =	stream.indirect.scatter.add.f32 [tilespmem:s28], [sflag:$0xD], $0x40, s25, s24, $0xb8;
	[tilespmem:$0x16F00] =	vst v63  }
0xd5: {  	_ =	swait.ge [sflag:s21], $0x1F40  }
0xd6: {  	[sflag:s21] =	ssyncset.done $0x0  }
0xd7: {  	[sflag:s21] =	ssyncadd.s32 $0xFFFFE0C0  }
0xd8: {  	_ =	swait.ge [sflag:s7], $0x1F40  }
0xd9: {  	[sflag:s7] =	ssyncset.done $0x0  }
0xda: {  	[sflag:s7] =	ssyncadd.s32 $0xFFFFE0C0  }
0xdb: {  	_ =	swait.ge [sflag:s8], $0x80  }
0xdc: {  	[sflag:s8] =	ssyncset.done $0x0  }
0xdd: {  	[sflag:s8] =	ssyncadd.s32 $0xFFFFFF80  }
0xde: {  	[spmem:s2] =	stream.indirect.scatter.add.f32 [tilespmem:s31], [sflag:$0xD], $0x40, s29, s24, $0xb8;
	[tilespmem:$0x16F00] =	vst v63  }
0xdf: {  	_ =	swait.ge [sflag:s21], $0x1F40  }
0xe0: {  	[sflag:s21] =	ssyncset.done $0x0  }
0xe1: {  	[sflag:s21] =	ssyncadd.s32 $0xFFFFE0C0  }
0xe2: {  	_ =	swait.ge [sflag:s9], $0x1F40  }
0xe3: {  	[sflag:s9] =	ssyncset.done $0x0  }
0xe4: {  	[sflag:s9] =	ssyncadd.s32 $0xFFFFE0C0  }
0xe5: {  	_ =	swait.ge [sflag:s10], $0x80  }
0xe6: {  	[sflag:s10] =	ssyncset.done $0x0  }
0xe7: {  	[sflag:s10] =	ssyncadd.s32 $0xFFFFFF80  }
0xe8: {  	[spmem:s2] =	stream.indirect.scatter.add.f32 [tilespmem:s30], [sflag:$0xD], $0x40, s0, s24, $0xb8;
	[tilespmem:$0x16F00] =	vst v63  }
0xe9: {  	_ =	swait.ge [sflag:s21], $0x1F40  }
0xea: {  	[sflag:s21] =	ssyncset.done $0x0  }
0xeb: {  	[sflag:s21] =	ssyncadd.s32 $0xFFFFE0C0  }
0xec: {  	s11 =	stileid.u32;
	[bflag:$0x0] =	sbarrier.arrive $0xFFFF  }
0xed: {  	s19 =	simm.s32 $0x10;
	s11 =	sshll.u32 s11, $0x6;
	s17 =	rddreg [dreg:$0xa]  }
0xee: {  	s11 =	sor.u32 $0x1C0D, s11;
	s18 =	rddreg [dreg:$0x9];
	s17 =	sshrl.u32 s17, $0x3  }
0xef: {  	[hbm:s18@s19], [sflag:s11] =	dma.strided [spmem:s17@s15], $0x1400, s26, $0x8   }
0xf0: {  	_ =	swait.ge [sflag:s21], $0x1400  }
0xf1: {  	s16 =	sadd.s32 $0x1, s16;
	s19 =	rddreg [dreg:$0xb]  }
0xf2: {  	p0 =	sne.s32 s16, s19  }
.Ltmp2:
0xf3: {  	_ = 	snop;
	(pc) =	sbr.rel @p0 .LBB2_1-.Ltmp2, $3  }
0xf4: {  	_ =	sdelay $0x1  }
0xf5: {  	[sflag:s21] =	ssyncset.done $0x0  }
0xf6: {  	[sflag:s21] =	ssyncadd.s32 $0xFFFFEC00  }
0xf7: {  	_ =	sfence.sel $0x180000  }
0xf8: {  	[bflag:$0x0] =	sbarrier.arrive $0xFFFF  }
0xf9: {  	_ =	strace $0x9000004A  }
0xfa: {  	s0 =	stileid.u32;
	[bflag:$0x2] =	sbarrier.arrive $0xFFFF  }
0xfb: {  	p0 =	sne.s32 s0, $0x0;
	s0 =	rddreg [dreg:$0x3]  }
0xfc: {  	s0 =	sadd.s32 @!p0 $0x100000, s0  }
0xfd: {  	[sflag:s0] =	ssyncadd.tile.s32 @!p0 $0x1;
	_ =	shalt  }
.Lfunc_end2:
_tile_overlayer_lowered:
.L_overlay_start_2:
0xfe: {  	(tag) =	ssettag $0x2  }
0xff: {  	s0 =	rddreg [dreg:$0x0];
	s2 =	stileid.u32  }
0x100: {  	s1 =	rddreg [dreg:$0x1];
	p0 =	sne.s32 s2, $0x0  }
0x101: {  	s3 =	rddreg [dreg:$0x2];
	[bflag:$0x3] =	sbarrier.arrive $0xFFFF;
	s2 =	simm.s32 @!p0 $0x1C0D  }
0x102: {  	[timem:s3], [sflag:s2] =	dma.local @!p0 [hbm:s0], s1  }
0x103: {  	s0 =	simm.s32 @!p0 $0xD  }
0x104: {  	_ =	swait.ge @!p0 [sflag:s0], s1  }
0x105: {  	s1 =	ssub.s32 @!p0 $0x0, s1;
	[sflag:s0] =	ssyncset.done @!p0 $0x0  }
0x106: {  	[sflag:s0] =	ssyncadd.s32 @!p0 s1  }
0x107: {  	[bflag:$0x3] =	sbarrier.arrive $0xFFFF  }
0x108: {  	_ =	shalt  }

// kernel: kernel.14.cloned.1.call-start
scs
__scs_entry_jumppad:
0x0: {  	(pc) =	sbr.rel $0x88, $3  }
0x1: {  	(tag) =	ssettag $0x0;
	lr =	simm.s32 $0x1  }
0x2: {  	[smem:$0x3F9B] =	sst lr;
	_ =	strace $0xD0000000  }
0x3: {  	_ = 	snop  }
0x4: {  	_ = 	snop  }
0x5: {  	_ = 	snop  }
0x6: {  	_ = 	snop  }
0x7: {  	_ = 	snop  }
__scs_overlays_trampoline_lowered:
0x8: {  	[smem:$0x3FAA] =	sst s0  }
0x9: {  	[smem:$0x3FAB] =	sst s1  }
0xa: {  	[smem:$0x3FAC] =	sst s2  }
0xb: {  	[smem:$0x3FAD] =	sst s3  }
0xc: {  	[smem:$0x3FAE] =	sst s4  }
0xd: {  	[smem:$0x3FAF] =	sst s5  }
0xe: {  	[smem:$0x3FB0] =	sst s6  }
0xf: {  	[smem:$0x3FB1] =	sst s7  }
0x10: {  	[smem:$0x3FB2] =	sst s8  }
0x11: {  	[smem:$0x3FB3] =	sst s9;
	s0 =	simm.s32 @!p0 $0x0  }
0x12: {  	s1 =	sld [smem:$0x3F99];
	s0 =	simm.s32 @p0 $0x1  }
0x13: {  	[smem:$0x3FB4] =	sst s0;
	s0 =	simm.s32 @!p1 $0x0  }
0x14: {  	s2 =	sld [smem:$0x3F98];
	s0 =	simm.s32 @p1 $0x1  }
0x15: {  	[smem:$0x3FB5] =	sst s0;
	s0 =	simm.s32 @!p2 $0x0  }
0x16: {  	s3 =	sld [smem:$0x3FDB];
	s0 =	simm.s32 @p2 $0x1  }
0x17: {  	s4 =	simm.s32 $0x1BF5;
	[smem:$0x3FB7] =	sst s0  }
0x18: {  	s0 =	sld [smem:$0x3F9A];
	_ =	swait.ge [sflag:s4], $0x0  }
0x19: {  	s7 =	sld [smem:$0x3F9B]  }
0x1a: {  	s8 =	sadd.s32 $0xFFFFE003, lr  }
0x1b: {  	s9 =	sadd.s32 $0xFFFFFEF7, lr;
	s5 =	simm.s32 $0xFFFFFFFF;
	p2 =	slt.u32 s8, $0xFFFFF086  }
0x1c: {  	p1 =	slt.u32 s9, $0xF7A;
	s5 =	simm.s32 @!p2 $0x0  }
0x1d: {  	s5 =	simm.s32 @p1 $0x1;
	p0 =	seq.s32 s7, s2  }
0x1e: {  	s7 =	smul.u32 @!p0 $0xF7A, s2;
	p2 =	seq.s32 @!p0 s5, $0x0  }
0x1f: {  	s9 =	smul.u32 $0xF7A, s1;
	s8 =	simm.s32 @!p0 $0x1BF5;
	p2 =	por !p2, p0  }
0x20: {  	[sflag:s8] =	ssyncset.s32 @!p0 $0xFFFFF086;
	s6 =	sadd.s32 @!p0 s3, s7;
	s7 =	simm.s32 @!p0 $0x108  }
0x21: {  	s3 =	sadd.s32 s3, s9;
	s6 =	sadd.s32 @!p0 $0x88, s6;
	s7 =	simm.s32 @p2 $0x1082  }
0x22: {  	[simem:s7], [sflag:s8] =	dma.local @!p0 [hbm:s6], $0xF7A  }
0x23: {  	s9 =	sor.u32 $0xD0000000, s2;
	s6 =	simm.s32 $0x108;
	_ =	swait.ge @!p0 [sflag:s8], $0x0  }
0x24: {  	s3 =	sadd.s32 $0x88, s3;
	s6 =	simm.s32 @!p1 $0x1082;
	[sflag:s4] =	ssyncset.s32 $0xFFFFF086  }
0x25: {  	[simem:s6], [sflag:s4] =	dma.local [hbm:s3], $0xF7A  }
0x26: {  	[smem:$0x3F9B] =	sst s1;
	(tag) =	ssettag s2;
	_ =	strace s9  }
0x27: {  	s1 =	sld [smem:$0x3FAB]  }
0x28: {  	s2 =	sld [smem:$0x3FAC]  }
0x29: {  	s4 =	sld [smem:$0x3FAE]  }
0x2a: {  	p0 =	seq.s32 s5, $0x0;
	s5 =	sld [smem:$0x3FAF]  }
0x2b: {  	s6 =	sld [smem:$0x3FB0]  }
0x2c: {  	s7 =	sld [smem:$0x3FB1]  }
0x2d: {  	s3 =	simm.s32 $0x108;
	s8 =	sld [smem:$0x3FB2]  }
0x2e: {  	s3 =	simm.s32 @!p0 $0x1082;
	s9 =	sld [smem:$0x3FB3]  }
0x2f: {  	lr =	sadd.s32 s0, s3;
	s0 =	sld [smem:$0x3FAA]  }
0x30: {  	s3 =	sld [smem:$0x3FAD]  }
0x31: {  	[smem:$0x3FB6] =	sst s10  }
0x32: {  	s10 =	sld [smem:$0x3FB4];
	_ =	sdelay $0x3  }
0x33: {  	p0 =	seq.s32 s10, $0x1;
	s10 =	sld [smem:$0x3FB6];
	_ =	sdelay $0x3  }
0x34: {  	[smem:$0x3FB6] =	sst s10  }
0x35: {  	s10 =	sld [smem:$0x3FB5];
	_ =	sdelay $0x3  }
0x36: {  	p1 =	seq.s32 s10, $0x1;
	s10 =	sld [smem:$0x3FB6];
	_ =	sdelay $0x3  }
0x37: {  	[smem:$0x3FB6] =	sst s10  }
0x38: {  	s10 =	sld [smem:$0x3FB7]  }
0x39: {  	_ = 	snop;
	(pc) =	sbr.ind lr, $3  }
0x3a: {  	_ = 	snop  }
0x3b: {  	_ = 	snop  }
0x3c: {  	p2 =	seq.s32 s10, $0x1;
	s10 =	sld [smem:$0x3FB6]  }
0x3d: {  	_ =	shalt  }
0x3e: {  	_ =	shalt  }
0x3f: {  	_ =	shalt  }
0x40: {  	_ =	shalt  }
0x41: {  	_ =	shalt  }
0x42: {  	_ =	shalt  }
0x43: {  	_ =	shalt  }
0x44: {  	_ =	shalt  }
0x45: {  	_ =	shalt  }
0x46: {  	_ =	shalt  }
0x47: {  	_ =	shalt  }
0x48: {  	_ =	shalt  }
0x49: {  	_ =	shalt  }
0x4a: {  	_ =	shalt  }
0x4b: {  	_ =	shalt  }
0x4c: {  	_ =	shalt  }
0x4d: {  	_ =	shalt  }
0x4e: {  	_ =	shalt  }
0x4f: {  	_ =	shalt  }
0x50: {  	_ =	shalt  }
0x51: {  	_ =	shalt  }
0x52: {  	_ =	shalt  }
0x53: {  	_ =	shalt  }
0x54: {  	_ =	shalt  }
0x55: {  	_ =	shalt  }
0x56: {  	_ =	shalt  }
0x57: {  	_ =	shalt  }
0x58: {  	_ =	shalt  }
0x59: {  	_ =	shalt  }
0x5a: {  	_ =	shalt  }
0x5b: {  	_ =	shalt  }
0x5c: {  	_ =	shalt  }
0x5d: {  	_ =	shalt  }
0x5e: {  	_ =	shalt  }
0x5f: {  	_ =	shalt  }
0x60: {  	_ =	shalt  }
0x61: {  	_ =	shalt  }
0x62: {  	_ =	shalt  }
0x63: {  	_ =	shalt  }
0x64: {  	_ =	shalt  }
0x65: {  	_ =	shalt  }
0x66: {  	_ =	shalt  }
0x67: {  	_ =	shalt  }
0x68: {  	_ =	shalt  }
0x69: {  	_ =	shalt  }
0x6a: {  	_ =	shalt  }
0x6b: {  	_ =	shalt  }
0x6c: {  	_ =	shalt  }
0x6d: {  	_ =	shalt  }
0x6e: {  	_ =	shalt  }
0x6f: {  	_ =	shalt  }
0x70: {  	_ =	shalt  }
0x71: {  	_ =	shalt  }
0x72: {  	_ =	shalt  }
0x73: {  	_ =	shalt  }
0x74: {  	_ =	shalt  }
0x75: {  	_ =	shalt  }
0x76: {  	_ =	shalt  }
0x77: {  	_ =	shalt  }
0x78: {  	_ =	shalt  }
0x79: {  	_ =	shalt  }
0x7a: {  	_ =	shalt  }
0x7b: {  	_ =	shalt  }
0x7c: {  	_ =	shalt  }
0x7d: {  	_ =	shalt  }
0x7e: {  	_ =	shalt  }
0x7f: {  	_ =	shalt  }
0x80: {  	_ =	shalt  }
0x81: {  	_ =	shalt  }
0x82: {  	_ =	shalt  }
0x83: {  	_ =	shalt  }
0x84: {  	_ =	shalt  }
0x85: {  	_ =	shalt  }
0x86: {  	_ =	shalt  }
0x87: {  	_ =	shalt  }
.Lfunc_end0:
.L_simem_size_0:
called_computation.2_lowered:
.L_overlay_start_0:
0x88: {  	s2 =	sld [smem:$0x3FD9]  }
0x89: {  	s3 =	sld [smem:$0x3FFE];
	_ =	sdelay $0x1  }
0x8a: {  	s1 =	srdreg.scid  }
0x8b: {  	s0 =	sand.u32 $0x1, s1  }
0x8c: {  	s17 =	sshll.u32 s0, $0xA;
	s2 =	sadd.s32 s3, s2  }
0x8d: {  	s2 =	sadd.s32 s2, s17  }
0x8e: {  	[smem:$0x3FC2] =	sst s2  }
0x8f: {  	_ = 	snop  }
0x90: {  	s2 =	sld [smem:$0x3FD0];
	(tm) =	ssettm $0x1  }
0x91: {  	s18 =	sld [smem:$0x3FFB];
	_ =	sdelay $0x3  }
0x92: {  	_ =	strace s18  }
0x93: {  	s3 =	sld [smem:$0x3FFC];
	_ =	sdelay $0x3  }
0x94: {  	_ =	strace s3  }
0x95: {  	s3 =	sld [smem:$0x3FFD];
	_ =	sdelay $0x3  }
0x96: {  	_ =	strace s3  }
0x97: {  	_ =	strace $0x8FFFFFFF  }
0x98: {  	s19 =	sld [smem:$0x3FDB];
	_ =	sdelay $0x1  }
0x99: {  	s4 =	simm.s32 $_scs_section_size  }
0x9a: {  	s5 =	simm.s32 $_size__tile_overlayer_lowered;
	s6 =	simm.s32 $_tile_overlayer_lowered  }
0x9b: {  	s22 =	simm.s32 $0x1BFF;
	s21 =	sshll.u32 s6, $0x1;
	s3 =	sadd.s32 s4, s19  }
0x9c: {  	s7 =	simm.s32 $0x0;
	s20 =	sshll.u32 s5, $0x1;
	s5 =	sadd.s32 s21, s3  }
0x9d: {  	[timem:s7], [sflag:s22] =	dma.local [hbm:s5], s20  }
0x9e: {  	_ =	swait.ge [sflag:s22], s20  }
0x9f: {  	s4 =	ssub.s32 $0x0, s20;
	[sflag:s22] =	ssyncset.done $0x0  }
0xa0: {  	[sflag:s22] =	ssyncadd.s32 s4;
	_ =	sdelay $0x1  }
0xa1: {  	s23 =	simm.s32 $0x1B8B  }
0xa2: {  	_ =	swait.ge [sflag:s23], $0x1  }
0xa3: {  	[sflag:s23] =	ssyncset.done $0x0  }
0xa4: {  	s25 =	simm.s32 $0x1B8E;
	s24 =	sld [smem:$0x3FFE];
	[sflag:s23] =	ssyncadd.s32 $0xFFFFFFFF  }
0xa5: {  	s26 =	simm.s32 $execute0_lowered;
	[smem:$0x3FD2] =	sst s25  }
0xa6: {  	s5 =	sshll.u32 s26, $0x1;
	_ =	strace $0x8000004C;
	[dreg:$0x1] =	wrdreg $0xFFFFFFFF  }
0xa7: {  	s28 =	simm.s32 $_size_execute0_lowered;
	s3 =	sadd.s32 s3, s5;
	[dreg:$0x0] =	wrdreg $0x0  }
0xa8: {  	s5 =	sshll.u32 s28, $0x1;
	[dreg:$0x2] =	wrdreg s3  }
0xa9: {  	[dreg:$0x3] =	wrdreg s5  }
0xaa: {  	[dreg:$0x4] =	wrdreg $0xC0  }
0xab: {  	_ =	task [dreg:s7], $0x5FFFF  }
0xac: {  	[dreg:$0x1] =	wrdreg $0xFFFFFFFF  }
0xad: {  	[dreg:$0x0] =	wrdreg $0x60  }
0xae: {  	[dreg:$0x2] =	wrdreg s24  }
0xaf: {  	[dreg:$0x3] =	wrdreg s2  }
0xb0: {  	[dreg:$0x4] =	wrdreg $0xCD000  }
0xb1: {  	[dreg:$0x5] =	wrdreg $0x9  }
0xb2: {  	_ =	task.clear_ibuf [dreg:s7], $0x6FFFF;
	_ =	strace $0x9000004C  }
0xb3: {  	s29 =	simm.s32 $0x9;
	_ =	strace $0x8000004E  }
0xb4: {  	_ =	swait.ge [sflag:s29], $0x1  }
0xb5: {  	[sflag:s29] =	ssyncadd.s32 $0xFFFFFFFF  }
0xb6: {  	_ =	strace $0x9000004E  }
0xb7: {  	_ =	sfence  }
0xb8: {  	s30 =	sld [smem:$0x0];
	_ =	sdelay $0x2  }
0xb9: {  	s31 =	sshll.u32 s1, $0xD;
	s1 =	sshrl.u32 s1, $0x2  }
0xba: {  	s3 =	sand.u32 $0x4000, s31;
	s1 =	sadd.s32 s1, s30  }
0xbb: {  	s0 =	sor.u32 s3, s0;
	s1 =	sshll.u32 s1, $0x11  }
0xbc: {  	s0 =	sor.u32 s1, s0  }
0xbd: {  	s0 =	sadd.s32 $0x8F2B, s0  }
0xbe: {  	[sflag:s0] =	ssyncadd.remote.s32 $0x1  }
0xbf: {  	_ =	sfence.sel $0xFFFF  }
0xc0: {  	[dreg:$0x0] =	wrdreg $0xFFFFFFFF;
	(pc) =	sbr.abs _section_cstart, $3  }
0xc1: {  	[dreg:$0x1] =	wrdreg $0xFFFFFFFF  }
0xc2: {  	_ =	task.clear_ibuf [dreg:s7], $0x2FFFF;
	_ =	strace $0x9FFFFFFF  }
0xc3: {  	(tm) =	ssettm $0x7FFFFFFF  }
tec
execute0_lowered:
.L_overlay_start_1:
0x0: {  	(tag) =	ssettag $0x1  }
0x1: {  	s0 =	rddreg [dreg:$0x0]  }
0x2: {  	s1 =	rddreg [dreg:$0x1]  }
0x3: {  	s2 =	rddreg [dreg:$0x2];
	s3 =	simm.s32 $0x0  }
0x4: {  	s10 =	stileid.u32;
	s4 =	srdreg.scid;
	s28 =	simm.s32 $0x6F40  }
0x5: {  	s29 =	simm.s32 $0x16E00;
	s31 =	simm.s32 $0x8E80;
	s5 =	smul.u32 $0xA00, s10  }
0x6: {  	s30 =	simm.s32 $0xADC0;
	[smem:$0x7FF] =	sst s3;
	s7 =	smul.u32 $0x14000, s10  }
0x7: {  	s6 =	sand.u32 $0x1, s4;
	s4 =	sadd.s32 $0x2E00, s0;
	s13 =	smul.u32 $0x28000, s10  }
0x8: {  	_ =	strace $0x8000004D;
	s8 =	sshll.u32 s6, $0x6;
	s9 =	sshll.u32 s6, $0x4  }
0x9: {  	s6 =	ssub.s32 $0x2, s6;
	s5 =	sadd.s32 s5, s0;
	s7 =	sor.u32 s8, s7  }
0xa: {  	s11 =	sor.u32 s10, s9;
	s12 =	sshrl.u32 s6, $0x1;
	s17 =	sshrl.u32 s13, $0x2  }
0xb: {  	s9 =	simm.s32 $0x4;
	s10 =	simm.s32 $0xC;
	s14 =	sadd.s32 $0x62800, s5  }
0xc: {  	s13 =	simm.s32 $0x6;
	s15 =	sadd.s32 $0x62810, s5;
	[dreg:$0x5] =	wrdreg s14  }
0xd: {  	s7 =	sshrl.u32 s7, $0x3;
	s16 =	sadd.s32 $0x62820, s5;
	[dreg:$0x6] =	wrdreg s15  }
0xe: {  	s8 =	smul.u32 $0xA00, s11;
	s18 =	sadd.s32 $0x62830, s5;
	[dreg:$0x7] =	wrdreg s16  }
0xf: {  	s6 =	ssub.s32 s6, s12;
	s19 =	sadd.s32 s17, s2;
	[dreg:$0x8] =	wrdreg s18  }
0x10: {  	s12 =	simm.s32 $0x5;
	s20 =	smax.u32 s6, $0x1;
	[dreg:$0xa] =	wrdreg s19  }
0x11: {  	s0 =	sadd.s32 s7, s0;
	s21 =	sadd.s32 $0x1400, s19;
	[dreg:$0xb] =	wrdreg s20  }
0x12: {  	s22 =	sadd.s32 $0x2800, s19;
	s23 =	sadd.s32 $0x3C00, s19;
	[dreg:$0xc] =	wrdreg s21  }
0x13: {  	s24 =	sadd.s32 $0x5000, s19;
	s25 =	sadd.s32 $0x6400, s19;
	[dreg:$0xd] =	wrdreg s22  }
0x14: {  	s26 =	sadd.s32 $0x7800, s19;
	s6 =	simm.s32 $0xA;
	[dreg:$0xe] =	wrdreg s23  }
0x15: {  	s7 =	simm.s32 $0x3;
	s14 =	simm.s32 $0x7;
	[dreg:$0xf] =	wrdreg s24  }
0x16: {  	s15 =	simm.s32 $0x8;
	s16 =	simm.s32 $0x0;
	[dreg:$0x10] =	wrdreg s25  }
0x17: {  	s1 =	sadd.s32 s1, s8;
	s0 =	sadd.s32 $0x2AE00, s0;
	[dreg:$0x11] =	wrdreg s26  }
0x18: {  	s20 =	sadd.s32 $0x62840, s5;
	s21 =	simm.s32 $0xD;
	s22 =	simm.s32 $0x5000  }
0x19: {  	s23 =	simm.s32 $0x16D00;
	s24 =	simm.s32 $0x7D;
	s25 =	simm.s32 $0x16D80  }
0x1a: {  	s26 =	simm.s32 $0x1;
	s5 =	simm.s32 $0x2;
	[dreg:$0x4] =	wrdreg s1  }
0x1b: {  	s8 =	simm.s32 $0xB;
	[dreg:$0x9] =	wrdreg s0;
	s0 =	sadd.s32 $0x8C00, s19  }
0x1c: {  	v0 =	vimm.f32 $0.0e+00;
	s1 =	simm.s32 $0x9;
	[dreg:$0x12] =	wrdreg s0;
	s0 =	simm.s32 $0x16E80  }
.LBB2_1:
0x1d: {  	s11 =	rddreg [dreg:$0x4]  }
0x1e: {  	[tilespmem:s3], [sflag:$0xD] =	stream.linear.gather [hbm4b:s11+s3], $0x5000, $0x38;
	[tilespmem:$0x16F00] =	vst v63  }
0x1f: {  	_ =	swait.ge [sflag:s21], $0x5000  }
0x20: {  	[sflag:s21] =	ssyncset.done $0x0  }
0x21: {  	s18 =	simm.s32 $0x100;
	s17 =	simm.s32 $0x0;
	[sflag:s21] =	ssyncadd.s32 $0xFFFFB000  }
.LBB2_2:
0x22: {  	p0 =	sne.s32 s18, $0x4F00;
	[tilespmem:s17+$0x5030] =	vst v0;
	s19 =	smov.u32 s18;
	s18 =	sadd.s32 $0x100, s18  }
.Ltmp0:
0x23: {  	[tilespmem:s17+$0x5020] =	vst v0;
	(pc) =	sbr.rel @p0 .LBB2_2-.Ltmp0, $3  }
0x24: {  	[tilespmem:s17+$0x5000] =	vst v0  }
0x25: {  	[tilespmem:s17+$0x5010] =	vst v0;
	_ =	sdelay $0x1  }
0x26: {  	s17 =	sshra.s32 s19, $0x2  }
0x27: {  	[tilespmem:s17+$0x5030] =	vst v0  }
0x28: {  	[tilespmem:s17+$0x5020] =	vst v0  }
0x29: {  	[tilespmem:s17+$0x5000] =	vst v0  }
0x2a: {  	[tilespmem:s17+$0x5010] =	vst v0;
	s11 =	rddreg [dreg:$0xa]  }
0x2b: {  	[spmem:s11] =	stream.linear.scatter [tilespmem:s22], [sflag:$0xD], $0x1400, $0x38;
	[tilespmem:$0x16F00] =	vst v63  }
0x2c: {  	_ =	swait.ge [sflag:s21], $0x1400  }
0x2d: {  	[sflag:s21] =	ssyncset.done $0x0  }
0x2e: {  	s18 =	rddreg [dreg:$0xc];
	[sflag:s21] =	ssyncadd.s32 $0xFFFFEC00  }
0x2f: {  	[spmem:s18] =	stream.linear.scatter [tilespmem:s22], [sflag:$0xD], $0x1400, $0x38;
	[tilespmem:$0x16F00] =	vst v63  }
0x30: {  	_ =	swait.ge [sflag:s21], $0x1400  }
0x31: {  	[sflag:s21] =	ssyncset.done $0x0  }
0x32: {  	s19 =	rddreg [dreg:$0xd];
	[sflag:s21] =	ssyncadd.s32 $0xFFFFEC00  }
0x33: {  	[spmem:s19] =	stream.linear.scatter [tilespmem:s22], [sflag:$0xD], $0x1400, $0x38;
	[tilespmem:$0x16F00] =	vst v63  }
0x34: {  	_ =	swait.ge [sflag:s21], $0x1400  }
0x35: {  	[sflag:s21] =	ssyncset.done $0x0  }
0x36: {  	s17 =	rddreg [dreg:$0xe];
	[sflag:s21] =	ssyncadd.s32 $0xFFFFEC00  }
0x37: {  	[spmem:s17] =	stream.linear.scatter [tilespmem:s22], [sflag:$0xD], $0x1400, $0x38;
	[tilespmem:$0x16F00] =	vst v63  }
0x38: {  	_ =	swait.ge [sflag:s21], $0x1400  }
0x39: {  	[sflag:s21] =	ssyncset.done $0x0  }
0x3a: {  	s18 =	rddreg [dreg:$0xf];
	[sflag:s21] =	ssyncadd.s32 $0xFFFFEC00  }
0x3b: {  	[spmem:s18] =	stream.linear.scatter [tilespmem:s22], [sflag:$0xD], $0x1400, $0x38;
	[tilespmem:$0x16F00] =	vst v63  }
0x3c: {  	_ =	swait.ge [sflag:s21], $0x1400  }
0x3d: {  	[sflag:s21] =	ssyncset.done $0x0  }
0x3e: {  	s19 =	rddreg [dreg:$0x10];
	[sflag:s21] =	ssyncadd.s32 $0xFFFFEC00  }
0x3f: {  	[spmem:s19] =	stream.linear.scatter [tilespmem:s22], [sflag:$0xD], $0x1400, $0x38;
	[tilespmem:$0x16F00] =	vst v63  }
0x40: {  	_ =	swait.ge [sflag:s21], $0x1400  }
0x41: {  	[sflag:s21] =	ssyncset.done $0x0  }
0x42: {  	s17 =	rddreg [dreg:$0x11];
	[sflag:s21] =	ssyncadd.s32 $0xFFFFEC00  }
0x43: {  	[spmem:s17] =	stream.linear.scatter [tilespmem:s22], [sflag:$0xD], $0x1400, $0x38;
	[tilespmem:$0x16F00] =	vst v63  }
0x44: {  	_ =	swait.ge [sflag:s21], $0x1400  }
0x45: {  	[sflag:s21] =	ssyncset.done $0x0  }
0x46: {  	s18 =	rddreg [dreg:$0x12];
	[sflag:s21] =	ssyncadd.s32 $0xFFFFEC00  }
0x47: {  	[spmem:s18] =	stream.linear.scatter [tilespmem:s22], [sflag:$0xD], $0x1400, $0x38;
	[tilespmem:$0x16F00] =	vst v63  }
0x48: {  	_ =	swait.ge [sflag:s21], $0x1400  }
0x49: {  	[sflag:s21] =	ssyncset.done $0x0  }
0x4a: {  	s17 =	simm.s32 $0x0;
	s19 =	rddreg [dreg:$0x5];
	[sflag:s21] =	ssyncadd.s32 $0xFFFFEC00  }
0x4b: {  	[tilespmem:s23], [sflag:$0x9] =	stream.linear.gather [hbm4b:s19+s17], $0x80, $0x38;
	[tilespmem:$0x16F00] =	vst v63  }
0x4c: {  	_ = 	snop  }
0x4d: {  	[tilespmem:s22], [sflag:$0x1] =	stream.indirect.gather [hbm4b:s4+s24], $0x40, s17, s24, $0xb8;
	[tilespmem:$0x16F00] =	vst v63  }
0x4e: {  	s18 =	rddreg [dreg:$0x6]  }
0x4f: {  	[tilespmem:s25], [sflag:$0xA] =	stream.linear.gather [hbm4b:s18+s17], $0x80, $0x38;
	[tilespmem:$0x16F00] =	vst v63  }
0x50: {  	s19 =	simm.s32 $0x80  }
0x51: {  	[tilespmem:s28], [sflag:$0x2] =	stream.indirect.gather [hbm4b:s4+s24], $0x40, s19, s24, $0xb8;
	[tilespmem:$0x16F00] =	vst v63  }
0x52: {  	s18 =	rddreg [dreg:$0x7]  }
0x53: {  	[tilespmem:s29], [sflag:$0xB] =	stream.linear.gather [hbm4b:s18+s17], $0x80, $0x38;
	[tilespmem:$0x16F00] =	vst v63  }
0x54: {  	s19 =	simm.s32 $0x100  }
0x55: {  	[tilespmem:s31], [sflag:$0x3] =	stream.indirect.gather [hbm4b:s4+s24], $0x40, s19, s24, $0xb8;
	[tilespmem:$0x16F00] =	vst v63  }
0x56: {  	s18 =	rddreg [dreg:$0x8]  }
0x57: {  	[tilespmem:s0], [sflag:$0xC] =	stream.linear.gather [hbm4b:s18+s17], $0x80, $0x38;
	[tilespmem:$0x16F00] =	vst v63  }
0x58: {  	s19 =	simm.s32 $0x180  }
0x59: {  	[tilespmem:s30], [sflag:$0x4] =	stream.indirect.gather [hbm4b:s4+s24], $0x40, s19, s24, $0xb8;
	[tilespmem:$0x16F00] =	vst v63  }
0x5a: {  	[bflag:$0x0] =	sbarrier.arrive $0xFFFF  }
0x5b: {  	_ =	swait.ge [sflag:s26], $0x1F40  }
0x5c: {  	[sflag:s26] =	ssyncset.done $0x0  }
0x5d: {  	[sflag:s26] =	ssyncadd.s32 $0xFFFFE0C0  }
0x5e: {  	_ =	swait.ge [sflag:s1], $0x80  }
0x5f: {  	[sflag:s1] =	ssyncset.done $0x0  }
0x60: {  	[sflag:s1] =	ssyncadd.s32 $0xFFFFFF80  }
0x61: {  	[spmem:s2] =	stream.indirect.scatter.add.f32 [tilespmem:s22], [sflag:$0x5], $0x40, s23, s24, $0xb8;
	[tilespmem:$0x16F00] =	vst v63  }
0x62: {  	_ =	swait.ge [sflag:s5], $0x1F40  }
0x63: {  	[sflag:s5] =	ssyncset.done $0x0  }
0x64: {  	[sflag:s5] =	ssyncadd.s32 $0xFFFFE0C0  }
0x65: {  	_ =	swait.ge [sflag:s6], $0x80  }
0x66: {  	[sflag:s6] =	ssyncset.done $0x0  }
0x67: {  	[sflag:s6] =	ssyncadd.s32 $0xFFFFFF80  }
0x68: {  	[spmem:s2] =	stream.indirect.scatter.add.f32 [tilespmem:s28], [sflag:$0x6], $0x40, s25, s24, $0xb8;
	[tilespmem:$0x16F00] =	vst v63  }
0x69: {  	_ =	swait.ge [sflag:s7], $0x1F40  }
0x6a: {  	[sflag:s7] =	ssyncset.done $0x0  }
0x6b: {  	[sflag:s7] =	ssyncadd.s32 $0xFFFFE0C0  }
0x6c: {  	_ =	swait.ge [sflag:s8], $0x80  }
0x6d: {  	[sflag:s8] =	ssyncset.done $0x0  }
0x6e: {  	[sflag:s8] =	ssyncadd.s32 $0xFFFFFF80  }
0x6f: {  	[spmem:s2] =	stream.indirect.scatter.add.f32 [tilespmem:s31], [sflag:$0x7], $0x40, s29, s24, $0xb8;
	[tilespmem:$0x16F00] =	vst v63  }
0x70: {  	_ =	swait.ge [sflag:s9], $0x1F40  }
0x71: {  	[sflag:s9] =	ssyncset.done $0x0  }
0x72: {  	[sflag:s9] =	ssyncadd.s32 $0xFFFFE0C0  }
0x73: {  	_ =	swait.ge [sflag:s10], $0x80  }
0x74: {  	[sflag:s10] =	ssyncset.done $0x0  }
0x75: {  	[sflag:s10] =	ssyncadd.s32 $0xFFFFFF80  }
0x76: {  	[spmem:s2] =	stream.indirect.scatter.add.f32 [tilespmem:s30], [sflag:$0x8], $0x40, s0, s24, $0xb8;
	[tilespmem:$0x16F00] =	vst v63  }
0x77: {  	_ =	swait.ge [sflag:s12], $0x1F40  }
0x78: {  	[sflag:s12] =	ssyncset.done $0x0  }
0x79: {  	[sflag:s12] =	ssyncadd.s32 $0xFFFFE0C0  }
0x7a: {  	[tilespmem:s23], [sflag:$0x9] =	stream.linear.gather [hbm4b:s20+s3], $0x80, $0x38;
	[tilespmem:$0x16F00] =	vst v63  }
0x7b: {  	s11 =	simm.s32 $0x200  }
0x7c: {  	[tilespmem:s22], [sflag:$0x1] =	stream.indirect.gather [hbm4b:s4+s24], $0x40, s11, s24, $0xb8;
	[tilespmem:$0x16F00] =	vst v63  }
0x7d: {  	_ =	swait.ge [sflag:s13], $0x1F40  }
0x7e: {  	[sflag:s13] =	ssyncset.done $0x0  }
0x7f: {  	s18 =	sadd.s32 $0x10, s20;
	[sflag:s13] =	ssyncadd.s32 $0xFFFFE0C0  }
0x80: {  	[tilespmem:s25], [sflag:$0xA] =	stream.linear.gather [hbm4b:s18+s3], $0x80, $0x38;
	[tilespmem:$0x16F00] =	vst v63  }
0x81: {  	s19 =	simm.s32 $0x280  }
0x82: {  	[tilespmem:s28], [sflag:$0x2] =	stream.indirect.gather [hbm4b:s4+s24], $0x40, s19, s24, $0xb8;
	[tilespmem:$0x16F00] =	vst v63  }
0x83: {  	_ =	swait.ge [sflag:s14], $0x1F40  }
0x84: {  	[sflag:s14] =	ssyncset.done $0x0  }
0x85: {  	s11 =	sadd.s32 $0x20, s20;
	[sflag:s14] =	ssyncadd.s32 $0xFFFFE0C0  }
0x86: {  	[tilespmem:s29], [sflag:$0xB] =	stream.linear.gather [hbm4b:s11+s3], $0x80, $0x38;
	[tilespmem:$0x16F00] =	vst v63  }
0x87: {  	s18 =	simm.s32 $0x300  }
0x88: {  	[tilespmem:s31], [sflag:$0x3] =	stream.indirect.gather [hbm4b:s4+s24], $0x40, s18, s24, $0xb8;
	[tilespmem:$0x16F00] =	vst v63  }
0x89: {  	_ =	swait.ge [sflag:s15], $0x1F40  }
0x8a: {  	[sflag:s15] =	ssyncset.done $0x0  }
0x8b: {  	s19 =	sadd.s32 $0x30, s20;
	[sflag:s15] =	ssyncadd.s32 $0xFFFFE0C0  }
0x8c: {  	[tilespmem:s0], [sflag:$0xC] =	stream.linear.gather [hbm4b:s19+s3], $0x80, $0x38;
	[tilespmem:$0x16F00] =	vst v63  }
0x8d: {  	s17 =	simm.s32 $0x800;
	s18 =	sadd.s32 $0x40, s20;
	s19 =	simm.s32 $0x380  }
.LBB2_4:
0x8e: {  	[tilespmem:s30], [sflag:$0x4] =	stream.indirect.gather [hbm4b:s4+s24], $0x40, s19, s24, $0xb8;
	[tilespmem:$0x16F00] =	vst v63  }
0x8f: {  	s19 =	smov.u32 s17  }
0x90: {  	p0 =	sne.s32 s17, $0x13000;
	s17 =	sadd.s32 $0x800, s17;
	_ =	swait.ge [sflag:s26], $0x1F40  }
0x91: {  	[sflag:s26] =	ssyncset.done $0x0  }
0x92: {  	[sflag:s26] =	ssyncadd.s32 $0xFFFFE0C0  }
0x93: {  	_ =	swait.ge [sflag:s1], $0x80  }
0x94: {  	[sflag:s1] =	ssyncset.done $0x0  }
0x95: {  	[sflag:s1] =	ssyncadd.s32 $0xFFFFFF80  }
0x96: {  	[spmem:s2] =	stream.indirect.scatter.add.f32 [tilespmem:s22], [sflag:$0x5], $0x40, s23, s24, $0xb8;
	[tilespmem:$0x16F00] =	vst v63  }
0x97: {  	_ =	swait.ge [sflag:s5], $0x1F40  }
0x98: {  	[sflag:s5] =	ssyncset.done $0x0  }
0x99: {  	[sflag:s5] =	ssyncadd.s32 $0xFFFFE0C0  }
0x9a: {  	_ =	swait.ge [sflag:s6], $0x80  }
0x9b: {  	[sflag:s6] =	ssyncset.done $0x0  }
0x9c: {  	[sflag:s6] =	ssyncadd.s32 $0xFFFFFF80  }
0x9d: {  	[spmem:s2] =	stream.indirect.scatter.add.f32 [tilespmem:s28], [sflag:$0x6], $0x40, s25, s24, $0xb8;
	[tilespmem:$0x16F00] =	vst v63  }
0x9e: {  	_ =	swait.ge [sflag:s7], $0x1F40  }
0x9f: {  	[sflag:s7] =	ssyncset.done $0x0  }
0xa0: {  	[sflag:s7] =	ssyncadd.s32 $0xFFFFE0C0  }
0xa1: {  	_ =	swait.ge [sflag:s8], $0x80  }
0xa2: {  	[sflag:s8] =	ssyncset.done $0x0  }
0xa3: {  	[sflag:s8] =	ssyncadd.s32 $0xFFFFFF80  }
0xa4: {  	[spmem:s2] =	stream.indirect.scatter.add.f32 [tilespmem:s31], [sflag:$0x7], $0x40, s29, s24, $0xb8;
	[tilespmem:$0x16F00] =	vst v63  }
0xa5: {  	_ =	swait.ge [sflag:s9], $0x1F40  }
0xa6: {  	[sflag:s9] =	ssyncset.done $0x0  }
0xa7: {  	[sflag:s9] =	ssyncadd.s32 $0xFFFFE0C0  }
0xa8: {  	_ =	swait.ge [sflag:s10], $0x80  }
0xa9: {  	[sflag:s10] =	ssyncset.done $0x0  }
0xaa: {  	[sflag:s10] =	ssyncadd.s32 $0xFFFFFF80  }
0xab: {  	[spmem:s2] =	stream.indirect.scatter.add.f32 [tilespmem:s30], [sflag:$0x8], $0x40, s0, s24, $0xb8;
	[tilespmem:$0x16F00] =	vst v63  }
0xac: {  	_ =	swait.ge [sflag:s12], $0x1F40  }
0xad: {  	[sflag:s12] =	ssyncset.done $0x0  }
0xae: {  	s19 =	sshra.s32 s19, $0x2;
	[sflag:s12] =	ssyncadd.s32 $0xFFFFE0C0  }
0xaf: {  	[tilespmem:s23], [sflag:$0x9] =	stream.linear.gather [hbm4b:s18+s3], $0x80, $0x38;
	[tilespmem:$0x16F00] =	vst v63  }
0xb0: {  	s11 =	sadd.s32 $0x200, s19  }
0xb1: {  	[tilespmem:s22], [sflag:$0x1] =	stream.indirect.gather [hbm4b:s4+s24], $0x40, s11, s24, $0xb8;
	[tilespmem:$0x16F00] =	vst v63  }
0xb2: {  	_ =	swait.ge [sflag:s13], $0x1F40  }
0xb3: {  	[sflag:s13] =	ssyncset.done $0x0  }
0xb4: {  	s11 =	sadd.s32 $0x10, s18;
	[sflag:s13] =	ssyncadd.s32 $0xFFFFE0C0  }
0xb5: {  	[tilespmem:s25], [sflag:$0xA] =	stream.linear.gather [hbm4b:s11+s3], $0x80, $0x38;
	[tilespmem:$0x16F00] =	vst v63  }
0xb6: {  	s11 =	sadd.s32 $0x280, s19  }
0xb7: {  	[tilespmem:s28], [sflag:$0x2] =	stream.indirect.gather [hbm4b:s4+s24], $0x40, s11, s24, $0xb8;
	[tilespmem:$0x16F00] =	vst v63  }
0xb8: {  	_ =	swait.ge [sflag:s14], $0x1F40  }
0xb9: {  	[sflag:s14] =	ssyncset.done $0x0  }
0xba: {  	s11 =	sadd.s32 $0x20, s18;
	[sflag:s14] =	ssyncadd.s32 $0xFFFFE0C0  }
0xbb: {  	[tilespmem:s29], [sflag:$0xB] =	stream.linear.gather [hbm4b:s11+s3], $0x80, $0x38;
	[tilespmem:$0x16F00] =	vst v63  }
0xbc: {  	s11 =	sadd.s32 $0x300, s19  }
0xbd: {  	[tilespmem:s31], [sflag:$0x3] =	stream.indirect.gather [hbm4b:s4+s24], $0x40, s11, s24, $0xb8;
	[tilespmem:$0x16F00] =	vst v63  }
.Ltmp1:
0xbe: {  	_ =	swait.ge [sflag:s15], $0x1F40;
	(pc) =	sbr.rel @p0 .LBB2_4-.Ltmp1, $4  }
0xbf: {  	[sflag:s15] =	ssyncset.done $0x0  }
0xc0: {  	s11 =	sadd.s32 $0x30, s18;
	[sflag:s15] =	ssyncadd.s32 $0xFFFFE0C0  }
0xc1: {  	[tilespmem:s0], [sflag:$0xC] =	stream.linear.gather [hbm4b:s11+s3], $0x80, $0x38;
	[tilespmem:$0x16F00] =	vst v63  }
0xc2: {  	s19 =	sadd.s32 $0x380, s19;
	s18 =	sadd.s32 $0x40, s18  }
0xc3: {  	[tilespmem:s30], [sflag:$0x4] =	stream.indirect.gather [hbm4b:s4+s24], $0x40, s19, s24, $0xb8;
	[tilespmem:$0x16F00] =	vst v63  }
0xc4: {  	_ =	swait.ge [sflag:s26], $0x1F40  }
0xc5: {  	[sflag:s26] =	ssyncset.done $0x0  }
0xc6: {  	[sflag:s26] =	ssyncadd.s32 $0xFFFFE0C0  }
0xc7: {  	_ =	swait.ge [sflag:s1], $0x80  }
0xc8: {  	[sflag:s1] =	ssyncset.done $0x0  }
0xc9: {  	[sflag:s1] =	ssyncadd.s32 $0xFFFFFF80  }
0xca: {  	[spmem:s2] =	stream.indirect.scatter.add.f32 [tilespmem:s22], [sflag:$0xD], $0x40, s23, s24, $0xb8;
	[tilespmem:$0x16F00] =	vst v63  }
0xcb: {  	_ =	swait.ge [sflag:s21], $0x1F40  }
0xcc: {  	[sflag:s21] =	ssyncset.done $0x0  }
0xcd: {  	[sflag:s21] =	ssyncadd.s32 $0xFFFFE0C0  }
0xce: {  	_ =	swait.ge [sflag:s5], $0x1F40  }
0xcf: {  	[sflag:s5] =	ssyncset.done $0x0  }
0xd0: {  	[sflag:s5] =	ssyncadd.s32 $0xFFFFE0C0  }
0xd1: {  	_ =	swait.ge [sflag:s6], $0x80  }
0xd2: {  	[sflag:s6] =	ssyncset.done $0x0  }
0xd3: {  	[sflag:s6] =	ssyncadd.s32 $0xFFFFFF80  }
0xd4: {  	[spmem:s2] =	stream.indirect.scatter.add.f32 [tilespmem:s28], [sflag:$0xD], $0x40, s25, s24, $0xb8;
	[tilespmem:$0x16F00] =	vst v63  }
0xd5: {  	_ =	swait.ge [sflag:s21], $0x1F40  }
0xd6: {  	[sflag:s21] =	ssyncset.done $0x0  }
0xd7: {  	[sflag:s21] =	ssyncadd.s32 $0xFFFFE0C0  }
0xd8: {  	_ =	swait.ge [sflag:s7], $0x1F40  }
0xd9: {  	[sflag:s7] =	ssyncset.done $0x0  }
0xda: {  	[sflag:s7] =	ssyncadd.s32 $0xFFFFE0C0  }
0xdb: {  	_ =	swait.ge [sflag:s8], $0x80  }
0xdc: {  	[sflag:s8] =	ssyncset.done $0x0  }
0xdd: {  	[sflag:s8] =	ssyncadd.s32 $0xFFFFFF80  }
0xde: {  	[spmem:s2] =	stream.indirect.scatter.add.f32 [tilespmem:s31], [sflag:$0xD], $0x40, s29, s24, $0xb8;
	[tilespmem:$0x16F00] =	vst v63  }
0xdf: {  	_ =	swait.ge [sflag:s21], $0x1F40  }
0xe0: {  	[sflag:s21] =	ssyncset.done $0x0  }
0xe1: {  	[sflag:s21] =	ssyncadd.s32 $0xFFFFE0C0  }
0xe2: {  	_ =	swait.ge [sflag:s9], $0x1F40  }
0xe3: {  	[sflag:s9] =	ssyncset.done $0x0  }
0xe4: {  	[sflag:s9] =	ssyncadd.s32 $0xFFFFE0C0  }
0xe5: {  	_ =	swait.ge [sflag:s10], $0x80  }
0xe6: {  	[sflag:s10] =	ssyncset.done $0x0  }
0xe7: {  	[sflag:s10] =	ssyncadd.s32 $0xFFFFFF80  }
0xe8: {  	[spmem:s2] =	stream.indirect.scatter.add.f32 [tilespmem:s30], [sflag:$0xD], $0x40, s0, s24, $0xb8;
	[tilespmem:$0x16F00] =	vst v63  }
0xe9: {  	_ =	swait.ge [sflag:s21], $0x1F40  }
0xea: {  	[sflag:s21] =	ssyncset.done $0x0  }
0xeb: {  	[sflag:s21] =	ssyncadd.s32 $0xFFFFE0C0  }
0xec: {  	s11 =	stileid.u32;
	[bflag:$0x0] =	sbarrier.arrive $0xFFFF  }
0xed: {  	s19 =	simm.s32 $0x10;
	s11 =	sshll.u32 s11, $0x6;
	s17 =	rddreg [dreg:$0xa]  }
0xee: {  	s11 =	sor.u32 $0x1C0D, s11;
	s18 =	rddreg [dreg:$0x9];
	s17 =	sshrl.u32 s17, $0x3  }
0xef: {  	[hbm:s18@s19], [sflag:s11] =	dma.strided [spmem:s17@s15], $0x1400, s26, $0x8   }
0xf0: {  	_ =	swait.ge [sflag:s21], $0x1400  }
0xf1: {  	s16 =	sadd.s32 $0x1, s16;
	s19 =	rddreg [dreg:$0xb]  }
0xf2: {  	p0 =	sne.s32 s16, s19  }
.Ltmp2:
0xf3: {  	_ = 	snop;
	(pc) =	sbr.rel @p0 .LBB2_1-.Ltmp2, $3  }
0xf4: {  	_ =	sdelay $0x1  }
0xf5: {  	[sflag:s21] =	ssyncset.done $0x0  }
0xf6: {  	[sflag:s21] =	ssyncadd.s32 $0xFFFFEC00  }
0xf7: {  	_ =	sfence.sel $0x180000  }
0xf8: {  	[bflag:$0x0] =	sbarrier.arrive $0xFFFF  }
0xf9: {  	_ =	strace $0x9000004D  }
0xfa: {  	s0 =	stileid.u32;
	[bflag:$0x2] =	sbarrier.arrive $0xFFFF  }
0xfb: {  	p0 =	sne.s32 s0, $0x0;
	s0 =	rddreg [dreg:$0x3]  }
0xfc: {  	s0 =	sadd.s32 @!p0 $0x100000, s0  }
0xfd: {  	[sflag:s0] =	ssyncadd.tile.s32 @!p0 $0x1;
	_ =	shalt  }
.Lfunc_end2:
_tile_overlayer_lowered:
.L_overlay_start_2:
0xfe: {  	(tag) =	ssettag $0x2  }
0xff: {  	s0 =	rddreg [dreg:$0x0];
	s2 =	stileid.u32  }
0x100: {  	s1 =	rddreg [dreg:$0x1];
	p0 =	sne.s32 s2, $0x0  }
0x101: {  	s3 =	rddreg [dreg:$0x2];
	[bflag:$0x3] =	sbarrier.arrive $0xFFFF;
	s2 =	simm.s32 @!p0 $0x1C0D  }
0x102: {  	[timem:s3], [sflag:s2] =	dma.local @!p0 [hbm:s0], s1  }
0x103: {  	s0 =	simm.s32 @!p0 $0xD  }
0x104: {  	_ =	swait.ge @!p0 [sflag:s0], s1  }
0x105: {  	s1 =	ssub.s32 @!p0 $0x0, s1;
	[sflag:s0] =	ssyncset.done @!p0 $0x0  }
0x106: {  	[sflag:s0] =	ssyncadd.s32 @!p0 s1  }
0x107: {  	[bflag:$0x3] =	sbarrier.arrive $0xFFFF  }
0x108: {  	_ =	shalt  }

// kernel: kernel.8.cloned.1.call-start
scs
__scs_entry_jumppad:
0x0: {  	(pc) =	sbr.rel $0x88, $3  }
0x1: {  	(tag) =	ssettag $0x0;
	lr =	simm.s32 $0x1  }
0x2: {  	[smem:$0x3F9B] =	sst lr;
	_ =	strace $0xD0000000  }
0x3: {  	_ = 	snop  }
0x4: {  	_ = 	snop  }
0x5: {  	_ = 	snop  }
0x6: {  	_ = 	snop  }
0x7: {  	_ = 	snop  }
__scs_overlays_trampoline_lowered:
0x8: {  	[smem:$0x3FAA] =	sst s0  }
0x9: {  	[smem:$0x3FAB] =	sst s1  }
0xa: {  	[smem:$0x3FAC] =	sst s2  }
0xb: {  	[smem:$0x3FAD] =	sst s3  }
0xc: {  	[smem:$0x3FAE] =	sst s4  }
0xd: {  	[smem:$0x3FAF] =	sst s5  }
0xe: {  	[smem:$0x3FB0] =	sst s6  }
0xf: {  	[smem:$0x3FB1] =	sst s7  }
0x10: {  	[smem:$0x3FB2] =	sst s8  }
0x11: {  	[smem:$0x3FB3] =	sst s9;
	s0 =	simm.s32 @!p0 $0x0  }
0x12: {  	s1 =	sld [smem:$0x3F99];
	s0 =	simm.s32 @p0 $0x1  }
0x13: {  	[smem:$0x3FB4] =	sst s0;
	s0 =	simm.s32 @!p1 $0x0  }
0x14: {  	s2 =	sld [smem:$0x3F98];
	s0 =	simm.s32 @p1 $0x1  }
0x15: {  	[smem:$0x3FB5] =	sst s0;
	s0 =	simm.s32 @!p2 $0x0  }
0x16: {  	s3 =	sld [smem:$0x3FDB];
	s0 =	simm.s32 @p2 $0x1  }
0x17: {  	s4 =	simm.s32 $0x1BF5;
	[smem:$0x3FB7] =	sst s0  }
0x18: {  	s0 =	sld [smem:$0x3F9A];
	_ =	swait.ge [sflag:s4], $0x0  }
0x19: {  	s7 =	sld [smem:$0x3F9B]  }
0x1a: {  	s8 =	sadd.s32 $0xFFFFE003, lr  }
0x1b: {  	s9 =	sadd.s32 $0xFFFFFEF7, lr;
	s5 =	simm.s32 $0xFFFFFFFF;
	p2 =	slt.u32 s8, $0xFFFFF086  }
0x1c: {  	p1 =	slt.u32 s9, $0xF7A;
	s5 =	simm.s32 @!p2 $0x0  }
0x1d: {  	s5 =	simm.s32 @p1 $0x1;
	p0 =	seq.s32 s7, s2  }
0x1e: {  	s7 =	smul.u32 @!p0 $0xF7A, s2;
	p2 =	seq.s32 @!p0 s5, $0x0  }
0x1f: {  	s9 =	smul.u32 $0xF7A, s1;
	s8 =	simm.s32 @!p0 $0x1BF5;
	p2 =	por !p2, p0  }
0x20: {  	[sflag:s8] =	ssyncset.s32 @!p0 $0xFFFFF086;
	s6 =	sadd.s32 @!p0 s3, s7;
	s7 =	simm.s32 @!p0 $0x108  }
0x21: {  	s3 =	sadd.s32 s3, s9;
	s6 =	sadd.s32 @!p0 $0x88, s6;
	s7 =	simm.s32 @p2 $0x1082  }
0x22: {  	[simem:s7], [sflag:s8] =	dma.local @!p0 [hbm:s6], $0xF7A  }
0x23: {  	s9 =	sor.u32 $0xD0000000, s2;
	s6 =	simm.s32 $0x108;
	_ =	swait.ge @!p0 [sflag:s8], $0x0  }
0x24: {  	s3 =	sadd.s32 $0x88, s3;
	s6 =	simm.s32 @!p1 $0x1082;
	[sflag:s4] =	ssyncset.s32 $0xFFFFF086  }
0x25: {  	[simem:s6], [sflag:s4] =	dma.local [hbm:s3], $0xF7A  }
0x26: {  	[smem:$0x3F9B] =	sst s1;
	(tag) =	ssettag s2;
	_ =	strace s9  }
0x27: {  	s1 =	sld [smem:$0x3FAB]  }
0x28: {  	s2 =	sld [smem:$0x3FAC]  }
0x29: {  	s4 =	sld [smem:$0x3FAE]  }
0x2a: {  	p0 =	seq.s32 s5, $0x0;
	s5 =	sld [smem:$0x3FAF]  }
0x2b: {  	s6 =	sld [smem:$0x3FB0]  }
0x2c: {  	s7 =	sld [smem:$0x3FB1]  }
0x2d: {  	s3 =	simm.s32 $0x108;
	s8 =	sld [smem:$0x3FB2]  }
0x2e: {  	s3 =	simm.s32 @!p0 $0x1082;
	s9 =	sld [smem:$0x3FB3]  }
0x2f: {  	lr =	sadd.s32 s0, s3;
	s0 =	sld [smem:$0x3FAA]  }
0x30: {  	s3 =	sld [smem:$0x3FAD]  }
0x31: {  	[smem:$0x3FB6] =	sst s10  }
0x32: {  	s10 =	sld [smem:$0x3FB4];
	_ =	sdelay $0x3  }
0x33: {  	p0 =	seq.s32 s10, $0x1;
	s10 =	sld [smem:$0x3FB6];
	_ =	sdelay $0x3  }
0x34: {  	[smem:$0x3FB6] =	sst s10  }
0x35: {  	s10 =	sld [smem:$0x3FB5];
	_ =	sdelay $0x3  }
0x36: {  	p1 =	seq.s32 s10, $0x1;
	s10 =	sld [smem:$0x3FB6];
	_ =	sdelay $0x3  }
0x37: {  	[smem:$0x3FB6] =	sst s10  }
0x38: {  	s10 =	sld [smem:$0x3FB7]  }
0x39: {  	_ = 	snop;
	(pc) =	sbr.ind lr, $3  }
0x3a: {  	_ = 	snop  }
0x3b: {  	_ = 	snop  }
0x3c: {  	p2 =	seq.s32 s10, $0x1;
	s10 =	sld [smem:$0x3FB6]  }
0x3d: {  	_ =	shalt  }
0x3e: {  	_ =	shalt  }
0x3f: {  	_ =	shalt  }
0x40: {  	_ =	shalt  }
0x41: {  	_ =	shalt  }
0x42: {  	_ =	shalt  }
0x43: {  	_ =	shalt  }
0x44: {  	_ =	shalt  }
0x45: {  	_ =	shalt  }
0x46: {  	_ =	shalt  }
0x47: {  	_ =	shalt  }
0x48: {  	_ =	shalt  }
0x49: {  	_ =	shalt  }
0x4a: {  	_ =	shalt  }
0x4b: {  	_ =	shalt  }
0x4c: {  	_ =	shalt  }
0x4d: {  	_ =	shalt  }
0x4e: {  	_ =	shalt  }
0x4f: {  	_ =	shalt  }
0x50: {  	_ =	shalt  }
0x51: {  	_ =	shalt  }
0x52: {  	_ =	shalt  }
0x53: {  	_ =	shalt  }
0x54: {  	_ =	shalt  }
0x55: {  	_ =	shalt  }
0x56: {  	_ =	shalt  }
0x57: {  	_ =	shalt  }
0x58: {  	_ =	shalt  }
0x59: {  	_ =	shalt  }
0x5a: {  	_ =	shalt  }
0x5b: {  	_ =	shalt  }
0x5c: {  	_ =	shalt  }
0x5d: {  	_ =	shalt  }
0x5e: {  	_ =	shalt  }
0x5f: {  	_ =	shalt  }
0x60: {  	_ =	shalt  }
0x61: {  	_ =	shalt  }
0x62: {  	_ =	shalt  }
0x63: {  	_ =	shalt  }
0x64: {  	_ =	shalt  }
0x65: {  	_ =	shalt  }
0x66: {  	_ =	shalt  }
0x67: {  	_ =	shalt  }
0x68: {  	_ =	shalt  }
0x69: {  	_ =	shalt  }
0x6a: {  	_ =	shalt  }
0x6b: {  	_ =	shalt  }
0x6c: {  	_ =	shalt  }
0x6d: {  	_ =	shalt  }
0x6e: {  	_ =	shalt  }
0x6f: {  	_ =	shalt  }
0x70: {  	_ =	shalt  }
0x71: {  	_ =	shalt  }
0x72: {  	_ =	shalt  }
0x73: {  	_ =	shalt  }
0x74: {  	_ =	shalt  }
0x75: {  	_ =	shalt  }
0x76: {  	_ =	shalt  }
0x77: {  	_ =	shalt  }
0x78: {  	_ =	shalt  }
0x79: {  	_ =	shalt  }
0x7a: {  	_ =	shalt  }
0x7b: {  	_ =	shalt  }
0x7c: {  	_ =	shalt  }
0x7d: {  	_ =	shalt  }
0x7e: {  	_ =	shalt  }
0x7f: {  	_ =	shalt  }
0x80: {  	_ =	shalt  }
0x81: {  	_ =	shalt  }
0x82: {  	_ =	shalt  }
0x83: {  	_ =	shalt  }
0x84: {  	_ =	shalt  }
0x85: {  	_ =	shalt  }
0x86: {  	_ =	shalt  }
0x87: {  	_ =	shalt  }
.Lfunc_end0:
.L_simem_size_0:
called_computation_lowered:
.L_overlay_start_0:
0x88: {  	s2 =	sld [smem:$0x3FD9]  }
0x89: {  	s3 =	sld [smem:$0x3FFE];
	_ =	sdelay $0x1  }
0x8a: {  	s1 =	srdreg.scid  }
0x8b: {  	s0 =	sand.u32 $0x1, s1  }
0x8c: {  	s16 =	sshll.u32 s0, $0xA;
	s2 =	sadd.s32 s3, s2  }
0x8d: {  	s2 =	sadd.s32 s2, s16  }
0x8e: {  	[smem:$0x3FC2] =	sst s2  }
0x8f: {  	_ = 	snop  }
0x90: {  	(tm) =	ssettm $0x1  }
0x91: {  	s17 =	sld [smem:$0x3FFB];
	_ =	sdelay $0x3  }
0x92: {  	_ =	strace s17  }
0x93: {  	s2 =	sld [smem:$0x3FFC];
	_ =	sdelay $0x3  }
0x94: {  	_ =	strace s2  }
0x95: {  	s2 =	sld [smem:$0x3FFD];
	_ =	sdelay $0x3  }
0x96: {  	_ =	strace s2  }
0x97: {  	_ =	strace $0x8FFFFFFF  }
0x98: {  	s18 =	sld [smem:$0x3FDB];
	_ =	sdelay $0x1  }
0x99: {  	s19 =	simm.s32 $_scs_section_size  }
0x9a: {  	s4 =	simm.s32 $_size__tile_overlayer_lowered;
	s5 =	simm.s32 $_tile_overlayer_lowered  }
0x9b: {  	s22 =	simm.s32 $0x1BFF;
	s21 =	sshll.u32 s5, $0x1;
	s2 =	sadd.s32 s19, s18  }
0x9c: {  	s6 =	simm.s32 $0x0;
	s20 =	sshll.u32 s4, $0x1;
	s4 =	sadd.s32 s21, s2  }
0x9d: {  	[timem:s6], [sflag:s22] =	dma.local [hbm:s4], s20  }
0x9e: {  	_ =	swait.ge [sflag:s22], s20  }
0x9f: {  	s3 =	ssub.s32 $0x0, s20;
	[sflag:s22] =	ssyncset.done $0x0  }
0xa0: {  	[sflag:s22] =	ssyncadd.s32 s3;
	_ =	sdelay $0x1  }
0xa1: {  	s23 =	simm.s32 $0x1B8B  }
0xa2: {  	_ =	swait.ge [sflag:s23], $0x1  }
0xa3: {  	[sflag:s23] =	ssyncset.done $0x0  }
0xa4: {  	s25 =	simm.s32 $0x1B8E;
	s24 =	sld [smem:$0x3FFE];
	[sflag:s23] =	ssyncadd.s32 $0xFFFFFFFF  }
0xa5: {  	s26 =	simm.s32 $execute0_lowered;
	[smem:$0x3FD2] =	sst s25  }
0xa6: {  	s4 =	sshll.u32 s26, $0x1;
	_ =	strace $0x80000046;
	[dreg:$0x1] =	wrdreg $0xFFFFFFFF  }
0xa7: {  	s28 =	simm.s32 $_size_execute0_lowered;
	s2 =	sadd.s32 s2, s4;
	[dreg:$0x0] =	wrdreg $0x0  }
0xa8: {  	s4 =	sshll.u32 s28, $0x1;
	[dreg:$0x2] =	wrdreg s2  }
0xa9: {  	[dreg:$0x3] =	wrdreg s4  }
0xaa: {  	[dreg:$0x4] =	wrdreg $0xC0  }
0xab: {  	_ =	task [dreg:s6], $0x5FFFF  }
0xac: {  	[dreg:$0x1] =	wrdreg $0xFFFFFFFF  }
0xad: {  	[dreg:$0x0] =	wrdreg $0x60  }
0xae: {  	[dreg:$0x2] =	wrdreg s24  }
0xaf: {  	[dreg:$0x3] =	wrdreg $0x50000  }
0xb0: {  	[dreg:$0x4] =	wrdreg $0x9  }
0xb1: {  	_ =	task.clear_ibuf [dreg:s6], $0x5FFFF;
	_ =	strace $0x90000046  }
0xb2: {  	s29 =	simm.s32 $0x9;
	_ =	strace $0x80000048  }
0xb3: {  	_ =	swait.ge [sflag:s29], $0x1  }
0xb4: {  	[sflag:s29] =	ssyncadd.s32 $0xFFFFFFFF  }
0xb5: {  	_ =	strace $0x90000048  }
0xb6: {  	_ =	sfence  }
0xb7: {  	s30 =	sld [smem:$0x0];
	_ =	sdelay $0x2  }
0xb8: {  	s31 =	sshll.u32 s1, $0xD;
	s1 =	sshrl.u32 s1, $0x2  }
0xb9: {  	s3 =	sand.u32 $0x4000, s31;
	s1 =	sadd.s32 s1, s30  }
0xba: {  	s0 =	sor.u32 s3, s0;
	s1 =	sshll.u32 s1, $0x11  }
0xbb: {  	s0 =	sor.u32 s1, s0  }
0xbc: {  	s0 =	sadd.s32 $0x8F2B, s0  }
0xbd: {  	[sflag:s0] =	ssyncadd.remote.s32 $0x1  }
0xbe: {  	_ =	sfence.sel $0xFFFF  }
0xbf: {  	[dreg:$0x0] =	wrdreg $0xFFFFFFFF;
	(pc) =	sbr.abs _section_cstart, $3  }
0xc0: {  	[dreg:$0x1] =	wrdreg $0xFFFFFFFF  }
0xc1: {  	_ =	task.clear_ibuf [dreg:s6], $0x2FFFF;
	_ =	strace $0x9FFFFFFF  }
0xc2: {  	(tm) =	ssettm $0x7FFFFFFF  }
0xc3: {  	_ =	shalt  }
tec
execute0_lowered:
.L_overlay_start_1:
0x0: {  	(tag) =	ssettag $0x1  }
0x1: {  	s0 =	rddreg [dreg:$0x0]  }
0x2: {  	s1 =	srdreg.scid;
	s10 =	stileid.u32  }
0x3: {  	s2 =	rddreg [dreg:$0x1];
	s3 =	simm.s32 $0x0;
	s6 =	smul.u32 $0x2800, s10  }
0x4: {  	s28 =	simm.s32 $0x50;
	s29 =	simm.s32 $0x2;
	s20 =	smul.u32 $0x50000, s10  }
0x5: {  	s30 =	simm.s32 $0x3;
	s1 =	sand.u32 $0x1, s1;
	s26 =	smul.u32 $0xFA0, s10  }
0x6: {  	s31 =	simm.s32 $0x4;
	s5 =	sshll.u32 s10, $0x1;
	s4 =	smul.u32 $0x28000, s1  }
0x7: {  	s5 =	sor.u32 s1, s5;
	s19 =	ssub.s32 $0x2, s1;
	s1 =	smul.u32 $0x7D0, s1  }
0x8: {  	[smem:$0x7FF] =	sst s3;
	s18 =	sadd.s32 $0x2E00, s0;
	s7 =	smul.u32 $0x3E80, s5  }
0x9: {  	_ =	strace $0x80000047;
	s5 =	smul.u32 $0x280, s5;
	s8 =	sshrl.u32 s19, $0x1  }
0xa: {  	s25 =	sshrl.u32 s20, $0x2;
	s20 =	simm.s32 $0x2800;
	s4 =	sadd.s32 s6, s4  }
0xb: {  	s6 =	simm.s32 $0x0;
	s0 =	sadd.s32 s4, s0;
	s9 =	sand.u32 $0x7FC00, s7  }
0xc: {  	s5 =	sand.u32 $0x380, s5;
	s4 =	ssub.s32 s19, s8;
	s7 =	sshrl.u32 s7, $0x3  }
0xd: {  	s5 =	sor.u32 s5, s9;
	s7 =	sadd.s32 s18, s7;
	s9 =	sadd.s32 s25, s2  }
0xe: {  	s0 =	sadd.s32 $0x12800, s0;
	s11 =	smax.u32 s4, $0x1;
	s25 =	simm.s32 $0x7980  }
0xf: {  	s4 =	simm.s32 $0x7;
	s5 =	sshrl.u32 s5, $0x3;
	s21 =	sadd.s32 $0x10, s7  }
0x10: {  	s22 =	sadd.s32 $0x20, s7;
	s23 =	sadd.s32 $0x30, s7;
	s24 =	sadd.s32 $0x7C0, s7  }
0x11: {  	[dreg:$0x8] =	wrdreg s0;
	s12 =	sadd.s32 $0x2800, s9;
	s13 =	sadd.s32 $0x5000, s9  }
0x12: {  	s14 =	sadd.s32 $0x7800, s9;
	s15 =	sadd.s32 $0xA000, s9;
	[dreg:$0x4] =	wrdreg s21  }
0x13: {  	s16 =	sadd.s32 $0xC800, s9;
	s17 =	sadd.s32 $0xF000, s9;
	[dreg:$0x5] =	wrdreg s22  }
0x14: {  	s0 =	sadd.s32 s26, s18;
	s26 =	simm.s32 $0x1;
	[dreg:$0x6] =	wrdreg s23  }
0x15: {  	s5 =	sadd.s32 s18, s5;
	[dreg:$0x7] =	wrdreg s24;
	s18 =	sadd.s32 $0x11800, s9  }
0x16: {  	s19 =	sadd.s32 s1, s0;
	s21 =	simm.s32 $0x9;
	s22 =	simm.s32 $0x7800  }
0x17: {  	s23 =	simm.s32 $0x7880;
	s24 =	simm.s32 $0x7900;
	s0 =	simm.s32 $0x5  }
0x18: {  	v0 =	vimm.f32 $1.000000000e+00;
	v1 =	vimm.f32 $0.0e+00;
	s1 =	simm.s32 $0x6;
	[dreg:$0x3] =	wrdreg s5;
	s5 =	simm.s32 $0x8  }
.LBB2_1:
0x19: {  	s7 =	simm.s32 $0x200;
	s8 =	simm.s32 $0x0  }
.LBB2_2:
0x1a: {  	p0 =	sne.s32 s7, $0x9E00;
	[tilespmem:s8+$0x0] =	vst v0;
	s10 =	smov.u32 s7;
	s7 =	sadd.s32 $0x200, s7  }
.Ltmp0:
0x1b: {  	[tilespmem:s8+$0x2800] =	vst v1;
	(pc) =	sbr.rel @p0 .LBB2_2-.Ltmp0, $2  }
0x1c: {  	_ =	sdelay $0x2  }
0x1d: {  	s8 =	sshra.s32 s10, $0x2  }
0x1e: {  	[tilespmem:s8+$0x0] =	vst v0  }
0x1f: {  	[tilespmem:s8+$0x2800] =	vst v1  }
0x20: {  	[spmem:s9] =	stream.linear.scatter [tilespmem:s20], [sflag:$0x9], $0x2800, $0x38;
	[tilespmem:$0x7A00] =	vst v63  }
0x21: {  	_ =	swait.ge [sflag:s21], $0x2800  }
0x22: {  	[sflag:s21] =	ssyncset.done $0x0  }
0x23: {  	[sflag:s21] =	ssyncadd.s32 $0xFFFFD800  }
0x24: {  	[spmem:s12] =	stream.linear.scatter [tilespmem:s20], [sflag:$0x9], $0x2800, $0x38;
	[tilespmem:$0x7A00] =	vst v63  }
0x25: {  	_ =	swait.ge [sflag:s21], $0x2800  }
0x26: {  	[sflag:s21] =	ssyncset.done $0x0  }
0x27: {  	[sflag:s21] =	ssyncadd.s32 $0xFFFFD800  }
0x28: {  	[spmem:s13] =	stream.linear.scatter [tilespmem:s20], [sflag:$0x9], $0x2800, $0x38;
	[tilespmem:$0x7A00] =	vst v63  }
0x29: {  	_ =	swait.ge [sflag:s21], $0x2800  }
0x2a: {  	[sflag:s21] =	ssyncset.done $0x0  }
0x2b: {  	[sflag:s21] =	ssyncadd.s32 $0xFFFFD800  }
0x2c: {  	[spmem:s14] =	stream.linear.scatter [tilespmem:s20], [sflag:$0x9], $0x2800, $0x38;
	[tilespmem:$0x7A00] =	vst v63  }
0x2d: {  	_ =	swait.ge [sflag:s21], $0x2800  }
0x2e: {  	[sflag:s21] =	ssyncset.done $0x0  }
0x2f: {  	[sflag:s21] =	ssyncadd.s32 $0xFFFFD800  }
0x30: {  	[spmem:s15] =	stream.linear.scatter [tilespmem:s20], [sflag:$0x9], $0x2800, $0x38;
	[tilespmem:$0x7A00] =	vst v63  }
0x31: {  	_ =	swait.ge [sflag:s21], $0x2800  }
0x32: {  	[sflag:s21] =	ssyncset.done $0x0  }
0x33: {  	[sflag:s21] =	ssyncadd.s32 $0xFFFFD800  }
0x34: {  	[spmem:s16] =	stream.linear.scatter [tilespmem:s20], [sflag:$0x9], $0x2800, $0x38;
	[tilespmem:$0x7A00] =	vst v63  }
0x35: {  	_ =	swait.ge [sflag:s21], $0x2800  }
0x36: {  	[sflag:s21] =	ssyncset.done $0x0  }
0x37: {  	[sflag:s21] =	ssyncadd.s32 $0xFFFFD800  }
0x38: {  	[spmem:s17] =	stream.linear.scatter [tilespmem:s20], [sflag:$0x9], $0x2800, $0x38;
	[tilespmem:$0x7A00] =	vst v63  }
0x39: {  	_ =	swait.ge [sflag:s21], $0x2800  }
0x3a: {  	[sflag:s21] =	ssyncset.done $0x0  }
0x3b: {  	[sflag:s21] =	ssyncadd.s32 $0xFFFFD800  }
0x3c: {  	[spmem:s18] =	stream.linear.scatter [tilespmem:s20], [sflag:$0x9], $0x2800, $0x38;
	[tilespmem:$0x7A00] =	vst v63  }
0x3d: {  	_ =	swait.ge [sflag:s21], $0x2800  }
0x3e: {  	[sflag:s21] =	ssyncset.done $0x0  }
0x3f: {  	s7 =	simm.s32 $0x0;
	s10 =	rddreg [dreg:$0x3];
	[sflag:s21] =	ssyncadd.s32 $0xFFFFD800  }
0x40: {  	[tilespmem:s22], [sflag:$0x1] =	stream.linear.gather [hbm4b:s10+s7], $0x80, $0x38;
	[tilespmem:$0x7A00] =	vst v63  }
0x41: {  	s10 =	rddreg [dreg:$0x4]  }
0x42: {  	[tilespmem:s23], [sflag:$0x2] =	stream.linear.gather [hbm4b:s10+s7], $0x80, $0x38;
	[tilespmem:$0x7A00] =	vst v63  }
0x43: {  	s10 =	rddreg [dreg:$0x5]  }
0x44: {  	[tilespmem:s24], [sflag:$0x3] =	stream.linear.gather [hbm4b:s10+s7], $0x80, $0x38;
	[tilespmem:$0x7A00] =	vst v63  }
0x45: {  	s10 =	rddreg [dreg:$0x6]  }
0x46: {  	[tilespmem:s25], [sflag:$0x4] =	stream.linear.gather [hbm4b:s10+s7], $0x80, $0x38;
	[tilespmem:$0x7A00] =	vst v63  }
0x47: {  	[bflag:$0x0] =	sbarrier.arrive $0xFFFF  }
0x48: {  	_ =	swait.ge [sflag:s26], $0x80  }
0x49: {  	[sflag:s26] =	ssyncset.done $0x0  }
0x4a: {  	[sflag:s26] =	ssyncadd.s32 $0xFFFFFF80  }
0x4b: {  	[spmem:s2] =	stream.indirect.scatter.add.f32 [tilespmem:s3], [sflag:$0x5], $0x10, s22, s28, $0xb8;
	[tilespmem:$0x7A00] =	vst v63  }
0x4c: {  	_ =	swait.ge [sflag:s29], $0x80  }
0x4d: {  	[sflag:s29] =	ssyncset.done $0x0  }
0x4e: {  	[sflag:s29] =	ssyncadd.s32 $0xFFFFFF80  }
0x4f: {  	[spmem:s2] =	stream.indirect.scatter.add.f32 [tilespmem:s3], [sflag:$0x6], $0x10, s23, s28, $0xb8;
	[tilespmem:$0x7A00] =	vst v63  }
0x50: {  	_ =	swait.ge [sflag:s30], $0x80  }
0x51: {  	[sflag:s30] =	ssyncset.done $0x0  }
0x52: {  	[sflag:s30] =	ssyncadd.s32 $0xFFFFFF80  }
0x53: {  	[spmem:s2] =	stream.indirect.scatter.add.f32 [tilespmem:s3], [sflag:$0x7], $0x10, s24, s28, $0xb8;
	[tilespmem:$0x7A00] =	vst v63  }
0x54: {  	_ =	swait.ge [sflag:s31], $0x80  }
0x55: {  	[sflag:s31] =	ssyncset.done $0x0  }
0x56: {  	[sflag:s31] =	ssyncadd.s32 $0xFFFFFF80  }
0x57: {  	[spmem:s2] =	stream.indirect.scatter.add.f32 [tilespmem:s3], [sflag:$0x8], $0x10, s25, s28, $0xb8;
	[tilespmem:$0x7A00] =	vst v63  }
0x58: {  	_ =	swait.ge [sflag:s0], $0x500  }
0x59: {  	s8 =	sadd.s32 $0x0, s19;
	[sflag:s0] =	ssyncset.done $0x0  }
0x5a: {  	s10 =	sadd.s32 $0x40, s8;
	[sflag:s0] =	ssyncadd.s32 $0xFFFFFB00  }
0x5b: {  	[tilespmem:s22], [sflag:$0x1] =	stream.linear.gather [hbm4b:s10+s3], $0x80, $0x38;
	[tilespmem:$0x7A00] =	vst v63  }
0x5c: {  	_ =	swait.ge [sflag:s1], $0x500  }
0x5d: {  	[sflag:s1] =	ssyncset.done $0x0  }
0x5e: {  	s10 =	sadd.s32 $0x50, s8;
	[sflag:s1] =	ssyncadd.s32 $0xFFFFFB00  }
0x5f: {  	[tilespmem:s23], [sflag:$0x2] =	stream.linear.gather [hbm4b:s10+s3], $0x80, $0x38;
	[tilespmem:$0x7A00] =	vst v63  }
0x60: {  	_ =	swait.ge [sflag:s4], $0x500  }
0x61: {  	[sflag:s4] =	ssyncset.done $0x0  }
0x62: {  	s10 =	sadd.s32 $0x60, s8;
	[sflag:s4] =	ssyncadd.s32 $0xFFFFFB00  }
0x63: {  	[tilespmem:s24], [sflag:$0x3] =	stream.linear.gather [hbm4b:s10+s3], $0x80, $0x38;
	[tilespmem:$0x7A00] =	vst v63  }
0x64: {  	_ =	swait.ge [sflag:s5], $0x500  }
0x65: {  	[sflag:s5] =	ssyncset.done $0x0  }
0x66: {  	s7 =	simm.s32 $0x40;
	s8 =	sadd.s32 $0x70, s8;
	[sflag:s5] =	ssyncadd.s32 $0xFFFFFB00  }
.LBB2_4:
0x67: {  	[tilespmem:s25], [sflag:$0x4] =	stream.linear.gather [hbm4b:s8+s3], $0x80, $0x38;
	[tilespmem:$0x7A00] =	vst v63  }
0x68: {  	s8 =	smov.u32 s7  }
0x69: {  	p0 =	sne.s32 s7, $0x740;
	s7 =	sadd.s32 $0x40, s7;
	_ =	swait.ge [sflag:s26], $0x80  }
0x6a: {  	[sflag:s26] =	ssyncset.done $0x0  }
0x6b: {  	[sflag:s26] =	ssyncadd.s32 $0xFFFFFF80  }
0x6c: {  	[spmem:s2] =	stream.indirect.scatter.add.f32 [tilespmem:s3], [sflag:$0x5], $0x10, s22, s28, $0xb8;
	[tilespmem:$0x7A00] =	vst v63  }
0x6d: {  	_ =	swait.ge [sflag:s29], $0x80  }
0x6e: {  	[sflag:s29] =	ssyncset.done $0x0  }
0x6f: {  	[sflag:s29] =	ssyncadd.s32 $0xFFFFFF80  }
0x70: {  	[spmem:s2] =	stream.indirect.scatter.add.f32 [tilespmem:s3], [sflag:$0x6], $0x10, s23, s28, $0xb8;
	[tilespmem:$0x7A00] =	vst v63  }
0x71: {  	_ =	swait.ge [sflag:s30], $0x80  }
0x72: {  	[sflag:s30] =	ssyncset.done $0x0  }
0x73: {  	[sflag:s30] =	ssyncadd.s32 $0xFFFFFF80  }
0x74: {  	[spmem:s2] =	stream.indirect.scatter.add.f32 [tilespmem:s3], [sflag:$0x7], $0x10, s24, s28, $0xb8;
	[tilespmem:$0x7A00] =	vst v63  }
0x75: {  	_ =	swait.ge [sflag:s31], $0x80  }
0x76: {  	[sflag:s31] =	ssyncset.done $0x0  }
0x77: {  	[sflag:s31] =	ssyncadd.s32 $0xFFFFFF80  }
0x78: {  	[spmem:s2] =	stream.indirect.scatter.add.f32 [tilespmem:s3], [sflag:$0x8], $0x10, s25, s28, $0xb8;
	[tilespmem:$0x7A00] =	vst v63  }
0x79: {  	_ =	swait.ge [sflag:s0], $0x500  }
0x7a: {  	s8 =	sadd.s32 s8, s19;
	[sflag:s0] =	ssyncset.done $0x0  }
0x7b: {  	s10 =	sadd.s32 $0x40, s8;
	[sflag:s0] =	ssyncadd.s32 $0xFFFFFB00  }
0x7c: {  	[tilespmem:s22], [sflag:$0x1] =	stream.linear.gather [hbm4b:s10+s3], $0x80, $0x38;
	[tilespmem:$0x7A00] =	vst v63  }
0x7d: {  	_ =	swait.ge [sflag:s1], $0x500  }
0x7e: {  	[sflag:s1] =	ssyncset.done $0x0  }
0x7f: {  	s10 =	sadd.s32 $0x50, s8;
	[sflag:s1] =	ssyncadd.s32 $0xFFFFFB00  }
0x80: {  	[tilespmem:s23], [sflag:$0x2] =	stream.linear.gather [hbm4b:s10+s3], $0x80, $0x38;
	[tilespmem:$0x7A00] =	vst v63  }
0x81: {  	_ =	swait.ge [sflag:s4], $0x500  }
0x82: {  	[sflag:s4] =	ssyncset.done $0x0  }
.Ltmp1:
0x83: {  	s10 =	sadd.s32 $0x60, s8;
	[sflag:s4] =	ssyncadd.s32 $0xFFFFFB00;
	(pc) =	sbr.rel @p0 .LBB2_4-.Ltmp1, $4  }
0x84: {  	[tilespmem:s24], [sflag:$0x3] =	stream.linear.gather [hbm4b:s10+s3], $0x80, $0x38;
	[tilespmem:$0x7A00] =	vst v63  }
0x85: {  	_ =	swait.ge [sflag:s5], $0x500  }
0x86: {  	[sflag:s5] =	ssyncset.done $0x0  }
0x87: {  	s8 =	sadd.s32 $0x70, s8;
	[sflag:s5] =	ssyncadd.s32 $0xFFFFFB00  }
0x88: {  	[tilespmem:s25], [sflag:$0x4] =	stream.linear.gather [hbm4b:s8+s3], $0x80, $0x38;
	[tilespmem:$0x7A00] =	vst v63  }
0x89: {  	_ =	swait.ge [sflag:s26], $0x80  }
0x8a: {  	[sflag:s26] =	ssyncset.done $0x0  }
0x8b: {  	[sflag:s26] =	ssyncadd.s32 $0xFFFFFF80  }
0x8c: {  	[spmem:s2] =	stream.indirect.scatter.add.f32 [tilespmem:s3], [sflag:$0x9], $0x10, s22, s28, $0xb8;
	[tilespmem:$0x7A00] =	vst v63  }
0x8d: {  	_ =	swait.ge [sflag:s21], $0x500  }
0x8e: {  	[sflag:s21] =	ssyncset.done $0x0  }
0x8f: {  	s7 =	rddreg [dreg:$0x7];
	[sflag:s21] =	ssyncadd.s32 $0xFFFFFB00  }
0x90: {  	[tilespmem:s22], [sflag:$0x1] =	stream.linear.gather [hbm4b:s7+s3], $0x80, $0x38;
	[tilespmem:$0x7A00] =	vst v63  }
0x91: {  	_ =	swait.ge [sflag:s29], $0x80  }
0x92: {  	[sflag:s29] =	ssyncset.done $0x0  }
0x93: {  	[sflag:s29] =	ssyncadd.s32 $0xFFFFFF80  }
0x94: {  	[spmem:s2] =	stream.indirect.scatter.add.f32 [tilespmem:s3], [sflag:$0x9], $0x10, s23, s28, $0xb8;
	[tilespmem:$0x7A00] =	vst v63  }
0x95: {  	_ =	swait.ge [sflag:s21], $0x500  }
0x96: {  	[sflag:s21] =	ssyncset.done $0x0  }
0x97: {  	[sflag:s21] =	ssyncadd.s32 $0xFFFFFB00  }
0x98: {  	_ =	swait.ge [sflag:s30], $0x80  }
0x99: {  	[sflag:s30] =	ssyncset.done $0x0  }
0x9a: {  	[sflag:s30] =	ssyncadd.s32 $0xFFFFFF80  }
0x9b: {  	[spmem:s2] =	stream.indirect.scatter.add.f32 [tilespmem:s3], [sflag:$0x9], $0x10, s24, s28, $0xb8;
	[tilespmem:$0x7A00] =	vst v63  }
0x9c: {  	_ =	swait.ge [sflag:s21], $0x500  }
0x9d: {  	[sflag:s21] =	ssyncset.done $0x0  }
0x9e: {  	[sflag:s21] =	ssyncadd.s32 $0xFFFFFB00  }
0x9f: {  	_ =	swait.ge [sflag:s31], $0x80  }
0xa0: {  	[sflag:s31] =	ssyncset.done $0x0  }
0xa1: {  	[sflag:s31] =	ssyncadd.s32 $0xFFFFFF80  }
0xa2: {  	[spmem:s2] =	stream.indirect.scatter.add.f32 [tilespmem:s3], [sflag:$0x9], $0x10, s25, s28, $0xb8;
	[tilespmem:$0x7A00] =	vst v63  }
0xa3: {  	_ =	swait.ge [sflag:s21], $0x500  }
0xa4: {  	[sflag:s21] =	ssyncset.done $0x0  }
0xa5: {  	[sflag:s21] =	ssyncadd.s32 $0xFFFFFB00  }
0xa6: {  	_ =	swait.ge [sflag:s26], $0x80  }
0xa7: {  	[sflag:s26] =	ssyncset.done $0x0  }
0xa8: {  	[sflag:s26] =	ssyncadd.s32 $0xFFFFFF80  }
0xa9: {  	[spmem:s2] =	stream.indirect.scatter.add.f32 [tilespmem:s3], [sflag:$0x9], $0x10, s22, s28, $0xb8;
	[tilespmem:$0x7A00] =	vst v63  }
0xaa: {  	_ =	swait.ge [sflag:s21], $0x500  }
0xab: {  	s10 =	stileid.u32;
	[sflag:s21] =	ssyncset.done $0x0  }
0xac: {  	s8 =	sshrl.u32 s9, $0x3;
	s6 =	sadd.s32 $0x1, s6;
	[sflag:s21] =	ssyncadd.s32 $0xFFFFFB00  }
0xad: {  	p0 =	sne.s32 s6, s11;
	s7 =	sshll.u32 s10, $0x6;
	[bflag:$0x0] =	sbarrier.arrive $0xFFFF  }
.Ltmp2:
0xae: {  	s7 =	sor.u32 $0x1C09, s7;
	s10 =	rddreg [dreg:$0x8];
	(pc) =	sbr.rel @p0 .LBB2_1-.Ltmp2, $4  }
0xaf: {  	[hbm:s10], [sflag:s7] =	dma.local [spmem:s8], $0x2800  }
0xb0: {  	_ =	swait.ge [sflag:s21], $0x2800  }
0xb1: {  	[sflag:s21] =	ssyncset.done $0x0  }
0xb2: {  	[sflag:s21] =	ssyncadd.s32 $0xFFFFD800  }
0xb3: {  	_ =	sfence.sel $0x180000  }
0xb4: {  	[bflag:$0x0] =	sbarrier.arrive $0xFFFF  }
0xb5: {  	_ =	strace $0x90000047  }
0xb6: {  	s0 =	stileid.u32;
	[bflag:$0x2] =	sbarrier.arrive $0xFFFF  }
0xb7: {  	p0 =	sne.s32 s0, $0x0;
	s0 =	rddreg [dreg:$0x2]  }
0xb8: {  	s0 =	sadd.s32 @!p0 $0x100000, s0  }
0xb9: {  	[sflag:s0] =	ssyncadd.tile.s32 @!p0 $0x1;
	_ =	shalt  }
.Lfunc_end2:
_tile_overlayer_lowered:
.L_overlay_start_2:
0xba: {  	(tag) =	ssettag $0x2  }
0xbb: {  	s0 =	rddreg [dreg:$0x0];
	s2 =	stileid.u32  }
0xbc: {  	s1 =	rddreg [dreg:$0x1];
	p0 =	sne.s32 s2, $0x0  }
0xbd: {  	s3 =	rddreg [dreg:$0x2];
	[bflag:$0x3] =	sbarrier.arrive $0xFFFF;
	s2 =	simm.s32 @!p0 $0x1C09  }
0xbe: {  	[timem:s3], [sflag:s2] =	dma.local @!p0 [hbm:s0], s1  }
0xbf: {  	s0 =	simm.s32 @!p0 $0x9  }
0xc0: {  	_ =	swait.ge @!p0 [sflag:s0], s1  }
0xc1: {  	s1 =	ssub.s32 @!p0 $0x0, s1;
	[sflag:s0] =	ssyncset.done @!p0 $0x0  }
0xc2: {  	[sflag:s0] =	ssyncadd.s32 @!p0 s1  }
0xc3: {  	[bflag:$0x3] =	sbarrier.arrive $0xFFFF  }
0xc4: {  	_ =	shalt  }

</sc_bundles>
